<compile_context>
chip_gen: v7x
topology: tpu7x:2x2x1
jax: 0.10.2.dev20260603
libtpu: 0.0.44.dev20260713+nightly
codegen_flags: <defaults>
</compile_context>

<pallas_src>
import functools
import jax
import jax.numpy as jnp
from jax import lax
from jax.experimental import pallas as pl
from jax.experimental.pallas import tpu as pltpu, tpu_sc as plsc

NN = 10000
HH = 128
GG = 64
CC = 10
NC = 2
NS = 16
NW = NC * NS
EB = 128
NPAD = 10240
RPT = NPAD // NS
RTC = 640
NB = NPAD // RTC

@functools.lru_cache(maxsize=1)
def _mesh():
  return plsc.VectorSubcoreMesh(
      core_axis_name="c", subcore_axis_name="s", num_cores=NC, num_subcores=NS)


JJ = EB // 16
NQ = RPT // 16


def _sc_deg_body(nper, dst_hbm, ones_hbm, zeros_hbm, iota_hbm, out_hbm,
                 idxd, onesbuf, zbuf, iotabuf, stage, acc, sem, semi):
  c = lax.axis_index("c")
  s = lax.axis_index("s")
  wid = s * NC + c
  q0 = s * NQ
  pltpu.sync_copy(ones_hbm, onesbuf)
  pltpu.sync_copy(zeros_hbm, zbuf)
  pltpu.sync_copy(iota_hbm.at[pl.ds(q0, NQ)], iotabuf)

  def initq(q, carry):
    pltpu.sync_copy(zbuf, acc.at[iotabuf.at[q]])
    return carry

  lax.fori_loop(0, NQ, initq, 0)
  plsc.subcore_barrier()

  ebase = wid * nper * JJ
  pltpu.async_copy(dst_hbm.at[pl.ds(ebase, JJ)], idxd.at[pl.ds(0, JJ)], semi)

  def chunk(i, carry):
    k0 = lax.rem(i, 3) * JJ
    k1 = lax.rem(i + 1, 3) * JJ

    @pl.when(i < nper)
    def _():
      pltpu.make_async_copy(dst_hbm.at[pl.ds(ebase, JJ)],
                            idxd.at[pl.ds(k0, JJ)], semi).wait()
      for j in range(JJ):
        pltpu.async_copy(onesbuf, acc.at[idxd.at[k0 + j]], sem, add=True)

    @pl.when(i + 1 < nper)
    def _():
      pltpu.async_copy(dst_hbm.at[pl.ds(ebase + (i + 1) * JJ, JJ)],
                       idxd.at[pl.ds(k1, JJ)], semi)

    @pl.when(i >= 1)
    def _():
      for j in range(JJ):
        pltpu.make_async_copy(onesbuf, acc.at[iotabuf.at[0]], sem).wait()

    return carry

  lax.fori_loop(0, nper + 1, chunk, 0)
  plsc.subcore_barrier()

  def dumpq(q, carry):
    pltpu.async_copy(acc.at[iotabuf.at[q]], stage, sem).wait()
    pltpu.sync_copy(stage, out_hbm.at[c, pl.ds((q0 + q) * 16, 16)])
    return carry

  lax.fori_loop(0, NQ, dumpq, 0)


def _sc_deg(dst2, ones128, zeros128, iota2, nper):
  return pl.kernel(
      functools.partial(_sc_deg_body, nper),
      out_type=jax.ShapeDtypeStruct((NC, NPAD, HH), jnp.float32),
      mesh=_mesh(),
      scratch_types=[
          pltpu.VMEM((3 * JJ, 16), jnp.int32),
          pltpu.VMEM((16, HH), jnp.float32),
          pltpu.VMEM((16, HH), jnp.float32),
          pltpu.VMEM((NQ, 16), jnp.int32),
          pltpu.VMEM((16, HH), jnp.float32),
          pltpu.VMEM_SHARED((NPAD, HH), jnp.float32),
          pltpu.SemaphoreType.DMA,
          pltpu.SemaphoreType.DMA,
      ],
  )(dst2, ones128, zeros128, iota2)


def _sc_agg_body(nper, g_hbm, src_hbm, dst_hbm, zeros_hbm, iota_hbm, out_hbm,
                 idxs3, idxd3, zbuf, iotabuf, rowbuf2, stage, acc,
                 semg, sems, semi):
  c = lax.axis_index("c")
  s = lax.axis_index("s")
  wid = s * NC + c
  q0 = s * NQ
  pltpu.sync_copy(zeros_hbm, zbuf)
  pltpu.sync_copy(iota_hbm.at[pl.ds(q0, NQ)], iotabuf)
  ebase = wid * nper * JJ

  def initq(q, carry):
    pltpu.sync_copy(zbuf, acc.at[iotabuf.at[q]])
    return carry

  lax.fori_loop(0, NQ, initq, 0)
  pltpu.async_copy(src_hbm.at[pl.ds(ebase, JJ)], idxs3.at[pl.ds(0, JJ)], semi)
  pltpu.async_copy(dst_hbm.at[pl.ds(ebase, JJ)], idxd3.at[pl.ds(0, JJ)], semi)
  plsc.subcore_barrier()

  def step(i, carry):
    par = lax.rem(i, 2) * EB
    ppar = lax.rem(i + 1, 2) * EB
    k0 = lax.rem(i, 3) * JJ
    k1 = lax.rem(i + 1, 3) * JJ
    k2 = lax.rem(i + 2, 3) * JJ

    @pl.when(i >= 2)
    def _():
      for j in range(JJ):
        pltpu.make_async_copy(rowbuf2.at[pl.ds(par + 16 * j, 16)],
                              acc.at[iotabuf.at[0]], sems).wait()

    @pl.when(i < nper)
    def _():
      pltpu.make_async_copy(src_hbm.at[pl.ds(ebase, JJ)],
                            idxs3.at[pl.ds(k0, JJ)], semi).wait()
      pltpu.make_async_copy(dst_hbm.at[pl.ds(ebase, JJ)],
                            idxd3.at[pl.ds(k0, JJ)], semi).wait()
      for j in range(JJ):
        pltpu.async_copy(g_hbm.at[idxs3.at[k0 + j]],
                         rowbuf2.at[pl.ds(par + 16 * j, 16)], semg)

    @pl.when(jnp.logical_and(i >= 1, i <= nper))
    def _():
      for j in range(JJ):
        pltpu.make_async_copy(g_hbm.at[iotabuf.at[0]],
                              rowbuf2.at[pl.ds(ppar + 16 * j, 16)],
                              semg).wait()
      for j in range(JJ):
        pltpu.async_copy(rowbuf2.at[pl.ds(ppar + 16 * j, 16)],
                         acc.at[idxd3.at[k2 + j]], sems, add=True)

    @pl.when(i + 1 < nper)
    def _():
      nbase = ebase + (i + 1) * JJ
      pltpu.async_copy(src_hbm.at[pl.ds(nbase, JJ)],
                       idxs3.at[pl.ds(k1, JJ)], semi)
      pltpu.async_copy(dst_hbm.at[pl.ds(nbase, JJ)],
                       idxd3.at[pl.ds(k1, JJ)], semi)

    return carry

  lax.fori_loop(0, nper + 2, step, 0)
  plsc.subcore_barrier()

  def dumpq(q, carry):
    pltpu.async_copy(acc.at[iotabuf.at[q]], stage, semg).wait()
    pltpu.sync_copy(stage, out_hbm.at[c, pl.ds((q0 + q) * 16, 16)])
    return carry

  lax.fori_loop(0, NQ, dumpq, 0)


def _sc_agg(g, src2, dst2, zeros128, iota2, nper):
  return pl.kernel(
      functools.partial(_sc_agg_body, nper),
      out_type=jax.ShapeDtypeStruct((NC, NPAD, HH), jnp.float32),
      mesh=_mesh(),
      scratch_types=[
          pltpu.VMEM((3 * JJ, 16), jnp.int32),
          pltpu.VMEM((3 * JJ, 16), jnp.int32),
          pltpu.VMEM((16, HH), jnp.float32),
          pltpu.VMEM((NQ, 16), jnp.int32),
          pltpu.VMEM((2 * EB, HH), jnp.float32),
          pltpu.VMEM((16, HH), jnp.float32),
          pltpu.VMEM_SHARED((NPAD, HH), jnp.float32),
          pltpu.SemaphoreType.DMA,
          pltpu.SemaphoreType.DMA,
          pltpu.SemaphoreType.DMA,
      ],
  )(g, src2, dst2, zeros128, iota2)


def _dis(deg_ref):
  d = deg_ref[...]
  deg = d[0, :, 0] + d[1, :, 0] + 1.0
  return lax.rsqrt(deg)


def _tc_g0_body(x_ref, w_ref, deg_ref, o_ref, d_ref):
  dis = _dis(deg_ref)
  d_ref[...] = dis[None, None, :]
  o_ref[...] = jnp.dot(x_ref[...], w_ref[...],
                       preferred_element_type=jnp.float32) * dis[:, None]


def _tc_g0(x_pad, W0, degp):
  return pl.pallas_call(
      _tc_g0_body,
      grid=(NB,),
      in_specs=[
          pl.BlockSpec((RTC, HH), lambda i: (i, 0)),
          pl.BlockSpec((HH, HH), lambda i: (0, 0)),
          pl.BlockSpec((NC, RTC, HH), lambda i: (0, i, 0)),
      ],
      out_specs=[
          pl.BlockSpec((RTC, HH), lambda i: (i, 0)),
          pl.BlockSpec((1, 1, RTC), lambda i: (i, 0, 0)),
      ],
      out_shape=[
          jax.ShapeDtypeStruct((NPAD, HH), jnp.float32),
          jax.ShapeDtypeStruct((NB, 1, RTC), jnp.float32),
      ],
  )(x_pad, W0, degp)


def _tc_layer_body(p_ref, g_ref, d_ref, b_ref, w_ref, o_ref):
  dis = d_ref[...][0, 0, :]
  pv = p_ref[...]
  acc = pv[0] + pv[1] + g_ref[...]
  t = jnp.maximum(acc * dis[:, None] + b_ref[...], 0.0)
  o_ref[...] = jnp.dot(t, w_ref[...],
                       preferred_element_type=jnp.float32) * dis[:, None]


def _tc_layer(p, g, dis3, b, Wn):
  return pl.pallas_call(
      _tc_layer_body,
      grid=(NB,),
      in_specs=[
          pl.BlockSpec((NC, RTC, HH), lambda i: (0, i, 0)),
          pl.BlockSpec((RTC, HH), lambda i: (i, 0)),
          pl.BlockSpec((1, 1, RTC), lambda i: (i, 0, 0)),
          pl.BlockSpec((1, HH), lambda i: (0, 0)),
          pl.BlockSpec((HH, HH), lambda i: (0, 0)),
      ],
      out_specs=pl.BlockSpec((RTC, HH), lambda i: (i, 0)),
      out_shape=jax.ShapeDtypeStruct((NPAD, HH), jnp.float32),
  )(p, g, dis3, b, Wn)


def _tc_final_body(p_ref, g_ref, d_ref, b_ref, batch_ref, fcw_ref, fcb_ref,
                   f2w_ref, f2b_ref, o_ref, pooled, cnt):
  i = pl.program_id(0)

  @pl.when(i == 0)
  def _():
    pooled[...] = jnp.zeros_like(pooled)
    cnt[...] = jnp.zeros_like(cnt)

  dis = d_ref[...][0, 0, :]
  pv = p_ref[...]
  acc = pv[0] + pv[1] + g_ref[...]
  h = jnp.maximum(acc * dis[:, None] + b_ref[...], 0.0)
  bvec = batch_ref[...][0, 0, :]
  onehot = (bvec[:, None] == lax.broadcasted_iota(jnp.int32, (RTC, GG), 1)
            ).astype(jnp.float32)
  pooled[...] += lax.dot_general(onehot, h, (((0,), (0,)), ((), ())),
                                 preferred_element_type=jnp.float32)
  cnt[...] += lax.dot_general(onehot, jnp.ones((RTC, HH), jnp.float32),
                              (((0,), (0,)), ((), ())),
                              preferred_element_type=jnp.float32)

  @pl.when(i == NB - 1)
  def _():
    pm = pooled[...] / jnp.maximum(cnt[...], 1.0)
    z = jnp.maximum(jnp.dot(pm, fcw_ref[...],
                            preferred_element_type=jnp.float32)
                    + fcb_ref[...], 0.0)
    o_ref[...] = jnp.dot(z, f2w_ref[...],
                         preferred_element_type=jnp.float32) + f2b_ref[...]


def _tc_final(p, g, dis3, b, batch3, fcW, fcb, f2w, f2b):
  return pl.pallas_call(
      _tc_final_body,
      grid=(NB,),
      in_specs=[
          pl.BlockSpec((NC, RTC, HH), lambda i: (0, i, 0)),
          pl.BlockSpec((RTC, HH), lambda i: (i, 0)),
          pl.BlockSpec((1, 1, RTC), lambda i: (i, 0, 0)),
          pl.BlockSpec((1, HH), lambda i: (0, 0)),
          pl.BlockSpec((1, 1, RTC), lambda i: (i, 0, 0)),
          pl.BlockSpec((HH, HH), lambda i: (0, 0)),
          pl.BlockSpec((1, HH), lambda i: (0, 0)),
          pl.BlockSpec((HH, HH), lambda i: (0, 0)),
          pl.BlockSpec((1, HH), lambda i: (0, 0)),
      ],
      out_specs=pl.BlockSpec((GG, HH), lambda i: (0, 0)),
      out_shape=jax.ShapeDtypeStruct((GG, HH), jnp.float32),
      scratch_shapes=[
          pltpu.VMEM((GG, HH), jnp.float32),
          pltpu.VMEM((GG, HH), jnp.float32),
      ],
  )(p, g, dis3, b, batch3, fcW, fcb, f2w, f2b)


def kernel(x, edge_index, batch, W0, b0, W1, b1, W2, b2, fcW, fcb, fc2W, fc2b):
  E = edge_index.shape[1]
  EP = -(-E // (NW * EB)) * (NW * EB)
  nper = EP // (NW * EB)
  src = edge_index[0]
  dst = edge_index[1]
  npadrows = NPAD - NN
  pad_idx = (NN + (jnp.arange(EP - E, dtype=jnp.int32) % npadrows)
             ).astype(jnp.int32)
  src2 = jnp.concatenate([src, pad_idx]).reshape(EP // 16, 16)
  dst2 = jnp.concatenate([dst, pad_idx]).reshape(EP // 16, 16)
  x_pad = jnp.pad(x, ((0, npadrows), (0, 0)))
  zeros128 = jnp.zeros((16, HH), jnp.float32)
  ones128 = jnp.ones((16, HH), jnp.float32)
  iota2 = jnp.arange(NPAD, dtype=jnp.int32).reshape(NPAD // 16, 16)

  degp = _sc_deg(dst2, ones128, zeros128, iota2, nper)
  g0, dis3 = _tc_g0(x_pad, W0, degp)
  p = _sc_agg(g0, src2, dst2, zeros128, iota2, nper)
  g1 = _tc_layer(p, g0, dis3, b0.reshape(1, HH), W1)
  p = _sc_agg(g1, src2, dst2, zeros128, iota2, nper)
  g2 = _tc_layer(p, g1, dis3, b1.reshape(1, HH), W2)
  p = _sc_agg(g2, src2, dst2, zeros128, iota2, nper)

  batch3 = jnp.concatenate(
      [batch.astype(jnp.int32), jnp.full((npadrows,), GG, jnp.int32)]
  ).reshape(NB, 1, RTC)
  f2w = jnp.pad(fc2W, ((0, 0), (0, HH - CC)))
  f2b = jnp.pad(fc2b, (0, HH - CC)).reshape(1, HH)
  out128 = _tc_final(p, g2, dis3, b2.reshape(1, HH), batch3,
                     fcW, fcb.reshape(1, HH), f2w, f2b)
  return out128[:, :CC]

# --- scband reference (transcript-rebuilt; emitter-appended) ---
"""Pipeline reference for scband-letter-gnn-88252987998746 (READ-ONLY COPY).

The authoritative reference and input builder live on the scoring server;
editing this copy changes nothing except your own understanding.
"""

import jax, jax.numpy as jnp
import numpy as np

N = 10000
E = 320000
D = 128
H = 128
C = 10
G = 64


def setup_inputs(seed: int = 0) -> dict:
    key = jax.random.key(seed)
    ks = jax.random.split(key, 12)
    x = jax.random.normal(ks[0], (N, D), dtype=jnp.float32)
    edge_index = jax.random.randint(ks[1], (2, E), 0, N, dtype=jnp.int32)
    batch = jnp.sort(jax.random.randint(ks[2], (N,), 0, G, dtype=jnp.int32))
    s_in = 1.0 / np.sqrt(D)
    s_h = 1.0 / np.sqrt(H)
    W0 = jax.random.normal(ks[3], (D, H), dtype=jnp.float32) * s_in
    b0 = jnp.zeros((H,), dtype=jnp.float32)
    W1 = jax.random.normal(ks[4], (H, H), dtype=jnp.float32) * s_h
    b1 = jnp.zeros((H,), dtype=jnp.float32)
    W2 = jax.random.normal(ks[5], (H, H), dtype=jnp.float32) * s_h
    b2 = jnp.zeros((H,), dtype=jnp.float32)
    fcW = jax.random.normal(ks[6], (H, H), dtype=jnp.float32) * s_h
    fcb = jax.random.normal(ks[7], (H,), dtype=jnp.float32) * s_h
    fc2W = jax.random.normal(ks[8], (H, C), dtype=jnp.float32) * s_h
    fc2b = jax.random.normal(ks[9], (C,), dtype=jnp.float32) * s_h
    return {"x": x, "edge_index": edge_index, "batch": batch,
            "W0": W0, "b0": b0, "W1": W1, "b1": b1, "W2": W2, "b2": b2,
            "fcW": fcW, "fcb": fcb, "fc2W": fc2W, "fc2b": fc2b}


def reference(x, edge_index, batch, W0, b0, W1, b1, W2, b2, fcW, fcb, fc2W, fc2b):
    n = x.shape[0]
    loop = jnp.arange(n, dtype=edge_index.dtype)
    src = jnp.concatenate([edge_index[0], loop])
    dst = jnp.concatenate([edge_index[1], loop])
    # GCN symmetric normalization with self-loops (PyG GCNConv default)
    deg = jnp.zeros((n,), x.dtype).at[dst].add(1.0)
    dis = jnp.where(deg > 0, jax.lax.rsqrt(deg), 0.0)
    norm = dis[src] * dis[dst]

    def conv(h, W, b):
        h = h @ W
        msg = h[src] * norm[:, None]
        out = jnp.zeros((n, W.shape[1]), h.dtype).at[dst].add(msg)
        return out + b

    h = jax.nn.relu(conv(x, W0, b0))
    h = jax.nn.relu(conv(h, W1, b1))
    h = jax.nn.relu(conv(h, W2, b2))
    # global_mean_pool over batch segment ids
    s = jax.ops.segment_sum(h, batch, num_segments=G)
    cnt = jax.ops.segment_sum(jnp.ones((n,), h.dtype), batch, num_segments=G)
    pooled = s / jnp.maximum(cnt, 1.0)[:, None]
    h = jax.nn.relu(pooled @ fcW + fcb)
    return h @ fc2W + fc2b

if __name__ == "__main__":
    import jax
    _d = setup_inputs()
    print(jax.jit(kernel)(*tuple(_d.values())))

</pallas_src>

<mosaic_0001>
#map = affine_map<(d0, d1) -> (0, 0)>
#map1 = affine_map<(d0, d1) -> (0, 0, 0)>
module attributes {stable_mosaic.version = 14 : i64} {
  func.func @_sc_agg_body(%arg0: i32, %arg1: i32, %arg2: memref<10240x128xf32, #tpu.memory_space<hbm>>, %arg3: memref<20224x16xi32, #tpu.memory_space<hbm>>, %arg4: memref<20224x16xi32, #tpu.memory_space<hbm>>, %arg5: memref<16x128xf32, #tpu.memory_space<hbm>>, %arg6: memref<640x16xi32, #tpu.memory_space<hbm>>, %arg7: memref<2x10240x128xf32, #tpu.memory_space<hbm>>, %arg8: memref<24x16xi32, #tpu.memory_space<vmem>>, %arg9: memref<24x16xi32, #tpu.memory_space<vmem>>, %arg10: memref<16x128xf32, #tpu.memory_space<vmem>>, %arg11: memref<40x16xi32, #tpu.memory_space<vmem>>, %arg12: memref<256x128xf32, #tpu.memory_space<vmem>>, %arg13: memref<16x128xf32, #tpu.memory_space<vmem>>, %arg14: memref<10240x128xf32, #tpu.memory_space<vmem_shared>>, %arg15: memref<!tpu.dma_semaphore, #tpu.memory_space<semaphore_mem>>, %arg16: memref<!tpu.dma_semaphore, #tpu.memory_space<semaphore_mem>>, %arg17: memref<!tpu.dma_semaphore, #tpu.memory_space<semaphore_mem>>) attributes {dimension_semantics = [#tpu.dimension_semantics<core_parallel>, #tpu.dimension_semantics<subcore_parallel>], iteration_bounds = array<i64: 2, 16>, scalar_prefetch = 0 : i64, scratch_operands = 10 : i64, tpu.core_type = #tpu.core_type<sc_vector_subcore>, window_params = [{transform_indices = #map}, {transform_indices = #map}, {transform_indices = #map}, {transform_indices = #map}, {transform_indices = #map}, {transform_indices = #map1}]} {
    %mul3A = arith.constant 2 : i32
    %mul3A_0 = arith.muli %arg1, %mul3A : i32
    %add3A = arith.addi %mul3A_0, %arg0 : i32
    %mul3A_1 = arith.constant 40 : i32
    %mul3A_2 = arith.muli %arg1, %mul3A_1 : i32
    "tpu.region"() ({
      %run_scoped3A = tpu.sem_alloc : memref<!tpu.dma_semaphore, #tpu.memory_space<semaphore_mem>>
      tpu.enqueue_dma source(%arg5 : memref<16x128xf32, #tpu.memory_space<hbm>>) target(%arg10 : memref<16x128xf32, #tpu.memory_space<vmem>>) target_semaphore(%run_scoped3A : memref<!tpu.dma_semaphore, #tpu.memory_space<semaphore_mem>>)
      tpu.wait_dma2 semaphore(%run_scoped3A : memref<!tpu.dma_semaphore, #tpu.memory_space<semaphore_mem>>) src(%arg5 : memref<16x128xf32, #tpu.memory_space<hbm>>) dst(%arg10 : memref<16x128xf32, #tpu.memory_space<vmem>>)
      tpu.yield
    }) : () -> ()
    "tpu.region"() ({
      %run_scoped3A = tpu.sem_alloc : memref<!tpu.dma_semaphore, #tpu.memory_space<semaphore_mem>>
      %dma_start3A_44 = arith.constant 0 : i32
      %dma_start3A_45 = tpu.memref_slice %arg6[%mul3A_2, %dma_start3A_44] : memref<640x16xi32, #tpu.memory_space<hbm>> -> memref<40x16xi32, #tpu.memory_space<hbm>>
      %dma_start3A_46 = arith.constant 0 : i32
      %dma_start3A_47 = tpu.memref_slice %arg6[%mul3A_2, %dma_start3A_46] : memref<640x16xi32, #tpu.memory_space<hbm>> -> memref<40x16xi32, #tpu.memory_space<hbm>>
      tpu.enqueue_dma source(%dma_start3A_47 : memref<40x16xi32, #tpu.memory_space<hbm>>) target(%arg11 : memref<40x16xi32, #tpu.memory_space<vmem>>) target_semaphore(%run_scoped3A : memref<!tpu.dma_semaphore, #tpu.memory_space<semaphore_mem>>)
      %dma_wait3A = arith.constant 0 : i32
      %dma_wait3A_48 = tpu.memref_slice %arg6[%mul3A_2, %dma_wait3A] : memref<640x16xi32, #tpu.memory_space<hbm>> -> memref<40x16xi32, #tpu.memory_space<hbm>>
      %dma_wait3A_49 = arith.constant 0 : i32
      %dma_wait3A_50 = tpu.memref_slice %arg6[%mul3A_2, %dma_wait3A_49] : memref<640x16xi32, #tpu.memory_space<hbm>> -> memref<40x16xi32, #tpu.memory_space<hbm>>
      tpu.wait_dma2 semaphore(%run_scoped3A : memref<!tpu.dma_semaphore, #tpu.memory_space<semaphore_mem>>) src(%dma_wait3A_50 : memref<40x16xi32, #tpu.memory_space<hbm>>) dst(%arg11 : memref<40x16xi32, #tpu.memory_space<vmem>>)
      tpu.yield
    }) : () -> ()
    %mul3A_3 = arith.constant 79 : i32
    %mul3A_4 = arith.muli %add3A, %mul3A_3 : i32
    %mul3A_5 = arith.constant 8 : i32
    %mul3A_6 = arith.muli %mul3A_4, %mul3A_5 : i32
    %scan3A = arith.constant 0 : i32
    %scan3A_7 = arith.constant 0 : i32
    %scan3A_8 = arith.constant 40 : i32
    %scan3A_9 = arith.addi %scan3A_7, %scan3A_8 : i32
    %scan3A_10 = arith.constant 1 : i32
    scf.for %scan3A_44 = %scan3A_7 to %scan3A_9 step %scan3A_10  : i32 {
      "tpu.region"() ({
        %run_scoped3A = tpu.sem_alloc : memref<!tpu.dma_semaphore, #tpu.memory_space<semaphore_mem>>
        %dma_start3A_45 = arith.constant 0 : i32
        %dma_start3A_46 = tpu.memref_slice %arg11[%scan3A_44, %dma_start3A_45] : memref<40x16xi32, #tpu.memory_space<vmem>> -> memref<1x16xi32, #tpu.memory_space<vmem>>
        %dma_start3A_47 = tpu.memref_squeeze %dma_start3A_46 : memref<1x16xi32, #tpu.memory_space<vmem>> -> memref<16xi32, #tpu.memory_space<vmem>>
        %dma_start3A_48 = arith.constant 0 : i32
        %dma_start3A_49 = arith.constant 0 : i32
        %dma_start3A_50 = tpu.memref_slice %arg14[%dma_start3A_48, %dma_start3A_49] : memref<10240x128xf32, #tpu.memory_space<vmem_shared>> -> memref<10240x128xf32, #tpu.memory_space<vmem_shared>>
        tpu.enqueue_indirect_dma source(%arg10 : memref<16x128xf32, #tpu.memory_space<vmem>>) target(%dma_start3A_50 : memref<10240x128xf32, #tpu.memory_space<vmem_shared>>) offsets(%dma_start3A_47 : memref<16xi32, #tpu.memory_space<vmem>>) semaphore(%run_scoped3A : memref<!tpu.dma_semaphore, #tpu.memory_space<semaphore_mem>>)
        %dma_wait3A = arith.constant 0 : i32
        %dma_wait3A_51 = tpu.memref_slice %arg11[%scan3A_44, %dma_wait3A] : memref<40x16xi32, #tpu.memory_space<vmem>> -> memref<1x16xi32, #tpu.memory_space<vmem>>
        %dma_wait3A_52 = tpu.memref_squeeze %dma_wait3A_51 : memref<1x16xi32, #tpu.memory_space<vmem>> -> memref<16xi32, #tpu.memory_space<vmem>>
        %dma_wait3A_53 = arith.constant 0 : i32
        %dma_wait3A_54 = arith.constant 0 : i32
        %dma_wait3A_55 = tpu.memref_slice %arg14[%dma_wait3A_53, %dma_wait3A_54] : memref<10240x128xf32, #tpu.memory_space<vmem_shared>> -> memref<10240x128xf32, #tpu.memory_space<vmem_shared>>
        tpu.wait_indirect_dma semaphore(%run_scoped3A : memref<!tpu.dma_semaphore, #tpu.memory_space<semaphore_mem>>) src(%arg10 : memref<16x128xf32, #tpu.memory_space<vmem>>) dst(%dma_wait3A_55 : memref<10240x128xf32, #tpu.memory_space<vmem_shared>>)
        tpu.yield
      }) : () -> ()
    }
    %scan3A_11 = arith.constant 40 : i32
    %dma_start3A = arith.constant 0 : i32
    %dma_start3A_12 = arith.constant 0 : i32
    %dma_start3A_13 = tpu.memref_slice %arg8[%dma_start3A, %dma_start3A_12] : memref<24x16xi32, #tpu.memory_space<vmem>> -> memref<8x16xi32, #tpu.memory_space<vmem>>
    %dma_start3A_14 = arith.constant 0 : i32
    %dma_start3A_15 = tpu.memref_slice %arg3[%mul3A_6, %dma_start3A_14] : memref<20224x16xi32, #tpu.memory_space<hbm>> -> memref<8x16xi32, #tpu.memory_space<hbm>>
    %dma_start3A_16 = arith.constant 0 : i32
    %dma_start3A_17 = arith.constant 0 : i32
    %dma_start3A_18 = tpu.memref_slice %arg8[%dma_start3A_16, %dma_start3A_17] : memref<24x16xi32, #tpu.memory_space<vmem>> -> memref<8x16xi32, #tpu.memory_space<vmem>>
    %dma_start3A_19 = arith.constant 0 : i32
    %dma_start3A_20 = tpu.memref_slice %arg3[%mul3A_6, %dma_start3A_19] : memref<20224x16xi32, #tpu.memory_space<hbm>> -> memref<8x16xi32, #tpu.memory_space<hbm>>
    tpu.enqueue_dma source(%dma_start3A_20 : memref<8x16xi32, #tpu.memory_space<hbm>>) target(%dma_start3A_18 : memref<8x16xi32, #tpu.memory_space<vmem>>) target_semaphore(%arg17 : memref<!tpu.dma_semaphore, #tpu.memory_space<semaphore_mem>>)
    %dma_start3A_21 = arith.constant 0 : i32
    %dma_start3A_22 = arith.constant 0 : i32
    %dma_start3A_23 = tpu.memref_slice %arg9[%dma_start3A_21, %dma_start3A_22] : memref<24x16xi32, #tpu.memory_space<vmem>> -> memref<8x16xi32, #tpu.memory_space<vmem>>
    %dma_start3A_24 = arith.constant 0 : i32
    %dma_start3A_25 = tpu.memref_slice %arg4[%mul3A_6, %dma_start3A_24] : memref<20224x16xi32, #tpu.memory_space<hbm>> -> memref<8x16xi32, #tpu.memory_space<hbm>>
    %dma_start3A_26 = arith.constant 0 : i32
    %dma_start3A_27 = arith.constant 0 : i32
    %dma_start3A_28 = tpu.memref_slice %arg9[%dma_start3A_26, %dma_start3A_27] : memref<24x16xi32, #tpu.memory_space<vmem>> -> memref<8x16xi32, #tpu.memory_space<vmem>>
    %dma_start3A_29 = arith.constant 0 : i32
    %dma_start3A_30 = tpu.memref_slice %arg4[%mul3A_6, %dma_start3A_29] : memref<20224x16xi32, #tpu.memory_space<hbm>> -> memref<8x16xi32, #tpu.memory_space<hbm>>
    tpu.enqueue_dma source(%dma_start3A_30 : memref<8x16xi32, #tpu.memory_space<hbm>>) target(%dma_start3A_28 : memref<8x16xi32, #tpu.memory_space<vmem>>) target_semaphore(%arg17 : memref<!tpu.dma_semaphore, #tpu.memory_space<semaphore_mem>>)
    %barrier3A = arith.constant 0 : index
    tpu.barrier barrier_id(%barrier3A)
    %scan3A_31 = arith.constant 0 : i32
    %scan3A_32 = arith.constant 0 : i32
    %scan3A_33 = arith.constant 81 : i32
    %scan3A_34 = arith.addi %scan3A_32, %scan3A_33 : i32
    %scan3A_35 = arith.constant 1 : i32
    scf.for %scan3A_44 = %scan3A_32 to %scan3A_34 step %scan3A_35  : i32 {
      %rem3A = arith.constant 2 : i32
      %rem3A_45 = arith.remsi %scan3A_44, %rem3A : i32
      %mul3A_46 = arith.constant 128 : i32
      %mul3A_47 = arith.muli %rem3A_45, %mul3A_46 : i32
      %add3A_48 = arith.constant 1 : i32
      %add3A_49 = arith.addi %scan3A_44, %add3A_48 : i32
      %rem3A_50 = arith.constant 2 : i32
      %rem3A_51 = arith.remsi %add3A_49, %rem3A_50 : i32
      %mul3A_52 = arith.constant 128 : i32
      %mul3A_53 = arith.muli %rem3A_51, %mul3A_52 : i32
      %rem3A_54 = arith.constant 3 : i32
      %rem3A_55 = arith.remsi %scan3A_44, %rem3A_54 : i32
      %mul3A_56 = arith.constant 8 : i32
      %mul3A_57 = arith.muli %rem3A_55, %mul3A_56 : i32
      %add3A_58 = arith.constant 1 : i32
      %add3A_59 = arith.addi %scan3A_44, %add3A_58 : i32
      %rem3A_60 = arith.constant 3 : i32
      %rem3A_61 = arith.remsi %add3A_59, %rem3A_60 : i32
      %mul3A_62 = arith.constant 8 : i32
      %mul3A_63 = arith.muli %rem3A_61, %mul3A_62 : i32
      %add3A_64 = arith.constant 2 : i32
      %add3A_65 = arith.addi %scan3A_44, %add3A_64 : i32
      %rem3A_66 = arith.constant 3 : i32
      %rem3A_67 = arith.remsi %add3A_65, %rem3A_66 : i32
      %mul3A_68 = arith.constant 8 : i32
      %mul3A_69 = arith.muli %rem3A_67, %mul3A_68 : i32
      %ge3A = arith.constant 2 : i32
      %ge3A_70 = arith.cmpi sge, %scan3A_44, %ge3A : i32
      %convert_element_type3A = arith.extui %ge3A_70 : i1 to i32
      %cond3A = arith.constant 0 : i32
      %cond3A_71 = arith.cmpi ne, %convert_element_type3A, %cond3A : i32
      scf.if %cond3A_71 {
        %add3A_89 = arith.constant 0 : i32
        %add3A_90 = arith.addi %mul3A_47, %add3A_89 : i32
        %dma_wait3A = arith.constant 0 : i32
        %dma_wait3A_91 = arith.constant 0 : i32
        %dma_wait3A_92 = tpu.memref_slice %arg12[%add3A_90, %dma_wait3A_91] : memref<256x128xf32, #tpu.memory_space<vmem>> -> memref<16x128xf32, #tpu.memory_space<vmem>>
        %dma_wait3A_93 = arith.constant 0 : i32
        %dma_wait3A_94 = tpu.memref_slice %arg11[%dma_wait3A, %dma_wait3A_93] : memref<40x16xi32, #tpu.memory_space<vmem>> -> memref<1x16xi32, #tpu.memory_space<vmem>>
        %dma_wait3A_95 = tpu.memref_squeeze %dma_wait3A_94 : memref<1x16xi32, #tpu.memory_space<vmem>> -> memref<16xi32, #tpu.memory_space<vmem>>
        %dma_wait3A_96 = arith.constant 0 : i32
        %dma_wait3A_97 = arith.constant 0 : i32
        %dma_wait3A_98 = tpu.memref_slice %arg14[%dma_wait3A_96, %dma_wait3A_97] : memref<10240x128xf32, #tpu.memory_space<vmem_shared>> -> memref<10240x128xf32, #tpu.memory_space<vmem_shared>>
        tpu.wait_indirect_dma semaphore(%arg16 : memref<!tpu.dma_semaphore, #tpu.memory_space<semaphore_mem>>) src(%dma_wait3A_92 : memref<16x128xf32, #tpu.memory_space<vmem>>) dst(%dma_wait3A_98 : memref<10240x128xf32, #tpu.memory_space<vmem_shared>>)
        %add3A_99 = arith.constant 16 : i32
        %add3A_100 = arith.addi %mul3A_47, %add3A_99 : i32
        %dma_wait3A_101 = arith.constant 0 : i32
        %dma_wait3A_102 = arith.constant 0 : i32
        %dma_wait3A_103 = tpu.memref_slice %arg12[%add3A_100, %dma_wait3A_102] : memref<256x128xf32, #tpu.memory_space<vmem>> -> memref<16x128xf32, #tpu.memory_space<vmem>>
        %dma_wait3A_104 = arith.constant 0 : i32
        %dma_wait3A_105 = tpu.memref_slice %arg11[%dma_wait3A_101, %dma_wait3A_104] : memref<40x16xi32, #tpu.memory_space<vmem>> -> memref<1x16xi32, #tpu.memory_space<vmem>>
        %dma_wait3A_106 = tpu.memref_squeeze %dma_wait3A_105 : memref<1x16xi32, #tpu.memory_space<vmem>> -> memref<16xi32, #tpu.memory_space<vmem>>
        %dma_wait3A_107 = arith.constant 0 : i32
        %dma_wait3A_108 = arith.constant 0 : i32
        %dma_wait3A_109 = tpu.memref_slice %arg14[%dma_wait3A_107, %dma_wait3A_108] : memref<10240x128xf32, #tpu.memory_space<vmem_shared>> -> memref<10240x128xf32, #tpu.memory_space<vmem_shared>>
        tpu.wait_indirect_dma semaphore(%arg16 : memref<!tpu.dma_semaphore, #tpu.memory_space<semaphore_mem>>) src(%dma_wait3A_103 : memref<16x128xf32, #tpu.memory_space<vmem>>) dst(%dma_wait3A_109 : memref<10240x128xf32, #tpu.memory_space<vmem_shared>>)
        %add3A_110 = arith.constant 32 : i32
        %add3A_111 = arith.addi %mul3A_47, %add3A_110 : i32
        %dma_wait3A_112 = arith.constant 0 : i32
        %dma_wait3A_113 = arith.constant 0 : i32
        %dma_wait3A_114 = tpu.memref_slice %arg12[%add3A_111, %dma_wait3A_113] : memref<256x128xf32, #tpu.memory_space<vmem>> -> memref<16x128xf32, #tpu.memory_space<vmem>>
        %dma_wait3A_115 = arith.constant 0 : i32
        %dma_wait3A_116 = tpu.memref_slice %arg11[%dma_wait3A_112, %dma_wait3A_115] : memref<40x16xi32, #tpu.memory_space<vmem>> -> memref<1x16xi32, #tpu.memory_space<vmem>>
        %dma_wait3A_117 = tpu.memref_squeeze %dma_wait3A_116 : memref<1x16xi32, #tpu.memory_space<vmem>> -> memref<16xi32, #tpu.memory_space<vmem>>
        %dma_wait3A_118 = arith.constant 0 : i32
        %dma_wait3A_119 = arith.constant 0 : i32
        %dma_wait3A_120 = tpu.memref_slice %arg14[%dma_wait3A_118, %dma_wait3A_119] : memref<10240x128xf32, #tpu.memory_space<vmem_shared>> -> memref<10240x128xf32, #tpu.memory_space<vmem_shared>>
        tpu.wait_indirect_dma semaphore(%arg16 : memref<!tpu.dma_semaphore, #tpu.memory_space<semaphore_mem>>) src(%dma_wait3A_114 : memref<16x128xf32, #tpu.memory_space<vmem>>) dst(%dma_wait3A_120 : memref<10240x128xf32, #tpu.memory_space<vmem_shared>>)
        %add3A_121 = arith.constant 48 : i32
        %add3A_122 = arith.addi %mul3A_47, %add3A_121 : i32
        %dma_wait3A_123 = arith.constant 0 : i32
        %dma_wait3A_124 = arith.constant 0 : i32
        %dma_wait3A_125 = tpu.memref_slice %arg12[%add3A_122, %dma_wait3A_124] : memref<256x128xf32, #tpu.memory_space<vmem>> -> memref<16x128xf32, #tpu.memory_space<vmem>>
        %dma_wait3A_126 = arith.constant 0 : i32
        %dma_wait3A_127 = tpu.memref_slice %arg11[%dma_wait3A_123, %dma_wait3A_126] : memref<40x16xi32, #tpu.memory_space<vmem>> -> memref<1x16xi32, #tpu.memory_space<vmem>>
        %dma_wait3A_128 = tpu.memref_squeeze %dma_wait3A_127 : memref<1x16xi32, #tpu.memory_space<vmem>> -> memref<16xi32, #tpu.memory_space<vmem>>
        %dma_wait3A_129 = arith.constant 0 : i32
        %dma_wait3A_130 = arith.constant 0 : i32
        %dma_wait3A_131 = tpu.memref_slice %arg14[%dma_wait3A_129, %dma_wait3A_130] : memref<10240x128xf32, #tpu.memory_space<vmem_shared>> -> memref<10240x128xf32, #tpu.memory_space<vmem_shared>>
        tpu.wait_indirect_dma semaphore(%arg16 : memref<!tpu.dma_semaphore, #tpu.memory_space<semaphore_mem>>) src(%dma_wait3A_125 : memref<16x128xf32, #tpu.memory_space<vmem>>) dst(%dma_wait3A_131 : memref<10240x128xf32, #tpu.memory_space<vmem_shared>>)
        %add3A_132 = arith.constant 64 : i32
        %add3A_133 = arith.addi %mul3A_47, %add3A_132 : i32
        %dma_wait3A_134 = arith.constant 0 : i32
        %dma_wait3A_135 = arith.constant 0 : i32
        %dma_wait3A_136 = tpu.memref_slice %arg12[%add3A_133, %dma_wait3A_135] : memref<256x128xf32, #tpu.memory_space<vmem>> -> memref<16x128xf32, #tpu.memory_space<vmem>>
        %dma_wait3A_137 = arith.constant 0 : i32
        %dma_wait3A_138 = tpu.memref_slice %arg11[%dma_wait3A_134, %dma_wait3A_137] : memref<40x16xi32, #tpu.memory_space<vmem>> -> memref<1x16xi32, #tpu.memory_space<vmem>>
        %dma_wait3A_139 = tpu.memref_squeeze %dma_wait3A_138 : memref<1x16xi32, #tpu.memory_space<vmem>> -> memref<16xi32, #tpu.memory_space<vmem>>
        %dma_wait3A_140 = arith.constant 0 : i32
        %dma_wait3A_141 = arith.constant 0 : i32
        %dma_wait3A_142 = tpu.memref_slice %arg14[%dma_wait3A_140, %dma_wait3A_141] : memref<10240x128xf32, #tpu.memory_space<vmem_shared>> -> memref<10240x128xf32, #tpu.memory_space<vmem_shared>>
        tpu.wait_indirect_dma semaphore(%arg16 : memref<!tpu.dma_semaphore, #tpu.memory_space<semaphore_mem>>) src(%dma_wait3A_136 : memref<16x128xf32, #tpu.memory_space<vmem>>) dst(%dma_wait3A_142 : memref<10240x128xf32, #tpu.memory_space<vmem_shared>>)
        %add3A_143 = arith.constant 80 : i32
        %add3A_144 = arith.addi %mul3A_47, %add3A_143 : i32
        %dma_wait3A_145 = arith.constant 0 : i32
        %dma_wait3A_146 = arith.constant 0 : i32
        %dma_wait3A_147 = tpu.memref_slice %arg12[%add3A_144, %dma_wait3A_146] : memref<256x128xf32, #tpu.memory_space<vmem>> -> memref<16x128xf32, #tpu.memory_space<vmem>>
        %dma_wait3A_148 = arith.constant 0 : i32
        %dma_wait3A_149 = tpu.memref_slice %arg11[%dma_wait3A_145, %dma_wait3A_148] : memref<40x16xi32, #tpu.memory_space<vmem>> -> memref<1x16xi32, #tpu.memory_space<vmem>>
        %dma_wait3A_150 = tpu.memref_squeeze %dma_wait3A_149 : memref<1x16xi32, #tpu.memory_space<vmem>> -> memref<16xi32, #tpu.memory_space<vmem>>
        %dma_wait3A_151 = arith.constant 0 : i32
        %dma_wait3A_152 = arith.constant 0 : i32
        %dma_wait3A_153 = tpu.memref_slice %arg14[%dma_wait3A_151, %dma_wait3A_152] : memref<10240x128xf32, #tpu.memory_space<vmem_shared>> -> memref<10240x128xf32, #tpu.memory_space<vmem_shared>>
        tpu.wait_indirect_dma semaphore(%arg16 : memref<!tpu.dma_semaphore, #tpu.memory_space<semaphore_mem>>) src(%dma_wait3A_147 : memref<16x128xf32, #tpu.memory_space<vmem>>) dst(%dma_wait3A_153 : memref<10240x128xf32, #tpu.memory_space<vmem_shared>>)
        %add3A_154 = arith.constant 96 : i32
        %add3A_155 = arith.addi %mul3A_47, %add3A_154 : i32
        %dma_wait3A_156 = arith.constant 0 : i32
        %dma_wait3A_157 = arith.constant 0 : i32
        %dma_wait3A_158 = tpu.memref_slice %arg12[%add3A_155, %dma_wait3A_157] : memref<256x128xf32, #tpu.memory_space<vmem>> -> memref<16x128xf32, #tpu.memory_space<vmem>>
        %dma_wait3A_159 = arith.constant 0 : i32
        %dma_wait3A_160 = tpu.memref_slice %arg11[%dma_wait3A_156, %dma_wait3A_159] : memref<40x16xi32, #tpu.memory_space<vmem>> -> memref<1x16xi32, #tpu.memory_space<vmem>>
        %dma_wait3A_161 = tpu.memref_squeeze %dma_wait3A_160 : memref<1x16xi32, #tpu.memory_space<vmem>> -> memref<16xi32, #tpu.memory_space<vmem>>
        %dma_wait3A_162 = arith.constant 0 : i32
        %dma_wait3A_163 = arith.constant 0 : i32
        %dma_wait3A_164 = tpu.memref_slice %arg14[%dma_wait3A_162, %dma_wait3A_163] : memref<10240x128xf32, #tpu.memory_space<vmem_shared>> -> memref<10240x128xf32, #tpu.memory_space<vmem_shared>>
        tpu.wait_indirect_dma semaphore(%arg16 : memref<!tpu.dma_semaphore, #tpu.memory_space<semaphore_mem>>) src(%dma_wait3A_158 : memref<16x128xf32, #tpu.memory_space<vmem>>) dst(%dma_wait3A_164 : memref<10240x128xf32, #tpu.memory_space<vmem_shared>>)
        %add3A_165 = arith.constant 112 : i32
        %add3A_166 = arith.addi %mul3A_47, %add3A_165 : i32
        %dma_wait3A_167 = arith.constant 0 : i32
        %dma_wait3A_168 = arith.constant 0 : i32
        %dma_wait3A_169 = tpu.memref_slice %arg12[%add3A_166, %dma_wait3A_168] : memref<256x128xf32, #tpu.memory_space<vmem>> -> memref<16x128xf32, #tpu.memory_space<vmem>>
        %dma_wait3A_170 = arith.constant 0 : i32
        %dma_wait3A_171 = tpu.memref_slice %arg11[%dma_wait3A_167, %dma_wait3A_170] : memref<40x16xi32, #tpu.memory_space<vmem>> -> memref<1x16xi32, #tpu.memory_space<vmem>>
        %dma_wait3A_172 = tpu.memref_squeeze %dma_wait3A_171 : memref<1x16xi32, #tpu.memory_space<vmem>> -> memref<16xi32, #tpu.memory_space<vmem>>
        %dma_wait3A_173 = arith.constant 0 : i32
        %dma_wait3A_174 = arith.constant 0 : i32
        %dma_wait3A_175 = tpu.memref_slice %arg14[%dma_wait3A_173, %dma_wait3A_174] : memref<10240x128xf32, #tpu.memory_space<vmem_shared>> -> memref<10240x128xf32, #tpu.memory_space<vmem_shared>>
        tpu.wait_indirect_dma semaphore(%arg16 : memref<!tpu.dma_semaphore, #tpu.memory_space<semaphore_mem>>) src(%dma_wait3A_169 : memref<16x128xf32, #tpu.memory_space<vmem>>) dst(%dma_wait3A_175 : memref<10240x128xf32, #tpu.memory_space<vmem_shared>>)
      } else {
      }
      %lt3A = arith.constant 79 : i32
      %lt3A_72 = arith.cmpi slt, %scan3A_44, %lt3A : i32
      %convert_element_type3A_73 = arith.extui %lt3A_72 : i1 to i32
      %cond3A_74 = arith.constant 0 : i32
      %cond3A_75 = arith.cmpi ne, %convert_element_type3A_73, %cond3A_74 : i32
      scf.if %cond3A_75 {
        %dma_wait3A = arith.constant 0 : i32
        %dma_wait3A_89 = tpu.memref_slice %arg8[%mul3A_57, %dma_wait3A] : memref<24x16xi32, #tpu.memory_space<vmem>> -> memref<8x16xi32, #tpu.memory_space<vmem>>
        %dma_wait3A_90 = arith.constant 0 : i32
        %dma_wait3A_91 = tpu.memref_slice %arg3[%mul3A_6, %dma_wait3A_90] : memref<20224x16xi32, #tpu.memory_space<hbm>> -> memref<8x16xi32, #tpu.memory_space<hbm>>
        %dma_wait3A_92 = arith.constant 0 : i32
        %dma_wait3A_93 = tpu.memref_slice %arg8[%mul3A_57, %dma_wait3A_92] : memref<24x16xi32, #tpu.memory_space<vmem>> -> memref<8x16xi32, #tpu.memory_space<vmem>>
        %dma_wait3A_94 = arith.constant 0 : i32
        %dma_wait3A_95 = tpu.memref_slice %arg3[%mul3A_6, %dma_wait3A_94] : memref<20224x16xi32, #tpu.memory_space<hbm>> -> memref<8x16xi32, #tpu.memory_space<hbm>>
        tpu.wait_dma2 semaphore(%arg17 : memref<!tpu.dma_semaphore, #tpu.memory_space<semaphore_mem>>) src(%dma_wait3A_95 : memref<8x16xi32, #tpu.memory_space<hbm>>) dst(%dma_wait3A_93 : memref<8x16xi32, #tpu.memory_space<vmem>>)
        %dma_wait3A_96 = arith.constant 0 : i32
        %dma_wait3A_97 = tpu.memref_slice %arg9[%mul3A_57, %dma_wait3A_96] : memref<24x16xi32, #tpu.memory_space<vmem>> -> memref<8x16xi32, #tpu.memory_space<vmem>>
        %dma_wait3A_98 = arith.constant 0 : i32
        %dma_wait3A_99 = tpu.memref_slice %arg4[%mul3A_6, %dma_wait3A_98] : memref<20224x16xi32, #tpu.memory_space<hbm>> -> memref<8x16xi32, #tpu.memory_space<hbm>>
        %dma_wait3A_100 = arith.constant 0 : i32
        %dma_wait3A_101 = tpu.memref_slice %arg9[%mul3A_57, %dma_wait3A_100] : memref<24x16xi32, #tpu.memory_space<vmem>> -> memref<8x16xi32, #tpu.memory_space<vmem>>
        %dma_wait3A_102 = arith.constant 0 : i32
        %dma_wait3A_103 = tpu.memref_slice %arg4[%mul3A_6, %dma_wait3A_102] : memref<20224x16xi32, #tpu.memory_space<hbm>> -> memref<8x16xi32, #tpu.memory_space<hbm>>
        tpu.wait_dma2 semaphore(%arg17 : memref<!tpu.dma_semaphore, #tpu.memory_space<semaphore_mem>>) src(%dma_wait3A_103 : memref<8x16xi32, #tpu.memory_space<hbm>>) dst(%dma_wait3A_101 : memref<8x16xi32, #tpu.memory_space<vmem>>)
        %add3A_104 = arith.constant 0 : i32
        %add3A_105 = arith.addi %mul3A_57, %add3A_104 : i32
        %add3A_106 = arith.constant 0 : i32
        %add3A_107 = arith.addi %mul3A_47, %add3A_106 : i32
        %dma_start3A_108 = arith.constant 0 : i32
        %dma_start3A_109 = tpu.memref_slice %arg12[%add3A_107, %dma_start3A_108] : memref<256x128xf32, #tpu.memory_space<vmem>> -> memref<16x128xf32, #tpu.memory_space<vmem>>
        %dma_start3A_110 = arith.constant 0 : i32
        %dma_start3A_111 = tpu.memref_slice %arg8[%add3A_105, %dma_start3A_110] : memref<24x16xi32, #tpu.memory_space<vmem>> -> memref<1x16xi32, #tpu.memory_space<vmem>>
        %dma_start3A_112 = tpu.memref_squeeze %dma_start3A_111 : memref<1x16xi32, #tpu.memory_space<vmem>> -> memref<16xi32, #tpu.memory_space<vmem>>
        %dma_start3A_113 = arith.constant 0 : i32
        %dma_start3A_114 = arith.constant 0 : i32
        %dma_start3A_115 = tpu.memref_slice %arg2[%dma_start3A_113, %dma_start3A_114] : memref<10240x128xf32, #tpu.memory_space<hbm>> -> memref<10240x128xf32, #tpu.memory_space<hbm>>
        tpu.enqueue_indirect_dma source(%dma_start3A_115 : memref<10240x128xf32, #tpu.memory_space<hbm>>) target(%dma_start3A_109 : memref<16x128xf32, #tpu.memory_space<vmem>>) offsets(%dma_start3A_112 : memref<16xi32, #tpu.memory_space<vmem>>) semaphore(%arg15 : memref<!tpu.dma_semaphore, #tpu.memory_space<semaphore_mem>>)
        %add3A_116 = arith.constant 1 : i32
        %add3A_117 = arith.addi %mul3A_57, %add3A_116 : i32
        %add3A_118 = arith.constant 16 : i32
        %add3A_119 = arith.addi %mul3A_47, %add3A_118 : i32
        %dma_start3A_120 = arith.constant 0 : i32
        %dma_start3A_121 = tpu.memref_slice %arg12[%add3A_119, %dma_start3A_120] : memref<256x128xf32, #tpu.memory_space<vmem>> -> memref<16x128xf32, #tpu.memory_space<vmem>>
        %dma_start3A_122 = arith.constant 0 : i32
        %dma_start3A_123 = tpu.memref_slice %arg8[%add3A_117, %dma_start3A_122] : memref<24x16xi32, #tpu.memory_space<vmem>> -> memref<1x16xi32, #tpu.memory_space<vmem>>
        %dma_start3A_124 = tpu.memref_squeeze %dma_start3A_123 : memref<1x16xi32, #tpu.memory_space<vmem>> -> memref<16xi32, #tpu.memory_space<vmem>>
        %dma_start3A_125 = arith.constant 0 : i32
        %dma_start3A_126 = arith.constant 0 : i32
        %dma_start3A_127 = tpu.memref_slice %arg2[%dma_start3A_125, %dma_start3A_126] : memref<10240x128xf32, #tpu.memory_space<hbm>> -> memref<10240x128xf32, #tpu.memory_space<hbm>>
        tpu.enqueue_indirect_dma source(%dma_start3A_127 : memref<10240x128xf32, #tpu.memory_space<hbm>>) target(%dma_start3A_121 : memref<16x128xf32, #tpu.memory_space<vmem>>) offsets(%dma_start3A_124 : memref<16xi32, #tpu.memory_space<vmem>>) semaphore(%arg15 : memref<!tpu.dma_semaphore, #tpu.memory_space<semaphore_mem>>)
        %add3A_128 = arith.constant 2 : i32
        %add3A_129 = arith.addi %mul3A_57, %add3A_128 : i32
        %add3A_130 = arith.constant 32 : i32
        %add3A_131 = arith.addi %mul3A_47, %add3A_130 : i32
        %dma_start3A_132 = arith.constant 0 : i32
        %dma_start3A_133 = tpu.memref_slice %arg12[%add3A_131, %dma_start3A_132] : memref<256x128xf32, #tpu.memory_space<vmem>> -> memref<16x128xf32, #tpu.memory_space<vmem>>
        %dma_start3A_134 = arith.constant 0 : i32
        %dma_start3A_135 = tpu.memref_slice %arg8[%add3A_129, %dma_start3A_134] : memref<24x16xi32, #tpu.memory_space<vmem>> -> memref<1x16xi32, #tpu.memory_space<vmem>>
        %dma_start3A_136 = tpu.memref_squeeze %dma_start3A_135 : memref<1x16xi32, #tpu.memory_space<vmem>> -> memref<16xi32, #tpu.memory_space<vmem>>
        %dma_start3A_137 = arith.constant 0 : i32
        %dma_start3A_138 = arith.constant 0 : i32
        %dma_start3A_139 = tpu.memref_slice %arg2[%dma_start3A_137, %dma_start3A_138] : memref<10240x128xf32, #tpu.memory_space<hbm>> -> memref<10240x128xf32, #tpu.memory_space<hbm>>
        tpu.enqueue_indirect_dma source(%dma_start3A_139 : memref<10240x128xf32, #tpu.memory_space<hbm>>) target(%dma_start3A_133 : memref<16x128xf32, #tpu.memory_space<vmem>>) offsets(%dma_start3A_136 : memref<16xi32, #tpu.memory_space<vmem>>) semaphore(%arg15 : memref<!tpu.dma_semaphore, #tpu.memory_space<semaphore_mem>>)
        %add3A_140 = arith.constant 3 : i32
        %add3A_141 = arith.addi %mul3A_57, %add3A_140 : i32
        %add3A_142 = arith.constant 48 : i32
        %add3A_143 = arith.addi %mul3A_47, %add3A_142 : i32
        %dma_start3A_144 = arith.constant 0 : i32
        %dma_start3A_145 = tpu.memref_slice %arg12[%add3A_143, %dma_start3A_144] : memref<256x128xf32, #tpu.memory_space<vmem>> -> memref<16x128xf32, #tpu.memory_space<vmem>>
        %dma_start3A_146 = arith.constant 0 : i32
        %dma_start3A_147 = tpu.memref_slice %arg8[%add3A_141, %dma_start3A_146] : memref<24x16xi32, #tpu.memory_space<vmem>> -> memref<1x16xi32, #tpu.memory_space<vmem>>
        %dma_start3A_148 = tpu.memref_squeeze %dma_start3A_147 : memref<1x16xi32, #tpu.memory_space<vmem>> -> memref<16xi32, #tpu.memory_space<vmem>>
        %dma_start3A_149 = arith.constant 0 : i32
        %dma_start3A_150 = arith.constant 0 : i32
        %dma_start3A_151 = tpu.memref_slice %arg2[%dma_start3A_149, %dma_start3A_150] : memref<10240x128xf32, #tpu.memory_space<hbm>> -> memref<10240x128xf32, #tpu.memory_space<hbm>>
        tpu.enqueue_indirect_dma source(%dma_start3A_151 : memref<10240x128xf32, #tpu.memory_space<hbm>>) target(%dma_start3A_145 : memref<16x128xf32, #tpu.memory_space<vmem>>) offsets(%dma_start3A_148 : memref<16xi32, #tpu.memory_space<vmem>>) semaphore(%arg15 : memref<!tpu.dma_semaphore, #tpu.memory_space<semaphore_mem>>)
        %add3A_152 = arith.constant 4 : i32
        %add3A_153 = arith.addi %mul3A_57, %add3A_152 : i32
        %add3A_154 = arith.constant 64 : i32
        %add3A_155 = arith.addi %mul3A_47, %add3A_154 : i32
        %dma_start3A_156 = arith.constant 0 : i32
        %dma_start3A_157 = tpu.memref_slice %arg12[%add3A_155, %dma_start3A_156] : memref<256x128xf32, #tpu.memory_space<vmem>> -> memref<16x128xf32, #tpu.memory_space<vmem>>
        %dma_start3A_158 = arith.constant 0 : i32
        %dma_start3A_159 = tpu.memref_slice %arg8[%add3A_153, %dma_start3A_158] : memref<24x16xi32, #tpu.memory_space<vmem>> -> memref<1x16xi32, #tpu.memory_space<vmem>>
        %dma_start3A_160 = tpu.memref_squeeze %dma_start3A_159 : memref<1x16xi32, #tpu.memory_space<vmem>> -> memref<16xi32, #tpu.memory_space<vmem>>
        %dma_start3A_161 = arith.constant 0 : i32
        %dma_start3A_162 = arith.constant 0 : i32
        %dma_start3A_163 = tpu.memref_slice %arg2[%dma_start3A_161, %dma_start3A_162] : memref<10240x128xf32, #tpu.memory_space<hbm>> -> memref<10240x128xf32, #tpu.memory_space<hbm>>
        tpu.enqueue_indirect_dma source(%dma_start3A_163 : memref<10240x128xf32, #tpu.memory_space<hbm>>) target(%dma_start3A_157 : memref<16x128xf32, #tpu.memory_space<vmem>>) offsets(%dma_start3A_160 : memref<16xi32, #tpu.memory_space<vmem>>) semaphore(%arg15 : memref<!tpu.dma_semaphore, #tpu.memory_space<semaphore_mem>>)
        %add3A_164 = arith.constant 5 : i32
        %add3A_165 = arith.addi %mul3A_57, %add3A_164 : i32
        %add3A_166 = arith.constant 80 : i32
        %add3A_167 = arith.addi %mul3A_47, %add3A_166 : i32
        %dma_start3A_168 = arith.constant 0 : i32
        %dma_start3A_169 = tpu.memref_slice %arg12[%add3A_167, %dma_start3A_168] : memref<256x128xf32, #tpu.memory_space<vmem>> -> memref<16x128xf32, #tpu.memory_space<vmem>>
        %dma_start3A_170 = arith.constant 0 : i32
        %dma_start3A_171 = tpu.memref_slice %arg8[%add3A_165, %dma_start3A_170] : memref<24x16xi32, #tpu.memory_space<vmem>> -> memref<1x16xi32, #tpu.memory_space<vmem>>
        %dma_start3A_172 = tpu.memref_squeeze %dma_start3A_171 : memref<1x16xi32, #tpu.memory_space<vmem>> -> memref<16xi32, #tpu.memory_space<vmem>>
        %dma_start3A_173 = arith.constant 0 : i32
        %dma_start3A_174 = arith.constant 0 : i32
        %dma_start3A_175 = tpu.memref_slice %arg2[%dma_start3A_173, %dma_start3A_174] : memref<10240x128xf32, #tpu.memory_space<hbm>> -> memref<10240x128xf32, #tpu.memory_space<hbm>>
        tpu.enqueue_indirect_dma source(%dma_start3A_175 : memref<10240x128xf32, #tpu.memory_space<hbm>>) target(%dma_start3A_169 : memref<16x128xf32, #tpu.memory_space<vmem>>) offsets(%dma_start3A_172 : memref<16xi32, #tpu.memory_space<vmem>>) semaphore(%arg15 : memref<!tpu.dma_semaphore, #tpu.memory_space<semaphore_mem>>)
        %add3A_176 = arith.constant 6 : i32
        %add3A_177 = arith.addi %mul3A_57, %add3A_176 : i32
        %add3A_178 = arith.constant 96 : i32
        %add3A_179 = arith.addi %mul3A_47, %add3A_178 : i32
        %dma_start3A_180 = arith.constant 0 : i32
        %dma_start3A_181 = tpu.memref_slice %arg12[%add3A_179, %dma_start3A_180] : memref<256x128xf32, #tpu.memory_space<vmem>> -> memref<16x128xf32, #tpu.memory_space<vmem>>
        %dma_start3A_182 = arith.constant 0 : i32
        %dma_start3A_183 = tpu.memref_slice %arg8[%add3A_177, %dma_start3A_182] : memref<24x16xi32, #tpu.memory_space<vmem>> -> memref<1x16xi32, #tpu.memory_space<vmem>>
        %dma_start3A_184 = tpu.memref_squeeze %dma_start3A_183 : memref<1x16xi32, #tpu.memory_space<vmem>> -> memref<16xi32, #tpu.memory_space<vmem>>
        %dma_start3A_185 = arith.constant 0 : i32
        %dma_start3A_186 = arith.constant 0 : i32
        %dma_start3A_187 = tpu.memref_slice %arg2[%dma_start3A_185, %dma_start3A_186] : memref<10240x128xf32, #tpu.memory_space<hbm>> -> memref<10240x128xf32, #tpu.memory_space<hbm>>
        tpu.enqueue_indirect_dma source(%dma_start3A_187 : memref<10240x128xf32, #tpu.memory_space<hbm>>) target(%dma_start3A_181 : memref<16x128xf32, #tpu.memory_space<vmem>>) offsets(%dma_start3A_184 : memref<16xi32, #tpu.memory_space<vmem>>) semaphore(%arg15 : memref<!tpu.dma_semaphore, #tpu.memory_space<semaphore_mem>>)
        %add3A_188 = arith.constant 7 : i32
        %add3A_189 = arith.addi %mul3A_57, %add3A_188 : i32
        %add3A_190 = arith.constant 112 : i32
        %add3A_191 = arith.addi %mul3A_47, %add3A_190 : i32
        %dma_start3A_192 = arith.constant 0 : i32
        %dma_start3A_193 = tpu.memref_slice %arg12[%add3A_191, %dma_start3A_192] : memref<256x128xf32, #tpu.memory_space<vmem>> -> memref<16x128xf32, #tpu.memory_space<vmem>>
        %dma_start3A_194 = arith.constant 0 : i32
        %dma_start3A_195 = tpu.memref_slice %arg8[%add3A_189, %dma_start3A_194] : memref<24x16xi32, #tpu.memory_space<vmem>> -> memref<1x16xi32, #tpu.memory_space<vmem>>
        %dma_start3A_196 = tpu.memref_squeeze %dma_start3A_195 : memref<1x16xi32, #tpu.memory_space<vmem>> -> memref<16xi32, #tpu.memory_space<vmem>>
        %dma_start3A_197 = arith.constant 0 : i32
        %dma_start3A_198 = arith.constant 0 : i32
        %dma_start3A_199 = tpu.memref_slice %arg2[%dma_start3A_197, %dma_start3A_198] : memref<10240x128xf32, #tpu.memory_space<hbm>> -> memref<10240x128xf32, #tpu.memory_space<hbm>>
        tpu.enqueue_indirect_dma source(%dma_start3A_199 : memref<10240x128xf32, #tpu.memory_space<hbm>>) target(%dma_start3A_193 : memref<16x128xf32, #tpu.memory_space<vmem>>) offsets(%dma_start3A_196 : memref<16xi32, #tpu.memory_space<vmem>>) semaphore(%arg15 : memref<!tpu.dma_semaphore, #tpu.memory_space<semaphore_mem>>)
      } else {
      }
      %ge3A_76 = arith.constant 1 : i32
      %ge3A_77 = arith.cmpi sge, %scan3A_44, %ge3A_76 : i32
      %le3A = arith.constant 79 : i32
      %le3A_78 = arith.cmpi sle, %scan3A_44, %le3A : i32
      %and3A = arith.andi %ge3A_77, %le3A_78 : i1
      %convert_element_type3A_79 = arith.extui %and3A : i1 to i32
      %cond3A_80 = arith.constant 0 : i32
      %cond3A_81 = arith.cmpi ne, %convert_element_type3A_79, %cond3A_80 : i32
      scf.if %cond3A_81 {
        %add3A_89 = arith.constant 0 : i32
        %add3A_90 = arith.addi %mul3A_53, %add3A_89 : i32
        %dma_wait3A = arith.constant 0 : i32
        %dma_wait3A_91 = arith.constant 0 : i32
        %dma_wait3A_92 = tpu.memref_slice %arg12[%add3A_90, %dma_wait3A_91] : memref<256x128xf32, #tpu.memory_space<vmem>> -> memref<16x128xf32, #tpu.memory_space<vmem>>
        %dma_wait3A_93 = arith.constant 0 : i32
        %dma_wait3A_94 = tpu.memref_slice %arg11[%dma_wait3A, %dma_wait3A_93] : memref<40x16xi32, #tpu.memory_space<vmem>> -> memref<1x16xi32, #tpu.memory_space<vmem>>
        %dma_wait3A_95 = tpu.memref_squeeze %dma_wait3A_94 : memref<1x16xi32, #tpu.memory_space<vmem>> -> memref<16xi32, #tpu.memory_space<vmem>>
        %dma_wait3A_96 = arith.constant 0 : i32
        %dma_wait3A_97 = arith.constant 0 : i32
        %dma_wait3A_98 = tpu.memref_slice %arg2[%dma_wait3A_96, %dma_wait3A_97] : memref<10240x128xf32, #tpu.memory_space<hbm>> -> memref<10240x128xf32, #tpu.memory_space<hbm>>
        tpu.wait_indirect_dma semaphore(%arg15 : memref<!tpu.dma_semaphore, #tpu.memory_space<semaphore_mem>>) src(%dma_wait3A_98 : memref<10240x128xf32, #tpu.memory_space<hbm>>) dst(%dma_wait3A_92 : memref<16x128xf32, #tpu.memory_space<vmem>>)
        %add3A_99 = arith.constant 16 : i32
        %add3A_100 = arith.addi %mul3A_53, %add3A_99 : i32
        %dma_wait3A_101 = arith.constant 0 : i32
        %dma_wait3A_102 = arith.constant 0 : i32
        %dma_wait3A_103 = tpu.memref_slice %arg12[%add3A_100, %dma_wait3A_102] : memref<256x128xf32, #tpu.memory_space<vmem>> -> memref<16x128xf32, #tpu.memory_space<vmem>>
        %dma_wait3A_104 = arith.constant 0 : i32
        %dma_wait3A_105 = tpu.memref_slice %arg11[%dma_wait3A_101, %dma_wait3A_104] : memref<40x16xi32, #tpu.memory_space<vmem>> -> memref<1x16xi32, #tpu.memory_space<vmem>>
        %dma_wait3A_106 = tpu.memref_squeeze %dma_wait3A_105 : memref<1x16xi32, #tpu.memory_space<vmem>> -> memref<16xi32, #tpu.memory_space<vmem>>
        %dma_wait3A_107 = arith.constant 0 : i32
        %dma_wait3A_108 = arith.constant 0 : i32
        %dma_wait3A_109 = tpu.memref_slice %arg2[%dma_wait3A_107, %dma_wait3A_108] : memref<10240x128xf32, #tpu.memory_space<hbm>> -> memref<10240x128xf32, #tpu.memory_space<hbm>>
        tpu.wait_indirect_dma semaphore(%arg15 : memref<!tpu.dma_semaphore, #tpu.memory_space<semaphore_mem>>) src(%dma_wait3A_109 : memref<10240x128xf32, #tpu.memory_space<hbm>>) dst(%dma_wait3A_103 : memref<16x128xf32, #tpu.memory_space<vmem>>)
        %add3A_110 = arith.constant 32 : i32
        %add3A_111 = arith.addi %mul3A_53, %add3A_110 : i32
        %dma_wait3A_112 = arith.constant 0 : i32
        %dma_wait3A_113 = arith.constant 0 : i32
        %dma_wait3A_114 = tpu.memref_slice %arg12[%add3A_111, %dma_wait3A_113] : memref<256x128xf32, #tpu.memory_space<vmem>> -> memref<16x128xf32, #tpu.memory_space<vmem>>
        %dma_wait3A_115 = arith.constant 0 : i32
        %dma_wait3A_116 = tpu.memref_slice %arg11[%dma_wait3A_112, %dma_wait3A_115] : memref<40x16xi32, #tpu.memory_space<vmem>> -> memref<1x16xi32, #tpu.memory_space<vmem>>
        %dma_wait3A_117 = tpu.memref_squeeze %dma_wait3A_116 : memref<1x16xi32, #tpu.memory_space<vmem>> -> memref<16xi32, #tpu.memory_space<vmem>>
        %dma_wait3A_118 = arith.constant 0 : i32
        %dma_wait3A_119 = arith.constant 0 : i32
        %dma_wait3A_120 = tpu.memref_slice %arg2[%dma_wait3A_118, %dma_wait3A_119] : memref<10240x128xf32, #tpu.memory_space<hbm>> -> memref<10240x128xf32, #tpu.memory_space<hbm>>
        tpu.wait_indirect_dma semaphore(%arg15 : memref<!tpu.dma_semaphore, #tpu.memory_space<semaphore_mem>>) src(%dma_wait3A_120 : memref<10240x128xf32, #tpu.memory_space<hbm>>) dst(%dma_wait3A_114 : memref<16x128xf32, #tpu.memory_space<vmem>>)
        %add3A_121 = arith.constant 48 : i32
        %add3A_122 = arith.addi %mul3A_53, %add3A_121 : i32
        %dma_wait3A_123 = arith.constant 0 : i32
        %dma_wait3A_124 = arith.constant 0 : i32
        %dma_wait3A_125 = tpu.memref_slice %arg12[%add3A_122, %dma_wait3A_124] : memref<256x128xf32, #tpu.memory_space<vmem>> -> memref<16x128xf32, #tpu.memory_space<vmem>>
        %dma_wait3A_126 = arith.constant 0 : i32
        %dma_wait3A_127 = tpu.memref_slice %arg11[%dma_wait3A_123, %dma_wait3A_126] : memref<40x16xi32, #tpu.memory_space<vmem>> -> memref<1x16xi32, #tpu.memory_space<vmem>>
        %dma_wait3A_128 = tpu.memref_squeeze %dma_wait3A_127 : memref<1x16xi32, #tpu.memory_space<vmem>> -> memref<16xi32, #tpu.memory_space<vmem>>
        %dma_wait3A_129 = arith.constant 0 : i32
        %dma_wait3A_130 = arith.constant 0 : i32
        %dma_wait3A_131 = tpu.memref_slice %arg2[%dma_wait3A_129, %dma_wait3A_130] : memref<10240x128xf32, #tpu.memory_space<hbm>> -> memref<10240x128xf32, #tpu.memory_space<hbm>>
        tpu.wait_indirect_dma semaphore(%arg15 : memref<!tpu.dma_semaphore, #tpu.memory_space<semaphore_mem>>) src(%dma_wait3A_131 : memref<10240x128xf32, #tpu.memory_space<hbm>>) dst(%dma_wait3A_125 : memref<16x128xf32, #tpu.memory_space<vmem>>)
        %add3A_132 = arith.constant 64 : i32
        %add3A_133 = arith.addi %mul3A_53, %add3A_132 : i32
        %dma_wait3A_134 = arith.constant 0 : i32
        %dma_wait3A_135 = arith.constant 0 : i32
        %dma_wait3A_136 = tpu.memref_slice %arg12[%add3A_133, %dma_wait3A_135] : memref<256x128xf32, #tpu.memory_space<vmem>> -> memref<16x128xf32, #tpu.memory_space<vmem>>
        %dma_wait3A_137 = arith.constant 0 : i32
        %dma_wait3A_138 = tpu.memref_slice %arg11[%dma_wait3A_134, %dma_wait3A_137] : memref<40x16xi32, #tpu.memory_space<vmem>> -> memref<1x16xi32, #tpu.memory_space<vmem>>
        %dma_wait3A_139 = tpu.memref_squeeze %dma_wait3A_138 : memref<1x16xi32, #tpu.memory_space<vmem>> -> memref<16xi32, #tpu.memory_space<vmem>>
        %dma_wait3A_140 = arith.constant 0 : i32
        %dma_wait3A_141 = arith.constant 0 : i32
        %dma_wait3A_142 = tpu.memref_slice %arg2[%dma_wait3A_140, %dma_wait3A_141] : memref<10240x128xf32, #tpu.memory_space<hbm>> -> memref<10240x128xf32, #tpu.memory_space<hbm>>
        tpu.wait_indirect_dma semaphore(%arg15 : memref<!tpu.dma_semaphore, #tpu.memory_space<semaphore_mem>>) src(%dma_wait3A_142 : memref<10240x128xf32, #tpu.memory_space<hbm>>) dst(%dma_wait3A_136 : memref<16x128xf32, #tpu.memory_space<vmem>>)
        %add3A_143 = arith.constant 80 : i32
        %add3A_144 = arith.addi %mul3A_53, %add3A_143 : i32
        %dma_wait3A_145 = arith.constant 0 : i32
        %dma_wait3A_146 = arith.constant 0 : i32
        %dma_wait3A_147 = tpu.memref_slice %arg12[%add3A_144, %dma_wait3A_146] : memref<256x128xf32, #tpu.memory_space<vmem>> -> memref<16x128xf32, #tpu.memory_space<vmem>>
        %dma_wait3A_148 = arith.constant 0 : i32
        %dma_wait3A_149 = tpu.memref_slice %arg11[%dma_wait3A_145, %dma_wait3A_148] : memref<40x16xi32, #tpu.memory_space<vmem>> -> memref<1x16xi32, #tpu.memory_space<vmem>>
        %dma_wait3A_150 = tpu.memref_squeeze %dma_wait3A_149 : memref<1x16xi32, #tpu.memory_space<vmem>> -> memref<16xi32, #tpu.memory_space<vmem>>
        %dma_wait3A_151 = arith.constant 0 : i32
        %dma_wait3A_152 = arith.constant 0 : i32
        %dma_wait3A_153 = tpu.memref_slice %arg2[%dma_wait3A_151, %dma_wait3A_152] : memref<10240x128xf32, #tpu.memory_space<hbm>> -> memref<10240x128xf32, #tpu.memory_space<hbm>>
        tpu.wait_indirect_dma semaphore(%arg15 : memref<!tpu.dma_semaphore, #tpu.memory_space<semaphore_mem>>) src(%dma_wait3A_153 : memref<10240x128xf32, #tpu.memory_space<hbm>>) dst(%dma_wait3A_147 : memref<16x128xf32, #tpu.memory_space<vmem>>)
        %add3A_154 = arith.constant 96 : i32
        %add3A_155 = arith.addi %mul3A_53, %add3A_154 : i32
        %dma_wait3A_156 = arith.constant 0 : i32
        %dma_wait3A_157 = arith.constant 0 : i32
        %dma_wait3A_158 = tpu.memref_slice %arg12[%add3A_155, %dma_wait3A_157] : memref<256x128xf32, #tpu.memory_space<vmem>> -> memref<16x128xf32, #tpu.memory_space<vmem>>
        %dma_wait3A_159 = arith.constant 0 : i32
        %dma_wait3A_160 = tpu.memref_slice %arg11[%dma_wait3A_156, %dma_wait3A_159] : memref<40x16xi32, #tpu.memory_space<vmem>> -> memref<1x16xi32, #tpu.memory_space<vmem>>
        %dma_wait3A_161 = tpu.memref_squeeze %dma_wait3A_160 : memref<1x16xi32, #tpu.memory_space<vmem>> -> memref<16xi32, #tpu.memory_space<vmem>>
        %dma_wait3A_162 = arith.constant 0 : i32
        %dma_wait3A_163 = arith.constant 0 : i32
        %dma_wait3A_164 = tpu.memref_slice %arg2[%dma_wait3A_162, %dma_wait3A_163] : memref<10240x128xf32, #tpu.memory_space<hbm>> -> memref<10240x128xf32, #tpu.memory_space<hbm>>
        tpu.wait_indirect_dma semaphore(%arg15 : memref<!tpu.dma_semaphore, #tpu.memory_space<semaphore_mem>>) src(%dma_wait3A_164 : memref<10240x128xf32, #tpu.memory_space<hbm>>) dst(%dma_wait3A_158 : memref<16x128xf32, #tpu.memory_space<vmem>>)
        %add3A_165 = arith.constant 112 : i32
        %add3A_166 = arith.addi %mul3A_53, %add3A_165 : i32
        %dma_wait3A_167 = arith.constant 0 : i32
        %dma_wait3A_168 = arith.constant 0 : i32
        %dma_wait3A_169 = tpu.memref_slice %arg12[%add3A_166, %dma_wait3A_168] : memref<256x128xf32, #tpu.memory_space<vmem>> -> memref<16x128xf32, #tpu.memory_space<vmem>>
        %dma_wait3A_170 = arith.constant 0 : i32
        %dma_wait3A_171 = tpu.memref_slice %arg11[%dma_wait3A_167, %dma_wait3A_170] : memref<40x16xi32, #tpu.memory_space<vmem>> -> memref<1x16xi32, #tpu.memory_space<vmem>>
        %dma_wait3A_172 = tpu.memref_squeeze %dma_wait3A_171 : memref<1x16xi32, #tpu.memory_space<vmem>> -> memref<16xi32, #tpu.memory_space<vmem>>
        %dma_wait3A_173 = arith.constant 0 : i32
        %dma_wait3A_174 = arith.constant 0 : i32
        %dma_wait3A_175 = tpu.memref_slice %arg2[%dma_wait3A_173, %dma_wait3A_174] : memref<10240x128xf32, #tpu.memory_space<hbm>> -> memref<10240x128xf32, #tpu.memory_space<hbm>>
        tpu.wait_indirect_dma semaphore(%arg15 : memref<!tpu.dma_semaphore, #tpu.memory_space<semaphore_mem>>) src(%dma_wait3A_175 : memref<10240x128xf32, #tpu.memory_space<hbm>>) dst(%dma_wait3A_169 : memref<16x128xf32, #tpu.memory_space<vmem>>)
        %add3A_176 = arith.constant 0 : i32
        %add3A_177 = arith.addi %mul3A_53, %add3A_176 : i32
        %add3A_178 = arith.constant 0 : i32
        %add3A_179 = arith.addi %mul3A_69, %add3A_178 : i32
        %dma_start3A_180 = arith.constant 0 : i32
        %dma_start3A_181 = tpu.memref_slice %arg12[%add3A_177, %dma_start3A_180] : memref<256x128xf32, #tpu.memory_space<vmem>> -> memref<16x128xf32, #tpu.memory_space<vmem>>
        %dma_start3A_182 = arith.constant 0 : i32
        %dma_start3A_183 = tpu.memref_slice %arg9[%add3A_179, %dma_start3A_182] : memref<24x16xi32, #tpu.memory_space<vmem>> -> memref<1x16xi32, #tpu.memory_space<vmem>>
        %dma_start3A_184 = tpu.memref_squeeze %dma_start3A_183 : memref<1x16xi32, #tpu.memory_space<vmem>> -> memref<16xi32, #tpu.memory_space<vmem>>
        %dma_start3A_185 = arith.constant 0 : i32
        %dma_start3A_186 = arith.constant 0 : i32
        %dma_start3A_187 = tpu.memref_slice %arg14[%dma_start3A_185, %dma_start3A_186] : memref<10240x128xf32, #tpu.memory_space<vmem_shared>> -> memref<10240x128xf32, #tpu.memory_space<vmem_shared>>
        tpu.enqueue_indirect_dma source(%dma_start3A_181 : memref<16x128xf32, #tpu.memory_space<vmem>>) target(%dma_start3A_187 : memref<10240x128xf32, #tpu.memory_space<vmem_shared>>) offsets(%dma_start3A_184 : memref<16xi32, #tpu.memory_space<vmem>>) semaphore(%arg16 : memref<!tpu.dma_semaphore, #tpu.memory_space<semaphore_mem>>) {add = true}
        %add3A_188 = arith.constant 16 : i32
        %add3A_189 = arith.addi %mul3A_53, %add3A_188 : i32
        %add3A_190 = arith.constant 1 : i32
        %add3A_191 = arith.addi %mul3A_69, %add3A_190 : i32
        %dma_start3A_192 = arith.constant 0 : i32
        %dma_start3A_193 = tpu.memref_slice %arg12[%add3A_189, %dma_start3A_192] : memref<256x128xf32, #tpu.memory_space<vmem>> -> memref<16x128xf32, #tpu.memory_space<vmem>>
        %dma_start3A_194 = arith.constant 0 : i32
        %dma_start3A_195 = tpu.memref_slice %arg9[%add3A_191, %dma_start3A_194] : memref<24x16xi32, #tpu.memory_space<vmem>> -> memref<1x16xi32, #tpu.memory_space<vmem>>
        %dma_start3A_196 = tpu.memref_squeeze %dma_start3A_195 : memref<1x16xi32, #tpu.memory_space<vmem>> -> memref<16xi32, #tpu.memory_space<vmem>>
        %dma_start3A_197 = arith.constant 0 : i32
        %dma_start3A_198 = arith.constant 0 : i32
        %dma_start3A_199 = tpu.memref_slice %arg14[%dma_start3A_197, %dma_start3A_198] : memref<10240x128xf32, #tpu.memory_space<vmem_shared>> -> memref<10240x128xf32, #tpu.memory_space<vmem_shared>>
        tpu.enqueue_indirect_dma source(%dma_start3A_193 : memref<16x128xf32, #tpu.memory_space<vmem>>) target(%dma_start3A_199 : memref<10240x128xf32, #tpu.memory_space<vmem_shared>>) offsets(%dma_start3A_196 : memref<16xi32, #tpu.memory_space<vmem>>) semaphore(%arg16 : memref<!tpu.dma_semaphore, #tpu.memory_space<semaphore_mem>>) {add = true}
        %add3A_200 = arith.constant 32 : i32
        %add3A_201 = arith.addi %mul3A_53, %add3A_200 : i32
        %add3A_202 = arith.constant 2 : i32
        %add3A_203 = arith.addi %mul3A_69, %add3A_202 : i32
        %dma_start3A_204 = arith.constant 0 : i32
        %dma_start3A_205 = tpu.memref_slice %arg12[%add3A_201, %dma_start3A_204] : memref<256x128xf32, #tpu.memory_space<vmem>> -> memref<16x128xf32, #tpu.memory_space<vmem>>
        %dma_start3A_206 = arith.constant 0 : i32
        %dma_start3A_207 = tpu.memref_slice %arg9[%add3A_203, %dma_start3A_206] : memref<24x16xi32, #tpu.memory_space<vmem>> -> memref<1x16xi32, #tpu.memory_space<vmem>>
        %dma_start3A_208 = tpu.memref_squeeze %dma_start3A_207 : memref<1x16xi32, #tpu.memory_space<vmem>> -> memref<16xi32, #tpu.memory_space<vmem>>
        %dma_start3A_209 = arith.constant 0 : i32
        %dma_start3A_210 = arith.constant 0 : i32
        %dma_start3A_211 = tpu.memref_slice %arg14[%dma_start3A_209, %dma_start3A_210] : memref<10240x128xf32, #tpu.memory_space<vmem_shared>> -> memref<10240x128xf32, #tpu.memory_space<vmem_shared>>
        tpu.enqueue_indirect_dma source(%dma_start3A_205 : memref<16x128xf32, #tpu.memory_space<vmem>>) target(%dma_start3A_211 : memref<10240x128xf32, #tpu.memory_space<vmem_shared>>) offsets(%dma_start3A_208 : memref<16xi32, #tpu.memory_space<vmem>>) semaphore(%arg16 : memref<!tpu.dma_semaphore, #tpu.memory_space<semaphore_mem>>) {add = true}
        %add3A_212 = arith.constant 48 : i32
        %add3A_213 = arith.addi %mul3A_53, %add3A_212 : i32
        %add3A_214 = arith.constant 3 : i32
        %add3A_215 = arith.addi %mul3A_69, %add3A_214 : i32
        %dma_start3A_216 = arith.constant 0 : i32
        %dma_start3A_217 = tpu.memref_slice %arg12[%add3A_213, %dma_start3A_216] : memref<256x128xf32, #tpu.memory_space<vmem>> -> memref<16x128xf32, #tpu.memory_space<vmem>>
        %dma_start3A_218 = arith.constant 0 : i32
        %dma_start3A_219 = tpu.memref_slice %arg9[%add3A_215, %dma_start3A_218] : memref<24x16xi32, #tpu.memory_space<vmem>> -> memref<1x16xi32, #tpu.memory_space<vmem>>
        %dma_start3A_220 = tpu.memref_squeeze %dma_start3A_219 : memref<1x16xi32, #tpu.memory_space<vmem>> -> memref<16xi32, #tpu.memory_space<vmem>>
        %dma_start3A_221 = arith.constant 0 : i32
        %dma_start3A_222 = arith.constant 0 : i32
        %dma_start3A_223 = tpu.memref_slice %arg14[%dma_start3A_221, %dma_start3A_222] : memref<10240x128xf32, #tpu.memory_space<vmem_shared>> -> memref<10240x128xf32, #tpu.memory_space<vmem_shared>>
        tpu.enqueue_indirect_dma source(%dma_start3A_217 : memref<16x128xf32, #tpu.memory_space<vmem>>) target(%dma_start3A_223 : memref<10240x128xf32, #tpu.memory_space<vmem_shared>>) offsets(%dma_start3A_220 : memref<16xi32, #tpu.memory_space<vmem>>) semaphore(%arg16 : memref<!tpu.dma_semaphore, #tpu.memory_space<semaphore_mem>>) {add = true}
        %add3A_224 = arith.constant 64 : i32
        %add3A_225 = arith.addi %mul3A_53, %add3A_224 : i32
        %add3A_226 = arith.constant 4 : i32
        %add3A_227 = arith.addi %mul3A_69, %add3A_226 : i32
        %dma_start3A_228 = arith.constant 0 : i32
        %dma_start3A_229 = tpu.memref_slice %arg12[%add3A_225, %dma_start3A_228] : memref<256x128xf32, #tpu.memory_space<vmem>> -> memref<16x128xf32, #tpu.memory_space<vmem>>
        %dma_start3A_230 = arith.constant 0 : i32
        %dma_start3A_231 = tpu.memref_slice %arg9[%add3A_227, %dma_start3A_230] : memref<24x16xi32, #tpu.memory_space<vmem>> -> memref<1x16xi32, #tpu.memory_space<vmem>>
        %dma_start3A_232 = tpu.memref_squeeze %dma_start3A_231 : memref<1x16xi32, #tpu.memory_space<vmem>> -> memref<16xi32, #tpu.memory_space<vmem>>
        %dma_start3A_233 = arith.constant 0 : i32
        %dma_start3A_234 = arith.constant 0 : i32
        %dma_start3A_235 = tpu.memref_slice %arg14[%dma_start3A_233, %dma_start3A_234] : memref<10240x128xf32, #tpu.memory_space<vmem_shared>> -> memref<10240x128xf32, #tpu.memory_space<vmem_shared>>
        tpu.enqueue_indirect_dma source(%dma_start3A_229 : memref<16x128xf32, #tpu.memory_space<vmem>>) target(%dma_start3A_235 : memref<10240x128xf32, #tpu.memory_space<vmem_shared>>) offsets(%dma_start3A_232 : memref<16xi32, #tpu.memory_space<vmem>>) semaphore(%arg16 : memref<!tpu.dma_semaphore, #tpu.memory_space<semaphore_mem>>) {add = true}
        %add3A_236 = arith.constant 80 : i32
        %add3A_237 = arith.addi %mul3A_53, %add3A_236 : i32
        %add3A_238 = arith.constant 5 : i32
        %add3A_239 = arith.addi %mul3A_69, %add3A_238 : i32
        %dma_start3A_240 = arith.constant 0 : i32
        %dma_start3A_241 = tpu.memref_slice %arg12[%add3A_237, %dma_start3A_240] : memref<256x128xf32, #tpu.memory_space<vmem>> -> memref<16x128xf32, #tpu.memory_space<vmem>>
        %dma_start3A_242 = arith.constant 0 : i32
        %dma_start3A_243 = tpu.memref_slice %arg9[%add3A_239, %dma_start3A_242] : memref<24x16xi32, #tpu.memory_space<vmem>> -> memref<1x16xi32, #tpu.memory_space<vmem>>
        %dma_start3A_244 = tpu.memref_squeeze %dma_start3A_243 : memref<1x16xi32, #tpu.memory_space<vmem>> -> memref<16xi32, #tpu.memory_space<vmem>>
        %dma_start3A_245 = arith.constant 0 : i32
        %dma_start3A_246 = arith.constant 0 : i32
        %dma_start3A_247 = tpu.memref_slice %arg14[%dma_start3A_245, %dma_start3A_246] : memref<10240x128xf32, #tpu.memory_space<vmem_shared>> -> memref<10240x128xf32, #tpu.memory_space<vmem_shared>>
        tpu.enqueue_indirect_dma source(%dma_start3A_241 : memref<16x128xf32, #tpu.memory_space<vmem>>) target(%dma_start3A_247 : memref<10240x128xf32, #tpu.memory_space<vmem_shared>>) offsets(%dma_start3A_244 : memref<16xi32, #tpu.memory_space<vmem>>) semaphore(%arg16 : memref<!tpu.dma_semaphore, #tpu.memory_space<semaphore_mem>>) {add = true}
        %add3A_248 = arith.constant 96 : i32
        %add3A_249 = arith.addi %mul3A_53, %add3A_248 : i32
        %add3A_250 = arith.constant 6 : i32
        %add3A_251 = arith.addi %mul3A_69, %add3A_250 : i32
        %dma_start3A_252 = arith.constant 0 : i32
        %dma_start3A_253 = tpu.memref_slice %arg12[%add3A_249, %dma_start3A_252] : memref<256x128xf32, #tpu.memory_space<vmem>> -> memref<16x128xf32, #tpu.memory_space<vmem>>
        %dma_start3A_254 = arith.constant 0 : i32
        %dma_start3A_255 = tpu.memref_slice %arg9[%add3A_251, %dma_start3A_254] : memref<24x16xi32, #tpu.memory_space<vmem>> -> memref<1x16xi32, #tpu.memory_space<vmem>>
        %dma_start3A_256 = tpu.memref_squeeze %dma_start3A_255 : memref<1x16xi32, #tpu.memory_space<vmem>> -> memref<16xi32, #tpu.memory_space<vmem>>
        %dma_start3A_257 = arith.constant 0 : i32
        %dma_start3A_258 = arith.constant 0 : i32
        %dma_start3A_259 = tpu.memref_slice %arg14[%dma_start3A_257, %dma_start3A_258] : memref<10240x128xf32, #tpu.memory_space<vmem_shared>> -> memref<10240x128xf32, #tpu.memory_space<vmem_shared>>
        tpu.enqueue_indirect_dma source(%dma_start3A_253 : memref<16x128xf32, #tpu.memory_space<vmem>>) target(%dma_start3A_259 : memref<10240x128xf32, #tpu.memory_space<vmem_shared>>) offsets(%dma_start3A_256 : memref<16xi32, #tpu.memory_space<vmem>>) semaphore(%arg16 : memref<!tpu.dma_semaphore, #tpu.memory_space<semaphore_mem>>) {add = true}
        %add3A_260 = arith.constant 112 : i32
        %add3A_261 = arith.addi %mul3A_53, %add3A_260 : i32
        %add3A_262 = arith.constant 7 : i32
        %add3A_263 = arith.addi %mul3A_69, %add3A_262 : i32
        %dma_start3A_264 = arith.constant 0 : i32
        %dma_start3A_265 = tpu.memref_slice %arg12[%add3A_261, %dma_start3A_264] : memref<256x128xf32, #tpu.memory_space<vmem>> -> memref<16x128xf32, #tpu.memory_space<vmem>>
        %dma_start3A_266 = arith.constant 0 : i32
        %dma_start3A_267 = tpu.memref_slice %arg9[%add3A_263, %dma_start3A_266] : memref<24x16xi32, #tpu.memory_space<vmem>> -> memref<1x16xi32, #tpu.memory_space<vmem>>
        %dma_start3A_268 = tpu.memref_squeeze %dma_start3A_267 : memref<1x16xi32, #tpu.memory_space<vmem>> -> memref<16xi32, #tpu.memory_space<vmem>>
        %dma_start3A_269 = arith.constant 0 : i32
        %dma_start3A_270 = arith.constant 0 : i32
        %dma_start3A_271 = tpu.memref_slice %arg14[%dma_start3A_269, %dma_start3A_270] : memref<10240x128xf32, #tpu.memory_space<vmem_shared>> -> memref<10240x128xf32, #tpu.memory_space<vmem_shared>>
        tpu.enqueue_indirect_dma source(%dma_start3A_265 : memref<16x128xf32, #tpu.memory_space<vmem>>) target(%dma_start3A_271 : memref<10240x128xf32, #tpu.memory_space<vmem_shared>>) offsets(%dma_start3A_268 : memref<16xi32, #tpu.memory_space<vmem>>) semaphore(%arg16 : memref<!tpu.dma_semaphore, #tpu.memory_space<semaphore_mem>>) {add = true}
      } else {
      }
      %add3A_82 = arith.constant 1 : i32
      %add3A_83 = arith.addi %scan3A_44, %add3A_82 : i32
      %lt3A_84 = arith.constant 79 : i32
      %lt3A_85 = arith.cmpi slt, %add3A_83, %lt3A_84 : i32
      %convert_element_type3A_86 = arith.extui %lt3A_85 : i1 to i32
      %cond3A_87 = arith.constant 0 : i32
      %cond3A_88 = arith.cmpi ne, %convert_element_type3A_86, %cond3A_87 : i32
      scf.if %cond3A_88 {
        %add3A_89 = arith.constant 1 : i32
        %add3A_90 = arith.addi %scan3A_44, %add3A_89 : i32
        %mul3A_91 = arith.constant 8 : i32
        %mul3A_92 = arith.muli %add3A_90, %mul3A_91 : i32
        %add3A_93 = arith.addi %mul3A_6, %mul3A_92 : i32
        %dma_start3A_94 = arith.constant 0 : i32
        %dma_start3A_95 = tpu.memref_slice %arg8[%mul3A_63, %dma_start3A_94] : memref<24x16xi32, #tpu.memory_space<vmem>> -> memref<8x16xi32, #tpu.memory_space<vmem>>
        %dma_start3A_96 = arith.constant 0 : i32
        %dma_start3A_97 = tpu.memref_slice %arg3[%add3A_93, %dma_start3A_96] : memref<20224x16xi32, #tpu.memory_space<hbm>> -> memref<8x16xi32, #tpu.memory_space<hbm>>
        %dma_start3A_98 = arith.constant 0 : i32
        %dma_start3A_99 = tpu.memref_slice %arg8[%mul3A_63, %dma_start3A_98] : memref<24x16xi32, #tpu.memory_space<vmem>> -> memref<8x16xi32, #tpu.memory_space<vmem>>
        %dma_start3A_100 = arith.constant 0 : i32
        %dma_start3A_101 = tpu.memref_slice %arg3[%add3A_93, %dma_start3A_100] : memref<20224x16xi32, #tpu.memory_space<hbm>> -> memref<8x16xi32, #tpu.memory_space<hbm>>
        tpu.enqueue_dma source(%dma_start3A_101 : memref<8x16xi32, #tpu.memory_space<hbm>>) target(%dma_start3A_99 : memref<8x16xi32, #tpu.memory_space<vmem>>) target_semaphore(%arg17 : memref<!tpu.dma_semaphore, #tpu.memory_space<semaphore_mem>>)
        %dma_start3A_102 = arith.constant 0 : i32
        %dma_start3A_103 = tpu.memref_slice %arg9[%mul3A_63, %dma_start3A_102] : memref<24x16xi32, #tpu.memory_space<vmem>> -> memref<8x16xi32, #tpu.memory_space<vmem>>
        %dma_start3A_104 = arith.constant 0 : i32
        %dma_start3A_105 = tpu.memref_slice %arg4[%add3A_93, %dma_start3A_104] : memref<20224x16xi32, #tpu.memory_space<hbm>> -> memref<8x16xi32, #tpu.memory_space<hbm>>
        %dma_start3A_106 = arith.constant 0 : i32
        %dma_start3A_107 = tpu.memref_slice %arg9[%mul3A_63, %dma_start3A_106] : memref<24x16xi32, #tpu.memory_space<vmem>> -> memref<8x16xi32, #tpu.memory_space<vmem>>
        %dma_start3A_108 = arith.constant 0 : i32
        %dma_start3A_109 = tpu.memref_slice %arg4[%add3A_93, %dma_start3A_108] : memref<20224x16xi32, #tpu.memory_space<hbm>> -> memref<8x16xi32, #tpu.memory_space<hbm>>
        tpu.enqueue_dma source(%dma_start3A_109 : memref<8x16xi32, #tpu.memory_space<hbm>>) target(%dma_start3A_107 : memref<8x16xi32, #tpu.memory_space<vmem>>) target_semaphore(%arg17 : memref<!tpu.dma_semaphore, #tpu.memory_space<semaphore_mem>>)
      } else {
      }
    }
    %scan3A_36 = arith.constant 81 : i32
    %barrier3A_37 = arith.constant 0 : index
    tpu.barrier barrier_id(%barrier3A_37)
    %scan3A_38 = arith.constant 0 : i32
    %scan3A_39 = arith.constant 0 : i32
    %scan3A_40 = arith.constant 40 : i32
    %scan3A_41 = arith.addi %scan3A_39, %scan3A_40 : i32
    %scan3A_42 = arith.constant 1 : i32
    scf.for %scan3A_44 = %scan3A_39 to %scan3A_41 step %scan3A_42  : i32 {
      %dma_start3A_45 = arith.constant 0 : i32
      %dma_start3A_46 = tpu.memref_slice %arg11[%scan3A_44, %dma_start3A_45] : memref<40x16xi32, #tpu.memory_space<vmem>> -> memref<1x16xi32, #tpu.memory_space<vmem>>
      %dma_start3A_47 = tpu.memref_squeeze %dma_start3A_46 : memref<1x16xi32, #tpu.memory_space<vmem>> -> memref<16xi32, #tpu.memory_space<vmem>>
      %dma_start3A_48 = arith.constant 0 : i32
      %dma_start3A_49 = arith.constant 0 : i32
      %dma_start3A_50 = tpu.memref_slice %arg14[%dma_start3A_48, %dma_start3A_49] : memref<10240x128xf32, #tpu.memory_space<vmem_shared>> -> memref<10240x128xf32, #tpu.memory_space<vmem_shared>>
      tpu.enqueue_indirect_dma source(%dma_start3A_50 : memref<10240x128xf32, #tpu.memory_space<vmem_shared>>) target(%arg13 : memref<16x128xf32, #tpu.memory_space<vmem>>) offsets(%dma_start3A_47 : memref<16xi32, #tpu.memory_space<vmem>>) semaphore(%arg15 : memref<!tpu.dma_semaphore, #tpu.memory_space<semaphore_mem>>)
      %dma_wait3A = arith.constant 0 : i32
      %dma_wait3A_51 = tpu.memref_slice %arg11[%scan3A_44, %dma_wait3A] : memref<40x16xi32, #tpu.memory_space<vmem>> -> memref<1x16xi32, #tpu.memory_space<vmem>>
      %dma_wait3A_52 = tpu.memref_squeeze %dma_wait3A_51 : memref<1x16xi32, #tpu.memory_space<vmem>> -> memref<16xi32, #tpu.memory_space<vmem>>
      %dma_wait3A_53 = arith.constant 0 : i32
      %dma_wait3A_54 = arith.constant 0 : i32
      %dma_wait3A_55 = tpu.memref_slice %arg14[%dma_wait3A_53, %dma_wait3A_54] : memref<10240x128xf32, #tpu.memory_space<vmem_shared>> -> memref<10240x128xf32, #tpu.memory_space<vmem_shared>>
      tpu.wait_indirect_dma semaphore(%arg15 : memref<!tpu.dma_semaphore, #tpu.memory_space<semaphore_mem>>) src(%dma_wait3A_55 : memref<10240x128xf32, #tpu.memory_space<vmem_shared>>) dst(%arg13 : memref<16x128xf32, #tpu.memory_space<vmem>>)
      %add3A_56 = arith.addi %mul3A_2, %scan3A_44 : i32
      %mul3A_57 = arith.constant 16 : i32
      %mul3A_58 = arith.muli %add3A_56, %mul3A_57 : i32
      "tpu.region"() ({
        %run_scoped3A = tpu.sem_alloc : memref<!tpu.dma_semaphore, #tpu.memory_space<semaphore_mem>>
        %dma_start3A_59 = arith.constant 0 : i32
        %dma_start3A_60 = tpu.memref_slice %arg7[%arg0, %mul3A_58, %dma_start3A_59] : memref<2x10240x128xf32, #tpu.memory_space<hbm>> -> memref<1x16x128xf32, #tpu.memory_space<hbm>>
        %dma_start3A_61 = tpu.memref_squeeze %dma_start3A_60 : memref<1x16x128xf32, #tpu.memory_space<hbm>> -> memref<16x128xf32, #tpu.memory_space<hbm>>
        %dma_start3A_62 = arith.constant 0 : i32
        %dma_start3A_63 = tpu.memref_slice %arg7[%arg0, %mul3A_58, %dma_start3A_62] : memref<2x10240x128xf32, #tpu.memory_space<hbm>> -> memref<1x16x128xf32, #tpu.memory_space<hbm>>
        %dma_start3A_64 = tpu.memref_squeeze %dma_start3A_63 : memref<1x16x128xf32, #tpu.memory_space<hbm>> -> memref<16x128xf32, #tpu.memory_space<hbm>>
        tpu.enqueue_dma source(%arg13 : memref<16x128xf32, #tpu.memory_space<vmem>>) target(%dma_start3A_64 : memref<16x128xf32, #tpu.memory_space<hbm>>) target_semaphore(%run_scoped3A : memref<!tpu.dma_semaphore, #tpu.memory_space<semaphore_mem>>)
        %dma_wait3A_65 = arith.constant 0 : i32
        %dma_wait3A_66 = tpu.memref_slice %arg7[%arg0, %mul3A_58, %dma_wait3A_65] : memref<2x10240x128xf32, #tpu.memory_space<hbm>> -> memref<1x16x128xf32, #tpu.memory_space<hbm>>
        %dma_wait3A_67 = tpu.memref_squeeze %dma_wait3A_66 : memref<1x16x128xf32, #tpu.memory_space<hbm>> -> memref<16x128xf32, #tpu.memory_space<hbm>>
        %dma_wait3A_68 = arith.constant 0 : i32
        %dma_wait3A_69 = tpu.memref_slice %arg7[%arg0, %mul3A_58, %dma_wait3A_68] : memref<2x10240x128xf32, #tpu.memory_space<hbm>> -> memref<1x16x128xf32, #tpu.memory_space<hbm>>
        %dma_wait3A_70 = tpu.memref_squeeze %dma_wait3A_69 : memref<1x16x128xf32, #tpu.memory_space<hbm>> -> memref<16x128xf32, #tpu.memory_space<hbm>>
        tpu.wait_dma2 semaphore(%run_scoped3A : memref<!tpu.dma_semaphore, #tpu.memory_space<semaphore_mem>>) src(%arg13 : memref<16x128xf32, #tpu.memory_space<vmem>>) dst(%dma_wait3A_70 : memref<16x128xf32, #tpu.memory_space<hbm>>)
        tpu.yield
      }) : () -> ()
    }
    %scan3A_43 = arith.constant 40 : i32
    return
  }
}

#map = affine_map<(d0, d1) -> (0, 0)>
#map1 = affine_map<(d0, d1) -> (0, 0, 0)>
module attributes {stable_mosaic.version = 14 : i64} {
  func.func @_sc_deg_body(%arg0: i32, %arg1: i32, %arg2: memref<20224x16xi32, #tpu.memory_space<hbm>>, %arg3: memref<16x128xf32, #tpu.memory_space<hbm>>, %arg4: memref<16x128xf32, #tpu.memory_space<hbm>>, %arg5: memref<640x16xi32, #tpu.memory_space<hbm>>, %arg6: memref<2x10240x128xf32, #tpu.memory_space<hbm>>, %arg7: memref<24x16xi32, #tpu.memory_space<vmem>>, %arg8: memref<16x128xf32, #tpu.memory_space<vmem>>, %arg9: memref<16x128xf32, #tpu.memory_space<vmem>>, %arg10: memref<40x16xi32, #tpu.memory_space<vmem>>, %arg11: memref<16x128xf32, #tpu.memory_space<vmem>>, %arg12: memref<10240x128xf32, #tpu.memory_space<vmem_shared>>, %arg13: memref<!tpu.dma_semaphore, #tpu.memory_space<semaphore_mem>>, %arg14: memref<!tpu.dma_semaphore, #tpu.memory_space<semaphore_mem>>) attributes {dimension_semantics = [#tpu.dimension_semantics<core_parallel>, #tpu.dimension_semantics<subcore_parallel>], iteration_bounds = array<i64: 2, 16>, scalar_prefetch = 0 : i64, scratch_operands = 8 : i64, tpu.core_type = #tpu.core_type<sc_vector_subcore>, window_params = [{transform_indices = #map}, {transform_indices = #map}, {transform_indices = #map}, {transform_indices = #map}, {transform_indices = #map1}]} {
    %mul3A = arith.constant 2 : i32
    %mul3A_0 = arith.muli %arg1, %mul3A : i32
    %add3A = arith.addi %mul3A_0, %arg0 : i32
    %mul3A_1 = arith.constant 40 : i32
    %mul3A_2 = arith.muli %arg1, %mul3A_1 : i32
    "tpu.region"() ({
      %run_scoped3A = tpu.sem_alloc : memref<!tpu.dma_semaphore, #tpu.memory_space<semaphore_mem>>
      tpu.enqueue_dma source(%arg3 : memref<16x128xf32, #tpu.memory_space<hbm>>) target(%arg8 : memref<16x128xf32, #tpu.memory_space<vmem>>) target_semaphore(%run_scoped3A : memref<!tpu.dma_semaphore, #tpu.memory_space<semaphore_mem>>)
      tpu.wait_dma2 semaphore(%run_scoped3A : memref<!tpu.dma_semaphore, #tpu.memory_space<semaphore_mem>>) src(%arg3 : memref<16x128xf32, #tpu.memory_space<hbm>>) dst(%arg8 : memref<16x128xf32, #tpu.memory_space<vmem>>)
      tpu.yield
    }) : () -> ()
    "tpu.region"() ({
      %run_scoped3A = tpu.sem_alloc : memref<!tpu.dma_semaphore, #tpu.memory_space<semaphore_mem>>
      tpu.enqueue_dma source(%arg4 : memref<16x128xf32, #tpu.memory_space<hbm>>) target(%arg9 : memref<16x128xf32, #tpu.memory_space<vmem>>) target_semaphore(%run_scoped3A : memref<!tpu.dma_semaphore, #tpu.memory_space<semaphore_mem>>)
      tpu.wait_dma2 semaphore(%run_scoped3A : memref<!tpu.dma_semaphore, #tpu.memory_space<semaphore_mem>>) src(%arg4 : memref<16x128xf32, #tpu.memory_space<hbm>>) dst(%arg9 : memref<16x128xf32, #tpu.memory_space<vmem>>)
      tpu.yield
    }) : () -> ()
    "tpu.region"() ({
      %run_scoped3A = tpu.sem_alloc : memref<!tpu.dma_semaphore, #tpu.memory_space<semaphore_mem>>
      %dma_start3A_34 = arith.constant 0 : i32
      %dma_start3A_35 = tpu.memref_slice %arg5[%mul3A_2, %dma_start3A_34] : memref<640x16xi32, #tpu.memory_space<hbm>> -> memref<40x16xi32, #tpu.memory_space<hbm>>
      %dma_start3A_36 = arith.constant 0 : i32
      %dma_start3A_37 = tpu.memref_slice %arg5[%mul3A_2, %dma_start3A_36] : memref<640x16xi32, #tpu.memory_space<hbm>> -> memref<40x16xi32, #tpu.memory_space<hbm>>
      tpu.enqueue_dma source(%dma_start3A_37 : memref<40x16xi32, #tpu.memory_space<hbm>>) target(%arg10 : memref<40x16xi32, #tpu.memory_space<vmem>>) target_semaphore(%run_scoped3A : memref<!tpu.dma_semaphore, #tpu.memory_space<semaphore_mem>>)
      %dma_wait3A = arith.constant 0 : i32
      %dma_wait3A_38 = tpu.memref_slice %arg5[%mul3A_2, %dma_wait3A] : memref<640x16xi32, #tpu.memory_space<hbm>> -> memref<40x16xi32, #tpu.memory_space<hbm>>
      %dma_wait3A_39 = arith.constant 0 : i32
      %dma_wait3A_40 = tpu.memref_slice %arg5[%mul3A_2, %dma_wait3A_39] : memref<640x16xi32, #tpu.memory_space<hbm>> -> memref<40x16xi32, #tpu.memory_space<hbm>>
      tpu.wait_dma2 semaphore(%run_scoped3A : memref<!tpu.dma_semaphore, #tpu.memory_space<semaphore_mem>>) src(%dma_wait3A_40 : memref<40x16xi32, #tpu.memory_space<hbm>>) dst(%arg10 : memref<40x16xi32, #tpu.memory_space<vmem>>)
      tpu.yield
    }) : () -> ()
    %scan3A = arith.constant 0 : i32
    %scan3A_3 = arith.constant 0 : i32
    %scan3A_4 = arith.constant 40 : i32
    %scan3A_5 = arith.addi %scan3A_3, %scan3A_4 : i32
    %scan3A_6 = arith.constant 1 : i32
    scf.for %scan3A_34 = %scan3A_3 to %scan3A_5 step %scan3A_6  : i32 {
      "tpu.region"() ({
        %run_scoped3A = tpu.sem_alloc : memref<!tpu.dma_semaphore, #tpu.memory_space<semaphore_mem>>
        %dma_start3A_35 = arith.constant 0 : i32
        %dma_start3A_36 = tpu.memref_slice %arg10[%scan3A_34, %dma_start3A_35] : memref<40x16xi32, #tpu.memory_space<vmem>> -> memref<1x16xi32, #tpu.memory_space<vmem>>
        %dma_start3A_37 = tpu.memref_squeeze %dma_start3A_36 : memref<1x16xi32, #tpu.memory_space<vmem>> -> memref<16xi32, #tpu.memory_space<vmem>>
        %dma_start3A_38 = arith.constant 0 : i32
        %dma_start3A_39 = arith.constant 0 : i32
        %dma_start3A_40 = tpu.memref_slice %arg12[%dma_start3A_38, %dma_start3A_39] : memref<10240x128xf32, #tpu.memory_space<vmem_shared>> -> memref<10240x128xf32, #tpu.memory_space<vmem_shared>>
        tpu.enqueue_indirect_dma source(%arg9 : memref<16x128xf32, #tpu.memory_space<vmem>>) target(%dma_start3A_40 : memref<10240x128xf32, #tpu.memory_space<vmem_shared>>) offsets(%dma_start3A_37 : memref<16xi32, #tpu.memory_space<vmem>>) semaphore(%run_scoped3A : memref<!tpu.dma_semaphore, #tpu.memory_space<semaphore_mem>>)
        %dma_wait3A = arith.constant 0 : i32
        %dma_wait3A_41 = tpu.memref_slice %arg10[%scan3A_34, %dma_wait3A] : memref<40x16xi32, #tpu.memory_space<vmem>> -> memref<1x16xi32, #tpu.memory_space<vmem>>
        %dma_wait3A_42 = tpu.memref_squeeze %dma_wait3A_41 : memref<1x16xi32, #tpu.memory_space<vmem>> -> memref<16xi32, #tpu.memory_space<vmem>>
        %dma_wait3A_43 = arith.constant 0 : i32
        %dma_wait3A_44 = arith.constant 0 : i32
        %dma_wait3A_45 = tpu.memref_slice %arg12[%dma_wait3A_43, %dma_wait3A_44] : memref<10240x128xf32, #tpu.memory_space<vmem_shared>> -> memref<10240x128xf32, #tpu.memory_space<vmem_shared>>
        tpu.wait_indirect_dma semaphore(%run_scoped3A : memref<!tpu.dma_semaphore, #tpu.memory_space<semaphore_mem>>) src(%arg9 : memref<16x128xf32, #tpu.memory_space<vmem>>) dst(%dma_wait3A_45 : memref<10240x128xf32, #tpu.memory_space<vmem_shared>>)
        tpu.yield
      }) : () -> ()
    }
    %scan3A_7 = arith.constant 40 : i32
    %barrier3A = arith.constant 0 : index
    tpu.barrier barrier_id(%barrier3A)
    %mul3A_8 = arith.constant 79 : i32
    %mul3A_9 = arith.muli %add3A, %mul3A_8 : i32
    %mul3A_10 = arith.constant 8 : i32
    %mul3A_11 = arith.muli %mul3A_9, %mul3A_10 : i32
    %dma_start3A = arith.constant 0 : i32
    %dma_start3A_12 = arith.constant 0 : i32
    %dma_start3A_13 = tpu.memref_slice %arg7[%dma_start3A, %dma_start3A_12] : memref<24x16xi32, #tpu.memory_space<vmem>> -> memref<8x16xi32, #tpu.memory_space<vmem>>
    %dma_start3A_14 = arith.constant 0 : i32
    %dma_start3A_15 = tpu.memref_slice %arg2[%mul3A_11, %dma_start3A_14] : memref<20224x16xi32, #tpu.memory_space<hbm>> -> memref<8x16xi32, #tpu.memory_space<hbm>>
    %dma_start3A_16 = arith.constant 0 : i32
    %dma_start3A_17 = arith.constant 0 : i32
    %dma_start3A_18 = tpu.memref_slice %arg7[%dma_start3A_16, %dma_start3A_17] : memref<24x16xi32, #tpu.memory_space<vmem>> -> memref<8x16xi32, #tpu.memory_space<vmem>>
    %dma_start3A_19 = arith.constant 0 : i32
    %dma_start3A_20 = tpu.memref_slice %arg2[%mul3A_11, %dma_start3A_19] : memref<20224x16xi32, #tpu.memory_space<hbm>> -> memref<8x16xi32, #tpu.memory_space<hbm>>
    tpu.enqueue_dma source(%dma_start3A_20 : memref<8x16xi32, #tpu.memory_space<hbm>>) target(%dma_start3A_18 : memref<8x16xi32, #tpu.memory_space<vmem>>) target_semaphore(%arg14 : memref<!tpu.dma_semaphore, #tpu.memory_space<semaphore_mem>>)
    %scan3A_21 = arith.constant 0 : i32
    %scan3A_22 = arith.constant 0 : i32
    %scan3A_23 = arith.constant 80 : i32
    %scan3A_24 = arith.addi %scan3A_22, %scan3A_23 : i32
    %scan3A_25 = arith.constant 1 : i32
    scf.for %scan3A_34 = %scan3A_22 to %scan3A_24 step %scan3A_25  : i32 {
      %rem3A = arith.constant 3 : i32
      %rem3A_35 = arith.remsi %scan3A_34, %rem3A : i32
      %mul3A_36 = arith.constant 8 : i32
      %mul3A_37 = arith.muli %rem3A_35, %mul3A_36 : i32
      %add3A_38 = arith.constant 1 : i32
      %add3A_39 = arith.addi %scan3A_34, %add3A_38 : i32
      %rem3A_40 = arith.constant 3 : i32
      %rem3A_41 = arith.remsi %add3A_39, %rem3A_40 : i32
      %mul3A_42 = arith.constant 8 : i32
      %mul3A_43 = arith.muli %rem3A_41, %mul3A_42 : i32
      %lt3A = arith.constant 79 : i32
      %lt3A_44 = arith.cmpi slt, %scan3A_34, %lt3A : i32
      %convert_element_type3A = arith.extui %lt3A_44 : i1 to i32
      %cond3A = arith.constant 0 : i32
      %cond3A_45 = arith.cmpi ne, %convert_element_type3A, %cond3A : i32
      scf.if %cond3A_45 {
        %dma_wait3A = arith.constant 0 : i32
        %dma_wait3A_57 = tpu.memref_slice %arg7[%mul3A_37, %dma_wait3A] : memref<24x16xi32, #tpu.memory_space<vmem>> -> memref<8x16xi32, #tpu.memory_space<vmem>>
        %dma_wait3A_58 = arith.constant 0 : i32
        %dma_wait3A_59 = tpu.memref_slice %arg2[%mul3A_11, %dma_wait3A_58] : memref<20224x16xi32, #tpu.memory_space<hbm>> -> memref<8x16xi32, #tpu.memory_space<hbm>>
        %dma_wait3A_60 = arith.constant 0 : i32
        %dma_wait3A_61 = tpu.memref_slice %arg7[%mul3A_37, %dma_wait3A_60] : memref<24x16xi32, #tpu.memory_space<vmem>> -> memref<8x16xi32, #tpu.memory_space<vmem>>
        %dma_wait3A_62 = arith.constant 0 : i32
        %dma_wait3A_63 = tpu.memref_slice %arg2[%mul3A_11, %dma_wait3A_62] : memref<20224x16xi32, #tpu.memory_space<hbm>> -> memref<8x16xi32, #tpu.memory_space<hbm>>
        tpu.wait_dma2 semaphore(%arg14 : memref<!tpu.dma_semaphore, #tpu.memory_space<semaphore_mem>>) src(%dma_wait3A_63 : memref<8x16xi32, #tpu.memory_space<hbm>>) dst(%dma_wait3A_61 : memref<8x16xi32, #tpu.memory_space<vmem>>)
        %add3A_64 = arith.constant 0 : i32
        %add3A_65 = arith.addi %mul3A_37, %add3A_64 : i32
        %dma_start3A_66 = arith.constant 0 : i32
        %dma_start3A_67 = tpu.memref_slice %arg7[%add3A_65, %dma_start3A_66] : memref<24x16xi32, #tpu.memory_space<vmem>> -> memref<1x16xi32, #tpu.memory_space<vmem>>
        %dma_start3A_68 = tpu.memref_squeeze %dma_start3A_67 : memref<1x16xi32, #tpu.memory_space<vmem>> -> memref<16xi32, #tpu.memory_space<vmem>>
        %dma_start3A_69 = arith.constant 0 : i32
        %dma_start3A_70 = arith.constant 0 : i32
        %dma_start3A_71 = tpu.memref_slice %arg12[%dma_start3A_69, %dma_start3A_70] : memref<10240x128xf32, #tpu.memory_space<vmem_shared>> -> memref<10240x128xf32, #tpu.memory_space<vmem_shared>>
        tpu.enqueue_indirect_dma source(%arg8 : memref<16x128xf32, #tpu.memory_space<vmem>>) target(%dma_start3A_71 : memref<10240x128xf32, #tpu.memory_space<vmem_shared>>) offsets(%dma_start3A_68 : memref<16xi32, #tpu.memory_space<vmem>>) semaphore(%arg13 : memref<!tpu.dma_semaphore, #tpu.memory_space<semaphore_mem>>) {add = true}
        %add3A_72 = arith.constant 1 : i32
        %add3A_73 = arith.addi %mul3A_37, %add3A_72 : i32
        %dma_start3A_74 = arith.constant 0 : i32
        %dma_start3A_75 = tpu.memref_slice %arg7[%add3A_73, %dma_start3A_74] : memref<24x16xi32, #tpu.memory_space<vmem>> -> memref<1x16xi32, #tpu.memory_space<vmem>>
        %dma_start3A_76 = tpu.memref_squeeze %dma_start3A_75 : memref<1x16xi32, #tpu.memory_space<vmem>> -> memref<16xi32, #tpu.memory_space<vmem>>
        %dma_start3A_77 = arith.constant 0 : i32
        %dma_start3A_78 = arith.constant 0 : i32
        %dma_start3A_79 = tpu.memref_slice %arg12[%dma_start3A_77, %dma_start3A_78] : memref<10240x128xf32, #tpu.memory_space<vmem_shared>> -> memref<10240x128xf32, #tpu.memory_space<vmem_shared>>
        tpu.enqueue_indirect_dma source(%arg8 : memref<16x128xf32, #tpu.memory_space<vmem>>) target(%dma_start3A_79 : memref<10240x128xf32, #tpu.memory_space<vmem_shared>>) offsets(%dma_start3A_76 : memref<16xi32, #tpu.memory_space<vmem>>) semaphore(%arg13 : memref<!tpu.dma_semaphore, #tpu.memory_space<semaphore_mem>>) {add = true}
        %add3A_80 = arith.constant 2 : i32
        %add3A_81 = arith.addi %mul3A_37, %add3A_80 : i32
        %dma_start3A_82 = arith.constant 0 : i32
        %dma_start3A_83 = tpu.memref_slice %arg7[%add3A_81, %dma_start3A_82] : memref<24x16xi32, #tpu.memory_space<vmem>> -> memref<1x16xi32, #tpu.memory_space<vmem>>
        %dma_start3A_84 = tpu.memref_squeeze %dma_start3A_83 : memref<1x16xi32, #tpu.memory_space<vmem>> -> memref<16xi32, #tpu.memory_space<vmem>>
        %dma_start3A_85 = arith.constant 0 : i32
        %dma_start3A_86 = arith.constant 0 : i32
        %dma_start3A_87 = tpu.memref_slice %arg12[%dma_start3A_85, %dma_start3A_86] : memref<10240x128xf32, #tpu.memory_space<vmem_shared>> -> memref<10240x128xf32, #tpu.memory_space<vmem_shared>>
        tpu.enqueue_indirect_dma source(%arg8 : memref<16x128xf32, #tpu.memory_space<vmem>>) target(%dma_start3A_87 : memref<10240x128xf32, #tpu.memory_space<vmem_shared>>) offsets(%dma_start3A_84 : memref<16xi32, #tpu.memory_space<vmem>>) semaphore(%arg13 : memref<!tpu.dma_semaphore, #tpu.memory_space<semaphore_mem>>) {add = true}
        %add3A_88 = arith.constant 3 : i32
        %add3A_89 = arith.addi %mul3A_37, %add3A_88 : i32
        %dma_start3A_90 = arith.constant 0 : i32
        %dma_start3A_91 = tpu.memref_slice %arg7[%add3A_89, %dma_start3A_90] : memref<24x16xi32, #tpu.memory_space<vmem>> -> memref<1x16xi32, #tpu.memory_space<vmem>>
        %dma_start3A_92 = tpu.memref_squeeze %dma_start3A_91 : memref<1x16xi32, #tpu.memory_space<vmem>> -> memref<16xi32, #tpu.memory_space<vmem>>
        %dma_start3A_93 = arith.constant 0 : i32
        %dma_start3A_94 = arith.constant 0 : i32
        %dma_start3A_95 = tpu.memref_slice %arg12[%dma_start3A_93, %dma_start3A_94] : memref<10240x128xf32, #tpu.memory_space<vmem_shared>> -> memref<10240x128xf32, #tpu.memory_space<vmem_shared>>
        tpu.enqueue_indirect_dma source(%arg8 : memref<16x128xf32, #tpu.memory_space<vmem>>) target(%dma_start3A_95 : memref<10240x128xf32, #tpu.memory_space<vmem_shared>>) offsets(%dma_start3A_92 : memref<16xi32, #tpu.memory_space<vmem>>) semaphore(%arg13 : memref<!tpu.dma_semaphore, #tpu.memory_space<semaphore_mem>>) {add = true}
        %add3A_96 = arith.constant 4 : i32
        %add3A_97 = arith.addi %mul3A_37, %add3A_96 : i32
        %dma_start3A_98 = arith.constant 0 : i32
        %dma_start3A_99 = tpu.memref_slice %arg7[%add3A_97, %dma_start3A_98] : memref<24x16xi32, #tpu.memory_space<vmem>> -> memref<1x16xi32, #tpu.memory_space<vmem>>
        %dma_start3A_100 = tpu.memref_squeeze %dma_start3A_99 : memref<1x16xi32, #tpu.memory_space<vmem>> -> memref<16xi32, #tpu.memory_space<vmem>>
        %dma_start3A_101 = arith.constant 0 : i32
        %dma_start3A_102 = arith.constant 0 : i32
        %dma_start3A_103 = tpu.memref_slice %arg12[%dma_start3A_101, %dma_start3A_102] : memref<10240x128xf32, #tpu.memory_space<vmem_shared>> -> memref<10240x128xf32, #tpu.memory_space<vmem_shared>>
        tpu.enqueue_indirect_dma source(%arg8 : memref<16x128xf32, #tpu.memory_space<vmem>>) target(%dma_start3A_103 : memref<10240x128xf32, #tpu.memory_space<vmem_shared>>) offsets(%dma_start3A_100 : memref<16xi32, #tpu.memory_space<vmem>>) semaphore(%arg13 : memref<!tpu.dma_semaphore, #tpu.memory_space<semaphore_mem>>) {add = true}
        %add3A_104 = arith.constant 5 : i32
        %add3A_105 = arith.addi %mul3A_37, %add3A_104 : i32
        %dma_start3A_106 = arith.constant 0 : i32
        %dma_start3A_107 = tpu.memref_slice %arg7[%add3A_105, %dma_start3A_106] : memref<24x16xi32, #tpu.memory_space<vmem>> -> memref<1x16xi32, #tpu.memory_space<vmem>>
        %dma_start3A_108 = tpu.memref_squeeze %dma_start3A_107 : memref<1x16xi32, #tpu.memory_space<vmem>> -> memref<16xi32, #tpu.memory_space<vmem>>
        %dma_start3A_109 = arith.constant 0 : i32
        %dma_start3A_110 = arith.constant 0 : i32
        %dma_start3A_111 = tpu.memref_slice %arg12[%dma_start3A_109, %dma_start3A_110] : memref<10240x128xf32, #tpu.memory_space<vmem_shared>> -> memref<10240x128xf32, #tpu.memory_space<vmem_shared>>
        tpu.enqueue_indirect_dma source(%arg8 : memref<16x128xf32, #tpu.memory_space<vmem>>) target(%dma_start3A_111 : memref<10240x128xf32, #tpu.memory_space<vmem_shared>>) offsets(%dma_start3A_108 : memref<16xi32, #tpu.memory_space<vmem>>) semaphore(%arg13 : memref<!tpu.dma_semaphore, #tpu.memory_space<semaphore_mem>>) {add = true}
        %add3A_112 = arith.constant 6 : i32
        %add3A_113 = arith.addi %mul3A_37, %add3A_112 : i32
        %dma_start3A_114 = arith.constant 0 : i32
        %dma_start3A_115 = tpu.memref_slice %arg7[%add3A_113, %dma_start3A_114] : memref<24x16xi32, #tpu.memory_space<vmem>> -> memref<1x16xi32, #tpu.memory_space<vmem>>
        %dma_start3A_116 = tpu.memref_squeeze %dma_start3A_115 : memref<1x16xi32, #tpu.memory_space<vmem>> -> memref<16xi32, #tpu.memory_space<vmem>>
        %dma_start3A_117 = arith.constant 0 : i32
        %dma_start3A_118 = arith.constant 0 : i32
        %dma_start3A_119 = tpu.memref_slice %arg12[%dma_start3A_117, %dma_start3A_118] : memref<10240x128xf32, #tpu.memory_space<vmem_shared>> -> memref<10240x128xf32, #tpu.memory_space<vmem_shared>>
        tpu.enqueue_indirect_dma source(%arg8 : memref<16x128xf32, #tpu.memory_space<vmem>>) target(%dma_start3A_119 : memref<10240x128xf32, #tpu.memory_space<vmem_shared>>) offsets(%dma_start3A_116 : memref<16xi32, #tpu.memory_space<vmem>>) semaphore(%arg13 : memref<!tpu.dma_semaphore, #tpu.memory_space<semaphore_mem>>) {add = true}
        %add3A_120 = arith.constant 7 : i32
        %add3A_121 = arith.addi %mul3A_37, %add3A_120 : i32
        %dma_start3A_122 = arith.constant 0 : i32
        %dma_start3A_123 = tpu.memref_slice %arg7[%add3A_121, %dma_start3A_122] : memref<24x16xi32, #tpu.memory_space<vmem>> -> memref<1x16xi32, #tpu.memory_space<vmem>>
        %dma_start3A_124 = tpu.memref_squeeze %dma_start3A_123 : memref<1x16xi32, #tpu.memory_space<vmem>> -> memref<16xi32, #tpu.memory_space<vmem>>
        %dma_start3A_125 = arith.constant 0 : i32
        %dma_start3A_126 = arith.constant 0 : i32
        %dma_start3A_127 = tpu.memref_slice %arg12[%dma_start3A_125, %dma_start3A_126] : memref<10240x128xf32, #tpu.memory_space<vmem_shared>> -> memref<10240x128xf32, #tpu.memory_space<vmem_shared>>
        tpu.enqueue_indirect_dma source(%arg8 : memref<16x128xf32, #tpu.memory_space<vmem>>) target(%dma_start3A_127 : memref<10240x128xf32, #tpu.memory_space<vmem_shared>>) offsets(%dma_start3A_124 : memref<16xi32, #tpu.memory_space<vmem>>) semaphore(%arg13 : memref<!tpu.dma_semaphore, #tpu.memory_space<semaphore_mem>>) {add = true}
      } else {
      }
      %add3A_46 = arith.constant 1 : i32
      %add3A_47 = arith.addi %scan3A_34, %add3A_46 : i32
      %lt3A_48 = arith.constant 79 : i32
      %lt3A_49 = arith.cmpi slt, %add3A_47, %lt3A_48 : i32
      %convert_element_type3A_50 = arith.extui %lt3A_49 : i1 to i32
      %cond3A_51 = arith.constant 0 : i32
      %cond3A_52 = arith.cmpi ne, %convert_element_type3A_50, %cond3A_51 : i32
      scf.if %cond3A_52 {
        %add3A_57 = arith.constant 1 : i32
        %add3A_58 = arith.addi %scan3A_34, %add3A_57 : i32
        %mul3A_59 = arith.constant 8 : i32
        %mul3A_60 = arith.muli %add3A_58, %mul3A_59 : i32
        %add3A_61 = arith.addi %mul3A_11, %mul3A_60 : i32
        %dma_start3A_62 = arith.constant 0 : i32
        %dma_start3A_63 = tpu.memref_slice %arg7[%mul3A_43, %dma_start3A_62] : memref<24x16xi32, #tpu.memory_space<vmem>> -> memref<8x16xi32, #tpu.memory_space<vmem>>
        %dma_start3A_64 = arith.constant 0 : i32
        %dma_start3A_65 = tpu.memref_slice %arg2[%add3A_61, %dma_start3A_64] : memref<20224x16xi32, #tpu.memory_space<hbm>> -> memref<8x16xi32, #tpu.memory_space<hbm>>
        %dma_start3A_66 = arith.constant 0 : i32
        %dma_start3A_67 = tpu.memref_slice %arg7[%mul3A_43, %dma_start3A_66] : memref<24x16xi32, #tpu.memory_space<vmem>> -> memref<8x16xi32, #tpu.memory_space<vmem>>
        %dma_start3A_68 = arith.constant 0 : i32
        %dma_start3A_69 = tpu.memref_slice %arg2[%add3A_61, %dma_start3A_68] : memref<20224x16xi32, #tpu.memory_space<hbm>> -> memref<8x16xi32, #tpu.memory_space<hbm>>
        tpu.enqueue_dma source(%dma_start3A_69 : memref<8x16xi32, #tpu.memory_space<hbm>>) target(%dma_start3A_67 : memref<8x16xi32, #tpu.memory_space<vmem>>) target_semaphore(%arg14 : memref<!tpu.dma_semaphore, #tpu.memory_space<semaphore_mem>>)
      } else {
      }
      %ge3A = arith.constant 1 : i32
      %ge3A_53 = arith.cmpi sge, %scan3A_34, %ge3A : i32
      %convert_element_type3A_54 = arith.extui %ge3A_53 : i1 to i32
      %cond3A_55 = arith.constant 0 : i32
      %cond3A_56 = arith.cmpi ne, %convert_element_type3A_54, %cond3A_55 : i32
      scf.if %cond3A_56 {
        %dma_wait3A = arith.constant 0 : i32
        %dma_wait3A_57 = arith.constant 0 : i32
        %dma_wait3A_58 = tpu.memref_slice %arg10[%dma_wait3A, %dma_wait3A_57] : memref<40x16xi32, #tpu.memory_space<vmem>> -> memref<1x16xi32, #tpu.memory_space<vmem>>
        %dma_wait3A_59 = tpu.memref_squeeze %dma_wait3A_58 : memref<1x16xi32, #tpu.memory_space<vmem>> -> memref<16xi32, #tpu.memory_space<vmem>>
        %dma_wait3A_60 = arith.constant 0 : i32
        %dma_wait3A_61 = arith.constant 0 : i32
        %dma_wait3A_62 = tpu.memref_slice %arg12[%dma_wait3A_60, %dma_wait3A_61] : memref<10240x128xf32, #tpu.memory_space<vmem_shared>> -> memref<10240x128xf32, #tpu.memory_space<vmem_shared>>
        tpu.wait_indirect_dma semaphore(%arg13 : memref<!tpu.dma_semaphore, #tpu.memory_space<semaphore_mem>>) src(%arg8 : memref<16x128xf32, #tpu.memory_space<vmem>>) dst(%dma_wait3A_62 : memref<10240x128xf32, #tpu.memory_space<vmem_shared>>)
        %dma_wait3A_63 = arith.constant 0 : i32
        %dma_wait3A_64 = arith.constant 0 : i32
        %dma_wait3A_65 = tpu.memref_slice %arg10[%dma_wait3A_63, %dma_wait3A_64] : memref<40x16xi32, #tpu.memory_space<vmem>> -> memref<1x16xi32, #tpu.memory_space<vmem>>
        %dma_wait3A_66 = tpu.memref_squeeze %dma_wait3A_65 : memref<1x16xi32, #tpu.memory_space<vmem>> -> memref<16xi32, #tpu.memory_space<vmem>>
        %dma_wait3A_67 = arith.constant 0 : i32
        %dma_wait3A_68 = arith.constant 0 : i32
        %dma_wait3A_69 = tpu.memref_slice %arg12[%dma_wait3A_67, %dma_wait3A_68] : memref<10240x128xf32, #tpu.memory_space<vmem_shared>> -> memref<10240x128xf32, #tpu.memory_space<vmem_shared>>
        tpu.wait_indirect_dma semaphore(%arg13 : memref<!tpu.dma_semaphore, #tpu.memory_space<semaphore_mem>>) src(%arg8 : memref<16x128xf32, #tpu.memory_space<vmem>>) dst(%dma_wait3A_69 : memref<10240x128xf32, #tpu.memory_space<vmem_shared>>)
        %dma_wait3A_70 = arith.constant 0 : i32
        %dma_wait3A_71 = arith.constant 0 : i32
        %dma_wait3A_72 = tpu.memref_slice %arg10[%dma_wait3A_70, %dma_wait3A_71] : memref<40x16xi32, #tpu.memory_space<vmem>> -> memref<1x16xi32, #tpu.memory_space<vmem>>
        %dma_wait3A_73 = tpu.memref_squeeze %dma_wait3A_72 : memref<1x16xi32, #tpu.memory_space<vmem>> -> memref<16xi32, #tpu.memory_space<vmem>>
        %dma_wait3A_74 = arith.constant 0 : i32
        %dma_wait3A_75 = arith.constant 0 : i32
        %dma_wait3A_76 = tpu.memref_slice %arg12[%dma_wait3A_74, %dma_wait3A_75] : memref<10240x128xf32, #tpu.memory_space<vmem_shared>> -> memref<10240x128xf32, #tpu.memory_space<vmem_shared>>
        tpu.wait_indirect_dma semaphore(%arg13 : memref<!tpu.dma_semaphore, #tpu.memory_space<semaphore_mem>>) src(%arg8 : memref<16x128xf32, #tpu.memory_space<vmem>>) dst(%dma_wait3A_76 : memref<10240x128xf32, #tpu.memory_space<vmem_shared>>)
        %dma_wait3A_77 = arith.constant 0 : i32
        %dma_wait3A_78 = arith.constant 0 : i32
        %dma_wait3A_79 = tpu.memref_slice %arg10[%dma_wait3A_77, %dma_wait3A_78] : memref<40x16xi32, #tpu.memory_space<vmem>> -> memref<1x16xi32, #tpu.memory_space<vmem>>
        %dma_wait3A_80 = tpu.memref_squeeze %dma_wait3A_79 : memref<1x16xi32, #tpu.memory_space<vmem>> -> memref<16xi32, #tpu.memory_space<vmem>>
        %dma_wait3A_81 = arith.constant 0 : i32
        %dma_wait3A_82 = arith.constant 0 : i32
        %dma_wait3A_83 = tpu.memref_slice %arg12[%dma_wait3A_81, %dma_wait3A_82] : memref<10240x128xf32, #tpu.memory_space<vmem_shared>> -> memref<10240x128xf32, #tpu.memory_space<vmem_shared>>
        tpu.wait_indirect_dma semaphore(%arg13 : memref<!tpu.dma_semaphore, #tpu.memory_space<semaphore_mem>>) src(%arg8 : memref<16x128xf32, #tpu.memory_space<vmem>>) dst(%dma_wait3A_83 : memref<10240x128xf32, #tpu.memory_space<vmem_shared>>)
        %dma_wait3A_84 = arith.constant 0 : i32
        %dma_wait3A_85 = arith.constant 0 : i32
        %dma_wait3A_86 = tpu.memref_slice %arg10[%dma_wait3A_84, %dma_wait3A_85] : memref<40x16xi32, #tpu.memory_space<vmem>> -> memref<1x16xi32, #tpu.memory_space<vmem>>
        %dma_wait3A_87 = tpu.memref_squeeze %dma_wait3A_86 : memref<1x16xi32, #tpu.memory_space<vmem>> -> memref<16xi32, #tpu.memory_space<vmem>>
        %dma_wait3A_88 = arith.constant 0 : i32
        %dma_wait3A_89 = arith.constant 0 : i32
        %dma_wait3A_90 = tpu.memref_slice %arg12[%dma_wait3A_88, %dma_wait3A_89] : memref<10240x128xf32, #tpu.memory_space<vmem_shared>> -> memref<10240x128xf32, #tpu.memory_space<vmem_shared>>
        tpu.wait_indirect_dma semaphore(%arg13 : memref<!tpu.dma_semaphore, #tpu.memory_space<semaphore_mem>>) src(%arg8 : memref<16x128xf32, #tpu.memory_space<vmem>>) dst(%dma_wait3A_90 : memref<10240x128xf32, #tpu.memory_space<vmem_shared>>)
        %dma_wait3A_91 = arith.constant 0 : i32
        %dma_wait3A_92 = arith.constant 0 : i32
        %dma_wait3A_93 = tpu.memref_slice %arg10[%dma_wait3A_91, %dma_wait3A_92] : memref<40x16xi32, #tpu.memory_space<vmem>> -> memref<1x16xi32, #tpu.memory_space<vmem>>
        %dma_wait3A_94 = tpu.memref_squeeze %dma_wait3A_93 : memref<1x16xi32, #tpu.memory_space<vmem>> -> memref<16xi32, #tpu.memory_space<vmem>>
        %dma_wait3A_95 = arith.constant 0 : i32
        %dma_wait3A_96 = arith.constant 0 : i32
        %dma_wait3A_97 = tpu.memref_slice %arg12[%dma_wait3A_95, %dma_wait3A_96] : memref<10240x128xf32, #tpu.memory_space<vmem_shared>> -> memref<10240x128xf32, #tpu.memory_space<vmem_shared>>
        tpu.wait_indirect_dma semaphore(%arg13 : memref<!tpu.dma_semaphore, #tpu.memory_space<semaphore_mem>>) src(%arg8 : memref<16x128xf32, #tpu.memory_space<vmem>>) dst(%dma_wait3A_97 : memref<10240x128xf32, #tpu.memory_space<vmem_shared>>)
        %dma_wait3A_98 = arith.constant 0 : i32
        %dma_wait3A_99 = arith.constant 0 : i32
        %dma_wait3A_100 = tpu.memref_slice %arg10[%dma_wait3A_98, %dma_wait3A_99] : memref<40x16xi32, #tpu.memory_space<vmem>> -> memref<1x16xi32, #tpu.memory_space<vmem>>
        %dma_wait3A_101 = tpu.memref_squeeze %dma_wait3A_100 : memref<1x16xi32, #tpu.memory_space<vmem>> -> memref<16xi32, #tpu.memory_space<vmem>>
        %dma_wait3A_102 = arith.constant 0 : i32
        %dma_wait3A_103 = arith.constant 0 : i32
        %dma_wait3A_104 = tpu.memref_slice %arg12[%dma_wait3A_102, %dma_wait3A_103] : memref<10240x128xf32, #tpu.memory_space<vmem_shared>> -> memref<10240x128xf32, #tpu.memory_space<vmem_shared>>
        tpu.wait_indirect_dma semaphore(%arg13 : memref<!tpu.dma_semaphore, #tpu.memory_space<semaphore_mem>>) src(%arg8 : memref<16x128xf32, #tpu.memory_space<vmem>>) dst(%dma_wait3A_104 : memref<10240x128xf32, #tpu.memory_space<vmem_shared>>)
        %dma_wait3A_105 = arith.constant 0 : i32
        %dma_wait3A_106 = arith.constant 0 : i32
        %dma_wait3A_107 = tpu.memref_slice %arg10[%dma_wait3A_105, %dma_wait3A_106] : memref<40x16xi32, #tpu.memory_space<vmem>> -> memref<1x16xi32, #tpu.memory_space<vmem>>
        %dma_wait3A_108 = tpu.memref_squeeze %dma_wait3A_107 : memref<1x16xi32, #tpu.memory_space<vmem>> -> memref<16xi32, #tpu.memory_space<vmem>>
        %dma_wait3A_109 = arith.constant 0 : i32
        %dma_wait3A_110 = arith.constant 0 : i32
        %dma_wait3A_111 = tpu.memref_slice %arg12[%dma_wait3A_109, %dma_wait3A_110] : memref<10240x128xf32, #tpu.memory_space<vmem_shared>> -> memref<10240x128xf32, #tpu.memory_space<vmem_shared>>
        tpu.wait_indirect_dma semaphore(%arg13 : memref<!tpu.dma_semaphore, #tpu.memory_space<semaphore_mem>>) src(%arg8 : memref<16x128xf32, #tpu.memory_space<vmem>>) dst(%dma_wait3A_111 : memref<10240x128xf32, #tpu.memory_space<vmem_shared>>)
      } else {
      }
    }
    %scan3A_26 = arith.constant 80 : i32
    %barrier3A_27 = arith.constant 0 : index
    tpu.barrier barrier_id(%barrier3A_27)
    %scan3A_28 = arith.constant 0 : i32
    %scan3A_29 = arith.constant 0 : i32
    %scan3A_30 = arith.constant 40 : i32
    %scan3A_31 = arith.addi %scan3A_29, %scan3A_30 : i32
    %scan3A_32 = arith.constant 1 : i32
    scf.for %scan3A_34 = %scan3A_29 to %scan3A_31 step %scan3A_32  : i32 {
      %dma_start3A_35 = arith.constant 0 : i32
      %dma_start3A_36 = tpu.memref_slice %arg10[%scan3A_34, %dma_start3A_35] : memref<40x16xi32, #tpu.memory_space<vmem>> -> memref<1x16xi32, #tpu.memory_space<vmem>>
      %dma_start3A_37 = tpu.memref_squeeze %dma_start3A_36 : memref<1x16xi32, #tpu.memory_space<vmem>> -> memref<16xi32, #tpu.memory_space<vmem>>
      %dma_start3A_38 = arith.constant 0 : i32
      %dma_start3A_39 = arith.constant 0 : i32
      %dma_start3A_40 = tpu.memref_slice %arg12[%dma_start3A_38, %dma_start3A_39] : memref<10240x128xf32, #tpu.memory_space<vmem_shared>> -> memref<10240x128xf32, #tpu.memory_space<vmem_shared>>
      tpu.enqueue_indirect_dma source(%dma_start3A_40 : memref<10240x128xf32, #tpu.memory_space<vmem_shared>>) target(%arg11 : memref<16x128xf32, #tpu.memory_space<vmem>>) offsets(%dma_start3A_37 : memref<16xi32, #tpu.memory_space<vmem>>) semaphore(%arg13 : memref<!tpu.dma_semaphore, #tpu.memory_space<semaphore_mem>>)
      %dma_wait3A = arith.constant 0 : i32
      %dma_wait3A_41 = tpu.memref_slice %arg10[%scan3A_34, %dma_wait3A] : memref<40x16xi32, #tpu.memory_space<vmem>> -> memref<1x16xi32, #tpu.memory_space<vmem>>
      %dma_wait3A_42 = tpu.memref_squeeze %dma_wait3A_41 : memref<1x16xi32, #tpu.memory_space<vmem>> -> memref<16xi32, #tpu.memory_space<vmem>>
      %dma_wait3A_43 = arith.constant 0 : i32
      %dma_wait3A_44 = arith.constant 0 : i32
      %dma_wait3A_45 = tpu.memref_slice %arg12[%dma_wait3A_43, %dma_wait3A_44] : memref<10240x128xf32, #tpu.memory_space<vmem_shared>> -> memref<10240x128xf32, #tpu.memory_space<vmem_shared>>
      tpu.wait_indirect_dma semaphore(%arg13 : memref<!tpu.dma_semaphore, #tpu.memory_space<semaphore_mem>>) src(%dma_wait3A_45 : memref<10240x128xf32, #tpu.memory_space<vmem_shared>>) dst(%arg11 : memref<16x128xf32, #tpu.memory_space<vmem>>)
      %add3A_46 = arith.addi %mul3A_2, %scan3A_34 : i32
      %mul3A_47 = arith.constant 16 : i32
      %mul3A_48 = arith.muli %add3A_46, %mul3A_47 : i32
      "tpu.region"() ({
        %run_scoped3A = tpu.sem_alloc : memref<!tpu.dma_semaphore, #tpu.memory_space<semaphore_mem>>
        %dma_start3A_49 = arith.constant 0 : i32
        %dma_start3A_50 = tpu.memref_slice %arg6[%arg0, %mul3A_48, %dma_start3A_49] : memref<2x10240x128xf32, #tpu.memory_space<hbm>> -> memref<1x16x128xf32, #tpu.memory_space<hbm>>
        %dma_start3A_51 = tpu.memref_squeeze %dma_start3A_50 : memref<1x16x128xf32, #tpu.memory_space<hbm>> -> memref<16x128xf32, #tpu.memory_space<hbm>>
        %dma_start3A_52 = arith.constant 0 : i32
        %dma_start3A_53 = tpu.memref_slice %arg6[%arg0, %mul3A_48, %dma_start3A_52] : memref<2x10240x128xf32, #tpu.memory_space<hbm>> -> memref<1x16x128xf32, #tpu.memory_space<hbm>>
        %dma_start3A_54 = tpu.memref_squeeze %dma_start3A_53 : memref<1x16x128xf32, #tpu.memory_space<hbm>> -> memref<16x128xf32, #tpu.memory_space<hbm>>
        tpu.enqueue_dma source(%arg11 : memref<16x128xf32, #tpu.memory_space<vmem>>) target(%dma_start3A_54 : memref<16x128xf32, #tpu.memory_space<hbm>>) target_semaphore(%run_scoped3A : memref<!tpu.dma_semaphore, #tpu.memory_space<semaphore_mem>>)
        %dma_wait3A_55 = arith.constant 0 : i32
        %dma_wait3A_56 = tpu.memref_slice %arg6[%arg0, %mul3A_48, %dma_wait3A_55] : memref<2x10240x128xf32, #tpu.memory_space<hbm>> -> memref<1x16x128xf32, #tpu.memory_space<hbm>>
        %dma_wait3A_57 = tpu.memref_squeeze %dma_wait3A_56 : memref<1x16x128xf32, #tpu.memory_space<hbm>> -> memref<16x128xf32, #tpu.memory_space<hbm>>
        %dma_wait3A_58 = arith.constant 0 : i32
        %dma_wait3A_59 = tpu.memref_slice %arg6[%arg0, %mul3A_48, %dma_wait3A_58] : memref<2x10240x128xf32, #tpu.memory_space<hbm>> -> memref<1x16x128xf32, #tpu.memory_space<hbm>>
        %dma_wait3A_60 = tpu.memref_squeeze %dma_wait3A_59 : memref<1x16x128xf32, #tpu.memory_space<hbm>> -> memref<16x128xf32, #tpu.memory_space<hbm>>
        tpu.wait_dma2 semaphore(%run_scoped3A : memref<!tpu.dma_semaphore, #tpu.memory_space<semaphore_mem>>) src(%arg11 : memref<16x128xf32, #tpu.memory_space<vmem>>) dst(%dma_wait3A_60 : memref<16x128xf32, #tpu.memory_space<hbm>>)
        tpu.yield
      }) : () -> ()
    }
    %scan3A_33 = arith.constant 40 : i32
    return
  }
}

#map = affine_map<(d0, d1) -> (0, 0)>
#map1 = affine_map<(d0, d1) -> (0, 0, 0)>
module attributes {stable_mosaic.version = 14 : i64} {
  func.func @_sc_agg_body(%arg0: i32, %arg1: i32, %arg2: memref<10240x128xf32, #tpu.memory_space<hbm>>, %arg3: memref<20224x16xi32, #tpu.memory_space<hbm>>, %arg4: memref<20224x16xi32, #tpu.memory_space<hbm>>, %arg5: memref<16x128xf32, #tpu.memory_space<hbm>>, %arg6: memref<640x16xi32, #tpu.memory_space<hbm>>, %arg7: memref<2x10240x128xf32, #tpu.memory_space<hbm>>, %arg8: memref<24x16xi32, #tpu.memory_space<vmem>>, %arg9: memref<24x16xi32, #tpu.memory_space<vmem>>, %arg10: memref<16x128xf32, #tpu.memory_space<vmem>>, %arg11: memref<40x16xi32, #tpu.memory_space<vmem>>, %arg12: memref<256x128xf32, #tpu.memory_space<vmem>>, %arg13: memref<16x128xf32, #tpu.memory_space<vmem>>, %arg14: memref<10240x128xf32, #tpu.memory_space<vmem_shared>>, %arg15: memref<!tpu.dma_semaphore, #tpu.memory_space<semaphore_mem>>, %arg16: memref<!tpu.dma_semaphore, #tpu.memory_space<semaphore_mem>>, %arg17: memref<!tpu.dma_semaphore, #tpu.memory_space<semaphore_mem>>) attributes {dimension_semantics = [#tpu.dimension_semantics<core_parallel>, #tpu.dimension_semantics<subcore_parallel>], iteration_bounds = array<i64: 2, 16>, scalar_prefetch = 0 : i64, scratch_operands = 10 : i64, tpu.core_type = #tpu.core_type<sc_vector_subcore>, window_params = [{transform_indices = #map}, {transform_indices = #map}, {transform_indices = #map}, {transform_indices = #map}, {transform_indices = #map}, {transform_indices = #map1}]} {
    %mul3A = arith.constant 2 : i32
    %mul3A_0 = arith.muli %arg1, %mul3A : i32
    %add3A = arith.addi %mul3A_0, %arg0 : i32
    %mul3A_1 = arith.constant 40 : i32
    %mul3A_2 = arith.muli %arg1, %mul3A_1 : i32
    "tpu.region"() ({
      %run_scoped3A = tpu.sem_alloc : memref<!tpu.dma_semaphore, #tpu.memory_space<semaphore_mem>>
      tpu.enqueue_dma source(%arg5 : memref<16x128xf32, #tpu.memory_space<hbm>>) target(%arg10 : memref<16x128xf32, #tpu.memory_space<vmem>>) target_semaphore(%run_scoped3A : memref<!tpu.dma_semaphore, #tpu.memory_space<semaphore_mem>>)
      tpu.wait_dma2 semaphore(%run_scoped3A : memref<!tpu.dma_semaphore, #tpu.memory_space<semaphore_mem>>) src(%arg5 : memref<16x128xf32, #tpu.memory_space<hbm>>) dst(%arg10 : memref<16x128xf32, #tpu.memory_space<vmem>>)
      tpu.yield
    }) : () -> ()
    "tpu.region"() ({
      %run_scoped3A = tpu.sem_alloc : memref<!tpu.dma_semaphore, #tpu.memory_space<semaphore_mem>>
      %dma_start3A_44 = arith.constant 0 : i32
      %dma_start3A_45 = tpu.memref_slice %arg6[%mul3A_2, %dma_start3A_44] : memref<640x16xi32, #tpu.memory_space<hbm>> -> memref<40x16xi32, #tpu.memory_space<hbm>>
      %dma_start3A_46 = arith.constant 0 : i32
      %dma_start3A_47 = tpu.memref_slice %arg6[%mul3A_2, %dma_start3A_46] : memref<640x16xi32, #tpu.memory_space<hbm>> -> memref<40x16xi32, #tpu.memory_space<hbm>>
      tpu.enqueue_dma source(%dma_start3A_47 : memref<40x16xi32, #tpu.memory_space<hbm>>) target(%arg11 : memref<40x16xi32, #tpu.memory_space<vmem>>) target_semaphore(%run_scoped3A : memref<!tpu.dma_semaphore, #tpu.memory_space<semaphore_mem>>)
      %dma_wait3A = arith.constant 0 : i32
      %dma_wait3A_48 = tpu.memref_slice %arg6[%mul3A_2, %dma_wait3A] : memref<640x16xi32, #tpu.memory_space<hbm>> -> memref<40x16xi32, #tpu.memory_space<hbm>>
      %dma_wait3A_49 = arith.constant 0 : i32
      %dma_wait3A_50 = tpu.memref_slice %arg6[%mul3A_2, %dma_wait3A_49] : memref<640x16xi32, #tpu.memory_space<hbm>> -> memref<40x16xi32, #tpu.memory_space<hbm>>
      tpu.wait_dma2 semaphore(%run_scoped3A : memref<!tpu.dma_semaphore, #tpu.memory_space<semaphore_mem>>) src(%dma_wait3A_50 : memref<40x16xi32, #tpu.memory_space<hbm>>) dst(%arg11 : memref<40x16xi32, #tpu.memory_space<vmem>>)
      tpu.yield
    }) : () -> ()
    %mul3A_3 = arith.constant 79 : i32
    %mul3A_4 = arith.muli %add3A, %mul3A_3 : i32
    %mul3A_5 = arith.constant 8 : i32
    %mul3A_6 = arith.muli %mul3A_4, %mul3A_5 : i32
    %scan3A = arith.constant 0 : i32
    %scan3A_7 = arith.constant 0 : i32
    %scan3A_8 = arith.constant 40 : i32
    %scan3A_9 = arith.addi %scan3A_7, %scan3A_8 : i32
    %scan3A_10 = arith.constant 1 : i32
    scf.for %scan3A_44 = %scan3A_7 to %scan3A_9 step %scan3A_10  : i32 {
      "tpu.region"() ({
        %run_scoped3A = tpu.sem_alloc : memref<!tpu.dma_semaphore, #tpu.memory_space<semaphore_mem>>
        %dma_start3A_45 = arith.constant 0 : i32
        %dma_start3A_46 = tpu.memref_slice %arg11[%scan3A_44, %dma_start3A_45] : memref<40x16xi32, #tpu.memory_space<vmem>> -> memref<1x16xi32, #tpu.memory_space<vmem>>
        %dma_start3A_47 = tpu.memref_squeeze %dma_start3A_46 : memref<1x16xi32, #tpu.memory_space<vmem>> -> memref<16xi32, #tpu.memory_space<vmem>>
        %dma_start3A_48 = arith.constant 0 : i32
        %dma_start3A_49 = arith.constant 0 : i32
        %dma_start3A_50 = tpu.memref_slice %arg14[%dma_start3A_48, %dma_start3A_49] : memref<10240x128xf32, #tpu.memory_space<vmem_shared>> -> memref<10240x128xf32, #tpu.memory_space<vmem_shared>>
        tpu.enqueue_indirect_dma source(%arg10 : memref<16x128xf32, #tpu.memory_space<vmem>>) target(%dma_start3A_50 : memref<10240x128xf32, #tpu.memory_space<vmem_shared>>) offsets(%dma_start3A_47 : memref<16xi32, #tpu.memory_space<vmem>>) semaphore(%run_scoped3A : memref<!tpu.dma_semaphore, #tpu.memory_space<semaphore_mem>>)
        %dma_wait3A = arith.constant 0 : i32
        %dma_wait3A_51 = tpu.memref_slice %arg11[%scan3A_44, %dma_wait3A] : memref<40x16xi32, #tpu.memory_space<vmem>> -> memref<1x16xi32, #tpu.memory_space<vmem>>
        %dma_wait3A_52 = tpu.memref_squeeze %dma_wait3A_51 : memref<1x16xi32, #tpu.memory_space<vmem>> -> memref<16xi32, #tpu.memory_space<vmem>>
        %dma_wait3A_53 = arith.constant 0 : i32
        %dma_wait3A_54 = arith.constant 0 : i32
        %dma_wait3A_55 = tpu.memref_slice %arg14[%dma_wait3A_53, %dma_wait3A_54] : memref<10240x128xf32, #tpu.memory_space<vmem_shared>> -> memref<10240x128xf32, #tpu.memory_space<vmem_shared>>
        tpu.wait_indirect_dma semaphore(%run_scoped3A : memref<!tpu.dma_semaphore, #tpu.memory_space<semaphore_mem>>) src(%arg10 : memref<16x128xf32, #tpu.memory_space<vmem>>) dst(%dma_wait3A_55 : memref<10240x128xf32, #tpu.memory_space<vmem_shared>>)
        tpu.yield
      }) : () -> ()
    }
    %scan3A_11 = arith.constant 40 : i32
    %dma_start3A = arith.constant 0 : i32
    %dma_start3A_12 = arith.constant 0 : i32
    %dma_start3A_13 = tpu.memref_slice %arg8[%dma_start3A, %dma_start3A_12] : memref<24x16xi32, #tpu.memory_space<vmem>> -> memref<8x16xi32, #tpu.memory_space<vmem>>
    %dma_start3A_14 = arith.constant 0 : i32
    %dma_start3A_15 = tpu.memref_slice %arg3[%mul3A_6, %dma_start3A_14] : memref<20224x16xi32, #tpu.memory_space<hbm>> -> memref<8x16xi32, #tpu.memory_space<hbm>>
    %dma_start3A_16 = arith.constant 0 : i32
    %dma_start3A_17 = arith.constant 0 : i32
    %dma_start3A_18 = tpu.memref_slice %arg8[%dma_start3A_16, %dma_start3A_17] : memref<24x16xi32, #tpu.memory_space<vmem>> -> memref<8x16xi32, #tpu.memory_space<vmem>>
    %dma_start3A_19 = arith.constant 0 : i32
    %dma_start3A_20 = tpu.memref_slice %arg3[%mul3A_6, %dma_start3A_19] : memref<20224x16xi32, #tpu.memory_space<hbm>> -> memref<8x16xi32, #tpu.memory_space<hbm>>
    tpu.enqueue_dma source(%dma_start3A_20 : memref<8x16xi32, #tpu.memory_space<hbm>>) target(%dma_start3A_18 : memref<8x16xi32, #tpu.memory_space<vmem>>) target_semaphore(%arg17 : memref<!tpu.dma_semaphore, #tpu.memory_space<semaphore_mem>>)
    %dma_start3A_21 = arith.constant 0 : i32
    %dma_start3A_22 = arith.constant 0 : i32
    %dma_start3A_23 = tpu.memref_slice %arg9[%dma_start3A_21, %dma_start3A_22] : memref<24x16xi32, #tpu.memory_space<vmem>> -> memref<8x16xi32, #tpu.memory_space<vmem>>
    %dma_start3A_24 = arith.constant 0 : i32
    %dma_start3A_25 = tpu.memref_slice %arg4[%mul3A_6, %dma_start3A_24] : memref<20224x16xi32, #tpu.memory_space<hbm>> -> memref<8x16xi32, #tpu.memory_space<hbm>>
    %dma_start3A_26 = arith.constant 0 : i32
    %dma_start3A_27 = arith.constant 0 : i32
    %dma_start3A_28 = tpu.memref_slice %arg9[%dma_start3A_26, %dma_start3A_27] : memref<24x16xi32, #tpu.memory_space<vmem>> -> memref<8x16xi32, #tpu.memory_space<vmem>>
    %dma_start3A_29 = arith.constant 0 : i32
    %dma_start3A_30 = tpu.memref_slice %arg4[%mul3A_6, %dma_start3A_29] : memref<20224x16xi32, #tpu.memory_space<hbm>> -> memref<8x16xi32, #tpu.memory_space<hbm>>
    tpu.enqueue_dma source(%dma_start3A_30 : memref<8x16xi32, #tpu.memory_space<hbm>>) target(%dma_start3A_28 : memref<8x16xi32, #tpu.memory_space<vmem>>) target_semaphore(%arg17 : memref<!tpu.dma_semaphore, #tpu.memory_space<semaphore_mem>>)
    %barrier3A = arith.constant 0 : index
    tpu.barrier barrier_id(%barrier3A)
    %scan3A_31 = arith.constant 0 : i32
    %scan3A_32 = arith.constant 0 : i32
    %scan3A_33 = arith.constant 81 : i32
    %scan3A_34 = arith.addi %scan3A_32, %scan3A_33 : i32
    %scan3A_35 = arith.constant 1 : i32
    scf.for %scan3A_44 = %scan3A_32 to %scan3A_34 step %scan3A_35  : i32 {
      %rem3A = arith.constant 2 : i32
      %rem3A_45 = arith.remsi %scan3A_44, %rem3A : i32
      %mul3A_46 = arith.constant 128 : i32
      %mul3A_47 = arith.muli %rem3A_45, %mul3A_46 : i32
      %add3A_48 = arith.constant 1 : i32
      %add3A_49 = arith.addi %scan3A_44, %add3A_48 : i32
      %rem3A_50 = arith.constant 2 : i32
      %rem3A_51 = arith.remsi %add3A_49, %rem3A_50 : i32
      %mul3A_52 = arith.constant 128 : i32
      %mul3A_53 = arith.muli %rem3A_51, %mul3A_52 : i32
      %rem3A_54 = arith.constant 3 : i32
      %rem3A_55 = arith.remsi %scan3A_44, %rem3A_54 : i32
      %mul3A_56 = arith.constant 8 : i32
      %mul3A_57 = arith.muli %rem3A_55, %mul3A_56 : i32
      %add3A_58 = arith.constant 1 : i32
      %add3A_59 = arith.addi %scan3A_44, %add3A_58 : i32
      %rem3A_60 = arith.constant 3 : i32
      %rem3A_61 = arith.remsi %add3A_59, %rem3A_60 : i32
      %mul3A_62 = arith.constant 8 : i32
      %mul3A_63 = arith.muli %rem3A_61, %mul3A_62 : i32
      %add3A_64 = arith.constant 2 : i32
      %add3A_65 = arith.addi %scan3A_44, %add3A_64 : i32
      %rem3A_66 = arith.constant 3 : i32
      %rem3A_67 = arith.remsi %add3A_65, %rem3A_66 : i32
      %mul3A_68 = arith.constant 8 : i32
      %mul3A_69 = arith.muli %rem3A_67, %mul3A_68 : i32
      %ge3A = arith.constant 2 : i32
      %ge3A_70 = arith.cmpi sge, %scan3A_44, %ge3A : i32
      %convert_element_type3A = arith.extui %ge3A_70 : i1 to i32
      %cond3A = arith.constant 0 : i32
      %cond3A_71 = arith.cmpi ne, %convert_element_type3A, %cond3A : i32
      scf.if %cond3A_71 {
        %add3A_89 = arith.constant 0 : i32
        %add3A_90 = arith.addi %mul3A_47, %add3A_89 : i32
        %dma_wait3A = arith.constant 0 : i32
        %dma_wait3A_91 = arith.constant 0 : i32
        %dma_wait3A_92 = tpu.memref_slice %arg12[%add3A_90, %dma_wait3A_91] : memref<256x128xf32, #tpu.memory_space<vmem>> -> memref<16x128xf32, #tpu.memory_space<vmem>>
        %dma_wait3A_93 = arith.constant 0 : i32
        %dma_wait3A_94 = tpu.memref_slice %arg11[%dma_wait3A, %dma_wait3A_93] : memref<40x16xi32, #tpu.memory_space<vmem>> -> memref<1x16xi32, #tpu.memory_space<vmem>>
        %dma_wait3A_95 = tpu.memref_squeeze %dma_wait3A_94 : memref<1x16xi32, #tpu.memory_space<vmem>> -> memref<16xi32, #tpu.memory_space<vmem>>
        %dma_wait3A_96 = arith.constant 0 : i32
        %dma_wait3A_97 = arith.constant 0 : i32
        %dma_wait3A_98 = tpu.memref_slice %arg14[%dma_wait3A_96, %dma_wait3A_97] : memref<10240x128xf32, #tpu.memory_space<vmem_shared>> -> memref<10240x128xf32, #tpu.memory_space<vmem_shared>>
        tpu.wait_indirect_dma semaphore(%arg16 : memref<!tpu.dma_semaphore, #tpu.memory_space<semaphore_mem>>) src(%dma_wait3A_92 : memref<16x128xf32, #tpu.memory_space<vmem>>) dst(%dma_wait3A_98 : memref<10240x128xf32, #tpu.memory_space<vmem_shared>>)
        %add3A_99 = arith.constant 16 : i32
        %add3A_100 = arith.addi %mul3A_47, %add3A_99 : i32
        %dma_wait3A_101 = arith.constant 0 : i32
        %dma_wait3A_102 = arith.constant 0 : i32
        %dma_wait3A_103 = tpu.memref_slice %arg12[%add3A_100, %dma_wait3A_102] : memref<256x128xf32, #tpu.memory_space<vmem>> -> memref<16x128xf32, #tpu.memory_space<vmem>>
        %dma_wait3A_104 = arith.constant 0 : i32
        %dma_wait3A_105 = tpu.memref_slice %arg11[%dma_wait3A_101, %dma_wait3A_104] : memref<40x16xi32, #tpu.memory_space<vmem>> -> memref<1x16xi32, #tpu.memory_space<vmem>>
        %dma_wait3A_106 = tpu.memref_squeeze %dma_wait3A_105 : memref<1x16xi32, #tpu.memory_space<vmem>> -> memref<16xi32, #tpu.memory_space<vmem>>
        %dma_wait3A_107 = arith.constant 0 : i32
        %dma_wait3A_108 = arith.constant 0 : i32
        %dma_wait3A_109 = tpu.memref_slice %arg14[%dma_wait3A_107, %dma_wait3A_108] : memref<10240x128xf32, #tpu.memory_space<vmem_shared>> -> memref<10240x128xf32, #tpu.memory_space<vmem_shared>>
        tpu.wait_indirect_dma semaphore(%arg16 : memref<!tpu.dma_semaphore, #tpu.memory_space<semaphore_mem>>) src(%dma_wait3A_103 : memref<16x128xf32, #tpu.memory_space<vmem>>) dst(%dma_wait3A_109 : memref<10240x128xf32, #tpu.memory_space<vmem_shared>>)
        %add3A_110 = arith.constant 32 : i32
        %add3A_111 = arith.addi %mul3A_47, %add3A_110 : i32
        %dma_wait3A_112 = arith.constant 0 : i32
        %dma_wait3A_113 = arith.constant 0 : i32
        %dma_wait3A_114 = tpu.memref_slice %arg12[%add3A_111, %dma_wait3A_113] : memref<256x128xf32, #tpu.memory_space<vmem>> -> memref<16x128xf32, #tpu.memory_space<vmem>>
        %dma_wait3A_115 = arith.constant 0 : i32
        %dma_wait3A_116 = tpu.memref_slice %arg11[%dma_wait3A_112, %dma_wait3A_115] : memref<40x16xi32, #tpu.memory_space<vmem>> -> memref<1x16xi32, #tpu.memory_space<vmem>>
        %dma_wait3A_117 = tpu.memref_squeeze %dma_wait3A_116 : memref<1x16xi32, #tpu.memory_space<vmem>> -> memref<16xi32, #tpu.memory_space<vmem>>
        %dma_wait3A_118 = arith.constant 0 : i32
        %dma_wait3A_119 = arith.constant 0 : i32
        %dma_wait3A_120 = tpu.memref_slice %arg14[%dma_wait3A_118, %dma_wait3A_119] : memref<10240x128xf32, #tpu.memory_space<vmem_shared>> -> memref<10240x128xf32, #tpu.memory_space<vmem_shared>>
        tpu.wait_indirect_dma semaphore(%arg16 : memref<!tpu.dma_semaphore, #tpu.memory_space<semaphore_mem>>) src(%dma_wait3A_114 : memref<16x128xf32, #tpu.memory_space<vmem>>) dst(%dma_wait3A_120 : memref<10240x128xf32, #tpu.memory_space<vmem_shared>>)
        %add3A_121 = arith.constant 48 : i32
        %add3A_122 = arith.addi %mul3A_47, %add3A_121 : i32
        %dma_wait3A_123 = arith.constant 0 : i32
        %dma_wait3A_124 = arith.constant 0 : i32
        %dma_wait3A_125 = tpu.memref_slice %arg12[%add3A_122, %dma_wait3A_124] : memref<256x128xf32, #tpu.memory_space<vmem>> -> memref<16x128xf32, #tpu.memory_space<vmem>>
        %dma_wait3A_126 = arith.constant 0 : i32
        %dma_wait3A_127 = tpu.memref_slice %arg11[%dma_wait3A_123, %dma_wait3A_126] : memref<40x16xi32, #tpu.memory_space<vmem>> -> memref<1x16xi32, #tpu.memory_space<vmem>>
        %dma_wait3A_128 = tpu.memref_squeeze %dma_wait3A_127 : memref<1x16xi32, #tpu.memory_space<vmem>> -> memref<16xi32, #tpu.memory_space<vmem>>
        %dma_wait3A_129 = arith.constant 0 : i32
        %dma_wait3A_130 = arith.constant 0 : i32
        %dma_wait3A_131 = tpu.memref_slice %arg14[%dma_wait3A_129, %dma_wait3A_130] : memref<10240x128xf32, #tpu.memory_space<vmem_shared>> -> memref<10240x128xf32, #tpu.memory_space<vmem_shared>>
        tpu.wait_indirect_dma semaphore(%arg16 : memref<!tpu.dma_semaphore, #tpu.memory_space<semaphore_mem>>) src(%dma_wait3A_125 : memref<16x128xf32, #tpu.memory_space<vmem>>) dst(%dma_wait3A_131 : memref<10240x128xf32, #tpu.memory_space<vmem_shared>>)
        %add3A_132 = arith.constant 64 : i32
        %add3A_133 = arith.addi %mul3A_47, %add3A_132 : i32
        %dma_wait3A_134 = arith.constant 0 : i32
        %dma_wait3A_135 = arith.constant 0 : i32
        %dma_wait3A_136 = tpu.memref_slice %arg12[%add3A_133, %dma_wait3A_135] : memref<256x128xf32, #tpu.memory_space<vmem>> -> memref<16x128xf32, #tpu.memory_space<vmem>>
        %dma_wait3A_137 = arith.constant 0 : i32
        %dma_wait3A_138 = tpu.memref_slice %arg11[%dma_wait3A_134, %dma_wait3A_137] : memref<40x16xi32, #tpu.memory_space<vmem>> -> memref<1x16xi32, #tpu.memory_space<vmem>>
        %dma_wait3A_139 = tpu.memref_squeeze %dma_wait3A_138 : memref<1x16xi32, #tpu.memory_space<vmem>> -> memref<16xi32, #tpu.memory_space<vmem>>
        %dma_wait3A_140 = arith.constant 0 : i32
        %dma_wait3A_141 = arith.constant 0 : i32
        %dma_wait3A_142 = tpu.memref_slice %arg14[%dma_wait3A_140, %dma_wait3A_141] : memref<10240x128xf32, #tpu.memory_space<vmem_shared>> -> memref<10240x128xf32, #tpu.memory_space<vmem_shared>>
        tpu.wait_indirect_dma semaphore(%arg16 : memref<!tpu.dma_semaphore, #tpu.memory_space<semaphore_mem>>) src(%dma_wait3A_136 : memref<16x128xf32, #tpu.memory_space<vmem>>) dst(%dma_wait3A_142 : memref<10240x128xf32, #tpu.memory_space<vmem_shared>>)
        %add3A_143 = arith.constant 80 : i32
        %add3A_144 = arith.addi %mul3A_47, %add3A_143 : i32
        %dma_wait3A_145 = arith.constant 0 : i32
        %dma_wait3A_146 = arith.constant 0 : i32
        %dma_wait3A_147 = tpu.memref_slice %arg12[%add3A_144, %dma_wait3A_146] : memref<256x128xf32, #tpu.memory_space<vmem>> -> memref<16x128xf32, #tpu.memory_space<vmem>>
        %dma_wait3A_148 = arith.constant 0 : i32
        %dma_wait3A_149 = tpu.memref_slice %arg11[%dma_wait3A_145, %dma_wait3A_148] : memref<40x16xi32, #tpu.memory_space<vmem>> -> memref<1x16xi32, #tpu.memory_space<vmem>>
        %dma_wait3A_150 = tpu.memref_squeeze %dma_wait3A_149 : memref<1x16xi32, #tpu.memory_space<vmem>> -> memref<16xi32, #tpu.memory_space<vmem>>
        %dma_wait3A_151 = arith.constant 0 : i32
        %dma_wait3A_152 = arith.constant 0 : i32
        %dma_wait3A_153 = tpu.memref_slice %arg14[%dma_wait3A_151, %dma_wait3A_152] : memref<10240x128xf32, #tpu.memory_space<vmem_shared>> -> memref<10240x128xf32, #tpu.memory_space<vmem_shared>>
        tpu.wait_indirect_dma semaphore(%arg16 : memref<!tpu.dma_semaphore, #tpu.memory_space<semaphore_mem>>) src(%dma_wait3A_147 : memref<16x128xf32, #tpu.memory_space<vmem>>) dst(%dma_wait3A_153 : memref<10240x128xf32, #tpu.memory_space<vmem_shared>>)
        %add3A_154 = arith.constant 96 : i32
        %add3A_155 = arith.addi %mul3A_47, %add3A_154 : i32
        %dma_wait3A_156 = arith.constant 0 : i32
        %dma_wait3A_157 = arith.constant 0 : i32
        %dma_wait3A_158 = tpu.memref_slice %arg12[%add3A_155, %dma_wait3A_157] : memref<256x128xf32, #tpu.memory_space<vmem>> -> memref<16x128xf32, #tpu.memory_space<vmem>>
        %dma_wait3A_159 = arith.constant 0 : i32
        %dma_wait3A_160 = tpu.memref_slice %arg11[%dma_wait3A_156, %dma_wait3A_159] : memref<40x16xi32, #tpu.memory_space<vmem>> -> memref<1x16xi32, #tpu.memory_space<vmem>>
        %dma_wait3A_161 = tpu.memref_squeeze %dma_wait3A_160 : memref<1x16xi32, #tpu.memory_space<vmem>> -> memref<16xi32, #tpu.memory_space<vmem>>
        %dma_wait3A_162 = arith.constant 0 : i32
        %dma_wait3A_163 = arith.constant 0 : i32
        %dma_wait3A_164 = tpu.memref_slice %arg14[%dma_wait3A_162, %dma_wait3A_163] : memref<10240x128xf32, #tpu.memory_space<vmem_shared>> -> memref<10240x128xf32, #tpu.memory_space<vmem_shared>>
        tpu.wait_indirect_dma semaphore(%arg16 : memref<!tpu.dma_semaphore, #tpu.memory_space<semaphore_mem>>) src(%dma_wait3A_158 : memref<16x128xf32, #tpu.memory_space<vmem>>) dst(%dma_wait3A_164 : memref<10240x128xf32, #tpu.memory_space<vmem_shared>>)
        %add3A_165 = arith.constant 112 : i32
        %add3A_166 = arith.addi %mul3A_47, %add3A_165 : i32
        %dma_wait3A_167 = arith.constant 0 : i32
        %dma_wait3A_168 = arith.constant 0 : i32
        %dma_wait3A_169 = tpu.memref_slice %arg12[%add3A_166, %dma_wait3A_168] : memref<256x128xf32, #tpu.memory_space<vmem>> -> memref<16x128xf32, #tpu.memory_space<vmem>>
        %dma_wait3A_170 = arith.constant 0 : i32
        %dma_wait3A_171 = tpu.memref_slice %arg11[%dma_wait3A_167, %dma_wait3A_170] : memref<40x16xi32, #tpu.memory_space<vmem>> -> memref<1x16xi32, #tpu.memory_space<vmem>>
        %dma_wait3A_172 = tpu.memref_squeeze %dma_wait3A_171 : memref<1x16xi32, #tpu.memory_space<vmem>> -> memref<16xi32, #tpu.memory_space<vmem>>
        %dma_wait3A_173 = arith.constant 0 : i32
        %dma_wait3A_174 = arith.constant 0 : i32
        %dma_wait3A_175 = tpu.memref_slice %arg14[%dma_wait3A_173, %dma_wait3A_174] : memref<10240x128xf32, #tpu.memory_space<vmem_shared>> -> memref<10240x128xf32, #tpu.memory_space<vmem_shared>>
        tpu.wait_indirect_dma semaphore(%arg16 : memref<!tpu.dma_semaphore, #tpu.memory_space<semaphore_mem>>) src(%dma_wait3A_169 : memref<16x128xf32, #tpu.memory_space<vmem>>) dst(%dma_wait3A_175 : memref<10240x128xf32, #tpu.memory_space<vmem_shared>>)
      } else {
      }
      %lt3A = arith.constant 79 : i32
      %lt3A_72 = arith.cmpi slt, %scan3A_44, %lt3A : i32
      %convert_element_type3A_73 = arith.extui %lt3A_72 : i1 to i32
      %cond3A_74 = arith.constant 0 : i32
      %cond3A_75 = arith.cmpi ne, %convert_element_type3A_73, %cond3A_74 : i32
      scf.if %cond3A_75 {
        %dma_wait3A = arith.constant 0 : i32
        %dma_wait3A_89 = tpu.memref_slice %arg8[%mul3A_57, %dma_wait3A] : memref<24x16xi32, #tpu.memory_space<vmem>> -> memref<8x16xi32, #tpu.memory_space<vmem>>
        %dma_wait3A_90 = arith.constant 0 : i32
        %dma_wait3A_91 = tpu.memref_slice %arg3[%mul3A_6, %dma_wait3A_90] : memref<20224x16xi32, #tpu.memory_space<hbm>> -> memref<8x16xi32, #tpu.memory_space<hbm>>
        %dma_wait3A_92 = arith.constant 0 : i32
        %dma_wait3A_93 = tpu.memref_slice %arg8[%mul3A_57, %dma_wait3A_92] : memref<24x16xi32, #tpu.memory_space<vmem>> -> memref<8x16xi32, #tpu.memory_space<vmem>>
        %dma_wait3A_94 = arith.constant 0 : i32
        %dma_wait3A_95 = tpu.memref_slice %arg3[%mul3A_6, %dma_wait3A_94] : memref<20224x16xi32, #tpu.memory_space<hbm>> -> memref<8x16xi32, #tpu.memory_space<hbm>>
        tpu.wait_dma2 semaphore(%arg17 : memref<!tpu.dma_semaphore, #tpu.memory_space<semaphore_mem>>) src(%dma_wait3A_95 : memref<8x16xi32, #tpu.memory_space<hbm>>) dst(%dma_wait3A_93 : memref<8x16xi32, #tpu.memory_space<vmem>>)
        %dma_wait3A_96 = arith.constant 0 : i32
        %dma_wait3A_97 = tpu.memref_slice %arg9[%mul3A_57, %dma_wait3A_96] : memref<24x16xi32, #tpu.memory_space<vmem>> -> memref<8x16xi32, #tpu.memory_space<vmem>>
        %dma_wait3A_98 = arith.constant 0 : i32
        %dma_wait3A_99 = tpu.memref_slice %arg4[%mul3A_6, %dma_wait3A_98] : memref<20224x16xi32, #tpu.memory_space<hbm>> -> memref<8x16xi32, #tpu.memory_space<hbm>>
        %dma_wait3A_100 = arith.constant 0 : i32
        %dma_wait3A_101 = tpu.memref_slice %arg9[%mul3A_57, %dma_wait3A_100] : memref<24x16xi32, #tpu.memory_space<vmem>> -> memref<8x16xi32, #tpu.memory_space<vmem>>
        %dma_wait3A_102 = arith.constant 0 : i32
        %dma_wait3A_103 = tpu.memref_slice %arg4[%mul3A_6, %dma_wait3A_102] : memref<20224x16xi32, #tpu.memory_space<hbm>> -> memref<8x16xi32, #tpu.memory_space<hbm>>
        tpu.wait_dma2 semaphore(%arg17 : memref<!tpu.dma_semaphore, #tpu.memory_space<semaphore_mem>>) src(%dma_wait3A_103 : memref<8x16xi32, #tpu.memory_space<hbm>>) dst(%dma_wait3A_101 : memref<8x16xi32, #tpu.memory_space<vmem>>)
        %add3A_104 = arith.constant 0 : i32
        %add3A_105 = arith.addi %mul3A_57, %add3A_104 : i32
        %add3A_106 = arith.constant 0 : i32
        %add3A_107 = arith.addi %mul3A_47, %add3A_106 : i32
        %dma_start3A_108 = arith.constant 0 : i32
        %dma_start3A_109 = tpu.memref_slice %arg12[%add3A_107, %dma_start3A_108] : memref<256x128xf32, #tpu.memory_space<vmem>> -> memref<16x128xf32, #tpu.memory_space<vmem>>
        %dma_start3A_110 = arith.constant 0 : i32
        %dma_start3A_111 = tpu.memref_slice %arg8[%add3A_105, %dma_start3A_110] : memref<24x16xi32, #tpu.memory_space<vmem>> -> memref<1x16xi32, #tpu.memory_space<vmem>>
        %dma_start3A_112 = tpu.memref_squeeze %dma_start3A_111 : memref<1x16xi32, #tpu.memory_space<vmem>> -> memref<16xi32, #tpu.memory_space<vmem>>
        %dma_start3A_113 = arith.constant 0 : i32
        %dma_start3A_114 = arith.constant 0 : i32
        %dma_start3A_115 = tpu.memref_slice %arg2[%dma_start3A_113, %dma_start3A_114] : memref<10240x128xf32, #tpu.memory_space<hbm>> -> memref<10240x128xf32, #tpu.memory_space<hbm>>
        tpu.enqueue_indirect_dma source(%dma_start3A_115 : memref<10240x128xf32, #tpu.memory_space<hbm>>) target(%dma_start3A_109 : memref<16x128xf32, #tpu.memory_space<vmem>>) offsets(%dma_start3A_112 : memref<16xi32, #tpu.memory_space<vmem>>) semaphore(%arg15 : memref<!tpu.dma_semaphore, #tpu.memory_space<semaphore_mem>>)
        %add3A_116 = arith.constant 1 : i32
        %add3A_117 = arith.addi %mul3A_57, %add3A_116 : i32
        %add3A_118 = arith.constant 16 : i32
        %add3A_119 = arith.addi %mul3A_47, %add3A_118 : i32
        %dma_start3A_120 = arith.constant 0 : i32
        %dma_start3A_121 = tpu.memref_slice %arg12[%add3A_119, %dma_start3A_120] : memref<256x128xf32, #tpu.memory_space<vmem>> -> memref<16x128xf32, #tpu.memory_space<vmem>>
        %dma_start3A_122 = arith.constant 0 : i32
        %dma_start3A_123 = tpu.memref_slice %arg8[%add3A_117, %dma_start3A_122] : memref<24x16xi32, #tpu.memory_space<vmem>> -> memref<1x16xi32, #tpu.memory_space<vmem>>
        %dma_start3A_124 = tpu.memref_squeeze %dma_start3A_123 : memref<1x16xi32, #tpu.memory_space<vmem>> -> memref<16xi32, #tpu.memory_space<vmem>>
        %dma_start3A_125 = arith.constant 0 : i32
        %dma_start3A_126 = arith.constant 0 : i32
        %dma_start3A_127 = tpu.memref_slice %arg2[%dma_start3A_125, %dma_start3A_126] : memref<10240x128xf32, #tpu.memory_space<hbm>> -> memref<10240x128xf32, #tpu.memory_space<hbm>>
        tpu.enqueue_indirect_dma source(%dma_start3A_127 : memref<10240x128xf32, #tpu.memory_space<hbm>>) target(%dma_start3A_121 : memref<16x128xf32, #tpu.memory_space<vmem>>) offsets(%dma_start3A_124 : memref<16xi32, #tpu.memory_space<vmem>>) semaphore(%arg15 : memref<!tpu.dma_semaphore, #tpu.memory_space<semaphore_mem>>)
        %add3A_128 = arith.constant 2 : i32
        %add3A_129 = arith.addi %mul3A_57, %add3A_128 : i32
        %add3A_130 = arith.constant 32 : i32
        %add3A_131 = arith.addi %mul3A_47, %add3A_130 : i32
        %dma_start3A_132 = arith.constant 0 : i32
        %dma_start3A_133 = tpu.memref_slice %arg12[%add3A_131, %dma_start3A_132] : memref<256x128xf32, #tpu.memory_space<vmem>> -> memref<16x128xf32, #tpu.memory_space<vmem>>
        %dma_start3A_134 = arith.constant 0 : i32
        %dma_start3A_135 = tpu.memref_slice %arg8[%add3A_129, %dma_start3A_134] : memref<24x16xi32, #tpu.memory_space<vmem>> -> memref<1x16xi32, #tpu.memory_space<vmem>>
        %dma_start3A_136 = tpu.memref_squeeze %dma_start3A_135 : memref<1x16xi32, #tpu.memory_space<vmem>> -> memref<16xi32, #tpu.memory_space<vmem>>
        %dma_start3A_137 = arith.constant 0 : i32
        %dma_start3A_138 = arith.constant 0 : i32
        %dma_start3A_139 = tpu.memref_slice %arg2[%dma_start3A_137, %dma_start3A_138] : memref<10240x128xf32, #tpu.memory_space<hbm>> -> memref<10240x128xf32, #tpu.memory_space<hbm>>
        tpu.enqueue_indirect_dma source(%dma_start3A_139 : memref<10240x128xf32, #tpu.memory_space<hbm>>) target(%dma_start3A_133 : memref<16x128xf32, #tpu.memory_space<vmem>>) offsets(%dma_start3A_136 : memref<16xi32, #tpu.memory_space<vmem>>) semaphore(%arg15 : memref<!tpu.dma_semaphore, #tpu.memory_space<semaphore_mem>>)
        %add3A_140 = arith.constant 3 : i32
        %add3A_141 = arith.addi %mul3A_57, %add3A_140 : i32
        %add3A_142 = arith.constant 48 : i32
        %add3A_143 = arith.addi %mul3A_47, %add3A_142 : i32
        %dma_start3A_144 = arith.constant 0 : i32
        %dma_start3A_145 = tpu.memref_slice %arg12[%add3A_143, %dma_start3A_144] : memref<256x128xf32, #tpu.memory_space<vmem>> -> memref<16x128xf32, #tpu.memory_space<vmem>>
        %dma_start3A_146 = arith.constant 0 : i32
        %dma_start3A_147 = tpu.memref_slice %arg8[%add3A_141, %dma_start3A_146] : memref<24x16xi32, #tpu.memory_space<vmem>> -> memref<1x16xi32, #tpu.memory_space<vmem>>
        %dma_start3A_148 = tpu.memref_squeeze %dma_start3A_147 : memref<1x16xi32, #tpu.memory_space<vmem>> -> memref<16xi32, #tpu.memory_space<vmem>>
        %dma_start3A_149 = arith.constant 0 : i32
        %dma_start3A_150 = arith.constant 0 : i32
        %dma_start3A_151 = tpu.memref_slice %arg2[%dma_start3A_149, %dma_start3A_150] : memref<10240x128xf32, #tpu.memory_space<hbm>> -> memref<10240x128xf32, #tpu.memory_space<hbm>>
        tpu.enqueue_indirect_dma source(%dma_start3A_151 : memref<10240x128xf32, #tpu.memory_space<hbm>>) target(%dma_start3A_145 : memref<16x128xf32, #tpu.memory_space<vmem>>) offsets(%dma_start3A_148 : memref<16xi32, #tpu.memory_space<vmem>>) semaphore(%arg15 : memref<!tpu.dma_semaphore, #tpu.memory_space<semaphore_mem>>)
        %add3A_152 = arith.constant 4 : i32
        %add3A_153 = arith.addi %mul3A_57, %add3A_152 : i32
        %add3A_154 = arith.constant 64 : i32
        %add3A_155 = arith.addi %mul3A_47, %add3A_154 : i32
        %dma_start3A_156 = arith.constant 0 : i32
        %dma_start3A_157 = tpu.memref_slice %arg12[%add3A_155, %dma_start3A_156] : memref<256x128xf32, #tpu.memory_space<vmem>> -> memref<16x128xf32, #tpu.memory_space<vmem>>
        %dma_start3A_158 = arith.constant 0 : i32
        %dma_start3A_159 = tpu.memref_slice %arg8[%add3A_153, %dma_start3A_158] : memref<24x16xi32, #tpu.memory_space<vmem>> -> memref<1x16xi32, #tpu.memory_space<vmem>>
        %dma_start3A_160 = tpu.memref_squeeze %dma_start3A_159 : memref<1x16xi32, #tpu.memory_space<vmem>> -> memref<16xi32, #tpu.memory_space<vmem>>
        %dma_start3A_161 = arith.constant 0 : i32
        %dma_start3A_162 = arith.constant 0 : i32
        %dma_start3A_163 = tpu.memref_slice %arg2[%dma_start3A_161, %dma_start3A_162] : memref<10240x128xf32, #tpu.memory_space<hbm>> -> memref<10240x128xf32, #tpu.memory_space<hbm>>
        tpu.enqueue_indirect_dma source(%dma_start3A_163 : memref<10240x128xf32, #tpu.memory_space<hbm>>) target(%dma_start3A_157 : memref<16x128xf32, #tpu.memory_space<vmem>>) offsets(%dma_start3A_160 : memref<16xi32, #tpu.memory_space<vmem>>) semaphore(%arg15 : memref<!tpu.dma_semaphore, #tpu.memory_space<semaphore_mem>>)
        %add3A_164 = arith.constant 5 : i32
        %add3A_165 = arith.addi %mul3A_57, %add3A_164 : i32
        %add3A_166 = arith.constant 80 : i32
        %add3A_167 = arith.addi %mul3A_47, %add3A_166 : i32
        %dma_start3A_168 = arith.constant 0 : i32
        %dma_start3A_169 = tpu.memref_slice %arg12[%add3A_167, %dma_start3A_168] : memref<256x128xf32, #tpu.memory_space<vmem>> -> memref<16x128xf32, #tpu.memory_space<vmem>>
        %dma_start3A_170 = arith.constant 0 : i32
        %dma_start3A_171 = tpu.memref_slice %arg8[%add3A_165, %dma_start3A_170] : memref<24x16xi32, #tpu.memory_space<vmem>> -> memref<1x16xi32, #tpu.memory_space<vmem>>
        %dma_start3A_172 = tpu.memref_squeeze %dma_start3A_171 : memref<1x16xi32, #tpu.memory_space<vmem>> -> memref<16xi32, #tpu.memory_space<vmem>>
        %dma_start3A_173 = arith.constant 0 : i32
        %dma_start3A_174 = arith.constant 0 : i32
        %dma_start3A_175 = tpu.memref_slice %arg2[%dma_start3A_173, %dma_start3A_174] : memref<10240x128xf32, #tpu.memory_space<hbm>> -> memref<10240x128xf32, #tpu.memory_space<hbm>>
        tpu.enqueue_indirect_dma source(%dma_start3A_175 : memref<10240x128xf32, #tpu.memory_space<hbm>>) target(%dma_start3A_169 : memref<16x128xf32, #tpu.memory_space<vmem>>) offsets(%dma_start3A_172 : memref<16xi32, #tpu.memory_space<vmem>>) semaphore(%arg15 : memref<!tpu.dma_semaphore, #tpu.memory_space<semaphore_mem>>)
        %add3A_176 = arith.constant 6 : i32
        %add3A_177 = arith.addi %mul3A_57, %add3A_176 : i32
        %add3A_178 = arith.constant 96 : i32
        %add3A_179 = arith.addi %mul3A_47, %add3A_178 : i32
        %dma_start3A_180 = arith.constant 0 : i32
        %dma_start3A_181 = tpu.memref_slice %arg12[%add3A_179, %dma_start3A_180] : memref<256x128xf32, #tpu.memory_space<vmem>> -> memref<16x128xf32, #tpu.memory_space<vmem>>
        %dma_start3A_182 = arith.constant 0 : i32
        %dma_start3A_183 = tpu.memref_slice %arg8[%add3A_177, %dma_start3A_182] : memref<24x16xi32, #tpu.memory_space<vmem>> -> memref<1x16xi32, #tpu.memory_space<vmem>>
        %dma_start3A_184 = tpu.memref_squeeze %dma_start3A_183 : memref<1x16xi32, #tpu.memory_space<vmem>> -> memref<16xi32, #tpu.memory_space<vmem>>
        %dma_start3A_185 = arith.constant 0 : i32
        %dma_start3A_186 = arith.constant 0 : i32
        %dma_start3A_187 = tpu.memref_slice %arg2[%dma_start3A_185, %dma_start3A_186] : memref<10240x128xf32, #tpu.memory_space<hbm>> -> memref<10240x128xf32, #tpu.memory_space<hbm>>
        tpu.enqueue_indirect_dma source(%dma_start3A_187 : memref<10240x128xf32, #tpu.memory_space<hbm>>) target(%dma_start3A_181 : memref<16x128xf32, #tpu.memory_space<vmem>>) offsets(%dma_start3A_184 : memref<16xi32, #tpu.memory_space<vmem>>) semaphore(%arg15 : memref<!tpu.dma_semaphore, #tpu.memory_space<semaphore_mem>>)
        %add3A_188 = arith.constant 7 : i32
        %add3A_189 = arith.addi %mul3A_57, %add3A_188 : i32
        %add3A_190 = arith.constant 112 : i32
        %add3A_191 = arith.addi %mul3A_47, %add3A_190 : i32
        %dma_start3A_192 = arith.constant 0 : i32
        %dma_start3A_193 = tpu.memref_slice %arg12[%add3A_191, %dma_start3A_192] : memref<256x128xf32, #tpu.memory_space<vmem>> -> memref<16x128xf32, #tpu.memory_space<vmem>>
        %dma_start3A_194 = arith.constant 0 : i32
        %dma_start3A_195 = tpu.memref_slice %arg8[%add3A_189, %dma_start3A_194] : memref<24x16xi32, #tpu.memory_space<vmem>> -> memref<1x16xi32, #tpu.memory_space<vmem>>
        %dma_start3A_196 = tpu.memref_squeeze %dma_start3A_195 : memref<1x16xi32, #tpu.memory_space<vmem>> -> memref<16xi32, #tpu.memory_space<vmem>>
        %dma_start3A_197 = arith.constant 0 : i32
        %dma_start3A_198 = arith.constant 0 : i32
        %dma_start3A_199 = tpu.memref_slice %arg2[%dma_start3A_197, %dma_start3A_198] : memref<10240x128xf32, #tpu.memory_space<hbm>> -> memref<10240x128xf32, #tpu.memory_space<hbm>>
        tpu.enqueue_indirect_dma source(%dma_start3A_199 : memref<10240x128xf32, #tpu.memory_space<hbm>>) target(%dma_start3A_193 : memref<16x128xf32, #tpu.memory_space<vmem>>) offsets(%dma_start3A_196 : memref<16xi32, #tpu.memory_space<vmem>>) semaphore(%arg15 : memref<!tpu.dma_semaphore, #tpu.memory_space<semaphore_mem>>)
      } else {
      }
      %ge3A_76 = arith.constant 1 : i32
      %ge3A_77 = arith.cmpi sge, %scan3A_44, %ge3A_76 : i32
      %le3A = arith.constant 79 : i32
      %le3A_78 = arith.cmpi sle, %scan3A_44, %le3A : i32
      %and3A = arith.andi %ge3A_77, %le3A_78 : i1
      %convert_element_type3A_79 = arith.extui %and3A : i1 to i32
      %cond3A_80 = arith.constant 0 : i32
      %cond3A_81 = arith.cmpi ne, %convert_element_type3A_79, %cond3A_80 : i32
      scf.if %cond3A_81 {
        %add3A_89 = arith.constant 0 : i32
        %add3A_90 = arith.addi %mul3A_53, %add3A_89 : i32
        %dma_wait3A = arith.constant 0 : i32
        %dma_wait3A_91 = arith.constant 0 : i32
        %dma_wait3A_92 = tpu.memref_slice %arg12[%add3A_90, %dma_wait3A_91] : memref<256x128xf32, #tpu.memory_space<vmem>> -> memref<16x128xf32, #tpu.memory_space<vmem>>
        %dma_wait3A_93 = arith.constant 0 : i32
        %dma_wait3A_94 = tpu.memref_slice %arg11[%dma_wait3A, %dma_wait3A_93] : memref<40x16xi32, #tpu.memory_space<vmem>> -> memref<1x16xi32, #tpu.memory_space<vmem>>
        %dma_wait3A_95 = tpu.memref_squeeze %dma_wait3A_94 : memref<1x16xi32, #tpu.memory_space<vmem>> -> memref<16xi32, #tpu.memory_space<vmem>>
        %dma_wait3A_96 = arith.constant 0 : i32
        %dma_wait3A_97 = arith.constant 0 : i32
        %dma_wait3A_98 = tpu.memref_slice %arg2[%dma_wait3A_96, %dma_wait3A_97] : memref<10240x128xf32, #tpu.memory_space<hbm>> -> memref<10240x128xf32, #tpu.memory_space<hbm>>
        tpu.wait_indirect_dma semaphore(%arg15 : memref<!tpu.dma_semaphore, #tpu.memory_space<semaphore_mem>>) src(%dma_wait3A_98 : memref<10240x128xf32, #tpu.memory_space<hbm>>) dst(%dma_wait3A_92 : memref<16x128xf32, #tpu.memory_space<vmem>>)
        %add3A_99 = arith.constant 16 : i32
        %add3A_100 = arith.addi %mul3A_53, %add3A_99 : i32
        %dma_wait3A_101 = arith.constant 0 : i32
        %dma_wait3A_102 = arith.constant 0 : i32
        %dma_wait3A_103 = tpu.memref_slice %arg12[%add3A_100, %dma_wait3A_102] : memref<256x128xf32, #tpu.memory_space<vmem>> -> memref<16x128xf32, #tpu.memory_space<vmem>>
        %dma_wait3A_104 = arith.constant 0 : i32
        %dma_wait3A_105 = tpu.memref_slice %arg11[%dma_wait3A_101, %dma_wait3A_104] : memref<40x16xi32, #tpu.memory_space<vmem>> -> memref<1x16xi32, #tpu.memory_space<vmem>>
        %dma_wait3A_106 = tpu.memref_squeeze %dma_wait3A_105 : memref<1x16xi32, #tpu.memory_space<vmem>> -> memref<16xi32, #tpu.memory_space<vmem>>
        %dma_wait3A_107 = arith.constant 0 : i32
        %dma_wait3A_108 = arith.constant 0 : i32
        %dma_wait3A_109 = tpu.memref_slice %arg2[%dma_wait3A_107, %dma_wait3A_108] : memref<10240x128xf32, #tpu.memory_space<hbm>> -> memref<10240x128xf32, #tpu.memory_space<hbm>>
        tpu.wait_indirect_dma semaphore(%arg15 : memref<!tpu.dma_semaphore, #tpu.memory_space<semaphore_mem>>) src(%dma_wait3A_109 : memref<10240x128xf32, #tpu.memory_space<hbm>>) dst(%dma_wait3A_103 : memref<16x128xf32, #tpu.memory_space<vmem>>)
        %add3A_110 = arith.constant 32 : i32
        %add3A_111 = arith.addi %mul3A_53, %add3A_110 : i32
        %dma_wait3A_112 = arith.constant 0 : i32
        %dma_wait3A_113 = arith.constant 0 : i32
        %dma_wait3A_114 = tpu.memref_slice %arg12[%add3A_111, %dma_wait3A_113] : memref<256x128xf32, #tpu.memory_space<vmem>> -> memref<16x128xf32, #tpu.memory_space<vmem>>
        %dma_wait3A_115 = arith.constant 0 : i32
        %dma_wait3A_116 = tpu.memref_slice %arg11[%dma_wait3A_112, %dma_wait3A_115] : memref<40x16xi32, #tpu.memory_space<vmem>> -> memref<1x16xi32, #tpu.memory_space<vmem>>
        %dma_wait3A_117 = tpu.memref_squeeze %dma_wait3A_116 : memref<1x16xi32, #tpu.memory_space<vmem>> -> memref<16xi32, #tpu.memory_space<vmem>>
        %dma_wait3A_118 = arith.constant 0 : i32
        %dma_wait3A_119 = arith.constant 0 : i32
        %dma_wait3A_120 = tpu.memref_slice %arg2[%dma_wait3A_118, %dma_wait3A_119] : memref<10240x128xf32, #tpu.memory_space<hbm>> -> memref<10240x128xf32, #tpu.memory_space<hbm>>
        tpu.wait_indirect_dma semaphore(%arg15 : memref<!tpu.dma_semaphore, #tpu.memory_space<semaphore_mem>>) src(%dma_wait3A_120 : memref<10240x128xf32, #tpu.memory_space<hbm>>) dst(%dma_wait3A_114 : memref<16x128xf32, #tpu.memory_space<vmem>>)
        %add3A_121 = arith.constant 48 : i32
        %add3A_122 = arith.addi %mul3A_53, %add3A_121 : i32
        %dma_wait3A_123 = arith.constant 0 : i32
        %dma_wait3A_124 = arith.constant 0 : i32
        %dma_wait3A_125 = tpu.memref_slice %arg12[%add3A_122, %dma_wait3A_124] : memref<256x128xf32, #tpu.memory_space<vmem>> -> memref<16x128xf32, #tpu.memory_space<vmem>>
        %dma_wait3A_126 = arith.constant 0 : i32
        %dma_wait3A_127 = tpu.memref_slice %arg11[%dma_wait3A_123, %dma_wait3A_126] : memref<40x16xi32, #tpu.memory_space<vmem>> -> memref<1x16xi32, #tpu.memory_space<vmem>>
        %dma_wait3A_128 = tpu.memref_squeeze %dma_wait3A_127 : memref<1x16xi32, #tpu.memory_space<vmem>> -> memref<16xi32, #tpu.memory_space<vmem>>
        %dma_wait3A_129 = arith.constant 0 : i32
        %dma_wait3A_130 = arith.constant 0 : i32
        %dma_wait3A_131 = tpu.memref_slice %arg2[%dma_wait3A_129, %dma_wait3A_130] : memref<10240x128xf32, #tpu.memory_space<hbm>> -> memref<10240x128xf32, #tpu.memory_space<hbm>>
        tpu.wait_indirect_dma semaphore(%arg15 : memref<!tpu.dma_semaphore, #tpu.memory_space<semaphore_mem>>) src(%dma_wait3A_131 : memref<10240x128xf32, #tpu.memory_space<hbm>>) dst(%dma_wait3A_125 : memref<16x128xf32, #tpu.memory_space<vmem>>)
        %add3A_132 = arith.constant 64 : i32
        %add3A_133 = arith.addi %mul3A_53, %add3A_132 : i32
        %dma_wait3A_134 = arith.constant 0 : i32
        %dma_wait3A_135 = arith.constant 0 : i32
        %dma_wait3A_136 = tpu.memref_slice %arg12[%add3A_133, %dma_wait3A_135] : memref<256x128xf32, #tpu.memory_space<vmem>> -> memref<16x128xf32, #tpu.memory_space<vmem>>
        %dma_wait3A_137 = arith.constant 0 : i32
        %dma_wait3A_138 = tpu.memref_slice %arg11[%dma_wait3A_134, %dma_wait3A_137] : memref<40x16xi32, #tpu.memory_space<vmem>> -> memref<1x16xi32, #tpu.memory_space<vmem>>
        %dma_wait3A_139 = tpu.memref_squeeze %dma_wait3A_138 : memref<1x16xi32, #tpu.memory_space<vmem>> -> memref<16xi32, #tpu.memory_space<vmem>>
        %dma_wait3A_140 = arith.constant 0 : i32
        %dma_wait3A_141 = arith.constant 0 : i32
        %dma_wait3A_142 = tpu.memref_slice %arg2[%dma_wait3A_140, %dma_wait3A_141] : memref<10240x128xf32, #tpu.memory_space<hbm>> -> memref<10240x128xf32, #tpu.memory_space<hbm>>
        tpu.wait_indirect_dma semaphore(%arg15 : memref<!tpu.dma_semaphore, #tpu.memory_space<semaphore_mem>>) src(%dma_wait3A_142 : memref<10240x128xf32, #tpu.memory_space<hbm>>) dst(%dma_wait3A_136 : memref<16x128xf32, #tpu.memory_space<vmem>>)
        %add3A_143 = arith.constant 80 : i32
        %add3A_144 = arith.addi %mul3A_53, %add3A_143 : i32
        %dma_wait3A_145 = arith.constant 0 : i32
        %dma_wait3A_146 = arith.constant 0 : i32
        %dma_wait3A_147 = tpu.memref_slice %arg12[%add3A_144, %dma_wait3A_146] : memref<256x128xf32, #tpu.memory_space<vmem>> -> memref<16x128xf32, #tpu.memory_space<vmem>>
        %dma_wait3A_148 = arith.constant 0 : i32
        %dma_wait3A_149 = tpu.memref_slice %arg11[%dma_wait3A_145, %dma_wait3A_148] : memref<40x16xi32, #tpu.memory_space<vmem>> -> memref<1x16xi32, #tpu.memory_space<vmem>>
        %dma_wait3A_150 = tpu.memref_squeeze %dma_wait3A_149 : memref<1x16xi32, #tpu.memory_space<vmem>> -> memref<16xi32, #tpu.memory_space<vmem>>
        %dma_wait3A_151 = arith.constant 0 : i32
        %dma_wait3A_152 = arith.constant 0 : i32
        %dma_wait3A_153 = tpu.memref_slice %arg2[%dma_wait3A_151, %dma_wait3A_152] : memref<10240x128xf32, #tpu.memory_space<hbm>> -> memref<10240x128xf32, #tpu.memory_space<hbm>>
        tpu.wait_indirect_dma semaphore(%arg15 : memref<!tpu.dma_semaphore, #tpu.memory_space<semaphore_mem>>) src(%dma_wait3A_153 : memref<10240x128xf32, #tpu.memory_space<hbm>>) dst(%dma_wait3A_147 : memref<16x128xf32, #tpu.memory_space<vmem>>)
        %add3A_154 = arith.constant 96 : i32
        %add3A_155 = arith.addi %mul3A_53, %add3A_154 : i32
        %dma_wait3A_156 = arith.constant 0 : i32
        %dma_wait3A_157 = arith.constant 0 : i32
        %dma_wait3A_158 = tpu.memref_slice %arg12[%add3A_155, %dma_wait3A_157] : memref<256x128xf32, #tpu.memory_space<vmem>> -> memref<16x128xf32, #tpu.memory_space<vmem>>
        %dma_wait3A_159 = arith.constant 0 : i32
        %dma_wait3A_160 = tpu.memref_slice %arg11[%dma_wait3A_156, %dma_wait3A_159] : memref<40x16xi32, #tpu.memory_space<vmem>> -> memref<1x16xi32, #tpu.memory_space<vmem>>
        %dma_wait3A_161 = tpu.memref_squeeze %dma_wait3A_160 : memref<1x16xi32, #tpu.memory_space<vmem>> -> memref<16xi32, #tpu.memory_space<vmem>>
        %dma_wait3A_162 = arith.constant 0 : i32
        %dma_wait3A_163 = arith.constant 0 : i32
        %dma_wait3A_164 = tpu.memref_slice %arg2[%dma_wait3A_162, %dma_wait3A_163] : memref<10240x128xf32, #tpu.memory_space<hbm>> -> memref<10240x128xf32, #tpu.memory_space<hbm>>
        tpu.wait_indirect_dma semaphore(%arg15 : memref<!tpu.dma_semaphore, #tpu.memory_space<semaphore_mem>>) src(%dma_wait3A_164 : memref<10240x128xf32, #tpu.memory_space<hbm>>) dst(%dma_wait3A_158 : memref<16x128xf32, #tpu.memory_space<vmem>>)
        %add3A_165 = arith.constant 112 : i32
        %add3A_166 = arith.addi %mul3A_53, %add3A_165 : i32
        %dma_wait3A_167 = arith.constant 0 : i32
        %dma_wait3A_168 = arith.constant 0 : i32
        %dma_wait3A_169 = tpu.memref_slice %arg12[%add3A_166, %dma_wait3A_168] : memref<256x128xf32, #tpu.memory_space<vmem>> -> memref<16x128xf32, #tpu.memory_space<vmem>>
        %dma_wait3A_170 = arith.constant 0 : i32
        %dma_wait3A_171 = tpu.memref_slice %arg11[%dma_wait3A_167, %dma_wait3A_170] : memref<40x16xi32, #tpu.memory_space<vmem>> -> memref<1x16xi32, #tpu.memory_space<vmem>>
        %dma_wait3A_172 = tpu.memref_squeeze %dma_wait3A_171 : memref<1x16xi32, #tpu.memory_space<vmem>> -> memref<16xi32, #tpu.memory_space<vmem>>
        %dma_wait3A_173 = arith.constant 0 : i32
        %dma_wait3A_174 = arith.constant 0 : i32
        %dma_wait3A_175 = tpu.memref_slice %arg2[%dma_wait3A_173, %dma_wait3A_174] : memref<10240x128xf32, #tpu.memory_space<hbm>> -> memref<10240x128xf32, #tpu.memory_space<hbm>>
        tpu.wait_indirect_dma semaphore(%arg15 : memref<!tpu.dma_semaphore, #tpu.memory_space<semaphore_mem>>) src(%dma_wait3A_175 : memref<10240x128xf32, #tpu.memory_space<hbm>>) dst(%dma_wait3A_169 : memref<16x128xf32, #tpu.memory_space<vmem>>)
        %add3A_176 = arith.constant 0 : i32
        %add3A_177 = arith.addi %mul3A_53, %add3A_176 : i32
        %add3A_178 = arith.constant 0 : i32
        %add3A_179 = arith.addi %mul3A_69, %add3A_178 : i32
        %dma_start3A_180 = arith.constant 0 : i32
        %dma_start3A_181 = tpu.memref_slice %arg12[%add3A_177, %dma_start3A_180] : memref<256x128xf32, #tpu.memory_space<vmem>> -> memref<16x128xf32, #tpu.memory_space<vmem>>
        %dma_start3A_182 = arith.constant 0 : i32
        %dma_start3A_183 = tpu.memref_slice %arg9[%add3A_179, %dma_start3A_182] : memref<24x16xi32, #tpu.memory_space<vmem>> -> memref<1x16xi32, #tpu.memory_space<vmem>>
        %dma_start3A_184 = tpu.memref_squeeze %dma_start3A_183 : memref<1x16xi32, #tpu.memory_space<vmem>> -> memref<16xi32, #tpu.memory_space<vmem>>
        %dma_start3A_185 = arith.constant 0 : i32
        %dma_start3A_186 = arith.constant 0 : i32
        %dma_start3A_187 = tpu.memref_slice %arg14[%dma_start3A_185, %dma_start3A_186] : memref<10240x128xf32, #tpu.memory_space<vmem_shared>> -> memref<10240x128xf32, #tpu.memory_space<vmem_shared>>
        tpu.enqueue_indirect_dma source(%dma_start3A_181 : memref<16x128xf32, #tpu.memory_space<vmem>>) target(%dma_start3A_187 : memref<10240x128xf32, #tpu.memory_space<vmem_shared>>) offsets(%dma_start3A_184 : memref<16xi32, #tpu.memory_space<vmem>>) semaphore(%arg16 : memref<!tpu.dma_semaphore, #tpu.memory_space<semaphore_mem>>) {add = true}
        %add3A_188 = arith.constant 16 : i32
        %add3A_189 = arith.addi %mul3A_53, %add3A_188 : i32
        %add3A_190 = arith.constant 1 : i32
        %add3A_191 = arith.addi %mul3A_69, %add3A_190 : i32
        %dma_start3A_192 = arith.constant 0 : i32
        %dma_start3A_193 = tpu.memref_slice %arg12[%add3A_189, %dma_start3A_192] : memref<256x128xf32, #tpu.memory_space<vmem>> -> memref<16x128xf32, #tpu.memory_space<vmem>>
        %dma_start3A_194 = arith.constant 0 : i32
        %dma_start3A_195 = tpu.memref_slice %arg9[%add3A_191, %dma_start3A_194] : memref<24x16xi32, #tpu.memory_space<vmem>> -> memref<1x16xi32, #tpu.memory_space<vmem>>
        %dma_start3A_196 = tpu.memref_squeeze %dma_start3A_195 : memref<1x16xi32, #tpu.memory_space<vmem>> -> memref<16xi32, #tpu.memory_space<vmem>>
        %dma_start3A_197 = arith.constant 0 : i32
        %dma_start3A_198 = arith.constant 0 : i32
        %dma_start3A_199 = tpu.memref_slice %arg14[%dma_start3A_197, %dma_start3A_198] : memref<10240x128xf32, #tpu.memory_space<vmem_shared>> -> memref<10240x128xf32, #tpu.memory_space<vmem_shared>>
        tpu.enqueue_indirect_dma source(%dma_start3A_193 : memref<16x128xf32, #tpu.memory_space<vmem>>) target(%dma_start3A_199 : memref<10240x128xf32, #tpu.memory_space<vmem_shared>>) offsets(%dma_start3A_196 : memref<16xi32, #tpu.memory_space<vmem>>) semaphore(%arg16 : memref<!tpu.dma_semaphore, #tpu.memory_space<semaphore_mem>>) {add = true}
        %add3A_200 = arith.constant 32 : i32
        %add3A_201 = arith.addi %mul3A_53, %add3A_200 : i32
        %add3A_202 = arith.constant 2 : i32
        %add3A_203 = arith.addi %mul3A_69, %add3A_202 : i32
        %dma_start3A_204 = arith.constant 0 : i32
        %dma_start3A_205 = tpu.memref_slice %arg12[%add3A_201, %dma_start3A_204] : memref<256x128xf32, #tpu.memory_space<vmem>> -> memref<16x128xf32, #tpu.memory_space<vmem>>
        %dma_start3A_206 = arith.constant 0 : i32
        %dma_start3A_207 = tpu.memref_slice %arg9[%add3A_203, %dma_start3A_206] : memref<24x16xi32, #tpu.memory_space<vmem>> -> memref<1x16xi32, #tpu.memory_space<vmem>>
        %dma_start3A_208 = tpu.memref_squeeze %dma_start3A_207 : memref<1x16xi32, #tpu.memory_space<vmem>> -> memref<16xi32, #tpu.memory_space<vmem>>
        %dma_start3A_209 = arith.constant 0 : i32
        %dma_start3A_210 = arith.constant 0 : i32
        %dma_start3A_211 = tpu.memref_slice %arg14[%dma_start3A_209, %dma_start3A_210] : memref<10240x128xf32, #tpu.memory_space<vmem_shared>> -> memref<10240x128xf32, #tpu.memory_space<vmem_shared>>
        tpu.enqueue_indirect_dma source(%dma_start3A_205 : memref<16x128xf32, #tpu.memory_space<vmem>>) target(%dma_start3A_211 : memref<10240x128xf32, #tpu.memory_space<vmem_shared>>) offsets(%dma_start3A_208 : memref<16xi32, #tpu.memory_space<vmem>>) semaphore(%arg16 : memref<!tpu.dma_semaphore, #tpu.memory_space<semaphore_mem>>) {add = true}
        %add3A_212 = arith.constant 48 : i32
        %add3A_213 = arith.addi %mul3A_53, %add3A_212 : i32
        %add3A_214 = arith.constant 3 : i32
        %add3A_215 = arith.addi %mul3A_69, %add3A_214 : i32
        %dma_start3A_216 = arith.constant 0 : i32
        %dma_start3A_217 = tpu.memref_slice %arg12[%add3A_213, %dma_start3A_216] : memref<256x128xf32, #tpu.memory_space<vmem>> -> memref<16x128xf32, #tpu.memory_space<vmem>>
        %dma_start3A_218 = arith.constant 0 : i32
        %dma_start3A_219 = tpu.memref_slice %arg9[%add3A_215, %dma_start3A_218] : memref<24x16xi32, #tpu.memory_space<vmem>> -> memref<1x16xi32, #tpu.memory_space<vmem>>
        %dma_start3A_220 = tpu.memref_squeeze %dma_start3A_219 : memref<1x16xi32, #tpu.memory_space<vmem>> -> memref<16xi32, #tpu.memory_space<vmem>>
        %dma_start3A_221 = arith.constant 0 : i32
        %dma_start3A_222 = arith.constant 0 : i32
        %dma_start3A_223 = tpu.memref_slice %arg14[%dma_start3A_221, %dma_start3A_222] : memref<10240x128xf32, #tpu.memory_space<vmem_shared>> -> memref<10240x128xf32, #tpu.memory_space<vmem_shared>>
        tpu.enqueue_indirect_dma source(%dma_start3A_217 : memref<16x128xf32, #tpu.memory_space<vmem>>) target(%dma_start3A_223 : memref<10240x128xf32, #tpu.memory_space<vmem_shared>>) offsets(%dma_start3A_220 : memref<16xi32, #tpu.memory_space<vmem>>) semaphore(%arg16 : memref<!tpu.dma_semaphore, #tpu.memory_space<semaphore_mem>>) {add = true}
        %add3A_224 = arith.constant 64 : i32
        %add3A_225 = arith.addi %mul3A_53, %add3A_224 : i32
        %add3A_226 = arith.constant 4 : i32
        %add3A_227 = arith.addi %mul3A_69, %add3A_226 : i32
        %dma_start3A_228 = arith.constant 0 : i32
        %dma_start3A_229 = tpu.memref_slice %arg12[%add3A_225, %dma_start3A_228] : memref<256x128xf32, #tpu.memory_space<vmem>> -> memref<16x128xf32, #tpu.memory_space<vmem>>
        %dma_start3A_230 = arith.constant 0 : i32
        %dma_start3A_231 = tpu.memref_slice %arg9[%add3A_227, %dma_start3A_230] : memref<24x16xi32, #tpu.memory_space<vmem>> -> memref<1x16xi32, #tpu.memory_space<vmem>>
        %dma_start3A_232 = tpu.memref_squeeze %dma_start3A_231 : memref<1x16xi32, #tpu.memory_space<vmem>> -> memref<16xi32, #tpu.memory_space<vmem>>
        %dma_start3A_233 = arith.constant 0 : i32
        %dma_start3A_234 = arith.constant 0 : i32
        %dma_start3A_235 = tpu.memref_slice %arg14[%dma_start3A_233, %dma_start3A_234] : memref<10240x128xf32, #tpu.memory_space<vmem_shared>> -> memref<10240x128xf32, #tpu.memory_space<vmem_shared>>
        tpu.enqueue_indirect_dma source(%dma_start3A_229 : memref<16x128xf32, #tpu.memory_space<vmem>>) target(%dma_start3A_235 : memref<10240x128xf32, #tpu.memory_space<vmem_shared>>) offsets(%dma_start3A_232 : memref<16xi32, #tpu.memory_space<vmem>>) semaphore(%arg16 : memref<!tpu.dma_semaphore, #tpu.memory_space<semaphore_mem>>) {add = true}
        %add3A_236 = arith.constant 80 : i32
        %add3A_237 = arith.addi %mul3A_53, %add3A_236 : i32
        %add3A_238 = arith.constant 5 : i32
        %add3A_239 = arith.addi %mul3A_69, %add3A_238 : i32
        %dma_start3A_240 = arith.constant 0 : i32
        %dma_start3A_241 = tpu.memref_slice %arg12[%add3A_237, %dma_start3A_240] : memref<256x128xf32, #tpu.memory_space<vmem>> -> memref<16x128xf32, #tpu.memory_space<vmem>>
        %dma_start3A_242 = arith.constant 0 : i32
        %dma_start3A_243 = tpu.memref_slice %arg9[%add3A_239, %dma_start3A_242] : memref<24x16xi32, #tpu.memory_space<vmem>> -> memref<1x16xi32, #tpu.memory_space<vmem>>
        %dma_start3A_244 = tpu.memref_squeeze %dma_start3A_243 : memref<1x16xi32, #tpu.memory_space<vmem>> -> memref<16xi32, #tpu.memory_space<vmem>>
        %dma_start3A_245 = arith.constant 0 : i32
        %dma_start3A_246 = arith.constant 0 : i32
        %dma_start3A_247 = tpu.memref_slice %arg14[%dma_start3A_245, %dma_start3A_246] : memref<10240x128xf32, #tpu.memory_space<vmem_shared>> -> memref<10240x128xf32, #tpu.memory_space<vmem_shared>>
        tpu.enqueue_indirect_dma source(%dma_start3A_241 : memref<16x128xf32, #tpu.memory_space<vmem>>) target(%dma_start3A_247 : memref<10240x128xf32, #tpu.memory_space<vmem_shared>>) offsets(%dma_start3A_244 : memref<16xi32, #tpu.memory_space<vmem>>) semaphore(%arg16 : memref<!tpu.dma_semaphore, #tpu.memory_space<semaphore_mem>>) {add = true}
        %add3A_248 = arith.constant 96 : i32
        %add3A_249 = arith.addi %mul3A_53, %add3A_248 : i32
        %add3A_250 = arith.constant 6 : i32
        %add3A_251 = arith.addi %mul3A_69, %add3A_250 : i32
        %dma_start3A_252 = arith.constant 0 : i32
        %dma_start3A_253 = tpu.memref_slice %arg12[%add3A_249, %dma_start3A_252] : memref<256x128xf32, #tpu.memory_space<vmem>> -> memref<16x128xf32, #tpu.memory_space<vmem>>
        %dma_start3A_254 = arith.constant 0 : i32
        %dma_start3A_255 = tpu.memref_slice %arg9[%add3A_251, %dma_start3A_254] : memref<24x16xi32, #tpu.memory_space<vmem>> -> memref<1x16xi32, #tpu.memory_space<vmem>>
        %dma_start3A_256 = tpu.memref_squeeze %dma_start3A_255 : memref<1x16xi32, #tpu.memory_space<vmem>> -> memref<16xi32, #tpu.memory_space<vmem>>
        %dma_start3A_257 = arith.constant 0 : i32
        %dma_start3A_258 = arith.constant 0 : i32
        %dma_start3A_259 = tpu.memref_slice %arg14[%dma_start3A_257, %dma_start3A_258] : memref<10240x128xf32, #tpu.memory_space<vmem_shared>> -> memref<10240x128xf32, #tpu.memory_space<vmem_shared>>
        tpu.enqueue_indirect_dma source(%dma_start3A_253 : memref<16x128xf32, #tpu.memory_space<vmem>>) target(%dma_start3A_259 : memref<10240x128xf32, #tpu.memory_space<vmem_shared>>) offsets(%dma_start3A_256 : memref<16xi32, #tpu.memory_space<vmem>>) semaphore(%arg16 : memref<!tpu.dma_semaphore, #tpu.memory_space<semaphore_mem>>) {add = true}
        %add3A_260 = arith.constant 112 : i32
        %add3A_261 = arith.addi %mul3A_53, %add3A_260 : i32
        %add3A_262 = arith.constant 7 : i32
        %add3A_263 = arith.addi %mul3A_69, %add3A_262 : i32
        %dma_start3A_264 = arith.constant 0 : i32
        %dma_start3A_265 = tpu.memref_slice %arg12[%add3A_261, %dma_start3A_264] : memref<256x128xf32, #tpu.memory_space<vmem>> -> memref<16x128xf32, #tpu.memory_space<vmem>>
        %dma_start3A_266 = arith.constant 0 : i32
        %dma_start3A_267 = tpu.memref_slice %arg9[%add3A_263, %dma_start3A_266] : memref<24x16xi32, #tpu.memory_space<vmem>> -> memref<1x16xi32, #tpu.memory_space<vmem>>
        %dma_start3A_268 = tpu.memref_squeeze %dma_start3A_267 : memref<1x16xi32, #tpu.memory_space<vmem>> -> memref<16xi32, #tpu.memory_space<vmem>>
        %dma_start3A_269 = arith.constant 0 : i32
        %dma_start3A_270 = arith.constant 0 : i32
        %dma_start3A_271 = tpu.memref_slice %arg14[%dma_start3A_269, %dma_start3A_270] : memref<10240x128xf32, #tpu.memory_space<vmem_shared>> -> memref<10240x128xf32, #tpu.memory_space<vmem_shared>>
        tpu.enqueue_indirect_dma source(%dma_start3A_265 : memref<16x128xf32, #tpu.memory_space<vmem>>) target(%dma_start3A_271 : memref<10240x128xf32, #tpu.memory_space<vmem_shared>>) offsets(%dma_start3A_268 : memref<16xi32, #tpu.memory_space<vmem>>) semaphore(%arg16 : memref<!tpu.dma_semaphore, #tpu.memory_space<semaphore_mem>>) {add = true}
      } else {
      }
      %add3A_82 = arith.constant 1 : i32
      %add3A_83 = arith.addi %scan3A_44, %add3A_82 : i32
      %lt3A_84 = arith.constant 79 : i32
      %lt3A_85 = arith.cmpi slt, %add3A_83, %lt3A_84 : i32
      %convert_element_type3A_86 = arith.extui %lt3A_85 : i1 to i32
      %cond3A_87 = arith.constant 0 : i32
      %cond3A_88 = arith.cmpi ne, %convert_element_type3A_86, %cond3A_87 : i32
      scf.if %cond3A_88 {
        %add3A_89 = arith.constant 1 : i32
        %add3A_90 = arith.addi %scan3A_44, %add3A_89 : i32
        %mul3A_91 = arith.constant 8 : i32
        %mul3A_92 = arith.muli %add3A_90, %mul3A_91 : i32
        %add3A_93 = arith.addi %mul3A_6, %mul3A_92 : i32
        %dma_start3A_94 = arith.constant 0 : i32
        %dma_start3A_95 = tpu.memref_slice %arg8[%mul3A_63, %dma_start3A_94] : memref<24x16xi32, #tpu.memory_space<vmem>> -> memref<8x16xi32, #tpu.memory_space<vmem>>
        %dma_start3A_96 = arith.constant 0 : i32
        %dma_start3A_97 = tpu.memref_slice %arg3[%add3A_93, %dma_start3A_96] : memref<20224x16xi32, #tpu.memory_space<hbm>> -> memref<8x16xi32, #tpu.memory_space<hbm>>
        %dma_start3A_98 = arith.constant 0 : i32
        %dma_start3A_99 = tpu.memref_slice %arg8[%mul3A_63, %dma_start3A_98] : memref<24x16xi32, #tpu.memory_space<vmem>> -> memref<8x16xi32, #tpu.memory_space<vmem>>
        %dma_start3A_100 = arith.constant 0 : i32
        %dma_start3A_101 = tpu.memref_slice %arg3[%add3A_93, %dma_start3A_100] : memref<20224x16xi32, #tpu.memory_space<hbm>> -> memref<8x16xi32, #tpu.memory_space<hbm>>
        tpu.enqueue_dma source(%dma_start3A_101 : memref<8x16xi32, #tpu.memory_space<hbm>>) target(%dma_start3A_99 : memref<8x16xi32, #tpu.memory_space<vmem>>) target_semaphore(%arg17 : memref<!tpu.dma_semaphore, #tpu.memory_space<semaphore_mem>>)
        %dma_start3A_102 = arith.constant 0 : i32
        %dma_start3A_103 = tpu.memref_slice %arg9[%mul3A_63, %dma_start3A_102] : memref<24x16xi32, #tpu.memory_space<vmem>> -> memref<8x16xi32, #tpu.memory_space<vmem>>
        %dma_start3A_104 = arith.constant 0 : i32
        %dma_start3A_105 = tpu.memref_slice %arg4[%add3A_93, %dma_start3A_104] : memref<20224x16xi32, #tpu.memory_space<hbm>> -> memref<8x16xi32, #tpu.memory_space<hbm>>
        %dma_start3A_106 = arith.constant 0 : i32
        %dma_start3A_107 = tpu.memref_slice %arg9[%mul3A_63, %dma_start3A_106] : memref<24x16xi32, #tpu.memory_space<vmem>> -> memref<8x16xi32, #tpu.memory_space<vmem>>
        %dma_start3A_108 = arith.constant 0 : i32
        %dma_start3A_109 = tpu.memref_slice %arg4[%add3A_93, %dma_start3A_108] : memref<20224x16xi32, #tpu.memory_space<hbm>> -> memref<8x16xi32, #tpu.memory_space<hbm>>
        tpu.enqueue_dma source(%dma_start3A_109 : memref<8x16xi32, #tpu.memory_space<hbm>>) target(%dma_start3A_107 : memref<8x16xi32, #tpu.memory_space<vmem>>) target_semaphore(%arg17 : memref<!tpu.dma_semaphore, #tpu.memory_space<semaphore_mem>>)
      } else {
      }
    }
    %scan3A_36 = arith.constant 81 : i32
    %barrier3A_37 = arith.constant 0 : index
    tpu.barrier barrier_id(%barrier3A_37)
    %scan3A_38 = arith.constant 0 : i32
    %scan3A_39 = arith.constant 0 : i32
    %scan3A_40 = arith.constant 40 : i32
    %scan3A_41 = arith.addi %scan3A_39, %scan3A_40 : i32
    %scan3A_42 = arith.constant 1 : i32
    scf.for %scan3A_44 = %scan3A_39 to %scan3A_41 step %scan3A_42  : i32 {
      %dma_start3A_45 = arith.constant 0 : i32
      %dma_start3A_46 = tpu.memref_slice %arg11[%scan3A_44, %dma_start3A_45] : memref<40x16xi32, #tpu.memory_space<vmem>> -> memref<1x16xi32, #tpu.memory_space<vmem>>
      %dma_start3A_47 = tpu.memref_squeeze %dma_start3A_46 : memref<1x16xi32, #tpu.memory_space<vmem>> -> memref<16xi32, #tpu.memory_space<vmem>>
      %dma_start3A_48 = arith.constant 0 : i32
      %dma_start3A_49 = arith.constant 0 : i32
      %dma_start3A_50 = tpu.memref_slice %arg14[%dma_start3A_48, %dma_start3A_49] : memref<10240x128xf32, #tpu.memory_space<vmem_shared>> -> memref<10240x128xf32, #tpu.memory_space<vmem_shared>>
      tpu.enqueue_indirect_dma source(%dma_start3A_50 : memref<10240x128xf32, #tpu.memory_space<vmem_shared>>) target(%arg13 : memref<16x128xf32, #tpu.memory_space<vmem>>) offsets(%dma_start3A_47 : memref<16xi32, #tpu.memory_space<vmem>>) semaphore(%arg15 : memref<!tpu.dma_semaphore, #tpu.memory_space<semaphore_mem>>)
      %dma_wait3A = arith.constant 0 : i32
      %dma_wait3A_51 = tpu.memref_slice %arg11[%scan3A_44, %dma_wait3A] : memref<40x16xi32, #tpu.memory_space<vmem>> -> memref<1x16xi32, #tpu.memory_space<vmem>>
      %dma_wait3A_52 = tpu.memref_squeeze %dma_wait3A_51 : memref<1x16xi32, #tpu.memory_space<vmem>> -> memref<16xi32, #tpu.memory_space<vmem>>
      %dma_wait3A_53 = arith.constant 0 : i32
      %dma_wait3A_54 = arith.constant 0 : i32
      %dma_wait3A_55 = tpu.memref_slice %arg14[%dma_wait3A_53, %dma_wait3A_54] : memref<10240x128xf32, #tpu.memory_space<vmem_shared>> -> memref<10240x128xf32, #tpu.memory_space<vmem_shared>>
      tpu.wait_indirect_dma semaphore(%arg15 : memref<!tpu.dma_semaphore, #tpu.memory_space<semaphore_mem>>) src(%dma_wait3A_55 : memref<10240x128xf32, #tpu.memory_space<vmem_shared>>) dst(%arg13 : memref<16x128xf32, #tpu.memory_space<vmem>>)
      %add3A_56 = arith.addi %mul3A_2, %scan3A_44 : i32
      %mul3A_57 = arith.constant 16 : i32
      %mul3A_58 = arith.muli %add3A_56, %mul3A_57 : i32
      "tpu.region"() ({
        %run_scoped3A = tpu.sem_alloc : memref<!tpu.dma_semaphore, #tpu.memory_space<semaphore_mem>>
        %dma_start3A_59 = arith.constant 0 : i32
        %dma_start3A_60 = tpu.memref_slice %arg7[%arg0, %mul3A_58, %dma_start3A_59] : memref<2x10240x128xf32, #tpu.memory_space<hbm>> -> memref<1x16x128xf32, #tpu.memory_space<hbm>>
        %dma_start3A_61 = tpu.memref_squeeze %dma_start3A_60 : memref<1x16x128xf32, #tpu.memory_space<hbm>> -> memref<16x128xf32, #tpu.memory_space<hbm>>
        %dma_start3A_62 = arith.constant 0 : i32
        %dma_start3A_63 = tpu.memref_slice %arg7[%arg0, %mul3A_58, %dma_start3A_62] : memref<2x10240x128xf32, #tpu.memory_space<hbm>> -> memref<1x16x128xf32, #tpu.memory_space<hbm>>
        %dma_start3A_64 = tpu.memref_squeeze %dma_start3A_63 : memref<1x16x128xf32, #tpu.memory_space<hbm>> -> memref<16x128xf32, #tpu.memory_space<hbm>>
        tpu.enqueue_dma source(%arg13 : memref<16x128xf32, #tpu.memory_space<vmem>>) target(%dma_start3A_64 : memref<16x128xf32, #tpu.memory_space<hbm>>) target_semaphore(%run_scoped3A : memref<!tpu.dma_semaphore, #tpu.memory_space<semaphore_mem>>)
        %dma_wait3A_65 = arith.constant 0 : i32
        %dma_wait3A_66 = tpu.memref_slice %arg7[%arg0, %mul3A_58, %dma_wait3A_65] : memref<2x10240x128xf32, #tpu.memory_space<hbm>> -> memref<1x16x128xf32, #tpu.memory_space<hbm>>
        %dma_wait3A_67 = tpu.memref_squeeze %dma_wait3A_66 : memref<1x16x128xf32, #tpu.memory_space<hbm>> -> memref<16x128xf32, #tpu.memory_space<hbm>>
        %dma_wait3A_68 = arith.constant 0 : i32
        %dma_wait3A_69 = tpu.memref_slice %arg7[%arg0, %mul3A_58, %dma_wait3A_68] : memref<2x10240x128xf32, #tpu.memory_space<hbm>> -> memref<1x16x128xf32, #tpu.memory_space<hbm>>
        %dma_wait3A_70 = tpu.memref_squeeze %dma_wait3A_69 : memref<1x16x128xf32, #tpu.memory_space<hbm>> -> memref<16x128xf32, #tpu.memory_space<hbm>>
        tpu.wait_dma2 semaphore(%run_scoped3A : memref<!tpu.dma_semaphore, #tpu.memory_space<semaphore_mem>>) src(%arg13 : memref<16x128xf32, #tpu.memory_space<vmem>>) dst(%dma_wait3A_70 : memref<16x128xf32, #tpu.memory_space<hbm>>)
        tpu.yield
      }) : () -> ()
    }
    %scan3A_43 = arith.constant 40 : i32
    return
  }
}

#map = affine_map<(d0, d1) -> (0, 0)>
#map1 = affine_map<(d0, d1) -> (0, 0, 0)>
module attributes {stable_mosaic.version = 14 : i64} {
  func.func @_sc_agg_body(%arg0: i32, %arg1: i32, %arg2: memref<10240x128xf32, #tpu.memory_space<hbm>>, %arg3: memref<20224x16xi32, #tpu.memory_space<hbm>>, %arg4: memref<20224x16xi32, #tpu.memory_space<hbm>>, %arg5: memref<16x128xf32, #tpu.memory_space<hbm>>, %arg6: memref<640x16xi32, #tpu.memory_space<hbm>>, %arg7: memref<2x10240x128xf32, #tpu.memory_space<hbm>>, %arg8: memref<24x16xi32, #tpu.memory_space<vmem>>, %arg9: memref<24x16xi32, #tpu.memory_space<vmem>>, %arg10: memref<16x128xf32, #tpu.memory_space<vmem>>, %arg11: memref<40x16xi32, #tpu.memory_space<vmem>>, %arg12: memref<256x128xf32, #tpu.memory_space<vmem>>, %arg13: memref<16x128xf32, #tpu.memory_space<vmem>>, %arg14: memref<10240x128xf32, #tpu.memory_space<vmem_shared>>, %arg15: memref<!tpu.dma_semaphore, #tpu.memory_space<semaphore_mem>>, %arg16: memref<!tpu.dma_semaphore, #tpu.memory_space<semaphore_mem>>, %arg17: memref<!tpu.dma_semaphore, #tpu.memory_space<semaphore_mem>>) attributes {dimension_semantics = [#tpu.dimension_semantics<core_parallel>, #tpu.dimension_semantics<subcore_parallel>], iteration_bounds = array<i64: 2, 16>, scalar_prefetch = 0 : i64, scratch_operands = 10 : i64, tpu.core_type = #tpu.core_type<sc_vector_subcore>, window_params = [{transform_indices = #map}, {transform_indices = #map}, {transform_indices = #map}, {transform_indices = #map}, {transform_indices = #map}, {transform_indices = #map1}]} {
    %mul3A = arith.constant 2 : i32
    %mul3A_0 = arith.muli %arg1, %mul3A : i32
    %add3A = arith.addi %mul3A_0, %arg0 : i32
    %mul3A_1 = arith.constant 40 : i32
    %mul3A_2 = arith.muli %arg1, %mul3A_1 : i32
    "tpu.region"() ({
      %run_scoped3A = tpu.sem_alloc : memref<!tpu.dma_semaphore, #tpu.memory_space<semaphore_mem>>
      tpu.enqueue_dma source(%arg5 : memref<16x128xf32, #tpu.memory_space<hbm>>) target(%arg10 : memref<16x128xf32, #tpu.memory_space<vmem>>) target_semaphore(%run_scoped3A : memref<!tpu.dma_semaphore, #tpu.memory_space<semaphore_mem>>)
      tpu.wait_dma2 semaphore(%run_scoped3A : memref<!tpu.dma_semaphore, #tpu.memory_space<semaphore_mem>>) src(%arg5 : memref<16x128xf32, #tpu.memory_space<hbm>>) dst(%arg10 : memref<16x128xf32, #tpu.memory_space<vmem>>)
      tpu.yield
    }) : () -> ()
    "tpu.region"() ({
      %run_scoped3A = tpu.sem_alloc : memref<!tpu.dma_semaphore, #tpu.memory_space<semaphore_mem>>
      %dma_start3A_44 = arith.constant 0 : i32
      %dma_start3A_45 = tpu.memref_slice %arg6[%mul3A_2, %dma_start3A_44] : memref<640x16xi32, #tpu.memory_space<hbm>> -> memref<40x16xi32, #tpu.memory_space<hbm>>
      %dma_start3A_46 = arith.constant 0 : i32
      %dma_start3A_47 = tpu.memref_slice %arg6[%mul3A_2, %dma_start3A_46] : memref<640x16xi32, #tpu.memory_space<hbm>> -> memref<40x16xi32, #tpu.memory_space<hbm>>
      tpu.enqueue_dma source(%dma_start3A_47 : memref<40x16xi32, #tpu.memory_space<hbm>>) target(%arg11 : memref<40x16xi32, #tpu.memory_space<vmem>>) target_semaphore(%run_scoped3A : memref<!tpu.dma_semaphore, #tpu.memory_space<semaphore_mem>>)
      %dma_wait3A = arith.constant 0 : i32
      %dma_wait3A_48 = tpu.memref_slice %arg6[%mul3A_2, %dma_wait3A] : memref<640x16xi32, #tpu.memory_space<hbm>> -> memref<40x16xi32, #tpu.memory_space<hbm>>
      %dma_wait3A_49 = arith.constant 0 : i32
      %dma_wait3A_50 = tpu.memref_slice %arg6[%mul3A_2, %dma_wait3A_49] : memref<640x16xi32, #tpu.memory_space<hbm>> -> memref<40x16xi32, #tpu.memory_space<hbm>>
      tpu.wait_dma2 semaphore(%run_scoped3A : memref<!tpu.dma_semaphore, #tpu.memory_space<semaphore_mem>>) src(%dma_wait3A_50 : memref<40x16xi32, #tpu.memory_space<hbm>>) dst(%arg11 : memref<40x16xi32, #tpu.memory_space<vmem>>)
      tpu.yield
    }) : () -> ()
    %mul3A_3 = arith.constant 79 : i32
    %mul3A_4 = arith.muli %add3A, %mul3A_3 : i32
    %mul3A_5 = arith.constant 8 : i32
    %mul3A_6 = arith.muli %mul3A_4, %mul3A_5 : i32
    %scan3A = arith.constant 0 : i32
    %scan3A_7 = arith.constant 0 : i32
    %scan3A_8 = arith.constant 40 : i32
    %scan3A_9 = arith.addi %scan3A_7, %scan3A_8 : i32
    %scan3A_10 = arith.constant 1 : i32
    scf.for %scan3A_44 = %scan3A_7 to %scan3A_9 step %scan3A_10  : i32 {
      "tpu.region"() ({
        %run_scoped3A = tpu.sem_alloc : memref<!tpu.dma_semaphore, #tpu.memory_space<semaphore_mem>>
        %dma_start3A_45 = arith.constant 0 : i32
        %dma_start3A_46 = tpu.memref_slice %arg11[%scan3A_44, %dma_start3A_45] : memref<40x16xi32, #tpu.memory_space<vmem>> -> memref<1x16xi32, #tpu.memory_space<vmem>>
        %dma_start3A_47 = tpu.memref_squeeze %dma_start3A_46 : memref<1x16xi32, #tpu.memory_space<vmem>> -> memref<16xi32, #tpu.memory_space<vmem>>
        %dma_start3A_48 = arith.constant 0 : i32
        %dma_start3A_49 = arith.constant 0 : i32
        %dma_start3A_50 = tpu.memref_slice %arg14[%dma_start3A_48, %dma_start3A_49] : memref<10240x128xf32, #tpu.memory_space<vmem_shared>> -> memref<10240x128xf32, #tpu.memory_space<vmem_shared>>
        tpu.enqueue_indirect_dma source(%arg10 : memref<16x128xf32, #tpu.memory_space<vmem>>) target(%dma_start3A_50 : memref<10240x128xf32, #tpu.memory_space<vmem_shared>>) offsets(%dma_start3A_47 : memref<16xi32, #tpu.memory_space<vmem>>) semaphore(%run_scoped3A : memref<!tpu.dma_semaphore, #tpu.memory_space<semaphore_mem>>)
        %dma_wait3A = arith.constant 0 : i32
        %dma_wait3A_51 = tpu.memref_slice %arg11[%scan3A_44, %dma_wait3A] : memref<40x16xi32, #tpu.memory_space<vmem>> -> memref<1x16xi32, #tpu.memory_space<vmem>>
        %dma_wait3A_52 = tpu.memref_squeeze %dma_wait3A_51 : memref<1x16xi32, #tpu.memory_space<vmem>> -> memref<16xi32, #tpu.memory_space<vmem>>
        %dma_wait3A_53 = arith.constant 0 : i32
        %dma_wait3A_54 = arith.constant 0 : i32
        %dma_wait3A_55 = tpu.memref_slice %arg14[%dma_wait3A_53, %dma_wait3A_54] : memref<10240x128xf32, #tpu.memory_space<vmem_shared>> -> memref<10240x128xf32, #tpu.memory_space<vmem_shared>>
        tpu.wait_indirect_dma semaphore(%run_scoped3A : memref<!tpu.dma_semaphore, #tpu.memory_space<semaphore_mem>>) src(%arg10 : memref<16x128xf32, #tpu.memory_space<vmem>>) dst(%dma_wait3A_55 : memref<10240x128xf32, #tpu.memory_space<vmem_shared>>)
        tpu.yield
      }) : () -> ()
    }
    %scan3A_11 = arith.constant 40 : i32
    %dma_start3A = arith.constant 0 : i32
    %dma_start3A_12 = arith.constant 0 : i32
    %dma_start3A_13 = tpu.memref_slice %arg8[%dma_start3A, %dma_start3A_12] : memref<24x16xi32, #tpu.memory_space<vmem>> -> memref<8x16xi32, #tpu.memory_space<vmem>>
    %dma_start3A_14 = arith.constant 0 : i32
    %dma_start3A_15 = tpu.memref_slice %arg3[%mul3A_6, %dma_start3A_14] : memref<20224x16xi32, #tpu.memory_space<hbm>> -> memref<8x16xi32, #tpu.memory_space<hbm>>
    %dma_start3A_16 = arith.constant 0 : i32
    %dma_start3A_17 = arith.constant 0 : i32
    %dma_start3A_18 = tpu.memref_slice %arg8[%dma_start3A_16, %dma_start3A_17] : memref<24x16xi32, #tpu.memory_space<vmem>> -> memref<8x16xi32, #tpu.memory_space<vmem>>
    %dma_start3A_19 = arith.constant 0 : i32
    %dma_start3A_20 = tpu.memref_slice %arg3[%mul3A_6, %dma_start3A_19] : memref<20224x16xi32, #tpu.memory_space<hbm>> -> memref<8x16xi32, #tpu.memory_space<hbm>>
    tpu.enqueue_dma source(%dma_start3A_20 : memref<8x16xi32, #tpu.memory_space<hbm>>) target(%dma_start3A_18 : memref<8x16xi32, #tpu.memory_space<vmem>>) target_semaphore(%arg17 : memref<!tpu.dma_semaphore, #tpu.memory_space<semaphore_mem>>)
    %dma_start3A_21 = arith.constant 0 : i32
    %dma_start3A_22 = arith.constant 0 : i32
    %dma_start3A_23 = tpu.memref_slice %arg9[%dma_start3A_21, %dma_start3A_22] : memref<24x16xi32, #tpu.memory_space<vmem>> -> memref<8x16xi32, #tpu.memory_space<vmem>>
    %dma_start3A_24 = arith.constant 0 : i32
    %dma_start3A_25 = tpu.memref_slice %arg4[%mul3A_6, %dma_start3A_24] : memref<20224x16xi32, #tpu.memory_space<hbm>> -> memref<8x16xi32, #tpu.memory_space<hbm>>
    %dma_start3A_26 = arith.constant 0 : i32
    %dma_start3A_27 = arith.constant 0 : i32
    %dma_start3A_28 = tpu.memref_slice %arg9[%dma_start3A_26, %dma_start3A_27] : memref<24x16xi32, #tpu.memory_space<vmem>> -> memref<8x16xi32, #tpu.memory_space<vmem>>
    %dma_start3A_29 = arith.constant 0 : i32
    %dma_start3A_30 = tpu.memref_slice %arg4[%mul3A_6, %dma_start3A_29] : memref<20224x16xi32, #tpu.memory_space<hbm>> -> memref<8x16xi32, #tpu.memory_space<hbm>>
    tpu.enqueue_dma source(%dma_start3A_30 : memref<8x16xi32, #tpu.memory_space<hbm>>) target(%dma_start3A_28 : memref<8x16xi32, #tpu.memory_space<vmem>>) target_semaphore(%arg17 : memref<!tpu.dma_semaphore, #tpu.memory_space<semaphore_mem>>)
    %barrier3A = arith.constant 0 : index
    tpu.barrier barrier_id(%barrier3A)
    %scan3A_31 = arith.constant 0 : i32
    %scan3A_32 = arith.constant 0 : i32
    %scan3A_33 = arith.constant 81 : i32
    %scan3A_34 = arith.addi %scan3A_32, %scan3A_33 : i32
    %scan3A_35 = arith.constant 1 : i32
    scf.for %scan3A_44 = %scan3A_32 to %scan3A_34 step %scan3A_35  : i32 {
      %rem3A = arith.constant 2 : i32
      %rem3A_45 = arith.remsi %scan3A_44, %rem3A : i32
      %mul3A_46 = arith.constant 128 : i32
      %mul3A_47 = arith.muli %rem3A_45, %mul3A_46 : i32
      %add3A_48 = arith.constant 1 : i32
      %add3A_49 = arith.addi %scan3A_44, %add3A_48 : i32
      %rem3A_50 = arith.constant 2 : i32
      %rem3A_51 = arith.remsi %add3A_49, %rem3A_50 : i32
      %mul3A_52 = arith.constant 128 : i32
      %mul3A_53 = arith.muli %rem3A_51, %mul3A_52 : i32
      %rem3A_54 = arith.constant 3 : i32
      %rem3A_55 = arith.remsi %scan3A_44, %rem3A_54 : i32
      %mul3A_56 = arith.constant 8 : i32
      %mul3A_57 = arith.muli %rem3A_55, %mul3A_56 : i32
      %add3A_58 = arith.constant 1 : i32
      %add3A_59 = arith.addi %scan3A_44, %add3A_58 : i32
      %rem3A_60 = arith.constant 3 : i32
      %rem3A_61 = arith.remsi %add3A_59, %rem3A_60 : i32
      %mul3A_62 = arith.constant 8 : i32
      %mul3A_63 = arith.muli %rem3A_61, %mul3A_62 : i32
      %add3A_64 = arith.constant 2 : i32
      %add3A_65 = arith.addi %scan3A_44, %add3A_64 : i32
      %rem3A_66 = arith.constant 3 : i32
      %rem3A_67 = arith.remsi %add3A_65, %rem3A_66 : i32
      %mul3A_68 = arith.constant 8 : i32
      %mul3A_69 = arith.muli %rem3A_67, %mul3A_68 : i32
      %ge3A = arith.constant 2 : i32
      %ge3A_70 = arith.cmpi sge, %scan3A_44, %ge3A : i32
      %convert_element_type3A = arith.extui %ge3A_70 : i1 to i32
      %cond3A = arith.constant 0 : i32
      %cond3A_71 = arith.cmpi ne, %convert_element_type3A, %cond3A : i32
      scf.if %cond3A_71 {
        %add3A_89 = arith.constant 0 : i32
        %add3A_90 = arith.addi %mul3A_47, %add3A_89 : i32
        %dma_wait3A = arith.constant 0 : i32
        %dma_wait3A_91 = arith.constant 0 : i32
        %dma_wait3A_92 = tpu.memref_slice %arg12[%add3A_90, %dma_wait3A_91] : memref<256x128xf32, #tpu.memory_space<vmem>> -> memref<16x128xf32, #tpu.memory_space<vmem>>
        %dma_wait3A_93 = arith.constant 0 : i32
        %dma_wait3A_94 = tpu.memref_slice %arg11[%dma_wait3A, %dma_wait3A_93] : memref<40x16xi32, #tpu.memory_space<vmem>> -> memref<1x16xi32, #tpu.memory_space<vmem>>
        %dma_wait3A_95 = tpu.memref_squeeze %dma_wait3A_94 : memref<1x16xi32, #tpu.memory_space<vmem>> -> memref<16xi32, #tpu.memory_space<vmem>>
        %dma_wait3A_96 = arith.constant 0 : i32
        %dma_wait3A_97 = arith.constant 0 : i32
        %dma_wait3A_98 = tpu.memref_slice %arg14[%dma_wait3A_96, %dma_wait3A_97] : memref<10240x128xf32, #tpu.memory_space<vmem_shared>> -> memref<10240x128xf32, #tpu.memory_space<vmem_shared>>
        tpu.wait_indirect_dma semaphore(%arg16 : memref<!tpu.dma_semaphore, #tpu.memory_space<semaphore_mem>>) src(%dma_wait3A_92 : memref<16x128xf32, #tpu.memory_space<vmem>>) dst(%dma_wait3A_98 : memref<10240x128xf32, #tpu.memory_space<vmem_shared>>)
        %add3A_99 = arith.constant 16 : i32
        %add3A_100 = arith.addi %mul3A_47, %add3A_99 : i32
        %dma_wait3A_101 = arith.constant 0 : i32
        %dma_wait3A_102 = arith.constant 0 : i32
        %dma_wait3A_103 = tpu.memref_slice %arg12[%add3A_100, %dma_wait3A_102] : memref<256x128xf32, #tpu.memory_space<vmem>> -> memref<16x128xf32, #tpu.memory_space<vmem>>
        %dma_wait3A_104 = arith.constant 0 : i32
        %dma_wait3A_105 = tpu.memref_slice %arg11[%dma_wait3A_101, %dma_wait3A_104] : memref<40x16xi32, #tpu.memory_space<vmem>> -> memref<1x16xi32, #tpu.memory_space<vmem>>
        %dma_wait3A_106 = tpu.memref_squeeze %dma_wait3A_105 : memref<1x16xi32, #tpu.memory_space<vmem>> -> memref<16xi32, #tpu.memory_space<vmem>>
        %dma_wait3A_107 = arith.constant 0 : i32
        %dma_wait3A_108 = arith.constant 0 : i32
        %dma_wait3A_109 = tpu.memref_slice %arg14[%dma_wait3A_107, %dma_wait3A_108] : memref<10240x128xf32, #tpu.memory_space<vmem_shared>> -> memref<10240x128xf32, #tpu.memory_space<vmem_shared>>
        tpu.wait_indirect_dma semaphore(%arg16 : memref<!tpu.dma_semaphore, #tpu.memory_space<semaphore_mem>>) src(%dma_wait3A_103 : memref<16x128xf32, #tpu.memory_space<vmem>>) dst(%dma_wait3A_109 : memref<10240x128xf32, #tpu.memory_space<vmem_shared>>)
        %add3A_110 = arith.constant 32 : i32
        %add3A_111 = arith.addi %mul3A_47, %add3A_110 : i32
        %dma_wait3A_112 = arith.constant 0 : i32
        %dma_wait3A_113 = arith.constant 0 : i32
        %dma_wait3A_114 = tpu.memref_slice %arg12[%add3A_111, %dma_wait3A_113] : memref<256x128xf32, #tpu.memory_space<vmem>> -> memref<16x128xf32, #tpu.memory_space<vmem>>
        %dma_wait3A_115 = arith.constant 0 : i32
        %dma_wait3A_116 = tpu.memref_slice %arg11[%dma_wait3A_112, %dma_wait3A_115] : memref<40x16xi32, #tpu.memory_space<vmem>> -> memref<1x16xi32, #tpu.memory_space<vmem>>
        %dma_wait3A_117 = tpu.memref_squeeze %dma_wait3A_116 : memref<1x16xi32, #tpu.memory_space<vmem>> -> memref<16xi32, #tpu.memory_space<vmem>>
        %dma_wait3A_118 = arith.constant 0 : i32
        %dma_wait3A_119 = arith.constant 0 : i32
        %dma_wait3A_120 = tpu.memref_slice %arg14[%dma_wait3A_118, %dma_wait3A_119] : memref<10240x128xf32, #tpu.memory_space<vmem_shared>> -> memref<10240x128xf32, #tpu.memory_space<vmem_shared>>
        tpu.wait_indirect_dma semaphore(%arg16 : memref<!tpu.dma_semaphore, #tpu.memory_space<semaphore_mem>>) src(%dma_wait3A_114 : memref<16x128xf32, #tpu.memory_space<vmem>>) dst(%dma_wait3A_120 : memref<10240x128xf32, #tpu.memory_space<vmem_shared>>)
        %add3A_121 = arith.constant 48 : i32
        %add3A_122 = arith.addi %mul3A_47, %add3A_121 : i32
        %dma_wait3A_123 = arith.constant 0 : i32
        %dma_wait3A_124 = arith.constant 0 : i32
        %dma_wait3A_125 = tpu.memref_slice %arg12[%add3A_122, %dma_wait3A_124] : memref<256x128xf32, #tpu.memory_space<vmem>> -> memref<16x128xf32, #tpu.memory_space<vmem>>
        %dma_wait3A_126 = arith.constant 0 : i32
        %dma_wait3A_127 = tpu.memref_slice %arg11[%dma_wait3A_123, %dma_wait3A_126] : memref<40x16xi32, #tpu.memory_space<vmem>> -> memref<1x16xi32, #tpu.memory_space<vmem>>
        %dma_wait3A_128 = tpu.memref_squeeze %dma_wait3A_127 : memref<1x16xi32, #tpu.memory_space<vmem>> -> memref<16xi32, #tpu.memory_space<vmem>>
        %dma_wait3A_129 = arith.constant 0 : i32
        %dma_wait3A_130 = arith.constant 0 : i32
        %dma_wait3A_131 = tpu.memref_slice %arg14[%dma_wait3A_129, %dma_wait3A_130] : memref<10240x128xf32, #tpu.memory_space<vmem_shared>> -> memref<10240x128xf32, #tpu.memory_space<vmem_shared>>
        tpu.wait_indirect_dma semaphore(%arg16 : memref<!tpu.dma_semaphore, #tpu.memory_space<semaphore_mem>>) src(%dma_wait3A_125 : memref<16x128xf32, #tpu.memory_space<vmem>>) dst(%dma_wait3A_131 : memref<10240x128xf32, #tpu.memory_space<vmem_shared>>)
        %add3A_132 = arith.constant 64 : i32
        %add3A_133 = arith.addi %mul3A_47, %add3A_132 : i32
        %dma_wait3A_134 = arith.constant 0 : i32
        %dma_wait3A_135 = arith.constant 0 : i32
        %dma_wait3A_136 = tpu.memref_slice %arg12[%add3A_133, %dma_wait3A_135] : memref<256x128xf32, #tpu.memory_space<vmem>> -> memref<16x128xf32, #tpu.memory_space<vmem>>
        %dma_wait3A_137 = arith.constant 0 : i32
        %dma_wait3A_138 = tpu.memref_slice %arg11[%dma_wait3A_134, %dma_wait3A_137] : memref<40x16xi32, #tpu.memory_space<vmem>> -> memref<1x16xi32, #tpu.memory_space<vmem>>
        %dma_wait3A_139 = tpu.memref_squeeze %dma_wait3A_138 : memref<1x16xi32, #tpu.memory_space<vmem>> -> memref<16xi32, #tpu.memory_space<vmem>>
        %dma_wait3A_140 = arith.constant 0 : i32
        %dma_wait3A_141 = arith.constant 0 : i32
        %dma_wait3A_142 = tpu.memref_slice %arg14[%dma_wait3A_140, %dma_wait3A_141] : memref<10240x128xf32, #tpu.memory_space<vmem_shared>> -> memref<10240x128xf32, #tpu.memory_space<vmem_shared>>
        tpu.wait_indirect_dma semaphore(%arg16 : memref<!tpu.dma_semaphore, #tpu.memory_space<semaphore_mem>>) src(%dma_wait3A_136 : memref<16x128xf32, #tpu.memory_space<vmem>>) dst(%dma_wait3A_142 : memref<10240x128xf32, #tpu.memory_space<vmem_shared>>)
        %add3A_143 = arith.constant 80 : i32
        %add3A_144 = arith.addi %mul3A_47, %add3A_143 : i32
        %dma_wait3A_145 = arith.constant 0 : i32
        %dma_wait3A_146 = arith.constant 0 : i32
        %dma_wait3A_147 = tpu.memref_slice %arg12[%add3A_144, %dma_wait3A_146] : memref<256x128xf32, #tpu.memory_space<vmem>> -> memref<16x128xf32, #tpu.memory_space<vmem>>
        %dma_wait3A_148 = arith.constant 0 : i32
        %dma_wait3A_149 = tpu.memref_slice %arg11[%dma_wait3A_145, %dma_wait3A_148] : memref<40x16xi32, #tpu.memory_space<vmem>> -> memref<1x16xi32, #tpu.memory_space<vmem>>
        %dma_wait3A_150 = tpu.memref_squeeze %dma_wait3A_149 : memref<1x16xi32, #tpu.memory_space<vmem>> -> memref<16xi32, #tpu.memory_space<vmem>>
        %dma_wait3A_151 = arith.constant 0 : i32
        %dma_wait3A_152 = arith.constant 0 : i32
        %dma_wait3A_153 = tpu.memref_slice %arg14[%dma_wait3A_151, %dma_wait3A_152] : memref<10240x128xf32, #tpu.memory_space<vmem_shared>> -> memref<10240x128xf32, #tpu.memory_space<vmem_shared>>
        tpu.wait_indirect_dma semaphore(%arg16 : memref<!tpu.dma_semaphore, #tpu.memory_space<semaphore_mem>>) src(%dma_wait3A_147 : memref<16x128xf32, #tpu.memory_space<vmem>>) dst(%dma_wait3A_153 : memref<10240x128xf32, #tpu.memory_space<vmem_shared>>)
        %add3A_154 = arith.constant 96 : i32
        %add3A_155 = arith.addi %mul3A_47, %add3A_154 : i32
        %dma_wait3A_156 = arith.constant 0 : i32
        %dma_wait3A_157 = arith.constant 0 : i32
        %dma_wait3A_158 = tpu.memref_slice %arg12[%add3A_155, %dma_wait3A_157] : memref<256x128xf32, #tpu.memory_space<vmem>> -> memref<16x128xf32, #tpu.memory_space<vmem>>
        %dma_wait3A_159 = arith.constant 0 : i32
        %dma_wait3A_160 = tpu.memref_slice %arg11[%dma_wait3A_156, %dma_wait3A_159] : memref<40x16xi32, #tpu.memory_space<vmem>> -> memref<1x16xi32, #tpu.memory_space<vmem>>
        %dma_wait3A_161 = tpu.memref_squeeze %dma_wait3A_160 : memref<1x16xi32, #tpu.memory_space<vmem>> -> memref<16xi32, #tpu.memory_space<vmem>>
        %dma_wait3A_162 = arith.constant 0 : i32
        %dma_wait3A_163 = arith.constant 0 : i32
        %dma_wait3A_164 = tpu.memref_slice %arg14[%dma_wait3A_162, %dma_wait3A_163] : memref<10240x128xf32, #tpu.memory_space<vmem_shared>> -> memref<10240x128xf32, #tpu.memory_space<vmem_shared>>
        tpu.wait_indirect_dma semaphore(%arg16 : memref<!tpu.dma_semaphore, #tpu.memory_space<semaphore_mem>>) src(%dma_wait3A_158 : memref<16x128xf32, #tpu.memory_space<vmem>>) dst(%dma_wait3A_164 : memref<10240x128xf32, #tpu.memory_space<vmem_shared>>)
        %add3A_165 = arith.constant 112 : i32
        %add3A_166 = arith.addi %mul3A_47, %add3A_165 : i32
        %dma_wait3A_167 = arith.constant 0 : i32
        %dma_wait3A_168 = arith.constant 0 : i32
        %dma_wait3A_169 = tpu.memref_slice %arg12[%add3A_166, %dma_wait3A_168] : memref<256x128xf32, #tpu.memory_space<vmem>> -> memref<16x128xf32, #tpu.memory_space<vmem>>
        %dma_wait3A_170 = arith.constant 0 : i32
        %dma_wait3A_171 = tpu.memref_slice %arg11[%dma_wait3A_167, %dma_wait3A_170] : memref<40x16xi32, #tpu.memory_space<vmem>> -> memref<1x16xi32, #tpu.memory_space<vmem>>
        %dma_wait3A_172 = tpu.memref_squeeze %dma_wait3A_171 : memref<1x16xi32, #tpu.memory_space<vmem>> -> memref<16xi32, #tpu.memory_space<vmem>>
        %dma_wait3A_173 = arith.constant 0 : i32
        %dma_wait3A_174 = arith.constant 0 : i32
        %dma_wait3A_175 = tpu.memref_slice %arg14[%dma_wait3A_173, %dma_wait3A_174] : memref<10240x128xf32, #tpu.memory_space<vmem_shared>> -> memref<10240x128xf32, #tpu.memory_space<vmem_shared>>
        tpu.wait_indirect_dma semaphore(%arg16 : memref<!tpu.dma_semaphore, #tpu.memory_space<semaphore_mem>>) src(%dma_wait3A_169 : memref<16x128xf32, #tpu.memory_space<vmem>>) dst(%dma_wait3A_175 : memref<10240x128xf32, #tpu.memory_space<vmem_shared>>)
      } else {
      }
      %lt3A = arith.constant 79 : i32
      %lt3A_72 = arith.cmpi slt, %scan3A_44, %lt3A : i32
      %convert_element_type3A_73 = arith.extui %lt3A_72 : i1 to i32
      %cond3A_74 = arith.constant 0 : i32
      %cond3A_75 = arith.cmpi ne, %convert_element_type3A_73, %cond3A_74 : i32
      scf.if %cond3A_75 {
        %dma_wait3A = arith.constant 0 : i32
        %dma_wait3A_89 = tpu.memref_slice %arg8[%mul3A_57, %dma_wait3A] : memref<24x16xi32, #tpu.memory_space<vmem>> -> memref<8x16xi32, #tpu.memory_space<vmem>>
        %dma_wait3A_90 = arith.constant 0 : i32
        %dma_wait3A_91 = tpu.memref_slice %arg3[%mul3A_6, %dma_wait3A_90] : memref<20224x16xi32, #tpu.memory_space<hbm>> -> memref<8x16xi32, #tpu.memory_space<hbm>>
        %dma_wait3A_92 = arith.constant 0 : i32
        %dma_wait3A_93 = tpu.memref_slice %arg8[%mul3A_57, %dma_wait3A_92] : memref<24x16xi32, #tpu.memory_space<vmem>> -> memref<8x16xi32, #tpu.memory_space<vmem>>
        %dma_wait3A_94 = arith.constant 0 : i32
        %dma_wait3A_95 = tpu.memref_slice %arg3[%mul3A_6, %dma_wait3A_94] : memref<20224x16xi32, #tpu.memory_space<hbm>> -> memref<8x16xi32, #tpu.memory_space<hbm>>
        tpu.wait_dma2 semaphore(%arg17 : memref<!tpu.dma_semaphore, #tpu.memory_space<semaphore_mem>>) src(%dma_wait3A_95 : memref<8x16xi32, #tpu.memory_space<hbm>>) dst(%dma_wait3A_93 : memref<8x16xi32, #tpu.memory_space<vmem>>)
        %dma_wait3A_96 = arith.constant 0 : i32
        %dma_wait3A_97 = tpu.memref_slice %arg9[%mul3A_57, %dma_wait3A_96] : memref<24x16xi32, #tpu.memory_space<vmem>> -> memref<8x16xi32, #tpu.memory_space<vmem>>
        %dma_wait3A_98 = arith.constant 0 : i32
        %dma_wait3A_99 = tpu.memref_slice %arg4[%mul3A_6, %dma_wait3A_98] : memref<20224x16xi32, #tpu.memory_space<hbm>> -> memref<8x16xi32, #tpu.memory_space<hbm>>
        %dma_wait3A_100 = arith.constant 0 : i32
        %dma_wait3A_101 = tpu.memref_slice %arg9[%mul3A_57, %dma_wait3A_100] : memref<24x16xi32, #tpu.memory_space<vmem>> -> memref<8x16xi32, #tpu.memory_space<vmem>>
        %dma_wait3A_102 = arith.constant 0 : i32
        %dma_wait3A_103 = tpu.memref_slice %arg4[%mul3A_6, %dma_wait3A_102] : memref<20224x16xi32, #tpu.memory_space<hbm>> -> memref<8x16xi32, #tpu.memory_space<hbm>>
        tpu.wait_dma2 semaphore(%arg17 : memref<!tpu.dma_semaphore, #tpu.memory_space<semaphore_mem>>) src(%dma_wait3A_103 : memref<8x16xi32, #tpu.memory_space<hbm>>) dst(%dma_wait3A_101 : memref<8x16xi32, #tpu.memory_space<vmem>>)
        %add3A_104 = arith.constant 0 : i32
        %add3A_105 = arith.addi %mul3A_57, %add3A_104 : i32
        %add3A_106 = arith.constant 0 : i32
        %add3A_107 = arith.addi %mul3A_47, %add3A_106 : i32
        %dma_start3A_108 = arith.constant 0 : i32
        %dma_start3A_109 = tpu.memref_slice %arg12[%add3A_107, %dma_start3A_108] : memref<256x128xf32, #tpu.memory_space<vmem>> -> memref<16x128xf32, #tpu.memory_space<vmem>>
        %dma_start3A_110 = arith.constant 0 : i32
        %dma_start3A_111 = tpu.memref_slice %arg8[%add3A_105, %dma_start3A_110] : memref<24x16xi32, #tpu.memory_space<vmem>> -> memref<1x16xi32, #tpu.memory_space<vmem>>
        %dma_start3A_112 = tpu.memref_squeeze %dma_start3A_111 : memref<1x16xi32, #tpu.memory_space<vmem>> -> memref<16xi32, #tpu.memory_space<vmem>>
        %dma_start3A_113 = arith.constant 0 : i32
        %dma_start3A_114 = arith.constant 0 : i32
        %dma_start3A_115 = tpu.memref_slice %arg2[%dma_start3A_113, %dma_start3A_114] : memref<10240x128xf32, #tpu.memory_space<hbm>> -> memref<10240x128xf32, #tpu.memory_space<hbm>>
        tpu.enqueue_indirect_dma source(%dma_start3A_115 : memref<10240x128xf32, #tpu.memory_space<hbm>>) target(%dma_start3A_109 : memref<16x128xf32, #tpu.memory_space<vmem>>) offsets(%dma_start3A_112 : memref<16xi32, #tpu.memory_space<vmem>>) semaphore(%arg15 : memref<!tpu.dma_semaphore, #tpu.memory_space<semaphore_mem>>)
        %add3A_116 = arith.constant 1 : i32
        %add3A_117 = arith.addi %mul3A_57, %add3A_116 : i32
        %add3A_118 = arith.constant 16 : i32
        %add3A_119 = arith.addi %mul3A_47, %add3A_118 : i32
        %dma_start3A_120 = arith.constant 0 : i32
        %dma_start3A_121 = tpu.memref_slice %arg12[%add3A_119, %dma_start3A_120] : memref<256x128xf32, #tpu.memory_space<vmem>> -> memref<16x128xf32, #tpu.memory_space<vmem>>
        %dma_start3A_122 = arith.constant 0 : i32
        %dma_start3A_123 = tpu.memref_slice %arg8[%add3A_117, %dma_start3A_122] : memref<24x16xi32, #tpu.memory_space<vmem>> -> memref<1x16xi32, #tpu.memory_space<vmem>>
        %dma_start3A_124 = tpu.memref_squeeze %dma_start3A_123 : memref<1x16xi32, #tpu.memory_space<vmem>> -> memref<16xi32, #tpu.memory_space<vmem>>
        %dma_start3A_125 = arith.constant 0 : i32
        %dma_start3A_126 = arith.constant 0 : i32
        %dma_start3A_127 = tpu.memref_slice %arg2[%dma_start3A_125, %dma_start3A_126] : memref<10240x128xf32, #tpu.memory_space<hbm>> -> memref<10240x128xf32, #tpu.memory_space<hbm>>
        tpu.enqueue_indirect_dma source(%dma_start3A_127 : memref<10240x128xf32, #tpu.memory_space<hbm>>) target(%dma_start3A_121 : memref<16x128xf32, #tpu.memory_space<vmem>>) offsets(%dma_start3A_124 : memref<16xi32, #tpu.memory_space<vmem>>) semaphore(%arg15 : memref<!tpu.dma_semaphore, #tpu.memory_space<semaphore_mem>>)
        %add3A_128 = arith.constant 2 : i32
        %add3A_129 = arith.addi %mul3A_57, %add3A_128 : i32
        %add3A_130 = arith.constant 32 : i32
        %add3A_131 = arith.addi %mul3A_47, %add3A_130 : i32
        %dma_start3A_132 = arith.constant 0 : i32
        %dma_start3A_133 = tpu.memref_slice %arg12[%add3A_131, %dma_start3A_132] : memref<256x128xf32, #tpu.memory_space<vmem>> -> memref<16x128xf32, #tpu.memory_space<vmem>>
        %dma_start3A_134 = arith.constant 0 : i32
        %dma_start3A_135 = tpu.memref_slice %arg8[%add3A_129, %dma_start3A_134] : memref<24x16xi32, #tpu.memory_space<vmem>> -> memref<1x16xi32, #tpu.memory_space<vmem>>
        %dma_start3A_136 = tpu.memref_squeeze %dma_start3A_135 : memref<1x16xi32, #tpu.memory_space<vmem>> -> memref<16xi32, #tpu.memory_space<vmem>>
        %dma_start3A_137 = arith.constant 0 : i32
        %dma_start3A_138 = arith.constant 0 : i32
        %dma_start3A_139 = tpu.memref_slice %arg2[%dma_start3A_137, %dma_start3A_138] : memref<10240x128xf32, #tpu.memory_space<hbm>> -> memref<10240x128xf32, #tpu.memory_space<hbm>>
        tpu.enqueue_indirect_dma source(%dma_start3A_139 : memref<10240x128xf32, #tpu.memory_space<hbm>>) target(%dma_start3A_133 : memref<16x128xf32, #tpu.memory_space<vmem>>) offsets(%dma_start3A_136 : memref<16xi32, #tpu.memory_space<vmem>>) semaphore(%arg15 : memref<!tpu.dma_semaphore, #tpu.memory_space<semaphore_mem>>)
        %add3A_140 = arith.constant 3 : i32
        %add3A_141 = arith.addi %mul3A_57, %add3A_140 : i32
        %add3A_142 = arith.constant 48 : i32
        %add3A_143 = arith.addi %mul3A_47, %add3A_142 : i32
        %dma_start3A_144 = arith.constant 0 : i32
        %dma_start3A_145 = tpu.memref_slice %arg12[%add3A_143, %dma_start3A_144] : memref<256x128xf32, #tpu.memory_space<vmem>> -> memref<16x128xf32, #tpu.memory_space<vmem>>
        %dma_start3A_146 = arith.constant 0 : i32
        %dma_start3A_147 = tpu.memref_slice %arg8[%add3A_141, %dma_start3A_146] : memref<24x16xi32, #tpu.memory_space<vmem>> -> memref<1x16xi32, #tpu.memory_space<vmem>>
        %dma_start3A_148 = tpu.memref_squeeze %dma_start3A_147 : memref<1x16xi32, #tpu.memory_space<vmem>> -> memref<16xi32, #tpu.memory_space<vmem>>
        %dma_start3A_149 = arith.constant 0 : i32
        %dma_start3A_150 = arith.constant 0 : i32
        %dma_start3A_151 = tpu.memref_slice %arg2[%dma_start3A_149, %dma_start3A_150] : memref<10240x128xf32, #tpu.memory_space<hbm>> -> memref<10240x128xf32, #tpu.memory_space<hbm>>
        tpu.enqueue_indirect_dma source(%dma_start3A_151 : memref<10240x128xf32, #tpu.memory_space<hbm>>) target(%dma_start3A_145 : memref<16x128xf32, #tpu.memory_space<vmem>>) offsets(%dma_start3A_148 : memref<16xi32, #tpu.memory_space<vmem>>) semaphore(%arg15 : memref<!tpu.dma_semaphore, #tpu.memory_space<semaphore_mem>>)
        %add3A_152 = arith.constant 4 : i32
        %add3A_153 = arith.addi %mul3A_57, %add3A_152 : i32
        %add3A_154 = arith.constant 64 : i32
        %add3A_155 = arith.addi %mul3A_47, %add3A_154 : i32
        %dma_start3A_156 = arith.constant 0 : i32
        %dma_start3A_157 = tpu.memref_slice %arg12[%add3A_155, %dma_start3A_156] : memref<256x128xf32, #tpu.memory_space<vmem>> -> memref<16x128xf32, #tpu.memory_space<vmem>>
        %dma_start3A_158 = arith.constant 0 : i32
        %dma_start3A_159 = tpu.memref_slice %arg8[%add3A_153, %dma_start3A_158] : memref<24x16xi32, #tpu.memory_space<vmem>> -> memref<1x16xi32, #tpu.memory_space<vmem>>
        %dma_start3A_160 = tpu.memref_squeeze %dma_start3A_159 : memref<1x16xi32, #tpu.memory_space<vmem>> -> memref<16xi32, #tpu.memory_space<vmem>>
        %dma_start3A_161 = arith.constant 0 : i32
        %dma_start3A_162 = arith.constant 0 : i32
        %dma_start3A_163 = tpu.memref_slice %arg2[%dma_start3A_161, %dma_start3A_162] : memref<10240x128xf32, #tpu.memory_space<hbm>> -> memref<10240x128xf32, #tpu.memory_space<hbm>>
        tpu.enqueue_indirect_dma source(%dma_start3A_163 : memref<10240x128xf32, #tpu.memory_space<hbm>>) target(%dma_start3A_157 : memref<16x128xf32, #tpu.memory_space<vmem>>) offsets(%dma_start3A_160 : memref<16xi32, #tpu.memory_space<vmem>>) semaphore(%arg15 : memref<!tpu.dma_semaphore, #tpu.memory_space<semaphore_mem>>)
        %add3A_164 = arith.constant 5 : i32
        %add3A_165 = arith.addi %mul3A_57, %add3A_164 : i32
        %add3A_166 = arith.constant 80 : i32
        %add3A_167 = arith.addi %mul3A_47, %add3A_166 : i32
        %dma_start3A_168 = arith.constant 0 : i32
        %dma_start3A_169 = tpu.memref_slice %arg12[%add3A_167, %dma_start3A_168] : memref<256x128xf32, #tpu.memory_space<vmem>> -> memref<16x128xf32, #tpu.memory_space<vmem>>
        %dma_start3A_170 = arith.constant 0 : i32
        %dma_start3A_171 = tpu.memref_slice %arg8[%add3A_165, %dma_start3A_170] : memref<24x16xi32, #tpu.memory_space<vmem>> -> memref<1x16xi32, #tpu.memory_space<vmem>>
        %dma_start3A_172 = tpu.memref_squeeze %dma_start3A_171 : memref<1x16xi32, #tpu.memory_space<vmem>> -> memref<16xi32, #tpu.memory_space<vmem>>
        %dma_start3A_173 = arith.constant 0 : i32
        %dma_start3A_174 = arith.constant 0 : i32
        %dma_start3A_175 = tpu.memref_slice %arg2[%dma_start3A_173, %dma_start3A_174] : memref<10240x128xf32, #tpu.memory_space<hbm>> -> memref<10240x128xf32, #tpu.memory_space<hbm>>
        tpu.enqueue_indirect_dma source(%dma_start3A_175 : memref<10240x128xf32, #tpu.memory_space<hbm>>) target(%dma_start3A_169 : memref<16x128xf32, #tpu.memory_space<vmem>>) offsets(%dma_start3A_172 : memref<16xi32, #tpu.memory_space<vmem>>) semaphore(%arg15 : memref<!tpu.dma_semaphore, #tpu.memory_space<semaphore_mem>>)
        %add3A_176 = arith.constant 6 : i32
        %add3A_177 = arith.addi %mul3A_57, %add3A_176 : i32
        %add3A_178 = arith.constant 96 : i32
        %add3A_179 = arith.addi %mul3A_47, %add3A_178 : i32
        %dma_start3A_180 = arith.constant 0 : i32
        %dma_start3A_181 = tpu.memref_slice %arg12[%add3A_179, %dma_start3A_180] : memref<256x128xf32, #tpu.memory_space<vmem>> -> memref<16x128xf32, #tpu.memory_space<vmem>>
        %dma_start3A_182 = arith.constant 0 : i32
        %dma_start3A_183 = tpu.memref_slice %arg8[%add3A_177, %dma_start3A_182] : memref<24x16xi32, #tpu.memory_space<vmem>> -> memref<1x16xi32, #tpu.memory_space<vmem>>
        %dma_start3A_184 = tpu.memref_squeeze %dma_start3A_183 : memref<1x16xi32, #tpu.memory_space<vmem>> -> memref<16xi32, #tpu.memory_space<vmem>>
        %dma_start3A_185 = arith.constant 0 : i32
        %dma_start3A_186 = arith.constant 0 : i32
        %dma_start3A_187 = tpu.memref_slice %arg2[%dma_start3A_185, %dma_start3A_186] : memref<10240x128xf32, #tpu.memory_space<hbm>> -> memref<10240x128xf32, #tpu.memory_space<hbm>>
        tpu.enqueue_indirect_dma source(%dma_start3A_187 : memref<10240x128xf32, #tpu.memory_space<hbm>>) target(%dma_start3A_181 : memref<16x128xf32, #tpu.memory_space<vmem>>) offsets(%dma_start3A_184 : memref<16xi32, #tpu.memory_space<vmem>>) semaphore(%arg15 : memref<!tpu.dma_semaphore, #tpu.memory_space<semaphore_mem>>)
        %add3A_188 = arith.constant 7 : i32
        %add3A_189 = arith.addi %mul3A_57, %add3A_188 : i32
        %add3A_190 = arith.constant 112 : i32
        %add3A_191 = arith.addi %mul3A_47, %add3A_190 : i32
        %dma_start3A_192 = arith.constant 0 : i32
        %dma_start3A_193 = tpu.memref_slice %arg12[%add3A_191, %dma_start3A_192] : memref<256x128xf32, #tpu.memory_space<vmem>> -> memref<16x128xf32, #tpu.memory_space<vmem>>
        %dma_start3A_194 = arith.constant 0 : i32
        %dma_start3A_195 = tpu.memref_slice %arg8[%add3A_189, %dma_start3A_194] : memref<24x16xi32, #tpu.memory_space<vmem>> -> memref<1x16xi32, #tpu.memory_space<vmem>>
        %dma_start3A_196 = tpu.memref_squeeze %dma_start3A_195 : memref<1x16xi32, #tpu.memory_space<vmem>> -> memref<16xi32, #tpu.memory_space<vmem>>
        %dma_start3A_197 = arith.constant 0 : i32
        %dma_start3A_198 = arith.constant 0 : i32
        %dma_start3A_199 = tpu.memref_slice %arg2[%dma_start3A_197, %dma_start3A_198] : memref<10240x128xf32, #tpu.memory_space<hbm>> -> memref<10240x128xf32, #tpu.memory_space<hbm>>
        tpu.enqueue_indirect_dma source(%dma_start3A_199 : memref<10240x128xf32, #tpu.memory_space<hbm>>) target(%dma_start3A_193 : memref<16x128xf32, #tpu.memory_space<vmem>>) offsets(%dma_start3A_196 : memref<16xi32, #tpu.memory_space<vmem>>) semaphore(%arg15 : memref<!tpu.dma_semaphore, #tpu.memory_space<semaphore_mem>>)
      } else {
      }
      %ge3A_76 = arith.constant 1 : i32
      %ge3A_77 = arith.cmpi sge, %scan3A_44, %ge3A_76 : i32
      %le3A = arith.constant 79 : i32
      %le3A_78 = arith.cmpi sle, %scan3A_44, %le3A : i32
      %and3A = arith.andi %ge3A_77, %le3A_78 : i1
      %convert_element_type3A_79 = arith.extui %and3A : i1 to i32
      %cond3A_80 = arith.constant 0 : i32
      %cond3A_81 = arith.cmpi ne, %convert_element_type3A_79, %cond3A_80 : i32
      scf.if %cond3A_81 {
        %add3A_89 = arith.constant 0 : i32
        %add3A_90 = arith.addi %mul3A_53, %add3A_89 : i32
        %dma_wait3A = arith.constant 0 : i32
        %dma_wait3A_91 = arith.constant 0 : i32
        %dma_wait3A_92 = tpu.memref_slice %arg12[%add3A_90, %dma_wait3A_91] : memref<256x128xf32, #tpu.memory_space<vmem>> -> memref<16x128xf32, #tpu.memory_space<vmem>>
        %dma_wait3A_93 = arith.constant 0 : i32
        %dma_wait3A_94 = tpu.memref_slice %arg11[%dma_wait3A, %dma_wait3A_93] : memref<40x16xi32, #tpu.memory_space<vmem>> -> memref<1x16xi32, #tpu.memory_space<vmem>>
        %dma_wait3A_95 = tpu.memref_squeeze %dma_wait3A_94 : memref<1x16xi32, #tpu.memory_space<vmem>> -> memref<16xi32, #tpu.memory_space<vmem>>
        %dma_wait3A_96 = arith.constant 0 : i32
        %dma_wait3A_97 = arith.constant 0 : i32
        %dma_wait3A_98 = tpu.memref_slice %arg2[%dma_wait3A_96, %dma_wait3A_97] : memref<10240x128xf32, #tpu.memory_space<hbm>> -> memref<10240x128xf32, #tpu.memory_space<hbm>>
        tpu.wait_indirect_dma semaphore(%arg15 : memref<!tpu.dma_semaphore, #tpu.memory_space<semaphore_mem>>) src(%dma_wait3A_98 : memref<10240x128xf32, #tpu.memory_space<hbm>>) dst(%dma_wait3A_92 : memref<16x128xf32, #tpu.memory_space<vmem>>)
        %add3A_99 = arith.constant 16 : i32
        %add3A_100 = arith.addi %mul3A_53, %add3A_99 : i32
        %dma_wait3A_101 = arith.constant 0 : i32
        %dma_wait3A_102 = arith.constant 0 : i32
        %dma_wait3A_103 = tpu.memref_slice %arg12[%add3A_100, %dma_wait3A_102] : memref<256x128xf32, #tpu.memory_space<vmem>> -> memref<16x128xf32, #tpu.memory_space<vmem>>
        %dma_wait3A_104 = arith.constant 0 : i32
        %dma_wait3A_105 = tpu.memref_slice %arg11[%dma_wait3A_101, %dma_wait3A_104] : memref<40x16xi32, #tpu.memory_space<vmem>> -> memref<1x16xi32, #tpu.memory_space<vmem>>
        %dma_wait3A_106 = tpu.memref_squeeze %dma_wait3A_105 : memref<1x16xi32, #tpu.memory_space<vmem>> -> memref<16xi32, #tpu.memory_space<vmem>>
        %dma_wait3A_107 = arith.constant 0 : i32
        %dma_wait3A_108 = arith.constant 0 : i32
        %dma_wait3A_109 = tpu.memref_slice %arg2[%dma_wait3A_107, %dma_wait3A_108] : memref<10240x128xf32, #tpu.memory_space<hbm>> -> memref<10240x128xf32, #tpu.memory_space<hbm>>
        tpu.wait_indirect_dma semaphore(%arg15 : memref<!tpu.dma_semaphore, #tpu.memory_space<semaphore_mem>>) src(%dma_wait3A_109 : memref<10240x128xf32, #tpu.memory_space<hbm>>) dst(%dma_wait3A_103 : memref<16x128xf32, #tpu.memory_space<vmem>>)
        %add3A_110 = arith.constant 32 : i32
        %add3A_111 = arith.addi %mul3A_53, %add3A_110 : i32
        %dma_wait3A_112 = arith.constant 0 : i32
        %dma_wait3A_113 = arith.constant 0 : i32
        %dma_wait3A_114 = tpu.memref_slice %arg12[%add3A_111, %dma_wait3A_113] : memref<256x128xf32, #tpu.memory_space<vmem>> -> memref<16x128xf32, #tpu.memory_space<vmem>>
        %dma_wait3A_115 = arith.constant 0 : i32
        %dma_wait3A_116 = tpu.memref_slice %arg11[%dma_wait3A_112, %dma_wait3A_115] : memref<40x16xi32, #tpu.memory_space<vmem>> -> memref<1x16xi32, #tpu.memory_space<vmem>>
        %dma_wait3A_117 = tpu.memref_squeeze %dma_wait3A_116 : memref<1x16xi32, #tpu.memory_space<vmem>> -> memref<16xi32, #tpu.memory_space<vmem>>
        %dma_wait3A_118 = arith.constant 0 : i32
        %dma_wait3A_119 = arith.constant 0 : i32
        %dma_wait3A_120 = tpu.memref_slice %arg2[%dma_wait3A_118, %dma_wait3A_119] : memref<10240x128xf32, #tpu.memory_space<hbm>> -> memref<10240x128xf32, #tpu.memory_space<hbm>>
        tpu.wait_indirect_dma semaphore(%arg15 : memref<!tpu.dma_semaphore, #tpu.memory_space<semaphore_mem>>) src(%dma_wait3A_120 : memref<10240x128xf32, #tpu.memory_space<hbm>>) dst(%dma_wait3A_114 : memref<16x128xf32, #tpu.memory_space<vmem>>)
        %add3A_121 = arith.constant 48 : i32
        %add3A_122 = arith.addi %mul3A_53, %add3A_121 : i32
        %dma_wait3A_123 = arith.constant 0 : i32
        %dma_wait3A_124 = arith.constant 0 : i32
        %dma_wait3A_125 = tpu.memref_slice %arg12[%add3A_122, %dma_wait3A_124] : memref<256x128xf32, #tpu.memory_space<vmem>> -> memref<16x128xf32, #tpu.memory_space<vmem>>
        %dma_wait3A_126 = arith.constant 0 : i32
        %dma_wait3A_127 = tpu.memref_slice %arg11[%dma_wait3A_123, %dma_wait3A_126] : memref<40x16xi32, #tpu.memory_space<vmem>> -> memref<1x16xi32, #tpu.memory_space<vmem>>
        %dma_wait3A_128 = tpu.memref_squeeze %dma_wait3A_127 : memref<1x16xi32, #tpu.memory_space<vmem>> -> memref<16xi32, #tpu.memory_space<vmem>>
        %dma_wait3A_129 = arith.constant 0 : i32
        %dma_wait3A_130 = arith.constant 0 : i32
        %dma_wait3A_131 = tpu.memref_slice %arg2[%dma_wait3A_129, %dma_wait3A_130] : memref<10240x128xf32, #tpu.memory_space<hbm>> -> memref<10240x128xf32, #tpu.memory_space<hbm>>
        tpu.wait_indirect_dma semaphore(%arg15 : memref<!tpu.dma_semaphore, #tpu.memory_space<semaphore_mem>>) src(%dma_wait3A_131 : memref<10240x128xf32, #tpu.memory_space<hbm>>) dst(%dma_wait3A_125 : memref<16x128xf32, #tpu.memory_space<vmem>>)
        %add3A_132 = arith.constant 64 : i32
        %add3A_133 = arith.addi %mul3A_53, %add3A_132 : i32
        %dma_wait3A_134 = arith.constant 0 : i32
        %dma_wait3A_135 = arith.constant 0 : i32
        %dma_wait3A_136 = tpu.memref_slice %arg12[%add3A_133, %dma_wait3A_135] : memref<256x128xf32, #tpu.memory_space<vmem>> -> memref<16x128xf32, #tpu.memory_space<vmem>>
        %dma_wait3A_137 = arith.constant 0 : i32
        %dma_wait3A_138 = tpu.memref_slice %arg11[%dma_wait3A_134, %dma_wait3A_137] : memref<40x16xi32, #tpu.memory_space<vmem>> -> memref<1x16xi32, #tpu.memory_space<vmem>>
        %dma_wait3A_139 = tpu.memref_squeeze %dma_wait3A_138 : memref<1x16xi32, #tpu.memory_space<vmem>> -> memref<16xi32, #tpu.memory_space<vmem>>
        %dma_wait3A_140 = arith.constant 0 : i32
        %dma_wait3A_141 = arith.constant 0 : i32
        %dma_wait3A_142 = tpu.memref_slice %arg2[%dma_wait3A_140, %dma_wait3A_141] : memref<10240x128xf32, #tpu.memory_space<hbm>> -> memref<10240x128xf32, #tpu.memory_space<hbm>>
        tpu.wait_indirect_dma semaphore(%arg15 : memref<!tpu.dma_semaphore, #tpu.memory_space<semaphore_mem>>) src(%dma_wait3A_142 : memref<10240x128xf32, #tpu.memory_space<hbm>>) dst(%dma_wait3A_136 : memref<16x128xf32, #tpu.memory_space<vmem>>)
        %add3A_143 = arith.constant 80 : i32
        %add3A_144 = arith.addi %mul3A_53, %add3A_143 : i32
        %dma_wait3A_145 = arith.constant 0 : i32
        %dma_wait3A_146 = arith.constant 0 : i32
        %dma_wait3A_147 = tpu.memref_slice %arg12[%add3A_144, %dma_wait3A_146] : memref<256x128xf32, #tpu.memory_space<vmem>> -> memref<16x128xf32, #tpu.memory_space<vmem>>
        %dma_wait3A_148 = arith.constant 0 : i32
        %dma_wait3A_149 = tpu.memref_slice %arg11[%dma_wait3A_145, %dma_wait3A_148] : memref<40x16xi32, #tpu.memory_space<vmem>> -> memref<1x16xi32, #tpu.memory_space<vmem>>
        %dma_wait3A_150 = tpu.memref_squeeze %dma_wait3A_149 : memref<1x16xi32, #tpu.memory_space<vmem>> -> memref<16xi32, #tpu.memory_space<vmem>>
        %dma_wait3A_151 = arith.constant 0 : i32
        %dma_wait3A_152 = arith.constant 0 : i32
        %dma_wait3A_153 = tpu.memref_slice %arg2[%dma_wait3A_151, %dma_wait3A_152] : memref<10240x128xf32, #tpu.memory_space<hbm>> -> memref<10240x128xf32, #tpu.memory_space<hbm>>
        tpu.wait_indirect_dma semaphore(%arg15 : memref<!tpu.dma_semaphore, #tpu.memory_space<semaphore_mem>>) src(%dma_wait3A_153 : memref<10240x128xf32, #tpu.memory_space<hbm>>) dst(%dma_wait3A_147 : memref<16x128xf32, #tpu.memory_space<vmem>>)
        %add3A_154 = arith.constant 96 : i32
        %add3A_155 = arith.addi %mul3A_53, %add3A_154 : i32
        %dma_wait3A_156 = arith.constant 0 : i32
        %dma_wait3A_157 = arith.constant 0 : i32
        %dma_wait3A_158 = tpu.memref_slice %arg12[%add3A_155, %dma_wait3A_157] : memref<256x128xf32, #tpu.memory_space<vmem>> -> memref<16x128xf32, #tpu.memory_space<vmem>>
        %dma_wait3A_159 = arith.constant 0 : i32
        %dma_wait3A_160 = tpu.memref_slice %arg11[%dma_wait3A_156, %dma_wait3A_159] : memref<40x16xi32, #tpu.memory_space<vmem>> -> memref<1x16xi32, #tpu.memory_space<vmem>>
        %dma_wait3A_161 = tpu.memref_squeeze %dma_wait3A_160 : memref<1x16xi32, #tpu.memory_space<vmem>> -> memref<16xi32, #tpu.memory_space<vmem>>
        %dma_wait3A_162 = arith.constant 0 : i32
        %dma_wait3A_163 = arith.constant 0 : i32
        %dma_wait3A_164 = tpu.memref_slice %arg2[%dma_wait3A_162, %dma_wait3A_163] : memref<10240x128xf32, #tpu.memory_space<hbm>> -> memref<10240x128xf32, #tpu.memory_space<hbm>>
        tpu.wait_indirect_dma semaphore(%arg15 : memref<!tpu.dma_semaphore, #tpu.memory_space<semaphore_mem>>) src(%dma_wait3A_164 : memref<10240x128xf32, #tpu.memory_space<hbm>>) dst(%dma_wait3A_158 : memref<16x128xf32, #tpu.memory_space<vmem>>)
        %add3A_165 = arith.constant 112 : i32
        %add3A_166 = arith.addi %mul3A_53, %add3A_165 : i32
        %dma_wait3A_167 = arith.constant 0 : i32
        %dma_wait3A_168 = arith.constant 0 : i32
        %dma_wait3A_169 = tpu.memref_slice %arg12[%add3A_166, %dma_wait3A_168] : memref<256x128xf32, #tpu.memory_space<vmem>> -> memref<16x128xf32, #tpu.memory_space<vmem>>
        %dma_wait3A_170 = arith.constant 0 : i32
        %dma_wait3A_171 = tpu.memref_slice %arg11[%dma_wait3A_167, %dma_wait3A_170] : memref<40x16xi32, #tpu.memory_space<vmem>> -> memref<1x16xi32, #tpu.memory_space<vmem>>
        %dma_wait3A_172 = tpu.memref_squeeze %dma_wait3A_171 : memref<1x16xi32, #tpu.memory_space<vmem>> -> memref<16xi32, #tpu.memory_space<vmem>>
        %dma_wait3A_173 = arith.constant 0 : i32
        %dma_wait3A_174 = arith.constant 0 : i32
        %dma_wait3A_175 = tpu.memref_slice %arg2[%dma_wait3A_173, %dma_wait3A_174] : memref<10240x128xf32, #tpu.memory_space<hbm>> -> memref<10240x128xf32, #tpu.memory_space<hbm>>
        tpu.wait_indirect_dma semaphore(%arg15 : memref<!tpu.dma_semaphore, #tpu.memory_space<semaphore_mem>>) src(%dma_wait3A_175 : memref<10240x128xf32, #tpu.memory_space<hbm>>) dst(%dma_wait3A_169 : memref<16x128xf32, #tpu.memory_space<vmem>>)
        %add3A_176 = arith.constant 0 : i32
        %add3A_177 = arith.addi %mul3A_53, %add3A_176 : i32
        %add3A_178 = arith.constant 0 : i32
        %add3A_179 = arith.addi %mul3A_69, %add3A_178 : i32
        %dma_start3A_180 = arith.constant 0 : i32
        %dma_start3A_181 = tpu.memref_slice %arg12[%add3A_177, %dma_start3A_180] : memref<256x128xf32, #tpu.memory_space<vmem>> -> memref<16x128xf32, #tpu.memory_space<vmem>>
        %dma_start3A_182 = arith.constant 0 : i32
        %dma_start3A_183 = tpu.memref_slice %arg9[%add3A_179, %dma_start3A_182] : memref<24x16xi32, #tpu.memory_space<vmem>> -> memref<1x16xi32, #tpu.memory_space<vmem>>
        %dma_start3A_184 = tpu.memref_squeeze %dma_start3A_183 : memref<1x16xi32, #tpu.memory_space<vmem>> -> memref<16xi32, #tpu.memory_space<vmem>>
        %dma_start3A_185 = arith.constant 0 : i32
        %dma_start3A_186 = arith.constant 0 : i32
        %dma_start3A_187 = tpu.memref_slice %arg14[%dma_start3A_185, %dma_start3A_186] : memref<10240x128xf32, #tpu.memory_space<vmem_shared>> -> memref<10240x128xf32, #tpu.memory_space<vmem_shared>>
        tpu.enqueue_indirect_dma source(%dma_start3A_181 : memref<16x128xf32, #tpu.memory_space<vmem>>) target(%dma_start3A_187 : memref<10240x128xf32, #tpu.memory_space<vmem_shared>>) offsets(%dma_start3A_184 : memref<16xi32, #tpu.memory_space<vmem>>) semaphore(%arg16 : memref<!tpu.dma_semaphore, #tpu.memory_space<semaphore_mem>>) {add = true}
        %add3A_188 = arith.constant 16 : i32
        %add3A_189 = arith.addi %mul3A_53, %add3A_188 : i32
        %add3A_190 = arith.constant 1 : i32
        %add3A_191 = arith.addi %mul3A_69, %add3A_190 : i32
        %dma_start3A_192 = arith.constant 0 : i32
        %dma_start3A_193 = tpu.memref_slice %arg12[%add3A_189, %dma_start3A_192] : memref<256x128xf32, #tpu.memory_space<vmem>> -> memref<16x128xf32, #tpu.memory_space<vmem>>
        %dma_start3A_194 = arith.constant 0 : i32
        %dma_start3A_195 = tpu.memref_slice %arg9[%add3A_191, %dma_start3A_194] : memref<24x16xi32, #tpu.memory_space<vmem>> -> memref<1x16xi32, #tpu.memory_space<vmem>>
        %dma_start3A_196 = tpu.memref_squeeze %dma_start3A_195 : memref<1x16xi32, #tpu.memory_space<vmem>> -> memref<16xi32, #tpu.memory_space<vmem>>
        %dma_start3A_197 = arith.constant 0 : i32
        %dma_start3A_198 = arith.constant 0 : i32
        %dma_start3A_199 = tpu.memref_slice %arg14[%dma_start3A_197, %dma_start3A_198] : memref<10240x128xf32, #tpu.memory_space<vmem_shared>> -> memref<10240x128xf32, #tpu.memory_space<vmem_shared>>
        tpu.enqueue_indirect_dma source(%dma_start3A_193 : memref<16x128xf32, #tpu.memory_space<vmem>>) target(%dma_start3A_199 : memref<10240x128xf32, #tpu.memory_space<vmem_shared>>) offsets(%dma_start3A_196 : memref<16xi32, #tpu.memory_space<vmem>>) semaphore(%arg16 : memref<!tpu.dma_semaphore, #tpu.memory_space<semaphore_mem>>) {add = true}
        %add3A_200 = arith.constant 32 : i32
        %add3A_201 = arith.addi %mul3A_53, %add3A_200 : i32
        %add3A_202 = arith.constant 2 : i32
        %add3A_203 = arith.addi %mul3A_69, %add3A_202 : i32
        %dma_start3A_204 = arith.constant 0 : i32
        %dma_start3A_205 = tpu.memref_slice %arg12[%add3A_201, %dma_start3A_204] : memref<256x128xf32, #tpu.memory_space<vmem>> -> memref<16x128xf32, #tpu.memory_space<vmem>>
        %dma_start3A_206 = arith.constant 0 : i32
        %dma_start3A_207 = tpu.memref_slice %arg9[%add3A_203, %dma_start3A_206] : memref<24x16xi32, #tpu.memory_space<vmem>> -> memref<1x16xi32, #tpu.memory_space<vmem>>
        %dma_start3A_208 = tpu.memref_squeeze %dma_start3A_207 : memref<1x16xi32, #tpu.memory_space<vmem>> -> memref<16xi32, #tpu.memory_space<vmem>>
        %dma_start3A_209 = arith.constant 0 : i32
        %dma_start3A_210 = arith.constant 0 : i32
        %dma_start3A_211 = tpu.memref_slice %arg14[%dma_start3A_209, %dma_start3A_210] : memref<10240x128xf32, #tpu.memory_space<vmem_shared>> -> memref<10240x128xf32, #tpu.memory_space<vmem_shared>>
        tpu.enqueue_indirect_dma source(%dma_start3A_205 : memref<16x128xf32, #tpu.memory_space<vmem>>) target(%dma_start3A_211 : memref<10240x128xf32, #tpu.memory_space<vmem_shared>>) offsets(%dma_start3A_208 : memref<16xi32, #tpu.memory_space<vmem>>) semaphore(%arg16 : memref<!tpu.dma_semaphore, #tpu.memory_space<semaphore_mem>>) {add = true}
        %add3A_212 = arith.constant 48 : i32
        %add3A_213 = arith.addi %mul3A_53, %add3A_212 : i32
        %add3A_214 = arith.constant 3 : i32
        %add3A_215 = arith.addi %mul3A_69, %add3A_214 : i32
        %dma_start3A_216 = arith.constant 0 : i32
        %dma_start3A_217 = tpu.memref_slice %arg12[%add3A_213, %dma_start3A_216] : memref<256x128xf32, #tpu.memory_space<vmem>> -> memref<16x128xf32, #tpu.memory_space<vmem>>
        %dma_start3A_218 = arith.constant 0 : i32
        %dma_start3A_219 = tpu.memref_slice %arg9[%add3A_215, %dma_start3A_218] : memref<24x16xi32, #tpu.memory_space<vmem>> -> memref<1x16xi32, #tpu.memory_space<vmem>>
        %dma_start3A_220 = tpu.memref_squeeze %dma_start3A_219 : memref<1x16xi32, #tpu.memory_space<vmem>> -> memref<16xi32, #tpu.memory_space<vmem>>
        %dma_start3A_221 = arith.constant 0 : i32
        %dma_start3A_222 = arith.constant 0 : i32
        %dma_start3A_223 = tpu.memref_slice %arg14[%dma_start3A_221, %dma_start3A_222] : memref<10240x128xf32, #tpu.memory_space<vmem_shared>> -> memref<10240x128xf32, #tpu.memory_space<vmem_shared>>
        tpu.enqueue_indirect_dma source(%dma_start3A_217 : memref<16x128xf32, #tpu.memory_space<vmem>>) target(%dma_start3A_223 : memref<10240x128xf32, #tpu.memory_space<vmem_shared>>) offsets(%dma_start3A_220 : memref<16xi32, #tpu.memory_space<vmem>>) semaphore(%arg16 : memref<!tpu.dma_semaphore, #tpu.memory_space<semaphore_mem>>) {add = true}
        %add3A_224 = arith.constant 64 : i32
        %add3A_225 = arith.addi %mul3A_53, %add3A_224 : i32
        %add3A_226 = arith.constant 4 : i32
        %add3A_227 = arith.addi %mul3A_69, %add3A_226 : i32
        %dma_start3A_228 = arith.constant 0 : i32
        %dma_start3A_229 = tpu.memref_slice %arg12[%add3A_225, %dma_start3A_228] : memref<256x128xf32, #tpu.memory_space<vmem>> -> memref<16x128xf32, #tpu.memory_space<vmem>>
        %dma_start3A_230 = arith.constant 0 : i32
        %dma_start3A_231 = tpu.memref_slice %arg9[%add3A_227, %dma_start3A_230] : memref<24x16xi32, #tpu.memory_space<vmem>> -> memref<1x16xi32, #tpu.memory_space<vmem>>
        %dma_start3A_232 = tpu.memref_squeeze %dma_start3A_231 : memref<1x16xi32, #tpu.memory_space<vmem>> -> memref<16xi32, #tpu.memory_space<vmem>>
        %dma_start3A_233 = arith.constant 0 : i32
        %dma_start3A_234 = arith.constant 0 : i32
        %dma_start3A_235 = tpu.memref_slice %arg14[%dma_start3A_233, %dma_start3A_234] : memref<10240x128xf32, #tpu.memory_space<vmem_shared>> -> memref<10240x128xf32, #tpu.memory_space<vmem_shared>>
        tpu.enqueue_indirect_dma source(%dma_start3A_229 : memref<16x128xf32, #tpu.memory_space<vmem>>) target(%dma_start3A_235 : memref<10240x128xf32, #tpu.memory_space<vmem_shared>>) offsets(%dma_start3A_232 : memref<16xi32, #tpu.memory_space<vmem>>) semaphore(%arg16 : memref<!tpu.dma_semaphore, #tpu.memory_space<semaphore_mem>>) {add = true}
        %add3A_236 = arith.constant 80 : i32
        %add3A_237 = arith.addi %mul3A_53, %add3A_236 : i32
        %add3A_238 = arith.constant 5 : i32
        %add3A_239 = arith.addi %mul3A_69, %add3A_238 : i32
        %dma_start3A_240 = arith.constant 0 : i32
        %dma_start3A_241 = tpu.memref_slice %arg12[%add3A_237, %dma_start3A_240] : memref<256x128xf32, #tpu.memory_space<vmem>> -> memref<16x128xf32, #tpu.memory_space<vmem>>
        %dma_start3A_242 = arith.constant 0 : i32
        %dma_start3A_243 = tpu.memref_slice %arg9[%add3A_239, %dma_start3A_242] : memref<24x16xi32, #tpu.memory_space<vmem>> -> memref<1x16xi32, #tpu.memory_space<vmem>>
        %dma_start3A_244 = tpu.memref_squeeze %dma_start3A_243 : memref<1x16xi32, #tpu.memory_space<vmem>> -> memref<16xi32, #tpu.memory_space<vmem>>
        %dma_start3A_245 = arith.constant 0 : i32
        %dma_start3A_246 = arith.constant 0 : i32
        %dma_start3A_247 = tpu.memref_slice %arg14[%dma_start3A_245, %dma_start3A_246] : memref<10240x128xf32, #tpu.memory_space<vmem_shared>> -> memref<10240x128xf32, #tpu.memory_space<vmem_shared>>
        tpu.enqueue_indirect_dma source(%dma_start3A_241 : memref<16x128xf32, #tpu.memory_space<vmem>>) target(%dma_start3A_247 : memref<10240x128xf32, #tpu.memory_space<vmem_shared>>) offsets(%dma_start3A_244 : memref<16xi32, #tpu.memory_space<vmem>>) semaphore(%arg16 : memref<!tpu.dma_semaphore, #tpu.memory_space<semaphore_mem>>) {add = true}
        %add3A_248 = arith.constant 96 : i32
        %add3A_249 = arith.addi %mul3A_53, %add3A_248 : i32
        %add3A_250 = arith.constant 6 : i32
        %add3A_251 = arith.addi %mul3A_69, %add3A_250 : i32
        %dma_start3A_252 = arith.constant 0 : i32
        %dma_start3A_253 = tpu.memref_slice %arg12[%add3A_249, %dma_start3A_252] : memref<256x128xf32, #tpu.memory_space<vmem>> -> memref<16x128xf32, #tpu.memory_space<vmem>>
        %dma_start3A_254 = arith.constant 0 : i32
        %dma_start3A_255 = tpu.memref_slice %arg9[%add3A_251, %dma_start3A_254] : memref<24x16xi32, #tpu.memory_space<vmem>> -> memref<1x16xi32, #tpu.memory_space<vmem>>
        %dma_start3A_256 = tpu.memref_squeeze %dma_start3A_255 : memref<1x16xi32, #tpu.memory_space<vmem>> -> memref<16xi32, #tpu.memory_space<vmem>>
        %dma_start3A_257 = arith.constant 0 : i32
        %dma_start3A_258 = arith.constant 0 : i32
        %dma_start3A_259 = tpu.memref_slice %arg14[%dma_start3A_257, %dma_start3A_258] : memref<10240x128xf32, #tpu.memory_space<vmem_shared>> -> memref<10240x128xf32, #tpu.memory_space<vmem_shared>>
        tpu.enqueue_indirect_dma source(%dma_start3A_253 : memref<16x128xf32, #tpu.memory_space<vmem>>) target(%dma_start3A_259 : memref<10240x128xf32, #tpu.memory_space<vmem_shared>>) offsets(%dma_start3A_256 : memref<16xi32, #tpu.memory_space<vmem>>) semaphore(%arg16 : memref<!tpu.dma_semaphore, #tpu.memory_space<semaphore_mem>>) {add = true}
        %add3A_260 = arith.constant 112 : i32
        %add3A_261 = arith.addi %mul3A_53, %add3A_260 : i32
        %add3A_262 = arith.constant 7 : i32
        %add3A_263 = arith.addi %mul3A_69, %add3A_262 : i32
        %dma_start3A_264 = arith.constant 0 : i32
        %dma_start3A_265 = tpu.memref_slice %arg12[%add3A_261, %dma_start3A_264] : memref<256x128xf32, #tpu.memory_space<vmem>> -> memref<16x128xf32, #tpu.memory_space<vmem>>
        %dma_start3A_266 = arith.constant 0 : i32
        %dma_start3A_267 = tpu.memref_slice %arg9[%add3A_263, %dma_start3A_266] : memref<24x16xi32, #tpu.memory_space<vmem>> -> memref<1x16xi32, #tpu.memory_space<vmem>>
        %dma_start3A_268 = tpu.memref_squeeze %dma_start3A_267 : memref<1x16xi32, #tpu.memory_space<vmem>> -> memref<16xi32, #tpu.memory_space<vmem>>
        %dma_start3A_269 = arith.constant 0 : i32
        %dma_start3A_270 = arith.constant 0 : i32
        %dma_start3A_271 = tpu.memref_slice %arg14[%dma_start3A_269, %dma_start3A_270] : memref<10240x128xf32, #tpu.memory_space<vmem_shared>> -> memref<10240x128xf32, #tpu.memory_space<vmem_shared>>
        tpu.enqueue_indirect_dma source(%dma_start3A_265 : memref<16x128xf32, #tpu.memory_space<vmem>>) target(%dma_start3A_271 : memref<10240x128xf32, #tpu.memory_space<vmem_shared>>) offsets(%dma_start3A_268 : memref<16xi32, #tpu.memory_space<vmem>>) semaphore(%arg16 : memref<!tpu.dma_semaphore, #tpu.memory_space<semaphore_mem>>) {add = true}
      } else {
      }
      %add3A_82 = arith.constant 1 : i32
      %add3A_83 = arith.addi %scan3A_44, %add3A_82 : i32
      %lt3A_84 = arith.constant 79 : i32
      %lt3A_85 = arith.cmpi slt, %add3A_83, %lt3A_84 : i32
      %convert_element_type3A_86 = arith.extui %lt3A_85 : i1 to i32
      %cond3A_87 = arith.constant 0 : i32
      %cond3A_88 = arith.cmpi ne, %convert_element_type3A_86, %cond3A_87 : i32
      scf.if %cond3A_88 {
        %add3A_89 = arith.constant 1 : i32
        %add3A_90 = arith.addi %scan3A_44, %add3A_89 : i32
        %mul3A_91 = arith.constant 8 : i32
        %mul3A_92 = arith.muli %add3A_90, %mul3A_91 : i32
        %add3A_93 = arith.addi %mul3A_6, %mul3A_92 : i32
        %dma_start3A_94 = arith.constant 0 : i32
        %dma_start3A_95 = tpu.memref_slice %arg8[%mul3A_63, %dma_start3A_94] : memref<24x16xi32, #tpu.memory_space<vmem>> -> memref<8x16xi32, #tpu.memory_space<vmem>>
        %dma_start3A_96 = arith.constant 0 : i32
        %dma_start3A_97 = tpu.memref_slice %arg3[%add3A_93, %dma_start3A_96] : memref<20224x16xi32, #tpu.memory_space<hbm>> -> memref<8x16xi32, #tpu.memory_space<hbm>>
        %dma_start3A_98 = arith.constant 0 : i32
        %dma_start3A_99 = tpu.memref_slice %arg8[%mul3A_63, %dma_start3A_98] : memref<24x16xi32, #tpu.memory_space<vmem>> -> memref<8x16xi32, #tpu.memory_space<vmem>>
        %dma_start3A_100 = arith.constant 0 : i32
        %dma_start3A_101 = tpu.memref_slice %arg3[%add3A_93, %dma_start3A_100] : memref<20224x16xi32, #tpu.memory_space<hbm>> -> memref<8x16xi32, #tpu.memory_space<hbm>>
        tpu.enqueue_dma source(%dma_start3A_101 : memref<8x16xi32, #tpu.memory_space<hbm>>) target(%dma_start3A_99 : memref<8x16xi32, #tpu.memory_space<vmem>>) target_semaphore(%arg17 : memref<!tpu.dma_semaphore, #tpu.memory_space<semaphore_mem>>)
        %dma_start3A_102 = arith.constant 0 : i32
        %dma_start3A_103 = tpu.memref_slice %arg9[%mul3A_63, %dma_start3A_102] : memref<24x16xi32, #tpu.memory_space<vmem>> -> memref<8x16xi32, #tpu.memory_space<vmem>>
        %dma_start3A_104 = arith.constant 0 : i32
        %dma_start3A_105 = tpu.memref_slice %arg4[%add3A_93, %dma_start3A_104] : memref<20224x16xi32, #tpu.memory_space<hbm>> -> memref<8x16xi32, #tpu.memory_space<hbm>>
        %dma_start3A_106 = arith.constant 0 : i32
        %dma_start3A_107 = tpu.memref_slice %arg9[%mul3A_63, %dma_start3A_106] : memref<24x16xi32, #tpu.memory_space<vmem>> -> memref<8x16xi32, #tpu.memory_space<vmem>>
        %dma_start3A_108 = arith.constant 0 : i32
        %dma_start3A_109 = tpu.memref_slice %arg4[%add3A_93, %dma_start3A_108] : memref<20224x16xi32, #tpu.memory_space<hbm>> -> memref<8x16xi32, #tpu.memory_space<hbm>>
        tpu.enqueue_dma source(%dma_start3A_109 : memref<8x16xi32, #tpu.memory_space<hbm>>) target(%dma_start3A_107 : memref<8x16xi32, #tpu.memory_space<vmem>>) target_semaphore(%arg17 : memref<!tpu.dma_semaphore, #tpu.memory_space<semaphore_mem>>)
      } else {
      }
    }
    %scan3A_36 = arith.constant 81 : i32
    %barrier3A_37 = arith.constant 0 : index
    tpu.barrier barrier_id(%barrier3A_37)
    %scan3A_38 = arith.constant 0 : i32
    %scan3A_39 = arith.constant 0 : i32
    %scan3A_40 = arith.constant 40 : i32
    %scan3A_41 = arith.addi %scan3A_39, %scan3A_40 : i32
    %scan3A_42 = arith.constant 1 : i32
    scf.for %scan3A_44 = %scan3A_39 to %scan3A_41 step %scan3A_42  : i32 {
      %dma_start3A_45 = arith.constant 0 : i32
      %dma_start3A_46 = tpu.memref_slice %arg11[%scan3A_44, %dma_start3A_45] : memref<40x16xi32, #tpu.memory_space<vmem>> -> memref<1x16xi32, #tpu.memory_space<vmem>>
      %dma_start3A_47 = tpu.memref_squeeze %dma_start3A_46 : memref<1x16xi32, #tpu.memory_space<vmem>> -> memref<16xi32, #tpu.memory_space<vmem>>
      %dma_start3A_48 = arith.constant 0 : i32
      %dma_start3A_49 = arith.constant 0 : i32
      %dma_start3A_50 = tpu.memref_slice %arg14[%dma_start3A_48, %dma_start3A_49] : memref<10240x128xf32, #tpu.memory_space<vmem_shared>> -> memref<10240x128xf32, #tpu.memory_space<vmem_shared>>
      tpu.enqueue_indirect_dma source(%dma_start3A_50 : memref<10240x128xf32, #tpu.memory_space<vmem_shared>>) target(%arg13 : memref<16x128xf32, #tpu.memory_space<vmem>>) offsets(%dma_start3A_47 : memref<16xi32, #tpu.memory_space<vmem>>) semaphore(%arg15 : memref<!tpu.dma_semaphore, #tpu.memory_space<semaphore_mem>>)
      %dma_wait3A = arith.constant 0 : i32
      %dma_wait3A_51 = tpu.memref_slice %arg11[%scan3A_44, %dma_wait3A] : memref<40x16xi32, #tpu.memory_space<vmem>> -> memref<1x16xi32, #tpu.memory_space<vmem>>
      %dma_wait3A_52 = tpu.memref_squeeze %dma_wait3A_51 : memref<1x16xi32, #tpu.memory_space<vmem>> -> memref<16xi32, #tpu.memory_space<vmem>>
      %dma_wait3A_53 = arith.constant 0 : i32
      %dma_wait3A_54 = arith.constant 0 : i32
      %dma_wait3A_55 = tpu.memref_slice %arg14[%dma_wait3A_53, %dma_wait3A_54] : memref<10240x128xf32, #tpu.memory_space<vmem_shared>> -> memref<10240x128xf32, #tpu.memory_space<vmem_shared>>
      tpu.wait_indirect_dma semaphore(%arg15 : memref<!tpu.dma_semaphore, #tpu.memory_space<semaphore_mem>>) src(%dma_wait3A_55 : memref<10240x128xf32, #tpu.memory_space<vmem_shared>>) dst(%arg13 : memref<16x128xf32, #tpu.memory_space<vmem>>)
      %add3A_56 = arith.addi %mul3A_2, %scan3A_44 : i32
      %mul3A_57 = arith.constant 16 : i32
      %mul3A_58 = arith.muli %add3A_56, %mul3A_57 : i32
      "tpu.region"() ({
        %run_scoped3A = tpu.sem_alloc : memref<!tpu.dma_semaphore, #tpu.memory_space<semaphore_mem>>
        %dma_start3A_59 = arith.constant 0 : i32
        %dma_start3A_60 = tpu.memref_slice %arg7[%arg0, %mul3A_58, %dma_start3A_59] : memref<2x10240x128xf32, #tpu.memory_space<hbm>> -> memref<1x16x128xf32, #tpu.memory_space<hbm>>
        %dma_start3A_61 = tpu.memref_squeeze %dma_start3A_60 : memref<1x16x128xf32, #tpu.memory_space<hbm>> -> memref<16x128xf32, #tpu.memory_space<hbm>>
        %dma_start3A_62 = arith.constant 0 : i32
        %dma_start3A_63 = tpu.memref_slice %arg7[%arg0, %mul3A_58, %dma_start3A_62] : memref<2x10240x128xf32, #tpu.memory_space<hbm>> -> memref<1x16x128xf32, #tpu.memory_space<hbm>>
        %dma_start3A_64 = tpu.memref_squeeze %dma_start3A_63 : memref<1x16x128xf32, #tpu.memory_space<hbm>> -> memref<16x128xf32, #tpu.memory_space<hbm>>
        tpu.enqueue_dma source(%arg13 : memref<16x128xf32, #tpu.memory_space<vmem>>) target(%dma_start3A_64 : memref<16x128xf32, #tpu.memory_space<hbm>>) target_semaphore(%run_scoped3A : memref<!tpu.dma_semaphore, #tpu.memory_space<semaphore_mem>>)
        %dma_wait3A_65 = arith.constant 0 : i32
        %dma_wait3A_66 = tpu.memref_slice %arg7[%arg0, %mul3A_58, %dma_wait3A_65] : memref<2x10240x128xf32, #tpu.memory_space<hbm>> -> memref<1x16x128xf32, #tpu.memory_space<hbm>>
        %dma_wait3A_67 = tpu.memref_squeeze %dma_wait3A_66 : memref<1x16x128xf32, #tpu.memory_space<hbm>> -> memref<16x128xf32, #tpu.memory_space<hbm>>
        %dma_wait3A_68 = arith.constant 0 : i32
        %dma_wait3A_69 = tpu.memref_slice %arg7[%arg0, %mul3A_58, %dma_wait3A_68] : memref<2x10240x128xf32, #tpu.memory_space<hbm>> -> memref<1x16x128xf32, #tpu.memory_space<hbm>>
        %dma_wait3A_70 = tpu.memref_squeeze %dma_wait3A_69 : memref<1x16x128xf32, #tpu.memory_space<hbm>> -> memref<16x128xf32, #tpu.memory_space<hbm>>
        tpu.wait_dma2 semaphore(%run_scoped3A : memref<!tpu.dma_semaphore, #tpu.memory_space<semaphore_mem>>) src(%arg13 : memref<16x128xf32, #tpu.memory_space<vmem>>) dst(%dma_wait3A_70 : memref<16x128xf32, #tpu.memory_space<hbm>>)
        tpu.yield
      }) : () -> ()
    }
    %scan3A_43 = arith.constant 40 : i32
    return
  }
}

module attributes {stable_mosaic.version = 14 : i64} {
  func.func @_tc_g0_body(%arg0: i32, %arg1: memref<640x128xf32, #tpu.memory_space<vmem>>, %arg2: memref<128x128xf32, #tpu.memory_space<vmem>>, %arg3: memref<2x640x128xf32, #tpu.memory_space<vmem>>, %arg4: memref<640x128xf32, #tpu.memory_space<vmem>>, %arg5: memref<1x1x640xf32, #tpu.memory_space<vmem>>) attributes {dimension_semantics = [#tpu.dimension_semantics<arbitrary>], iteration_bounds = array<i64: 16>, scalar_prefetch = 0 : i64, scratch_operands = 0 : i64, tpu.core_type = #tpu.core_type<tc>, window_params = [{transform_indices = @transform_0, window_bounds = array<i64: 640, 128>}, {pipeline_mode = #tpu.pipeline_mode<synchronous>, transform_indices = @transform_1, window_bounds = array<i64: 128, 128>}, {transform_indices = @transform_2, window_bounds = array<i64: 2, 640, 128>}, {transform_indices = @transform_3, window_bounds = array<i64: 640, 128>}, {transform_indices = @transform_4, window_bounds = array<i64: 1, 1, 640>}]} {
    %get3A = arith.constant 0 : index
    %get3A_0 = arith.constant 0 : index
    %get3A_1 = arith.constant 0 : index
    %get3A_2 = vector.load %arg3[%get3A, %get3A_0, %get3A_1] : memref<2x640x128xf32, #tpu.memory_space<vmem>>, vector<2x640x128xf32>
    %slice3A = vector.extract_strided_slice %get3A_2 {offsets = [0, 0, 0], sizes = [1, 640, 1], strides = [1, 1, 1]} : vector<2x640x128xf32> to vector<1x640x1xf32>
    %squeeze3A = vector.shape_cast %slice3A : vector<1x640x1xf32> to vector<640xf32>
    %slice3A_3 = vector.extract_strided_slice %get3A_2 {offsets = [1, 0, 0], sizes = [1, 640, 1], strides = [1, 1, 1]} : vector<2x640x128xf32> to vector<1x640x1xf32>
    %squeeze3A_4 = vector.shape_cast %slice3A_3 : vector<1x640x1xf32> to vector<640xf32>
    %add3A = arith.addf %squeeze3A, %squeeze3A_4 : vector<640xf32>
    %add3A_5 = arith.constant 1.000000e+00 : f32
    %add3A_6 = vector.broadcast %add3A_5 : f32 to vector<640xf32>
    %add3A_7 = arith.addf %add3A, %add3A_6 : vector<640xf32>
    %rsqrt3A = math.rsqrt %add3A_7 : vector<640xf32>
    %broadcast_in_dim3A = vector.shape_cast %rsqrt3A : vector<640xf32> to vector<1x1x640xf32>
    %swap3A = arith.constant 0 : index
    %swap3A_8 = arith.constant 0 : index
    %swap3A_9 = arith.constant 0 : index
    %swap3A_10 = vector.load %arg5[%swap3A, %swap3A_8, %swap3A_9] : memref<1x1x640xf32, #tpu.memory_space<vmem>>, vector<1x1x640xf32>
    tpu.vector_store %arg5[%swap3A, %swap3A_8, %swap3A_9], %broadcast_in_dim3A {strides = array<i32>} : memref<1x1x640xf32, #tpu.memory_space<vmem>>, vector<1x1x640xf32>,
    %get3A_11 = arith.constant 0 : index
    %get3A_12 = arith.constant 0 : index
    %get3A_13 = vector.load %arg1[%get3A_11, %get3A_12] : memref<640x128xf32, #tpu.memory_space<vmem>>, vector<640x128xf32>
    %get3A_14 = arith.constant 0 : index
    %get3A_15 = arith.constant 0 : index
    %get3A_16 = vector.load %arg2[%get3A_14, %get3A_15] : memref<128x128xf32, #tpu.memory_space<vmem>>, vector<128x128xf32>
    %dot_general3A = arith.constant dense<0.000000e+00> : vector<640x128xf32>
    %dot_general3A_17 = tpu.matmul %get3A_13, %get3A_16, %dot_general3A {dimension_numbers = #tpu.dot_dimension_numbers<[1], [0], [0], [1], [0, 0, 1, 1], [], []>, transpose_lhs_hint = false} : vector<640x128xf32>, vector<128x128xf32>, vector<640x128xf32> -> vector<640x128xf32>
    %broadcast_in_dim3A_18 = vector.shape_cast %rsqrt3A : vector<640xf32> to vector<640x1xf32>
    %mul3A = vector.broadcast %broadcast_in_dim3A_18 : vector<640x1xf32> to vector<640x128xf32>
    %mul3A_19 = arith.mulf %dot_general3A_17, %mul3A : vector<640x128xf32>
    %swap3A_20 = arith.constant 0 : index
    %swap3A_21 = arith.constant 0 : index
    %swap3A_22 = vector.load %arg4[%swap3A_20, %swap3A_21] : memref<640x128xf32, #tpu.memory_space<vmem>>, vector<640x128xf32>
    tpu.vector_store %arg4[%swap3A_20, %swap3A_21], %mul3A_19 {strides = array<i32>} : memref<640x128xf32, #tpu.memory_space<vmem>>, vector<640x128xf32>,
    return
  }
  func.func @transform_0(%arg0: i32) -> (i32, i32) {
    %c0_i32 = arith.constant 0 : i32
    %c0_i32_0 = arith.constant 0 : i32
    return %arg0, %c0_i32 : i32, i32
  }
  func.func @transform_1(%arg0: i32) -> (i32, i32) {
    %c0_i32 = arith.constant 0 : i32
    %c0_i32_0 = arith.constant 0 : i32
    %c0_i32_1 = arith.constant 0 : i32
    return %c0_i32, %c0_i32_0 : i32, i32
  }
  func.func @transform_2(%arg0: i32) -> (i32, i32, i32) {
    %c0_i32 = arith.constant 0 : i32
    %c0_i32_0 = arith.constant 0 : i32
    %c0_i32_1 = arith.constant 0 : i32
    return %c0_i32, %arg0, %c0_i32_0 : i32, i32, i32
  }
  func.func @transform_3(%arg0: i32) -> (i32, i32) {
    %c0_i32 = arith.constant 0 : i32
    %c0_i32_0 = arith.constant 0 : i32
    return %arg0, %c0_i32 : i32, i32
  }
  func.func @transform_4(%arg0: i32) -> (i32, i32, i32) {
    %c0_i32 = arith.constant 0 : i32
    %c0_i32_0 = arith.constant 0 : i32
    %c0_i32_1 = arith.constant 0 : i32
    return %arg0, %c0_i32, %c0_i32_0 : i32, i32, i32
  }
}

module attributes {stable_mosaic.version = 14 : i64} {
  func.func @_tc_layer_body(%arg0: i32, %arg1: memref<2x640x128xf32, #tpu.memory_space<vmem>>, %arg2: memref<640x128xf32, #tpu.memory_space<vmem>>, %arg3: memref<1x1x640xf32, #tpu.memory_space<vmem>>, %arg4: memref<1x128xf32, #tpu.memory_space<vmem>>, %arg5: memref<128x128xf32, #tpu.memory_space<vmem>>, %arg6: memref<640x128xf32, #tpu.memory_space<vmem>>) attributes {dimension_semantics = [#tpu.dimension_semantics<arbitrary>], iteration_bounds = array<i64: 16>, scalar_prefetch = 0 : i64, scratch_operands = 0 : i64, tpu.core_type = #tpu.core_type<tc>, window_params = [{transform_indices = @transform_0, window_bounds = array<i64: 2, 640, 128>}, {transform_indices = @transform_1, window_bounds = array<i64: 640, 128>}, {transform_indices = @transform_2, window_bounds = array<i64: 1, 1, 640>}, {pipeline_mode = #tpu.pipeline_mode<synchronous>, transform_indices = @transform_3, window_bounds = array<i64: 1, 128>}, {pipeline_mode = #tpu.pipeline_mode<synchronous>, transform_indices = @transform_4, window_bounds = array<i64: 128, 128>}, {transform_indices = @transform_5, window_bounds = array<i64: 640, 128>}]} {
    %get3A = arith.constant 0 : index
    %get3A_0 = arith.constant 0 : index
    %get3A_1 = arith.constant 0 : index
    %get3A_2 = vector.load %arg3[%get3A, %get3A_0, %get3A_1] : memref<1x1x640xf32, #tpu.memory_space<vmem>>, vector<1x1x640xf32>
    %squeeze3A = vector.shape_cast %get3A_2 : vector<1x1x640xf32> to vector<640xf32>
    %get3A_3 = arith.constant 0 : index
    %get3A_4 = arith.constant 0 : index
    %get3A_5 = arith.constant 0 : index
    %get3A_6 = vector.load %arg1[%get3A_3, %get3A_4, %get3A_5] : memref<2x640x128xf32, #tpu.memory_space<vmem>>, vector<2x640x128xf32>
    %slice3A = vector.extract_strided_slice %get3A_6 {offsets = [0, 0, 0], sizes = [1, 640, 128], strides = [1, 1, 1]} : vector<2x640x128xf32> to vector<1x640x128xf32>
    %squeeze3A_7 = vector.shape_cast %slice3A : vector<1x640x128xf32> to vector<640x128xf32>
    %slice3A_8 = vector.extract_strided_slice %get3A_6 {offsets = [1, 0, 0], sizes = [1, 640, 128], strides = [1, 1, 1]} : vector<2x640x128xf32> to vector<1x640x128xf32>
    %squeeze3A_9 = vector.shape_cast %slice3A_8 : vector<1x640x128xf32> to vector<640x128xf32>
    %add3A = arith.addf %squeeze3A_7, %squeeze3A_9 : vector<640x128xf32>
    %get3A_10 = arith.constant 0 : index
    %get3A_11 = arith.constant 0 : index
    %get3A_12 = vector.load %arg2[%get3A_10, %get3A_11] : memref<640x128xf32, #tpu.memory_space<vmem>>, vector<640x128xf32>
    %add3A_13 = arith.addf %add3A, %get3A_12 : vector<640x128xf32>
    %broadcast_in_dim3A = vector.shape_cast %squeeze3A : vector<640xf32> to vector<640x1xf32>
    %mul3A = vector.broadcast %broadcast_in_dim3A : vector<640x1xf32> to vector<640x128xf32>
    %mul3A_14 = arith.mulf %add3A_13, %mul3A : vector<640x128xf32>
    %get3A_15 = arith.constant 0 : index
    %get3A_16 = arith.constant 0 : index
    %get3A_17 = vector.load %arg4[%get3A_15, %get3A_16] : memref<1x128xf32, #tpu.memory_space<vmem>>, vector<1x128xf32>
    %add3A_18 = vector.broadcast %get3A_17 : vector<1x128xf32> to vector<640x128xf32>
    %add3A_19 = arith.addf %mul3A_14, %add3A_18 : vector<640x128xf32>
    %max3A = arith.constant 0.000000e+00 : f32
    %max3A_20 = vector.broadcast %max3A : f32 to vector<640x128xf32>
    %max3A_21 = arith.maximumf %add3A_19, %max3A_20 : vector<640x128xf32>
    %get3A_22 = arith.constant 0 : index
    %get3A_23 = arith.constant 0 : index
    %get3A_24 = vector.load %arg5[%get3A_22, %get3A_23] : memref<128x128xf32, #tpu.memory_space<vmem>>, vector<128x128xf32>
    %dot_general3A = arith.constant dense<0.000000e+00> : vector<640x128xf32>
    %dot_general3A_25 = tpu.matmul %max3A_21, %get3A_24, %dot_general3A {dimension_numbers = #tpu.dot_dimension_numbers<[1], [0], [0], [1], [0, 0, 1, 1], [], []>, transpose_lhs_hint = false} : vector<640x128xf32>, vector<128x128xf32>, vector<640x128xf32> -> vector<640x128xf32>
    %broadcast_in_dim3A_26 = vector.shape_cast %squeeze3A : vector<640xf32> to vector<640x1xf32>
    %mul3A_27 = vector.broadcast %broadcast_in_dim3A_26 : vector<640x1xf32> to vector<640x128xf32>
    %mul3A_28 = arith.mulf %dot_general3A_25, %mul3A_27 : vector<640x128xf32>
    %swap3A = arith.constant 0 : index
    %swap3A_29 = arith.constant 0 : index
    %swap3A_30 = vector.load %arg6[%swap3A, %swap3A_29] : memref<640x128xf32, #tpu.memory_space<vmem>>, vector<640x128xf32>
    tpu.vector_store %arg6[%swap3A, %swap3A_29], %mul3A_28 {strides = array<i32>} : memref<640x128xf32, #tpu.memory_space<vmem>>, vector<640x128xf32>,
    return
  }
  func.func @transform_0(%arg0: i32) -> (i32, i32, i32) {
    %c0_i32 = arith.constant 0 : i32
    %c0_i32_0 = arith.constant 0 : i32
    %c0_i32_1 = arith.constant 0 : i32
    return %c0_i32, %arg0, %c0_i32_0 : i32, i32, i32
  }
  func.func @transform_1(%arg0: i32) -> (i32, i32) {
    %c0_i32 = arith.constant 0 : i32
    %c0_i32_0 = arith.constant 0 : i32
    return %arg0, %c0_i32 : i32, i32
  }
  func.func @transform_2(%arg0: i32) -> (i32, i32, i32) {
    %c0_i32 = arith.constant 0 : i32
    %c0_i32_0 = arith.constant 0 : i32
    %c0_i32_1 = arith.constant 0 : i32
    return %arg0, %c0_i32, %c0_i32_0 : i32, i32, i32
  }
  func.func @transform_3(%arg0: i32) -> (i32, i32) {
    %c0_i32 = arith.constant 0 : i32
    %c0_i32_0 = arith.constant 0 : i32
    %c0_i32_1 = arith.constant 0 : i32
    return %c0_i32, %c0_i32_0 : i32, i32
  }
  func.func @transform_4(%arg0: i32) -> (i32, i32) {
    %c0_i32 = arith.constant 0 : i32
    %c0_i32_0 = arith.constant 0 : i32
    %c0_i32_1 = arith.constant 0 : i32
    return %c0_i32, %c0_i32_0 : i32, i32
  }
  func.func @transform_5(%arg0: i32) -> (i32, i32) {
    %c0_i32 = arith.constant 0 : i32
    %c0_i32_0 = arith.constant 0 : i32
    return %arg0, %c0_i32 : i32, i32
  }
}

module attributes {stable_mosaic.version = 14 : i64} {
  func.func @_tc_final_body(%arg0: i32, %arg1: memref<2x640x128xf32, #tpu.memory_space<vmem>>, %arg2: memref<640x128xf32, #tpu.memory_space<vmem>>, %arg3: memref<1x1x640xf32, #tpu.memory_space<vmem>>, %arg4: memref<1x128xf32, #tpu.memory_space<vmem>>, %arg5: memref<1x1x640xi32, #tpu.memory_space<vmem>>, %arg6: memref<128x128xf32, #tpu.memory_space<vmem>>, %arg7: memref<1x128xf32, #tpu.memory_space<vmem>>, %arg8: memref<128x128xf32, #tpu.memory_space<vmem>>, %arg9: memref<1x128xf32, #tpu.memory_space<vmem>>, %arg10: memref<64x128xf32, #tpu.memory_space<vmem>>, %arg11: memref<64x128xf32, #tpu.memory_space<vmem>>, %arg12: memref<64x128xf32, #tpu.memory_space<vmem>>) attributes {dimension_semantics = [#tpu.dimension_semantics<arbitrary>], iteration_bounds = array<i64: 16>, scalar_prefetch = 0 : i64, scratch_operands = 2 : i64, tpu.core_type = #tpu.core_type<tc>, window_params = [{transform_indices = @transform_0, window_bounds = array<i64: 2, 640, 128>}, {transform_indices = @transform_1, window_bounds = array<i64: 640, 128>}, {transform_indices = @transform_2, window_bounds = array<i64: 1, 1, 640>}, {pipeline_mode = #tpu.pipeline_mode<synchronous>, transform_indices = @transform_3, window_bounds = array<i64: 1, 128>}, {transform_indices = @transform_4, window_bounds = array<i64: 1, 1, 640>}, {pipeline_mode = #tpu.pipeline_mode<synchronous>, transform_indices = @transform_5, window_bounds = array<i64: 128, 128>}, {pipeline_mode = #tpu.pipeline_mode<synchronous>, transform_indices = @transform_6, window_bounds = array<i64: 1, 128>}, {pipeline_mode = #tpu.pipeline_mode<synchronous>, transform_indices = @transform_7, window_bounds = array<i64: 128, 128>}, {pipeline_mode = #tpu.pipeline_mode<synchronous>, transform_indices = @transform_8, window_bounds = array<i64: 1, 128>}, {pipeline_mode = #tpu.pipeline_mode<synchronous>, transform_indices = @transform_9, window_bounds = array<i64: 64, 128>}]} {
    %eq3A = arith.constant 0 : i32
    %eq3A_0 = arith.cmpi eq, %arg0, %eq3A : i32
    %convert_element_type3A = arith.extui %eq3A_0 : i1 to i32
    %cond3A = arith.constant 0 : i32
    %cond3A_1 = arith.cmpi ne, %convert_element_type3A, %cond3A : i32
    scf.if %cond3A_1 {
      %broadcast_in_dim3A_57 = arith.constant 0.000000e+00 : f32
      %broadcast_in_dim3A_58 = vector.broadcast %broadcast_in_dim3A_57 : f32 to vector<64x128xf32>
      %swap3A_59 = arith.constant 0 : index
      %swap3A_60 = arith.constant 0 : index
      %swap3A_61 = vector.load %arg11[%swap3A_59, %swap3A_60] : memref<64x128xf32, #tpu.memory_space<vmem>>, vector<64x128xf32>
      tpu.vector_store %arg11[%swap3A_59, %swap3A_60], %broadcast_in_dim3A_58 {strides = array<i32>} : memref<64x128xf32, #tpu.memory_space<vmem>>, vector<64x128xf32>,
      %broadcast_in_dim3A_62 = arith.constant 0.000000e+00 : f32
      %broadcast_in_dim3A_63 = vector.broadcast %broadcast_in_dim3A_62 : f32 to vector<64x128xf32>
      %swap3A_64 = arith.constant 0 : index
      %swap3A_65 = arith.constant 0 : index
      %swap3A_66 = vector.load %arg12[%swap3A_64, %swap3A_65] : memref<64x128xf32, #tpu.memory_space<vmem>>, vector<64x128xf32>
      tpu.vector_store %arg12[%swap3A_64, %swap3A_65], %broadcast_in_dim3A_63 {strides = array<i32>} : memref<64x128xf32, #tpu.memory_space<vmem>>, vector<64x128xf32>,
    } else {
    }
    %get3A = arith.constant 0 : index
    %get3A_2 = arith.constant 0 : index
    %get3A_3 = arith.constant 0 : index
    %get3A_4 = vector.load %arg3[%get3A, %get3A_2, %get3A_3] : memref<1x1x640xf32, #tpu.memory_space<vmem>>, vector<1x1x640xf32>
    %squeeze3A = vector.shape_cast %get3A_4 : vector<1x1x640xf32> to vector<640xf32>
    %get3A_5 = arith.constant 0 : index
    %get3A_6 = arith.constant 0 : index
    %get3A_7 = arith.constant 0 : index
    %get3A_8 = vector.load %arg1[%get3A_5, %get3A_6, %get3A_7] : memref<2x640x128xf32, #tpu.memory_space<vmem>>, vector<2x640x128xf32>
    %slice3A = vector.extract_strided_slice %get3A_8 {offsets = [0, 0, 0], sizes = [1, 640, 128], strides = [1, 1, 1]} : vector<2x640x128xf32> to vector<1x640x128xf32>
    %squeeze3A_9 = vector.shape_cast %slice3A : vector<1x640x128xf32> to vector<640x128xf32>
    %slice3A_10 = vector.extract_strided_slice %get3A_8 {offsets = [1, 0, 0], sizes = [1, 640, 128], strides = [1, 1, 1]} : vector<2x640x128xf32> to vector<1x640x128xf32>
    %squeeze3A_11 = vector.shape_cast %slice3A_10 : vector<1x640x128xf32> to vector<640x128xf32>
    %add3A = arith.addf %squeeze3A_9, %squeeze3A_11 : vector<640x128xf32>
    %get3A_12 = arith.constant 0 : index
    %get3A_13 = arith.constant 0 : index
    %get3A_14 = vector.load %arg2[%get3A_12, %get3A_13] : memref<640x128xf32, #tpu.memory_space<vmem>>, vector<640x128xf32>
    %add3A_15 = arith.addf %add3A, %get3A_14 : vector<640x128xf32>
    %broadcast_in_dim3A = vector.shape_cast %squeeze3A : vector<640xf32> to vector<640x1xf32>
    %mul3A = vector.broadcast %broadcast_in_dim3A : vector<640x1xf32> to vector<640x128xf32>
    %mul3A_16 = arith.mulf %add3A_15, %mul3A : vector<640x128xf32>
    %get3A_17 = arith.constant 0 : index
    %get3A_18 = arith.constant 0 : index
    %get3A_19 = vector.load %arg4[%get3A_17, %get3A_18] : memref<1x128xf32, #tpu.memory_space<vmem>>, vector<1x128xf32>
    %add3A_20 = vector.broadcast %get3A_19 : vector<1x128xf32> to vector<640x128xf32>
    %add3A_21 = arith.addf %mul3A_16, %add3A_20 : vector<640x128xf32>
    %max3A = arith.constant 0.000000e+00 : f32
    %max3A_22 = vector.broadcast %max3A : f32 to vector<640x128xf32>
    %max3A_23 = arith.maximumf %add3A_21, %max3A_22 : vector<640x128xf32>
    %get3A_24 = arith.constant 0 : index
    %get3A_25 = arith.constant 0 : index
    %get3A_26 = arith.constant 0 : index
    %get3A_27 = vector.load %arg5[%get3A_24, %get3A_25, %get3A_26] : memref<1x1x640xi32, #tpu.memory_space<vmem>>, vector<1x1x640xi32>
    %squeeze3A_28 = vector.shape_cast %get3A_27 : vector<1x1x640xi32> to vector<640xi32>
    %broadcast_in_dim3A_29 = vector.shape_cast %squeeze3A_28 : vector<640xi32> to vector<640x1xi32>
    %iota3A = tpu.iota {dimensions = array<i32: 1>} : vector<640x64xi32>
    %eq3A_30 = vector.broadcast %broadcast_in_dim3A_29 : vector<640x1xi32> to vector<640x64xi32>
    %eq3A_31 = arith.cmpi eq, %eq3A_30, %iota3A : vector<640x64xi32>
    %convert_element_type3A_32 = arith.extui %eq3A_31 : vector<640x64xi1> to vector<640x64xi32>
    %convert_element_type3A_33 = arith.sitofp %convert_element_type3A_32 : vector<640x64xi32> to vector<640x64xf32>
    %get3A_34 = arith.constant 0 : index
    %get3A_35 = arith.constant 0 : index
    %get3A_36 = vector.load %arg11[%get3A_34, %get3A_35] : memref<64x128xf32, #tpu.memory_space<vmem>>, vector<64x128xf32>
    %dot_general3A = arith.constant dense<0.000000e+00> : vector<64x128xf32>
    %dot_general3A_37 = tpu.matmul %convert_element_type3A_33, %max3A_23, %dot_general3A {dimension_numbers = #tpu.dot_dimension_numbers<[0], [0], [1], [1], [0, 1, 1, 1], [], []>, transpose_lhs_hint = false} : vector<640x64xf32>, vector<640x128xf32>, vector<64x128xf32> -> vector<64x128xf32>
    %add3A_38 = arith.addf %get3A_36, %dot_general3A_37 : vector<64x128xf32>
    %swap3A = arith.constant 0 : index
    %swap3A_39 = arith.constant 0 : index
    %swap3A_40 = vector.load %arg11[%swap3A, %swap3A_39] : memref<64x128xf32, #tpu.memory_space<vmem>>, vector<64x128xf32>
    tpu.vector_store %arg11[%swap3A, %swap3A_39], %add3A_38 {strides = array<i32>} : memref<64x128xf32, #tpu.memory_space<vmem>>, vector<64x128xf32>,
    %get3A_41 = arith.constant 0 : index
    %get3A_42 = arith.constant 0 : index
    %get3A_43 = vector.load %arg12[%get3A_41, %get3A_42] : memref<64x128xf32, #tpu.memory_space<vmem>>, vector<64x128xf32>
    %broadcast_in_dim3A_44 = arith.constant 1.000000e+00 : f32
    %broadcast_in_dim3A_45 = vector.broadcast %broadcast_in_dim3A_44 : f32 to vector<640x128xf32>
    %dot_general3A_46 = arith.constant dense<0.000000e+00> : vector<64x128xf32>
    %dot_general3A_47 = tpu.matmul %convert_element_type3A_33, %broadcast_in_dim3A_45, %dot_general3A_46 {dimension_numbers = #tpu.dot_dimension_numbers<[0], [0], [1], [1], [0, 1, 1, 1], [], []>, transpose_lhs_hint = false} : vector<640x64xf32>, vector<640x128xf32>, vector<64x128xf32> -> vector<64x128xf32>
    %add3A_48 = arith.addf %get3A_43, %dot_general3A_47 : vector<64x128xf32>
    %swap3A_49 = arith.constant 0 : index
    %swap3A_50 = arith.constant 0 : index
    %swap3A_51 = vector.load %arg12[%swap3A_49, %swap3A_50] : memref<64x128xf32, #tpu.memory_space<vmem>>, vector<64x128xf32>
    tpu.vector_store %arg12[%swap3A_49, %swap3A_50], %add3A_48 {strides = array<i32>} : memref<64x128xf32, #tpu.memory_space<vmem>>, vector<64x128xf32>,
    %eq3A_52 = arith.constant 15 : i32
    %eq3A_53 = arith.cmpi eq, %arg0, %eq3A_52 : i32
    %convert_element_type3A_54 = arith.extui %eq3A_53 : i1 to i32
    %cond3A_55 = arith.constant 0 : i32
    %cond3A_56 = arith.cmpi ne, %convert_element_type3A_54, %cond3A_55 : i32
    scf.if %cond3A_56 {
      %get3A_57 = arith.constant 0 : index
      %get3A_58 = arith.constant 0 : index
      %get3A_59 = vector.load %arg11[%get3A_57, %get3A_58] : memref<64x128xf32, #tpu.memory_space<vmem>>, vector<64x128xf32>
      %get3A_60 = arith.constant 0 : index
      %get3A_61 = arith.constant 0 : index
      %get3A_62 = vector.load %arg12[%get3A_60, %get3A_61] : memref<64x128xf32, #tpu.memory_space<vmem>>, vector<64x128xf32>
      %max3A_63 = arith.constant 1.000000e+00 : f32
      %max3A_64 = vector.broadcast %max3A_63 : f32 to vector<64x128xf32>
      %max3A_65 = arith.maximumf %get3A_62, %max3A_64 : vector<64x128xf32>
      %div3A = arith.divf %get3A_59, %max3A_65 : vector<64x128xf32>
      %get3A_66 = arith.constant 0 : index
      %get3A_67 = arith.constant 0 : index
      %get3A_68 = vector.load %arg6[%get3A_66, %get3A_67] : memref<128x128xf32, #tpu.memory_space<vmem>>, vector<128x128xf32>
      %dot_general3A_69 = arith.constant dense<0.000000e+00> : vector<64x128xf32>
      %dot_general3A_70 = tpu.matmul %div3A, %get3A_68, %dot_general3A_69 {dimension_numbers = #tpu.dot_dimension_numbers<[1], [0], [0], [1], [0, 0, 1, 1], [], []>, transpose_lhs_hint = false} : vector<64x128xf32>, vector<128x128xf32>, vector<64x128xf32> -> vector<64x128xf32>
      %get3A_71 = arith.constant 0 : index
      %get3A_72 = arith.constant 0 : index
      %get3A_73 = vector.load %arg7[%get3A_71, %get3A_72] : memref<1x128xf32, #tpu.memory_space<vmem>>, vector<1x128xf32>
      %add3A_74 = vector.broadcast %get3A_73 : vector<1x128xf32> to vector<64x128xf32>
      %add3A_75 = arith.addf %dot_general3A_70, %add3A_74 : vector<64x128xf32>
      %max3A_76 = arith.constant 0.000000e+00 : f32
      %max3A_77 = vector.broadcast %max3A_76 : f32 to vector<64x128xf32>
      %max3A_78 = arith.maximumf %add3A_75, %max3A_77 : vector<64x128xf32>
      %get3A_79 = arith.constant 0 : index
      %get3A_80 = arith.constant 0 : index
      %get3A_81 = vector.load %arg8[%get3A_79, %get3A_80] : memref<128x128xf32, #tpu.memory_space<vmem>>, vector<128x128xf32>
      %dot_general3A_82 = arith.constant dense<0.000000e+00> : vector<64x128xf32>
      %dot_general3A_83 = tpu.matmul %max3A_78, %get3A_81, %dot_general3A_82 {dimension_numbers = #tpu.dot_dimension_numbers<[1], [0], [0], [1], [0, 0, 1, 1], [], []>, transpose_lhs_hint = false} : vector<64x128xf32>, vector<128x128xf32>, vector<64x128xf32> -> vector<64x128xf32>
      %get3A_84 = arith.constant 0 : index
      %get3A_85 = arith.constant 0 : index
      %get3A_86 = vector.load %arg9[%get3A_84, %get3A_85] : memref<1x128xf32, #tpu.memory_space<vmem>>, vector<1x128xf32>
      %add3A_87 = vector.broadcast %get3A_86 : vector<1x128xf32> to vector<64x128xf32>
      %add3A_88 = arith.addf %dot_general3A_83, %add3A_87 : vector<64x128xf32>
      %swap3A_89 = arith.constant 0 : index
      %swap3A_90 = arith.constant 0 : index
      %swap3A_91 = vector.load %arg10[%swap3A_89, %swap3A_90] : memref<64x128xf32, #tpu.memory_space<vmem>>, vector<64x128xf32>
      tpu.vector_store %arg10[%swap3A_89, %swap3A_90], %add3A_88 {strides = array<i32>} : memref<64x128xf32, #tpu.memory_space<vmem>>, vector<64x128xf32>,
    } else {
    }
    return
  }
  func.func @transform_0(%arg0: i32) -> (i32, i32, i32) {
    %c0_i32 = arith.constant 0 : i32
    %c0_i32_0 = arith.constant 0 : i32
    %c0_i32_1 = arith.constant 0 : i32
    return %c0_i32, %arg0, %c0_i32_0 : i32, i32, i32
  }
  func.func @transform_1(%arg0: i32) -> (i32, i32) {
    %c0_i32 = arith.constant 0 : i32
    %c0_i32_0 = arith.constant 0 : i32
    return %arg0, %c0_i32 : i32, i32
  }
  func.func @transform_2(%arg0: i32) -> (i32, i32, i32) {
    %c0_i32 = arith.constant 0 : i32
    %c0_i32_0 = arith.constant 0 : i32
    %c0_i32_1 = arith.constant 0 : i32
    return %arg0, %c0_i32, %c0_i32_0 : i32, i32, i32
  }
  func.func @transform_3(%arg0: i32) -> (i32, i32) {
    %c0_i32 = arith.constant 0 : i32
    %c0_i32_0 = arith.constant 0 : i32
    %c0_i32_1 = arith.constant 0 : i32
    return %c0_i32, %c0_i32_0 : i32, i32
  }
  func.func @transform_4(%arg0: i32) -> (i32, i32, i32) {
    %c0_i32 = arith.constant 0 : i32
    %c0_i32_0 = arith.constant 0 : i32
    %c0_i32_1 = arith.constant 0 : i32
    return %arg0, %c0_i32, %c0_i32_0 : i32, i32, i32
  }
  func.func @transform_5(%arg0: i32) -> (i32, i32) {
    %c0_i32 = arith.constant 0 : i32
    %c0_i32_0 = arith.constant 0 : i32
    %c0_i32_1 = arith.constant 0 : i32
    return %c0_i32, %c0_i32_0 : i32, i32
  }
  func.func @transform_6(%arg0: i32) -> (i32, i32) {
    %c0_i32 = arith.constant 0 : i32
    %c0_i32_0 = arith.constant 0 : i32
    %c0_i32_1 = arith.constant 0 : i32
    return %c0_i32, %c0_i32_0 : i32, i32
  }
  func.func @transform_7(%arg0: i32) -> (i32, i32) {
    %c0_i32 = arith.constant 0 : i32
    %c0_i32_0 = arith.constant 0 : i32
    %c0_i32_1 = arith.constant 0 : i32
    return %c0_i32, %c0_i32_0 : i32, i32
  }
  func.func @transform_8(%arg0: i32) -> (i32, i32) {
    %c0_i32 = arith.constant 0 : i32
    %c0_i32_0 = arith.constant 0 : i32
    %c0_i32_1 = arith.constant 0 : i32
    return %c0_i32, %c0_i32_0 : i32, i32
  }
  func.func @transform_9(%arg0: i32) -> (i32, i32) {
    %c0_i32 = arith.constant 0 : i32
    %c0_i32_0 = arith.constant 0 : i32
    %c0_i32_1 = arith.constant 0 : i32
    return %c0_i32, %c0_i32_0 : i32, i32
  }
}

</mosaic_0001>

<sc_bundles>
// kernel: kernel.10.cloned.1.call-start
scs
__scs_entry_jumppad:
0x0: {  	(pc) =	sbr.rel $0x88, $3  }
0x1: {  	(tag) =	ssettag $0x0;
	lr =	simm.s32 $0x1  }
0x2: {  	[smem:$0x3F94] =	sst lr;
	_ =	strace $0xD0000000  }
0x3: {  	_ = 	snop  }
0x4: {  	_ = 	snop  }
0x5: {  	_ = 	snop  }
0x6: {  	_ = 	snop  }
0x7: {  	_ = 	snop  }
__scs_overlays_trampoline_lowered:
0x8: {  	[smem:$0x3FA3] =	sst s0  }
0x9: {  	[smem:$0x3FA4] =	sst s1  }
0xa: {  	[smem:$0x3FA5] =	sst s2  }
0xb: {  	[smem:$0x3FA6] =	sst s3  }
0xc: {  	[smem:$0x3FA7] =	sst s4  }
0xd: {  	[smem:$0x3FA8] =	sst s5  }
0xe: {  	[smem:$0x3FA9] =	sst s6  }
0xf: {  	[smem:$0x3FAA] =	sst s7  }
0x10: {  	[smem:$0x3FAB] =	sst s8  }
0x11: {  	[smem:$0x3FAC] =	sst s9;
	s0 =	simm.s32 @!p0 $0x0  }
0x12: {  	s1 =	sld [smem:$0x3F92];
	s0 =	simm.s32 @p0 $0x1  }
0x13: {  	[smem:$0x3FAD] =	sst s0;
	s0 =	simm.s32 @!p1 $0x0  }
0x14: {  	s2 =	sld [smem:$0x3F91];
	s0 =	simm.s32 @p1 $0x1  }
0x15: {  	[smem:$0x3FAE] =	sst s0;
	s0 =	simm.s32 @!p2 $0x0  }
0x16: {  	s3 =	sld [smem:$0x3FDB];
	s0 =	simm.s32 @p2 $0x1  }
0x17: {  	s4 =	simm.s32 $0x1BF5;
	[smem:$0x3FB0] =	sst s0  }
0x18: {  	s0 =	sld [smem:$0x3F93];
	_ =	swait.ge [sflag:s4], $0x0  }
0x19: {  	s7 =	sld [smem:$0x3F94]  }
0x1a: {  	s8 =	sadd.s32 $0xFFFFE003, lr  }
0x1b: {  	s9 =	sadd.s32 $0xFFFFFEF7, lr;
	s5 =	simm.s32 $0xFFFFFFFF;
	p2 =	slt.u32 s8, $0xFFFFF086  }
0x1c: {  	p1 =	slt.u32 s9, $0xF7A;
	s5 =	simm.s32 @!p2 $0x0  }
0x1d: {  	s5 =	simm.s32 @p1 $0x1;
	p0 =	seq.s32 s7, s2  }
0x1e: {  	s7 =	smul.u32 @!p0 $0xF7A, s2;
	p2 =	seq.s32 @!p0 s5, $0x0  }
0x1f: {  	s9 =	smul.u32 $0xF7A, s1;
	s8 =	simm.s32 @!p0 $0x1BF5;
	p2 =	por !p2, p0  }
0x20: {  	[sflag:s8] =	ssyncset.s32 @!p0 $0xFFFFF086;
	s6 =	sadd.s32 @!p0 s3, s7;
	s7 =	simm.s32 @!p0 $0x108  }
0x21: {  	s3 =	sadd.s32 s3, s9;
	s6 =	sadd.s32 @!p0 $0x88, s6;
	s7 =	simm.s32 @p2 $0x1082  }
0x22: {  	[simem:s7], [sflag:s8] =	dma.local @!p0 [hbm:s6], $0xF7A  }
0x23: {  	s9 =	sor.u32 $0xD0000000, s2;
	s6 =	simm.s32 $0x108;
	_ =	swait.ge @!p0 [sflag:s8], $0x0  }
0x24: {  	s3 =	sadd.s32 $0x88, s3;
	s6 =	simm.s32 @!p1 $0x1082;
	[sflag:s4] =	ssyncset.s32 $0xFFFFF086  }
0x25: {  	[simem:s6], [sflag:s4] =	dma.local [hbm:s3], $0xF7A  }
0x26: {  	[smem:$0x3F94] =	sst s1;
	(tag) =	ssettag s2;
	_ =	strace s9  }
0x27: {  	s1 =	sld [smem:$0x3FA4]  }
0x28: {  	s2 =	sld [smem:$0x3FA5]  }
0x29: {  	s4 =	sld [smem:$0x3FA7]  }
0x2a: {  	p0 =	seq.s32 s5, $0x0;
	s5 =	sld [smem:$0x3FA8]  }
0x2b: {  	s6 =	sld [smem:$0x3FA9]  }
0x2c: {  	s7 =	sld [smem:$0x3FAA]  }
0x2d: {  	s3 =	simm.s32 $0x108;
	s8 =	sld [smem:$0x3FAB]  }
0x2e: {  	s3 =	simm.s32 @!p0 $0x1082;
	s9 =	sld [smem:$0x3FAC]  }
0x2f: {  	lr =	sadd.s32 s0, s3;
	s0 =	sld [smem:$0x3FA3]  }
0x30: {  	s3 =	sld [smem:$0x3FA6]  }
0x31: {  	[smem:$0x3FAF] =	sst s10  }
0x32: {  	s10 =	sld [smem:$0x3FAD];
	_ =	sdelay $0x3  }
0x33: {  	p0 =	seq.s32 s10, $0x1;
	s10 =	sld [smem:$0x3FAF];
	_ =	sdelay $0x3  }
0x34: {  	[smem:$0x3FAF] =	sst s10  }
0x35: {  	s10 =	sld [smem:$0x3FAE];
	_ =	sdelay $0x3  }
0x36: {  	p1 =	seq.s32 s10, $0x1;
	s10 =	sld [smem:$0x3FAF];
	_ =	sdelay $0x3  }
0x37: {  	[smem:$0x3FAF] =	sst s10  }
0x38: {  	s10 =	sld [smem:$0x3FB0]  }
0x39: {  	_ = 	snop;
	(pc) =	sbr.ind lr, $3  }
0x3a: {  	_ = 	snop  }
0x3b: {  	_ = 	snop  }
0x3c: {  	p2 =	seq.s32 s10, $0x1;
	s10 =	sld [smem:$0x3FAF]  }
0x3d: {  	_ =	shalt  }
0x3e: {  	_ =	shalt  }
0x3f: {  	_ =	shalt  }
0x40: {  	_ =	shalt  }
0x41: {  	_ =	shalt  }
0x42: {  	_ =	shalt  }
0x43: {  	_ =	shalt  }
0x44: {  	_ =	shalt  }
0x45: {  	_ =	shalt  }
0x46: {  	_ =	shalt  }
0x47: {  	_ =	shalt  }
0x48: {  	_ =	shalt  }
0x49: {  	_ =	shalt  }
0x4a: {  	_ =	shalt  }
0x4b: {  	_ =	shalt  }
0x4c: {  	_ =	shalt  }
0x4d: {  	_ =	shalt  }
0x4e: {  	_ =	shalt  }
0x4f: {  	_ =	shalt  }
0x50: {  	_ =	shalt  }
0x51: {  	_ =	shalt  }
0x52: {  	_ =	shalt  }
0x53: {  	_ =	shalt  }
0x54: {  	_ =	shalt  }
0x55: {  	_ =	shalt  }
0x56: {  	_ =	shalt  }
0x57: {  	_ =	shalt  }
0x58: {  	_ =	shalt  }
0x59: {  	_ =	shalt  }
0x5a: {  	_ =	shalt  }
0x5b: {  	_ =	shalt  }
0x5c: {  	_ =	shalt  }
0x5d: {  	_ =	shalt  }
0x5e: {  	_ =	shalt  }
0x5f: {  	_ =	shalt  }
0x60: {  	_ =	shalt  }
0x61: {  	_ =	shalt  }
0x62: {  	_ =	shalt  }
0x63: {  	_ =	shalt  }
0x64: {  	_ =	shalt  }
0x65: {  	_ =	shalt  }
0x66: {  	_ =	shalt  }
0x67: {  	_ =	shalt  }
0x68: {  	_ =	shalt  }
0x69: {  	_ =	shalt  }
0x6a: {  	_ =	shalt  }
0x6b: {  	_ =	shalt  }
0x6c: {  	_ =	shalt  }
0x6d: {  	_ =	shalt  }
0x6e: {  	_ =	shalt  }
0x6f: {  	_ =	shalt  }
0x70: {  	_ =	shalt  }
0x71: {  	_ =	shalt  }
0x72: {  	_ =	shalt  }
0x73: {  	_ =	shalt  }
0x74: {  	_ =	shalt  }
0x75: {  	_ =	shalt  }
0x76: {  	_ =	shalt  }
0x77: {  	_ =	shalt  }
0x78: {  	_ =	shalt  }
0x79: {  	_ =	shalt  }
0x7a: {  	_ =	shalt  }
0x7b: {  	_ =	shalt  }
0x7c: {  	_ =	shalt  }
0x7d: {  	_ =	shalt  }
0x7e: {  	_ =	shalt  }
0x7f: {  	_ =	shalt  }
0x80: {  	_ =	shalt  }
0x81: {  	_ =	shalt  }
0x82: {  	_ =	shalt  }
0x83: {  	_ =	shalt  }
0x84: {  	_ =	shalt  }
0x85: {  	_ =	shalt  }
0x86: {  	_ =	shalt  }
0x87: {  	_ =	shalt  }
.Lfunc_end0:
.L_simem_size_0:
called_computation_lowered:
.L_overlay_start_0:
0x88: {  	s2 =	sld [smem:$0x3FD9]  }
0x89: {  	s3 =	sld [smem:$0x3FFE];
	_ =	sdelay $0x1  }
0x8a: {  	s1 =	srdreg.scid  }
0x8b: {  	s0 =	sand.u32 $0x1, s1  }
0x8c: {  	s17 =	sshll.u32 s0, $0xA;
	s2 =	sadd.s32 s3, s2  }
0x8d: {  	s2 =	sadd.s32 s2, s17  }
0x8e: {  	[smem:$0x3FBB] =	sst s2  }
0x8f: {  	_ = 	snop  }
0x90: {  	s2 =	sld [smem:$0x3FD0];
	(tm) =	ssettm $0x1  }
0x91: {  	s18 =	sld [smem:$0x3FFB];
	_ =	sdelay $0x3  }
0x92: {  	_ =	strace s18  }
0x93: {  	s3 =	sld [smem:$0x3FFC];
	_ =	sdelay $0x3  }
0x94: {  	_ =	strace s3  }
0x95: {  	s3 =	sld [smem:$0x3FFD];
	_ =	sdelay $0x3  }
0x96: {  	_ =	strace s3  }
0x97: {  	_ =	strace $0x8FFFFFFF  }
0x98: {  	s19 =	sld [smem:$0x3FDB];
	_ =	sdelay $0x1  }
0x99: {  	s4 =	simm.s32 $_scs_section_size  }
0x9a: {  	s5 =	simm.s32 $_size__tile_overlayer_lowered;
	s6 =	simm.s32 $_tile_overlayer_lowered  }
0x9b: {  	s22 =	simm.s32 $0x1BFF;
	s21 =	sshll.u32 s6, $0x1;
	s3 =	sadd.s32 s4, s19  }
0x9c: {  	s7 =	simm.s32 $0x0;
	s20 =	sshll.u32 s5, $0x1;
	s5 =	sadd.s32 s21, s3  }
0x9d: {  	[timem:s7], [sflag:s22] =	dma.local [hbm:s5], s20  }
0x9e: {  	_ =	swait.ge [sflag:s22], s20  }
0x9f: {  	s4 =	ssub.s32 $0x0, s20;
	[sflag:s22] =	ssyncset.done $0x0  }
0xa0: {  	[sflag:s22] =	ssyncadd.s32 s4;
	_ =	sdelay $0x1  }
0xa1: {  	s23 =	simm.s32 $0x1B8B  }
0xa2: {  	_ =	swait.ge [sflag:s23], $0x1  }
0xa3: {  	[sflag:s23] =	ssyncset.done $0x0  }
0xa4: {  	s25 =	simm.s32 $0x1B8E;
	s24 =	sld [smem:$0x3FFE];
	[sflag:s23] =	ssyncadd.s32 $0xFFFFFFFF  }
0xa5: {  	s26 =	simm.s32 $execute0_lowered;
	[smem:$0x3FD2] =	sst s25  }
0xa6: {  	s5 =	sshll.u32 s26, $0x1;
	_ =	strace $0x80000046;
	[dreg:$0x1] =	wrdreg $0xFFFFFFFF  }
0xa7: {  	s28 =	simm.s32 $_size_execute0_lowered;
	s3 =	sadd.s32 s3, s5;
	[dreg:$0x0] =	wrdreg $0x0  }
0xa8: {  	s5 =	sshll.u32 s28, $0x1;
	[dreg:$0x2] =	wrdreg s3  }
0xa9: {  	[dreg:$0x3] =	wrdreg s5  }
0xaa: {  	[dreg:$0x4] =	wrdreg $0xC0  }
0xab: {  	_ =	task [dreg:s7], $0x5FFFF  }
0xac: {  	[dreg:$0x1] =	wrdreg $0xFFFFFFFF  }
0xad: {  	[dreg:$0x0] =	wrdreg $0x60  }
0xae: {  	[dreg:$0x2] =	wrdreg s24  }
0xaf: {  	[dreg:$0x3] =	wrdreg s2  }
0xb0: {  	[dreg:$0x4] =	wrdreg $0x38000  }
0xb1: {  	[dreg:$0x5] =	wrdreg $0x9  }
0xb2: {  	_ =	task.clear_ibuf [dreg:s7], $0x6FFFF;
	_ =	strace $0x90000046  }
0xb3: {  	s29 =	simm.s32 $0x9;
	_ =	strace $0x80000048  }
0xb4: {  	_ =	swait.ge [sflag:s29], $0x1  }
0xb5: {  	[sflag:s29] =	ssyncadd.s32 $0xFFFFFFFF  }
0xb6: {  	_ =	strace $0x90000048  }
0xb7: {  	_ =	sfence  }
0xb8: {  	s30 =	sld [smem:$0x0];
	_ =	sdelay $0x2  }
0xb9: {  	s31 =	sshll.u32 s1, $0xD;
	s1 =	sshrl.u32 s1, $0x2  }
0xba: {  	s3 =	sand.u32 $0x4000, s31;
	s1 =	sadd.s32 s1, s30  }
0xbb: {  	s0 =	sor.u32 s3, s0;
	s1 =	sshll.u32 s1, $0x11  }
0xbc: {  	s0 =	sor.u32 s1, s0  }
0xbd: {  	s0 =	sadd.s32 $0x8F2B, s0  }
0xbe: {  	[sflag:s0] =	ssyncadd.remote.s32 $0x1  }
0xbf: {  	_ =	sfence.sel $0xFFFF  }
0xc0: {  	[dreg:$0x0] =	wrdreg $0xFFFFFFFF;
	(pc) =	sbr.abs _section_cstart, $3  }
0xc1: {  	[dreg:$0x1] =	wrdreg $0xFFFFFFFF  }
0xc2: {  	_ =	task.clear_ibuf [dreg:s7], $0x2FFFF;
	_ =	strace $0x9FFFFFFF  }
0xc3: {  	(tm) =	ssettm $0x7FFFFFFF  }
tec
execute0_lowered:
.L_overlay_start_1:
0x0: {  	(tag) =	ssettag $0x1  }
0x1: {  	s6 =	rddreg [dreg:$0x0]  }
0x2: {  	s1 =	rddreg [dreg:$0x1]  }
0x3: {  	s2 =	rddreg [dreg:$0x2];
	s3 =	srdreg.scid  }
0x4: {  	s0 =	rddreg [dreg:$0x3];
	s4 =	simm.s32 $0x0;
	s7 =	sand.u32 $0x1, s3  }
0x5: {  	s14 =	simm.s32 $0x1C00;
	s3 =	stileid.u32;
	s5 =	smul.u32 $0x140000, s7  }
0x6: {  	s15 =	simm.s32 $0x10;
	s16 =	simm.s32 $0x3000;
	s8 =	smul.u32 $0x14000, s3  }
0x7: {  	s17 =	simm.s32 $0x1;
	s18 =	simm.s32 $0x0;
	s9 =	smul.u32 $0x280, s3  }
0x8: {  	[smem:$0x7FF] =	sst s4;
	s10 =	sadd.s32 $0x6C00, s6;
	s11 =	smul.u32 $0x9E, s3  }
0x9: {  	_ =	strace $0x80000047;
	s12 =	smul.u32 $0x4F, s7;
	s26 =	ssub.s32 $0x2, s7  }
0xa: {  	s25 =	sshll.u32 s3, $0x1;
	s29 =	sshrl.u32 s26, $0x1;
	s8 =	sadd.s32 s8, s5  }
0xb: {  	s5 =	sadd.s32 $0x55C00, s6;
	s9 =	sadd.s32 s9, s6;
	s28 =	sadd.s32 s12, s11  }
0xc: {  	s11 =	simm.s32 $0xC00;
	s12 =	simm.s32 $0x3;
	s8 =	sshrl.u32 s8, $0x3  }
0xd: {  	s13 =	sadd.s32 s8, s6;
	s6 =	sor.u32 s7, s25;
	s7 =	sshll.u32 s28, $0x7  }
0xe: {  	s8 =	ssub.s32 s26, s29;
	s30 =	smul.u32 $0x2780, s6;
	s31 =	sadd.s32 s7, s10  }
0xf: {  	s6 =	sadd.s32 $0x4400, s9;
	s8 =	smax.u32 s8, $0x1;
	s9 =	sadd.s32 $0x80, s31  }
0x10: {  	s7 =	sadd.s32 s10, s30;
	s10 =	sadd.s32 $0x55E00, s13;
	s13 =	simm.s32 $0x1400  }
.LBB2_1:
0x11: {  	[tilespmem:s11], [sflag:$0x3] =	stream.linear.gather [hbm4b:s1+s4], $0x800, $0x38;
	[tilespmem:$0x17800] =	vst v63  }
0x12: {  	_ =	swait.ge [sflag:s12], $0x800  }
0x13: {  	[sflag:s12] =	ssyncset.done $0x0  }
0x14: {  	[sflag:s12] =	ssyncadd.s32 $0xFFFFF800  }
0x15: {  	[tilespmem:s13], [sflag:$0x3] =	stream.linear.gather [hbm4b:s5+s4], $0x800, $0x38;
	[tilespmem:$0x17800] =	vst v63  }
0x16: {  	_ =	swait.ge [sflag:s12], $0x800  }
0x17: {  	[sflag:s12] =	ssyncset.done $0x0  }
0x18: {  	[sflag:s12] =	ssyncadd.s32 $0xFFFFF800  }
0x19: {  	[tilespmem:s14], [sflag:$0x3] =	stream.linear.gather [hbm4b:s6+s4], $0x1400, $0x38;
	[tilespmem:$0x17800] =	vst v63  }
0x1a: {  	_ =	swait.ge [sflag:s12], $0x1400  }
0x1b: {  	[sflag:s12] =	ssyncset.done $0x0  }
0x1c: {  	s19 =	simm.s32 $0x1C00;
	[sflag:s12] =	ssyncadd.s32 $0xFFFFEC00  }
0x1d: {  	[spmem:s2] =	stream.indirect.scatter [tilespmem:s13], [sflag:$0x3], $0x80, s19, s15, $0xb8;
	[tilespmem:$0x17800] =	vst v63  }
0x1e: {  	s19 =	simm.s32 $0x200;
	_ =	swait.ge [sflag:s12], $0x800  }
.LBB2_2:
0x1f: {  	s20 =	sshra.s32 s19, $0x2;
	[sflag:s12] =	ssyncset.done $0x0;
	p0 =	sne.s32 s19, $0x4E00  }
.Ltmp0:
0x20: {  	s20 =	sadd.s32 $0x1C00, s20;
	[sflag:s12] =	ssyncadd.s32 $0xFFFFF800;
	(pc) =	sbr.rel @p0 .LBB2_2-.Ltmp0, $3  }
0x21: {  	[spmem:s2] =	stream.indirect.scatter [tilespmem:s13], [sflag:$0x3], $0x80, s20, s15, $0xb8;
	[tilespmem:$0x17800] =	vst v63  }
0x22: {  	s19 =	sadd.s32 $0x200, s19;
	_ =	sdelay $0x1  }
0x23: {  	_ =	swait.ge [sflag:s12], $0x800  }
0x24: {  	[sflag:s12] =	ssyncset.done $0x0  }
0x25: {  	[sflag:s12] =	ssyncadd.s32 $0xFFFFF800  }
0x26: {  	s20 =	simm.s32 $0x0;
	s19 =	smov.u32 s9;
	[bflag:$0x0] =	sbarrier.arrive $0xFFFF  }
0x27: {  	[tilespmem:s20], [sflag:$0x2] =	stream.linear.gather [hbm4b:s7+s20], $0x400, $0x38;
	[tilespmem:$0x17800] =	vst v63  }
.LBB2_4:
0x28: {  	p0 =	seq.s32 s20, $0x4F  }
0x29: {  	s21 =	smov.u32 s20;
	s20 =	smul.u32 @!p0 $0xAB, s20;
	_ =	sdelay $0x1  }
0x2a: {  	s20 =	sshrl.u32 @!p0 s20, $0x9  }
0x2b: {  	s20 =	sand.u32 @!p0 $0x7F, s20  }
0x2c: {  	s20 =	smul.u32 @!p0 $0x3, s20  }
0x2d: {  	s22 =	simm.s32 @!p0 $0x2  }
0x2e: {  	_ =	swait.ge @!p0 [sflag:s22], $0x400;
	s20 =	ssub.s32 @!p0 s21, s20  }
0x2f: {  	s23 =	simm.s32 @!p0 $0x10;
	[sflag:s22] =	ssyncset.done @!p0 $0x0;
	s20 =	sand.u32 @!p0 $0xFF, s20  }
0x30: {  	s24 =	simm.s32 @!p0 $0xC00;
	[sflag:s22] =	ssyncadd.s32 @!p0 $0xFFFFFC00;
	s22 =	sshll.u32 @!p0 s20, $0xA  }
0x31: {  	[spmem:s2] =	stream.indirect.scatter.add.f32 @!p0 [tilespmem:s24], [sflag:$0x1], $0x80, s22, s23, $0xb8;
	[tilespmem:$0x17800] =	vst v63  }
0x32: {  	s20 =	sor.u32 @!p0 $0x80, s22  }
0x33: {  	[spmem:s2] =	stream.indirect.scatter.add.f32 @!p0 [tilespmem:s24], [sflag:$0x1], $0x80, s20, s23, $0xb8;
	[tilespmem:$0x17800] =	vst v63  }
0x34: {  	s20 =	sor.u32 @!p0 $0x100, s22  }
0x35: {  	[spmem:s2] =	stream.indirect.scatter.add.f32 @!p0 [tilespmem:s24], [sflag:$0x1], $0x80, s20, s23, $0xb8;
	[tilespmem:$0x17800] =	vst v63  }
0x36: {  	s20 =	sadd.s32 $0x1, s21  }
0x37: {  	s25 =	sor.u32 @!p0 $0x180, s22;
	s30 =	smul.u32 $0xAB, s20  }
0x38: {  	[spmem:s2] =	stream.indirect.scatter.add.f32 @!p0 [tilespmem:s24], [sflag:$0x1], $0x80, s25, s23, $0xb8;
	[tilespmem:$0x17800] =	vst v63  }
0x39: {  	s26 =	sor.u32 @!p0 $0x200, s22;
	s25 =	sshrl.u32 s30, $0x9  }
0x3a: {  	[spmem:s2] =	stream.indirect.scatter.add.f32 @!p0 [tilespmem:s24], [sflag:$0x1], $0x80, s26, s23, $0xb8;
	[tilespmem:$0x17800] =	vst v63  }
0x3b: {  	s26 =	sor.u32 @!p0 $0x280, s22;
	s25 =	sand.u32 $0x7F, s25  }
0x3c: {  	[spmem:s2] =	stream.indirect.scatter.add.f32 @!p0 [tilespmem:s24], [sflag:$0x1], $0x80, s26, s23, $0xb8;
	[tilespmem:$0x17800] =	vst v63  }
0x3d: {  	s25 =	smul.u32 $0x3, s25;
	s26 =	sor.u32 @!p0 $0x300, s22  }
0x3e: {  	[spmem:s2] =	stream.indirect.scatter.add.f32 @!p0 [tilespmem:s24], [sflag:$0x1], $0x80, s26, s23, $0xb8;
	[tilespmem:$0x17800] =	vst v63  }
0x3f: {  	p1 =	sgt.u32 @!p0 s21, $0x4D;
	s22 =	sor.u32 @!p0 $0x380, s22;
	s31 =	ssub.s32 s20, s25  }
0x40: {  	[spmem:s2] =	stream.indirect.scatter.add.f32 @!p0 [tilespmem:s24], [sflag:$0x1], $0x80, s22, s23, $0xb8;
	[tilespmem:$0x17800] =	vst v63  }
0x41: {  	s22 =	sand.u32 $0xFF, s31;
	p0 =	por p0, p1  }
0x42: {  	s22 =	sshll.u32 @!p0 s22, $0xA;
	s23 =	simm.s32 @!p0 $0x0;
	p1 =	seq.s32 @!p0 s21, $0x0  }
0x43: {  	[tilespmem:s22], [sflag:$0x2] =	stream.linear.gather @!p0 [hbm4b:s19+s23], $0x400, $0x38;
	[tilespmem:$0x17800] =	vst v63  }
0x44: {  	p0 =	por p0, !p1  }
0x45: {  	_ =	swait.ge @p0 [sflag:s17], $0x800  }
0x46: {  	[sflag:s17] =	ssyncset.done @p0 $0x0  }
0x47: {  	[sflag:s17] =	ssyncadd.s32 @p0 $0xFFFFF800  }
0x48: {  	_ =	swait.ge @p0 [sflag:s17], $0x800  }
0x49: {  	[sflag:s17] =	ssyncset.done @p0 $0x0  }
0x4a: {  	[sflag:s17] =	ssyncadd.s32 @p0 $0xFFFFF800  }
0x4b: {  	_ =	swait.ge @p0 [sflag:s17], $0x800  }
0x4c: {  	[sflag:s17] =	ssyncset.done @p0 $0x0  }
0x4d: {  	[sflag:s17] =	ssyncadd.s32 @p0 $0xFFFFF800  }
0x4e: {  	_ =	swait.ge @p0 [sflag:s17], $0x800  }
0x4f: {  	[sflag:s17] =	ssyncset.done @p0 $0x0  }
0x50: {  	[sflag:s17] =	ssyncadd.s32 @p0 $0xFFFFF800  }
0x51: {  	_ =	swait.ge @p0 [sflag:s17], $0x800  }
0x52: {  	[sflag:s17] =	ssyncset.done @p0 $0x0  }
0x53: {  	[sflag:s17] =	ssyncadd.s32 @p0 $0xFFFFF800  }
0x54: {  	_ =	swait.ge @p0 [sflag:s17], $0x800  }
0x55: {  	[sflag:s17] =	ssyncset.done @p0 $0x0  }
0x56: {  	[sflag:s17] =	ssyncadd.s32 @p0 $0xFFFFF800  }
0x57: {  	_ =	swait.ge @p0 [sflag:s17], $0x800  }
0x58: {  	[sflag:s17] =	ssyncset.done @p0 $0x0  }
0x59: {  	[sflag:s17] =	ssyncadd.s32 @p0 $0xFFFFF800  }
0x5a: {  	_ =	swait.ge @p0 [sflag:s17], $0x800  }
0x5b: {  	[sflag:s17] =	ssyncset.done @p0 $0x0  }
0x5c: {  	[sflag:s17] =	ssyncadd.s32 @p0 $0xFFFFF800;
	p0 =	sne.s32 s20, $0x50  }
.Ltmp1:
0x5d: {  	_ = 	snop;
	(pc) =	sbr.rel @p0 .LBB2_4-.Ltmp1, $2  }
0x5e: {  	_ =	sdelay $0x2  }
0x5f: {  	s19 =	sadd.s32 $0x80, s19  }
0x60: {  	[bflag:$0x0] =	sbarrier.arrive $0xFFFF;
	s19 =	simm.s32 $0x1C00  }
0x61: {  	[tilespmem:s16], [sflag:$0x1] =	stream.indirect.gather [spmem:s2], $0x80, s19, s15, $0xb8;
	[tilespmem:$0x17800] =	vst v63  }
0x62: {  	_ =	swait.ge [sflag:s17], $0x800  }
0x63: {  	[sflag:s17] =	ssyncset.done $0x0  }
0x64: {  	s20 =	sadd.s32 $0x0, s10;
	[sflag:s17] =	ssyncadd.s32 $0xFFFFF800  }
0x65: {  	[hbm4b:s20+s4] =	stream.linear.scatter [tilespmem:s16], [sflag:$0x3], $0x800, $0x38;
	[tilespmem:$0x17800] =	vst v63  }
0x66: {  	_ =	swait.ge [sflag:s12], $0x800  }
0x67: {  	s20 =	simm.s32 $0x100;
	[sflag:s12] =	ssyncset.done $0x0  }
.LBB2_6:
0x68: {  	p0 =	sne.s32 s20, $0x2700;
	[sflag:s12] =	ssyncadd.s32 $0xFFFFF800;
	s19 =	sadd.s32 $0x80, s19  }
0x69: {  	[tilespmem:s16], [sflag:$0x1] =	stream.indirect.gather [spmem:s2], $0x80, s19, s15, $0xb8;
	[tilespmem:$0x17800] =	vst v63  }
0x6a: {  	s21 =	smov.u32 s20;
	s20 =	sadd.s32 $0x100, s20;
	_ =	swait.ge [sflag:s17], $0x800  }
.Ltmp2:
0x6b: {  	[sflag:s17] =	ssyncset.done $0x0;
	(pc) =	sbr.rel @p0 .LBB2_6-.Ltmp2, $4  }
0x6c: {  	s21 =	sadd.s32 s21, s10;
	[sflag:s17] =	ssyncadd.s32 $0xFFFFF800  }
0x6d: {  	[hbm4b:s21+s4] =	stream.linear.scatter [tilespmem:s16], [sflag:$0x3], $0x800, $0x38;
	[tilespmem:$0x17800] =	vst v63  }
0x6e: {  	_ =	swait.ge [sflag:s12], $0x800  }
0x6f: {  	[sflag:s12] =	ssyncset.done $0x0  }
0x70: {  	s18 =	sadd.s32 $0x1, s18  }
0x71: {  	p0 =	sne.s32 s18, s8  }
.Ltmp3:
0x72: {  	_ = 	snop;
	(pc) =	sbr.rel @p0 .LBB2_1-.Ltmp3, $2  }
0x73: {  	_ =	sdelay $0x2  }
0x74: {  	[sflag:s12] =	ssyncadd.s32 $0xFFFFF800  }
0x75: {  	_ =	sfence.sel $0x180000  }
0x76: {  	[bflag:$0x0] =	sbarrier.arrive $0xFFFF  }
0x77: {  	p0 =	sne.s32 s3, $0x0;
	_ =	strace $0x90000047  }
0x78: {  	s0 =	sadd.s32 @!p0 $0x100000, s0;
	[bflag:$0x2] =	sbarrier.arrive $0xFFFF  }
0x79: {  	[sflag:s0] =	ssyncadd.tile.s32 @!p0 $0x1;
	_ =	shalt  }
.Lfunc_end2:
_tile_overlayer_lowered:
.L_overlay_start_2:
0x7a: {  	(tag) =	ssettag $0x2  }
0x7b: {  	s0 =	rddreg [dreg:$0x0];
	s2 =	stileid.u32  }
0x7c: {  	s1 =	rddreg [dreg:$0x1];
	p0 =	sne.s32 s2, $0x0  }
0x7d: {  	s3 =	rddreg [dreg:$0x2];
	[bflag:$0x3] =	sbarrier.arrive $0xFFFF;
	s2 =	simm.s32 @!p0 $0x1C03  }
0x7e: {  	[timem:s3], [sflag:s2] =	dma.local @!p0 [hbm:s0], s1  }
0x7f: {  	s0 =	simm.s32 @!p0 $0x3  }
0x80: {  	_ =	swait.ge @!p0 [sflag:s0], s1  }
0x81: {  	s1 =	ssub.s32 @!p0 $0x0, s1;
	[sflag:s0] =	ssyncset.done @!p0 $0x0  }
0x82: {  	[sflag:s0] =	ssyncadd.s32 @!p0 s1  }
0x83: {  	[bflag:$0x3] =	sbarrier.arrive $0xFFFF  }
0x84: {  	_ =	shalt  }

// kernel: kernel.13.cloned.1.call-start
scs
__scs_entry_jumppad:
0x0: {  	(pc) =	sbr.rel $0x88, $3  }
0x1: {  	(tag) =	ssettag $0x0;
	lr =	simm.s32 $0x1  }
0x2: {  	[smem:$0x3F94] =	sst lr;
	_ =	strace $0xD0000000  }
0x3: {  	_ = 	snop  }
0x4: {  	_ = 	snop  }
0x5: {  	_ = 	snop  }
0x6: {  	_ = 	snop  }
0x7: {  	_ = 	snop  }
__scs_overlays_trampoline_lowered:
0x8: {  	[smem:$0x3FA3] =	sst s0  }
0x9: {  	[smem:$0x3FA4] =	sst s1  }
0xa: {  	[smem:$0x3FA5] =	sst s2  }
0xb: {  	[smem:$0x3FA6] =	sst s3  }
0xc: {  	[smem:$0x3FA7] =	sst s4  }
0xd: {  	[smem:$0x3FA8] =	sst s5  }
0xe: {  	[smem:$0x3FA9] =	sst s6  }
0xf: {  	[smem:$0x3FAA] =	sst s7  }
0x10: {  	[smem:$0x3FAB] =	sst s8  }
0x11: {  	[smem:$0x3FAC] =	sst s9;
	s0 =	simm.s32 @!p0 $0x0  }
0x12: {  	s1 =	sld [smem:$0x3F92];
	s0 =	simm.s32 @p0 $0x1  }
0x13: {  	[smem:$0x3FAD] =	sst s0;
	s0 =	simm.s32 @!p1 $0x0  }
0x14: {  	s2 =	sld [smem:$0x3F91];
	s0 =	simm.s32 @p1 $0x1  }
0x15: {  	[smem:$0x3FAE] =	sst s0;
	s0 =	simm.s32 @!p2 $0x0  }
0x16: {  	s3 =	sld [smem:$0x3FDB];
	s0 =	simm.s32 @p2 $0x1  }
0x17: {  	s4 =	simm.s32 $0x1BF5;
	[smem:$0x3FB0] =	sst s0  }
0x18: {  	s0 =	sld [smem:$0x3F93];
	_ =	swait.ge [sflag:s4], $0x0  }
0x19: {  	s7 =	sld [smem:$0x3F94]  }
0x1a: {  	s8 =	sadd.s32 $0xFFFFE003, lr  }
0x1b: {  	s9 =	sadd.s32 $0xFFFFFEF7, lr;
	s5 =	simm.s32 $0xFFFFFFFF;
	p2 =	slt.u32 s8, $0xFFFFF086  }
0x1c: {  	p1 =	slt.u32 s9, $0xF7A;
	s5 =	simm.s32 @!p2 $0x0  }
0x1d: {  	s5 =	simm.s32 @p1 $0x1;
	p0 =	seq.s32 s7, s2  }
0x1e: {  	s7 =	smul.u32 @!p0 $0xF7A, s2;
	p2 =	seq.s32 @!p0 s5, $0x0  }
0x1f: {  	s9 =	smul.u32 $0xF7A, s1;
	s8 =	simm.s32 @!p0 $0x1BF5;
	p2 =	por !p2, p0  }
0x20: {  	[sflag:s8] =	ssyncset.s32 @!p0 $0xFFFFF086;
	s6 =	sadd.s32 @!p0 s3, s7;
	s7 =	simm.s32 @!p0 $0x108  }
0x21: {  	s3 =	sadd.s32 s3, s9;
	s6 =	sadd.s32 @!p0 $0x88, s6;
	s7 =	simm.s32 @p2 $0x1082  }
0x22: {  	[simem:s7], [sflag:s8] =	dma.local @!p0 [hbm:s6], $0xF7A  }
0x23: {  	s9 =	sor.u32 $0xD0000000, s2;
	s6 =	simm.s32 $0x108;
	_ =	swait.ge @!p0 [sflag:s8], $0x0  }
0x24: {  	s3 =	sadd.s32 $0x88, s3;
	s6 =	simm.s32 @!p1 $0x1082;
	[sflag:s4] =	ssyncset.s32 $0xFFFFF086  }
0x25: {  	[simem:s6], [sflag:s4] =	dma.local [hbm:s3], $0xF7A  }
0x26: {  	[smem:$0x3F94] =	sst s1;
	(tag) =	ssettag s2;
	_ =	strace s9  }
0x27: {  	s1 =	sld [smem:$0x3FA4]  }
0x28: {  	s2 =	sld [smem:$0x3FA5]  }
0x29: {  	s4 =	sld [smem:$0x3FA7]  }
0x2a: {  	p0 =	seq.s32 s5, $0x0;
	s5 =	sld [smem:$0x3FA8]  }
0x2b: {  	s6 =	sld [smem:$0x3FA9]  }
0x2c: {  	s7 =	sld [smem:$0x3FAA]  }
0x2d: {  	s3 =	simm.s32 $0x108;
	s8 =	sld [smem:$0x3FAB]  }
0x2e: {  	s3 =	simm.s32 @!p0 $0x1082;
	s9 =	sld [smem:$0x3FAC]  }
0x2f: {  	lr =	sadd.s32 s0, s3;
	s0 =	sld [smem:$0x3FA3]  }
0x30: {  	s3 =	sld [smem:$0x3FA6]  }
0x31: {  	[smem:$0x3FAF] =	sst s10  }
0x32: {  	s10 =	sld [smem:$0x3FAD];
	_ =	sdelay $0x3  }
0x33: {  	p0 =	seq.s32 s10, $0x1;
	s10 =	sld [smem:$0x3FAF];
	_ =	sdelay $0x3  }
0x34: {  	[smem:$0x3FAF] =	sst s10  }
0x35: {  	s10 =	sld [smem:$0x3FAE];
	_ =	sdelay $0x3  }
0x36: {  	p1 =	seq.s32 s10, $0x1;
	s10 =	sld [smem:$0x3FAF];
	_ =	sdelay $0x3  }
0x37: {  	[smem:$0x3FAF] =	sst s10  }
0x38: {  	s10 =	sld [smem:$0x3FB0]  }
0x39: {  	_ = 	snop;
	(pc) =	sbr.ind lr, $3  }
0x3a: {  	_ = 	snop  }
0x3b: {  	_ = 	snop  }
0x3c: {  	p2 =	seq.s32 s10, $0x1;
	s10 =	sld [smem:$0x3FAF]  }
0x3d: {  	_ =	shalt  }
0x3e: {  	_ =	shalt  }
0x3f: {  	_ =	shalt  }
0x40: {  	_ =	shalt  }
0x41: {  	_ =	shalt  }
0x42: {  	_ =	shalt  }
0x43: {  	_ =	shalt  }
0x44: {  	_ =	shalt  }
0x45: {  	_ =	shalt  }
0x46: {  	_ =	shalt  }
0x47: {  	_ =	shalt  }
0x48: {  	_ =	shalt  }
0x49: {  	_ =	shalt  }
0x4a: {  	_ =	shalt  }
0x4b: {  	_ =	shalt  }
0x4c: {  	_ =	shalt  }
0x4d: {  	_ =	shalt  }
0x4e: {  	_ =	shalt  }
0x4f: {  	_ =	shalt  }
0x50: {  	_ =	shalt  }
0x51: {  	_ =	shalt  }
0x52: {  	_ =	shalt  }
0x53: {  	_ =	shalt  }
0x54: {  	_ =	shalt  }
0x55: {  	_ =	shalt  }
0x56: {  	_ =	shalt  }
0x57: {  	_ =	shalt  }
0x58: {  	_ =	shalt  }
0x59: {  	_ =	shalt  }
0x5a: {  	_ =	shalt  }
0x5b: {  	_ =	shalt  }
0x5c: {  	_ =	shalt  }
0x5d: {  	_ =	shalt  }
0x5e: {  	_ =	shalt  }
0x5f: {  	_ =	shalt  }
0x60: {  	_ =	shalt  }
0x61: {  	_ =	shalt  }
0x62: {  	_ =	shalt  }
0x63: {  	_ =	shalt  }
0x64: {  	_ =	shalt  }
0x65: {  	_ =	shalt  }
0x66: {  	_ =	shalt  }
0x67: {  	_ =	shalt  }
0x68: {  	_ =	shalt  }
0x69: {  	_ =	shalt  }
0x6a: {  	_ =	shalt  }
0x6b: {  	_ =	shalt  }
0x6c: {  	_ =	shalt  }
0x6d: {  	_ =	shalt  }
0x6e: {  	_ =	shalt  }
0x6f: {  	_ =	shalt  }
0x70: {  	_ =	shalt  }
0x71: {  	_ =	shalt  }
0x72: {  	_ =	shalt  }
0x73: {  	_ =	shalt  }
0x74: {  	_ =	shalt  }
0x75: {  	_ =	shalt  }
0x76: {  	_ =	shalt  }
0x77: {  	_ =	shalt  }
0x78: {  	_ =	shalt  }
0x79: {  	_ =	shalt  }
0x7a: {  	_ =	shalt  }
0x7b: {  	_ =	shalt  }
0x7c: {  	_ =	shalt  }
0x7d: {  	_ =	shalt  }
0x7e: {  	_ =	shalt  }
0x7f: {  	_ =	shalt  }
0x80: {  	_ =	shalt  }
0x81: {  	_ =	shalt  }
0x82: {  	_ =	shalt  }
0x83: {  	_ =	shalt  }
0x84: {  	_ =	shalt  }
0x85: {  	_ =	shalt  }
0x86: {  	_ =	shalt  }
0x87: {  	_ =	shalt  }
.Lfunc_end0:
.L_simem_size_0:
called_computation.1_lowered:
.L_overlay_start_0:
0x88: {  	s2 =	sld [smem:$0x3FD9]  }
0x89: {  	s3 =	sld [smem:$0x3FFE];
	_ =	sdelay $0x1  }
0x8a: {  	s1 =	srdreg.scid  }
0x8b: {  	s0 =	sand.u32 $0x1, s1  }
0x8c: {  	s16 =	sshll.u32 s0, $0xA;
	s2 =	sadd.s32 s3, s2  }
0x8d: {  	s2 =	sadd.s32 s2, s16  }
0x8e: {  	[smem:$0x3FBB] =	sst s2  }
0x8f: {  	_ = 	snop  }
0x90: {  	(tm) =	ssettm $0x1  }
0x91: {  	s17 =	sld [smem:$0x3FFB];
	_ =	sdelay $0x3  }
0x92: {  	_ =	strace s17  }
0x93: {  	s2 =	sld [smem:$0x3FFC];
	_ =	sdelay $0x3  }
0x94: {  	_ =	strace s2  }
0x95: {  	s2 =	sld [smem:$0x3FFD];
	_ =	sdelay $0x3  }
0x96: {  	_ =	strace s2  }
0x97: {  	_ =	strace $0x8FFFFFFF  }
0x98: {  	s18 =	sld [smem:$0x3FDB];
	_ =	sdelay $0x1  }
0x99: {  	s19 =	simm.s32 $_scs_section_size  }
0x9a: {  	s4 =	simm.s32 $_size__tile_overlayer_lowered;
	s5 =	simm.s32 $_tile_overlayer_lowered  }
0x9b: {  	s22 =	simm.s32 $0x1BFF;
	s21 =	sshll.u32 s5, $0x1;
	s2 =	sadd.s32 s19, s18  }
0x9c: {  	s6 =	simm.s32 $0x0;
	s20 =	sshll.u32 s4, $0x1;
	s4 =	sadd.s32 s21, s2  }
0x9d: {  	[timem:s6], [sflag:s22] =	dma.local [hbm:s4], s20  }
0x9e: {  	_ =	swait.ge [sflag:s22], s20  }
0x9f: {  	s3 =	ssub.s32 $0x0, s20;
	[sflag:s22] =	ssyncset.done $0x0  }
0xa0: {  	[sflag:s22] =	ssyncadd.s32 s3;
	_ =	sdelay $0x1  }
0xa1: {  	s23 =	simm.s32 $0x1B8B  }
0xa2: {  	_ =	swait.ge [sflag:s23], $0x1  }
0xa3: {  	[sflag:s23] =	ssyncset.done $0x0  }
0xa4: {  	s25 =	simm.s32 $0x1B8E;
	s24 =	sld [smem:$0x3FFE];
	[sflag:s23] =	ssyncadd.s32 $0xFFFFFFFF  }
0xa5: {  	s26 =	simm.s32 $execute0_lowered;
	[smem:$0x3FD2] =	sst s25  }
0xa6: {  	s4 =	sshll.u32 s26, $0x1;
	_ =	strace $0x80000049;
	[dreg:$0x1] =	wrdreg $0xFFFFFFFF  }
0xa7: {  	s28 =	simm.s32 $_size_execute0_lowered;
	s2 =	sadd.s32 s2, s4;
	[dreg:$0x0] =	wrdreg $0x0  }
0xa8: {  	s4 =	sshll.u32 s28, $0x1;
	[dreg:$0x2] =	wrdreg s2  }
0xa9: {  	[dreg:$0x3] =	wrdreg s4  }
0xaa: {  	[dreg:$0x4] =	wrdreg $0xC0  }
0xab: {  	_ =	task [dreg:s6], $0x5FFFF  }
0xac: {  	[dreg:$0x1] =	wrdreg $0xFFFFFFFF  }
0xad: {  	[dreg:$0x0] =	wrdreg $0x60  }
0xae: {  	[dreg:$0x2] =	wrdreg s24  }
0xaf: {  	[dreg:$0x3] =	wrdreg $0xBC000  }
0xb0: {  	[dreg:$0x4] =	wrdreg $0x9  }
0xb1: {  	_ =	task.clear_ibuf [dreg:s6], $0x5FFFF;
	_ =	strace $0x90000049  }
0xb2: {  	s29 =	simm.s32 $0x9;
	_ =	strace $0x8000004B  }
0xb3: {  	_ =	swait.ge [sflag:s29], $0x1  }
0xb4: {  	[sflag:s29] =	ssyncadd.s32 $0xFFFFFFFF  }
0xb5: {  	_ =	strace $0x9000004B  }
0xb6: {  	_ =	sfence  }
0xb7: {  	s30 =	sld [smem:$0x0];
	_ =	sdelay $0x2  }
0xb8: {  	s31 =	sshll.u32 s1, $0xD;
	s1 =	sshrl.u32 s1, $0x2  }
0xb9: {  	s3 =	sand.u32 $0x4000, s31;
	s1 =	sadd.s32 s1, s30  }
0xba: {  	s0 =	sor.u32 s3, s0;
	s1 =	sshll.u32 s1, $0x11  }
0xbb: {  	s0 =	sor.u32 s1, s0  }
0xbc: {  	s0 =	sadd.s32 $0x8F2B, s0  }
0xbd: {  	[sflag:s0] =	ssyncadd.remote.s32 $0x1  }
0xbe: {  	_ =	sfence.sel $0xFFFF  }
0xbf: {  	[dreg:$0x0] =	wrdreg $0xFFFFFFFF;
	(pc) =	sbr.abs _section_cstart, $3  }
0xc0: {  	[dreg:$0x1] =	wrdreg $0xFFFFFFFF  }
0xc1: {  	_ =	task.clear_ibuf [dreg:s6], $0x2FFFF;
	_ =	strace $0x9FFFFFFF  }
0xc2: {  	(tm) =	ssettm $0x7FFFFFFF  }
0xc3: {  	_ =	shalt  }
tec
execute0_lowered:
.L_overlay_start_1:
0x0: {  	(tag) =	ssettag $0x1  }
0x1: {  	s6 =	rddreg [dreg:$0x0]  }
0x2: {  	s2 =	rddreg [dreg:$0x1]  }
0x3: {  	s0 =	stileid.u32;
	s4 =	srdreg.scid;
	s3 =	simm.s32 $0x0  }
0x4: {  	s16 =	simm.s32 $0x10;
	s17 =	simm.s32 $0xC00;
	s18 =	simm.s32 $0x3  }
0x5: {  	s19 =	simm.s32 $0xB400;
	s20 =	simm.s32 $0x1;
	s21 =	simm.s32 $0x0  }
0x6: {  	s7 =	smul.u32 $0x280, s0;
	s8 =	sand.u32 $0x1, s4;
	[smem:$0x7FF] =	sst s3  }
0x7: {  	s10 =	smul.u32 $0x14000, s0;
	s4 =	sadd.s32 $0x55E00, s6;
	s11 =	sadd.s32 $0xA5E00, s6  }
0x8: {  	s12 =	sadd.s32 $0x6C00, s6;
	s5 =	sadd.s32 $0x55C00, s6;
	s13 =	smul.u32 $0x9E, s0  }
0x9: {  	s25 =	sshll.u32 s0, $0x1;
	s9 =	smul.u32 $0x140000, s8;
	s14 =	ssub.s32 $0x2, s8  }
0xa: {  	_ =	strace $0x8000004A;
	s7 =	sadd.s32 s7, s6;
	s26 =	sshrl.u32 s14, $0x1  }
0xb: {  	s9 =	sadd.s32 s10, s9;
	s10 =	sor.u32 s8, s25;
	s8 =	smul.u32 $0x4F, s8  }
0xc: {  	s29 =	ssub.s32 s14, s26;
	s14 =	simm.s32 $0x4;
	s9 =	sshrl.u32 s9, $0x3  }
0xd: {  	s28 =	smul.u32 $0x2780, s10;
	s15 =	sadd.s32 s9, s6;
	s13 =	sadd.s32 s8, s13  }
0xe: {  	s6 =	sadd.s32 $0x4400, s7;
	s9 =	smax.u32 s29, $0x1;
	s13 =	sshll.u32 s13, $0x7  }
0xf: {  	s7 =	sadd.s32 s11, s28;
	s8 =	sadd.s32 s12, s28;
	s30 =	sadd.s32 s13, s11  }
0x10: {  	s31 =	sadd.s32 s13, s12;
	s12 =	sadd.s32 $0xF4E00, s15;
	s13 =	simm.s32 $0x1800  }
0x11: {  	s15 =	simm.s32 $0x2000;
	s10 =	sadd.s32 $0x80, s30;
	s11 =	sadd.s32 $0x80, s31  }
.LBB2_1:
0x12: {  	[tilespmem:s13], [sflag:$0x4] =	stream.linear.gather [hbm4b:s5+s3], $0x800, $0x38;
	[tilespmem:$0x1FC00] =	vst v63  }
0x13: {  	_ =	swait.ge [sflag:s14], $0x800  }
0x14: {  	[sflag:s14] =	ssyncset.done $0x0  }
0x15: {  	[sflag:s14] =	ssyncadd.s32 $0xFFFFF800  }
0x16: {  	[tilespmem:s15], [sflag:$0x4] =	stream.linear.gather [hbm4b:s6+s3], $0x1400, $0x38;
	[tilespmem:$0x1FC00] =	vst v63  }
0x17: {  	_ =	swait.ge [sflag:s14], $0x1400  }
0x18: {  	[sflag:s14] =	ssyncset.done $0x0  }
0x19: {  	s22 =	simm.s32 $0x2000;
	[sflag:s14] =	ssyncadd.s32 $0xFFFFEC00  }
0x1a: {  	[spmem:s2] =	stream.indirect.scatter [tilespmem:s13], [sflag:$0x4], $0x80, s22, s16, $0xb8;
	[tilespmem:$0x1FC00] =	vst v63  }
0x1b: {  	s22 =	simm.s32 $0x200;
	_ =	swait.ge [sflag:s14], $0x800  }
.LBB2_2:
0x1c: {  	s23 =	sshra.s32 s22, $0x2;
	[sflag:s14] =	ssyncset.done $0x0;
	p0 =	sne.s32 s22, $0x4E00  }
.Ltmp0:
0x1d: {  	s23 =	sadd.s32 $0x2000, s23;
	[sflag:s14] =	ssyncadd.s32 $0xFFFFF800;
	(pc) =	sbr.rel @p0 .LBB2_2-.Ltmp0, $3  }
0x1e: {  	[spmem:s2] =	stream.indirect.scatter [tilespmem:s13], [sflag:$0x4], $0x80, s23, s16, $0xb8;
	[tilespmem:$0x1FC00] =	vst v63  }
0x1f: {  	s22 =	sadd.s32 $0x200, s22;
	_ =	sdelay $0x1  }
0x20: {  	_ =	swait.ge [sflag:s14], $0x800  }
0x21: {  	[sflag:s14] =	ssyncset.done $0x0  }
0x22: {  	s25 =	simm.s32 $0x0;
	[sflag:s14] =	ssyncadd.s32 $0xFFFFF800  }
0x23: {  	[tilespmem:s25], [sflag:$0x3] =	stream.linear.gather [hbm4b:s7+s25], $0x400, $0x38;
	[tilespmem:$0x1FC00] =	vst v63  }
0x24: {  	s22 =	simm.s32 $0x10000  }
0x25: {  	[tilespmem:s17], [sflag:$0x3] =	stream.linear.gather [hbm4b:s8+s25], $0x400, $0x38;
	[tilespmem:$0x1FC00] =	vst v63  }
0x26: {  	s23 =	smov.u32 s11;
	s24 =	smov.u32 s10;
	[bflag:$0x0] =	sbarrier.arrive $0xFFFF  }
.LBB2_4:
0x27: {  	p0 =	slt.u32 s25, $0x2  }
0x28: {  	s28 =	simm.s32 @!p0 $0x2  }
0x29: {  	_ =	swait.ge @!p0 [sflag:s28], $0x800  }
0x2a: {  	[sflag:s28] =	ssyncset.done @!p0 $0x0  }
0x2b: {  	[sflag:s28] =	ssyncadd.s32 @!p0 $0xFFFFF800  }
0x2c: {  	_ =	swait.ge @!p0 [sflag:s28], $0x800  }
0x2d: {  	[sflag:s28] =	ssyncset.done @!p0 $0x0  }
0x2e: {  	[sflag:s28] =	ssyncadd.s32 @!p0 $0xFFFFF800  }
0x2f: {  	_ =	swait.ge @!p0 [sflag:s28], $0x800  }
0x30: {  	[sflag:s28] =	ssyncset.done @!p0 $0x0  }
0x31: {  	[sflag:s28] =	ssyncadd.s32 @!p0 $0xFFFFF800  }
0x32: {  	_ =	swait.ge @!p0 [sflag:s28], $0x800  }
0x33: {  	[sflag:s28] =	ssyncset.done @!p0 $0x0  }
0x34: {  	[sflag:s28] =	ssyncadd.s32 @!p0 $0xFFFFF800  }
0x35: {  	_ =	swait.ge @!p0 [sflag:s28], $0x800  }
0x36: {  	[sflag:s28] =	ssyncset.done @!p0 $0x0  }
0x37: {  	[sflag:s28] =	ssyncadd.s32 @!p0 $0xFFFFF800  }
0x38: {  	_ =	swait.ge @!p0 [sflag:s28], $0x800  }
0x39: {  	[sflag:s28] =	ssyncset.done @!p0 $0x0  }
0x3a: {  	[sflag:s28] =	ssyncadd.s32 @!p0 $0xFFFFF800  }
0x3b: {  	_ =	swait.ge @!p0 [sflag:s28], $0x800  }
0x3c: {  	[sflag:s28] =	ssyncset.done @!p0 $0x0  }
0x3d: {  	[sflag:s28] =	ssyncadd.s32 @!p0 $0xFFFFF800  }
0x3e: {  	s26 =	smul.u32 $0xAB, s25;
	p1 =	sgt.u32 @!p0 s25, $0x4E;
	_ =	swait.ge @!p0 [sflag:s28], $0x800  }
0x3f: {  	p1 =	por p0, !p1;
	[sflag:s28] =	ssyncset.done @!p0 $0x0  }
0x40: {  	[sflag:s28] =	ssyncadd.s32 @!p0 $0xFFFFF800;
	s28 =	sshrl.u32 @p1 s26, $0x9  }
0x41: {  	s28 =	sand.u32 @p1 $0x7F, s28;
	_ =	swait.ge @p1 [sflag:s18], $0x400  }
0x42: {  	s28 =	smul.u32 @p1 $0x3, s28;
	[sflag:s18] =	ssyncset.done @p1 $0x0  }
0x43: {  	s29 =	sadd.s32 @p1 $0xFFFF0000, s22;
	[sflag:s18] =	ssyncadd.s32 @p1 $0xFFFFFC00  }
0x44: {  	s29 =	sand.u32 @p1 $0x10000, s29;
	s28 =	ssub.s32 @p1 s25, s28;
	_ =	swait.ge @p1 [sflag:s18], $0x400  }
0x45: {  	s29 =	sshrl.u32 @p1 s29, $0x2;
	s28 =	sand.u32 @p1 $0xFF, s28;
	[sflag:s18] =	ssyncset.done @p1 $0x0  }
0x46: {  	s30 =	sor.u32 @p1 $0x3400, s29;
	[sflag:s18] =	ssyncadd.s32 @p1 $0xFFFFFC00;
	s28 =	sshll.u32 @p1 s28, $0xA  }
0x47: {  	[tilespmem:s30], [sflag:$0x1] =	stream.indirect.gather @p1 [hbm4b:s4+s16], $0x80, s28, s16, $0xb8;
	[tilespmem:$0x1FC00] =	vst v63  }
0x48: {  	s30 =	sor.u32 @p1 $0x3C00, s29;
	s31 =	sor.u32 @p1 $0x80, s28  }
0x49: {  	[tilespmem:s30], [sflag:$0x1] =	stream.indirect.gather @p1 [hbm4b:s4+s16], $0x80, s31, s16, $0xb8;
	[tilespmem:$0x1FC00] =	vst v63  }
0x4a: {  	s30 =	sadd.s32 @p1 $0x4400, s29;
	s31 =	sor.u32 @p1 $0x100, s28  }
0x4b: {  	[tilespmem:s30], [sflag:$0x1] =	stream.indirect.gather @p1 [hbm4b:s4+s16], $0x80, s31, s16, $0xb8;
	[tilespmem:$0x1FC00] =	vst v63  }
0x4c: {  	s30 =	sadd.s32 @p1 $0x4C00, s29;
	s31 =	sor.u32 @p1 $0x180, s28  }
0x4d: {  	[tilespmem:s30], [sflag:$0x1] =	stream.indirect.gather @p1 [hbm4b:s4+s16], $0x80, s31, s16, $0xb8;
	[tilespmem:$0x1FC00] =	vst v63  }
0x4e: {  	s30 =	sadd.s32 @p1 $0x5400, s29;
	s31 =	sor.u32 @p1 $0x200, s28  }
0x4f: {  	[tilespmem:s30], [sflag:$0x1] =	stream.indirect.gather @p1 [hbm4b:s4+s16], $0x80, s31, s16, $0xb8;
	[tilespmem:$0x1FC00] =	vst v63  }
0x50: {  	s30 =	sadd.s32 @p1 $0x5C00, s29;
	s31 =	sor.u32 @p1 $0x280, s28  }
0x51: {  	[tilespmem:s30], [sflag:$0x1] =	stream.indirect.gather @p1 [hbm4b:s4+s16], $0x80, s31, s16, $0xb8;
	[tilespmem:$0x1FC00] =	vst v63  }
0x52: {  	s30 =	sadd.s32 @p1 $0x6400, s29;
	s31 =	sor.u32 @p1 $0x300, s28  }
0x53: {  	[tilespmem:s30], [sflag:$0x1] =	stream.indirect.gather @p1 [hbm4b:s4+s16], $0x80, s31, s16, $0xb8;
	[tilespmem:$0x1FC00] =	vst v63  }
0x54: {  	p0 =	seq.s32 s25, $0x0;
	s29 =	sadd.s32 @p1 $0x6C00, s29;
	s28 =	sor.u32 @p1 $0x380, s28  }
0x55: {  	[tilespmem:s29], [sflag:$0x1] =	stream.indirect.gather @p1 [hbm4b:s4+s16], $0x80, s28, s16, $0xb8;
	[tilespmem:$0x1FC00] =	vst v63  }
0x56: {  	p1 =	seq.s32 @!p0 s25, $0x50  }
0x57: {  	p0 =	por p1, p0  }
0x58: {  	s28 =	simm.s32 @!p0 $0x1  }
0x59: {  	_ =	swait.ge @!p0 [sflag:s28], $0x800  }
0x5a: {  	[sflag:s28] =	ssyncset.done @!p0 $0x0  }
0x5b: {  	[sflag:s28] =	ssyncadd.s32 @!p0 $0xFFFFF800  }
0x5c: {  	_ =	swait.ge @!p0 [sflag:s28], $0x800  }
0x5d: {  	[sflag:s28] =	ssyncset.done @!p0 $0x0  }
0x5e: {  	[sflag:s28] =	ssyncadd.s32 @!p0 $0xFFFFF800  }
0x5f: {  	_ =	swait.ge @!p0 [sflag:s28], $0x800  }
0x60: {  	[sflag:s28] =	ssyncset.done @!p0 $0x0  }
0x61: {  	[sflag:s28] =	ssyncadd.s32 @!p0 $0xFFFFF800  }
0x62: {  	_ =	swait.ge @!p0 [sflag:s28], $0x800  }
0x63: {  	[sflag:s28] =	ssyncset.done @!p0 $0x0  }
0x64: {  	[sflag:s28] =	ssyncadd.s32 @!p0 $0xFFFFF800  }
0x65: {  	_ =	swait.ge @!p0 [sflag:s28], $0x800  }
0x66: {  	s1 =	sadd.s32 $0x2, s25;
	[sflag:s28] =	ssyncset.done @!p0 $0x0  }
0x67: {  	s31 =	sand.u32 $0xFF, s1;
	[sflag:s28] =	ssyncadd.s32 @!p0 $0xFFFFF800  }
0x68: {  	s30 =	smul.u32 $0xAB, s31;
	_ =	swait.ge @!p0 [sflag:s28], $0x800  }
0x69: {  	[sflag:s28] =	ssyncset.done @!p0 $0x0  }
0x6a: {  	s30 =	sshrl.u32 s30, $0x9;
	[sflag:s28] =	ssyncadd.s32 @!p0 $0xFFFFF800  }
0x6b: {  	s30 =	smul.u32 $0x3, s30;
	_ =	swait.ge @!p0 [sflag:s28], $0x800  }
0x6c: {  	[sflag:s28] =	ssyncset.done @!p0 $0x0  }
0x6d: {  	s0 =	simm.s32 @!p0 $0x10;
	s29 =	ssub.s32 s1, s30;
	[sflag:s28] =	ssyncadd.s32 @!p0 $0xFFFFF800  }
0x6e: {  	s30 =	sshrl.u32 @!p0 s22, $0x2;
	s29 =	sand.u32 $0xFF, s29;
	_ =	swait.ge @!p0 [sflag:s28], $0x800  }
0x6f: {  	s30 =	sand.u32 @!p0 $0x4000, s30;
	s29 =	sshll.u32 @!p0 s29, $0xA;
	[sflag:s28] =	ssyncset.done @!p0 $0x0  }
0x70: {  	s31 =	sor.u32 @!p0 $0x3400, s30;
	[sflag:s28] =	ssyncadd.s32 @!p0 $0xFFFFF800;
	s28 =	sadd.s32 @!p0 $0xC00, s29  }
0x71: {  	[spmem:s2] =	stream.indirect.scatter.add.f32 @!p0 [tilespmem:s31], [sflag:$0x2], $0x80, s28, s0, $0xb8;
	[tilespmem:$0x1FC00] =	vst v63  }
0x72: {  	s28 =	sor.u32 @!p0 $0x3C00, s30;
	s31 =	sadd.s32 @!p0 $0xC80, s29  }
0x73: {  	[spmem:s2] =	stream.indirect.scatter.add.f32 @!p0 [tilespmem:s28], [sflag:$0x2], $0x80, s31, s0, $0xb8;
	[tilespmem:$0x1FC00] =	vst v63  }
0x74: {  	s1 =	sadd.s32 @!p0 $0xD00, s29;
	s28 =	sadd.s32 $0x1, s25;
	s31 =	sadd.s32 @!p0 $0x4400, s30  }
0x75: {  	[spmem:s2] =	stream.indirect.scatter.add.f32 @!p0 [tilespmem:s31], [sflag:$0x2], $0x80, s1, s0, $0xb8;
	[tilespmem:$0x1FC00] =	vst v63  }
0x76: {  	s1 =	sadd.s32 $0xAB, s26;
	s26 =	sadd.s32 @!p0 $0x4C00, s30;
	s31 =	sadd.s32 @!p0 $0xD80, s29  }
0x77: {  	[spmem:s2] =	stream.indirect.scatter.add.f32 @!p0 [tilespmem:s26], [sflag:$0x2], $0x80, s31, s0, $0xb8;
	[tilespmem:$0x1FC00] =	vst v63  }
0x78: {  	s1 =	sshrl.u32 s1, $0x9;
	s26 =	sadd.s32 @!p0 $0x5400, s30;
	s31 =	sadd.s32 @!p0 $0xE00, s29  }
0x79: {  	[spmem:s2] =	stream.indirect.scatter.add.f32 @!p0 [tilespmem:s26], [sflag:$0x2], $0x80, s31, s0, $0xb8;
	[tilespmem:$0x1FC00] =	vst v63  }
0x7a: {  	s1 =	sand.u32 $0x7F, s1;
	s26 =	sadd.s32 @!p0 $0x5C00, s30;
	s31 =	sadd.s32 @!p0 $0xE80, s29  }
0x7b: {  	[spmem:s2] =	stream.indirect.scatter.add.f32 @!p0 [tilespmem:s26], [sflag:$0x2], $0x80, s31, s0, $0xb8;
	[tilespmem:$0x1FC00] =	vst v63  }
0x7c: {  	s1 =	smul.u32 $0x3, s1;
	s26 =	sadd.s32 @!p0 $0x6400, s30;
	s31 =	sadd.s32 @!p0 $0xF00, s29  }
0x7d: {  	[spmem:s2] =	stream.indirect.scatter.add.f32 @!p0 [tilespmem:s26], [sflag:$0x2], $0x80, s31, s0, $0xb8;
	[tilespmem:$0x1FC00] =	vst v63  }
0x7e: {  	s1 =	ssub.s32 s28, s1;
	s29 =	sadd.s32 @!p0 $0xF80, s29;
	s26 =	sadd.s32 @!p0 $0x6C00, s30  }
0x7f: {  	[spmem:s2] =	stream.indirect.scatter.add.f32 @!p0 [tilespmem:s26], [sflag:$0x2], $0x80, s29, s0, $0xb8;
	[tilespmem:$0x1FC00] =	vst v63  }
0x80: {  	s0 =	sand.u32 $0xFF, s1;
	p0 =	sgt.u32 s25, $0x4D  }
0x81: {  	s0 =	sshll.u32 @!p0 s0, $0xA;
	s1 =	simm.s32 @!p0 $0x0  }
0x82: {  	[tilespmem:s0], [sflag:$0x3] =	stream.linear.gather @!p0 [hbm4b:s24+s1], $0x400, $0x38;
	[tilespmem:$0x1FC00] =	vst v63  }
0x83: {  	s0 =	sadd.s32 @!p0 $0xC00, s0  }
0x84: {  	[tilespmem:s0], [sflag:$0x3] =	stream.linear.gather @!p0 [hbm4b:s23+s1], $0x400, $0x38;
	[tilespmem:$0x1FC00] =	vst v63  }
0x85: {  	p0 =	sne.s32 s28, $0x51  }
.Ltmp1:
0x86: {  	_ = 	snop;
	(pc) =	sbr.rel @p0 .LBB2_4-.Ltmp1, $3  }
0x87: {  	_ =	sdelay $0x1  }
0x88: {  	s22 =	sadd.s32 $0x10000, s22  }
0x89: {  	s25 =	smov.u32 s28;
	s24 =	sadd.s32 $0x80, s24;
	s23 =	sadd.s32 $0x80, s23  }
0x8a: {  	[bflag:$0x0] =	sbarrier.arrive $0xFFFF;
	s22 =	simm.s32 $0x2000  }
0x8b: {  	[tilespmem:s19], [sflag:$0x1] =	stream.indirect.gather [spmem:s2], $0x80, s22, s16, $0xb8;
	[tilespmem:$0x1FC00] =	vst v63  }
0x8c: {  	_ =	swait.ge [sflag:s20], $0x800  }
0x8d: {  	[sflag:s20] =	ssyncset.done $0x0  }
0x8e: {  	s0 =	sadd.s32 $0x0, s12;
	[sflag:s20] =	ssyncadd.s32 $0xFFFFF800  }
0x8f: {  	[hbm4b:s0+s3] =	stream.linear.scatter [tilespmem:s19], [sflag:$0x4], $0x800, $0x38;
	[tilespmem:$0x1FC00] =	vst v63  }
0x90: {  	_ =	swait.ge [sflag:s14], $0x800  }
0x91: {  	s23 =	simm.s32 $0x100;
	[sflag:s14] =	ssyncset.done $0x0  }
.LBB2_6:
0x92: {  	p0 =	sne.s32 s23, $0x2700;
	[sflag:s14] =	ssyncadd.s32 $0xFFFFF800;
	s22 =	sadd.s32 $0x80, s22  }
0x93: {  	[tilespmem:s19], [sflag:$0x1] =	stream.indirect.gather [spmem:s2], $0x80, s22, s16, $0xb8;
	[tilespmem:$0x1FC00] =	vst v63  }
0x94: {  	s0 =	smov.u32 s23;
	s23 =	sadd.s32 $0x100, s23;
	_ =	swait.ge [sflag:s20], $0x800  }
.Ltmp2:
0x95: {  	[sflag:s20] =	ssyncset.done $0x0;
	(pc) =	sbr.rel @p0 .LBB2_6-.Ltmp2, $4  }
0x96: {  	s0 =	sadd.s32 s0, s12;
	[sflag:s20] =	ssyncadd.s32 $0xFFFFF800  }
0x97: {  	[hbm4b:s0+s3] =	stream.linear.scatter [tilespmem:s19], [sflag:$0x4], $0x800, $0x38;
	[tilespmem:$0x1FC00] =	vst v63  }
0x98: {  	_ =	swait.ge [sflag:s14], $0x800  }
0x99: {  	[sflag:s14] =	ssyncset.done $0x0  }
0x9a: {  	s21 =	sadd.s32 $0x1, s21  }
0x9b: {  	p0 =	sne.s32 s21, s9  }
.Ltmp3:
0x9c: {  	_ = 	snop;
	(pc) =	sbr.rel @p0 .LBB2_1-.Ltmp3, $2  }
0x9d: {  	_ =	sdelay $0x2  }
0x9e: {  	[sflag:s14] =	ssyncadd.s32 $0xFFFFF800  }
0x9f: {  	_ =	sfence.sel $0x180000  }
0xa0: {  	[bflag:$0x0] =	sbarrier.arrive $0xFFFF  }
0xa1: {  	_ =	strace $0x9000004A  }
0xa2: {  	s0 =	stileid.u32;
	[bflag:$0x2] =	sbarrier.arrive $0xFFFF  }
0xa3: {  	p0 =	sne.s32 s0, $0x0;
	s0 =	rddreg [dreg:$0x2]  }
0xa4: {  	s0 =	sadd.s32 @!p0 $0x100000, s0  }
0xa5: {  	[sflag:s0] =	ssyncadd.tile.s32 @!p0 $0x1;
	_ =	shalt  }
.Lfunc_end2:
_tile_overlayer_lowered:
.L_overlay_start_2:
0xa6: {  	(tag) =	ssettag $0x2  }
0xa7: {  	s0 =	rddreg [dreg:$0x0];
	s2 =	stileid.u32  }
0xa8: {  	s1 =	rddreg [dreg:$0x1];
	p0 =	sne.s32 s2, $0x0  }
0xa9: {  	s3 =	rddreg [dreg:$0x2];
	[bflag:$0x3] =	sbarrier.arrive $0xFFFF;
	s2 =	simm.s32 @!p0 $0x1C04  }
0xaa: {  	[timem:s3], [sflag:s2] =	dma.local @!p0 [hbm:s0], s1  }
0xab: {  	s0 =	simm.s32 @!p0 $0x4  }
0xac: {  	_ =	swait.ge @!p0 [sflag:s0], s1  }
0xad: {  	s1 =	ssub.s32 @!p0 $0x0, s1;
	[sflag:s0] =	ssyncset.done @!p0 $0x0  }
0xae: {  	[sflag:s0] =	ssyncadd.s32 @!p0 s1  }
0xaf: {  	[bflag:$0x3] =	sbarrier.arrive $0xFFFF  }
0xb0: {  	_ =	shalt  }

// kernel: kernel.16.cloned.1.call-start
scs
__scs_entry_jumppad:
0x0: {  	(pc) =	sbr.rel $0x88, $3  }
0x1: {  	(tag) =	ssettag $0x0;
	lr =	simm.s32 $0x1  }
0x2: {  	[smem:$0x3F94] =	sst lr;
	_ =	strace $0xD0000000  }
0x3: {  	_ = 	snop  }
0x4: {  	_ = 	snop  }
0x5: {  	_ = 	snop  }
0x6: {  	_ = 	snop  }
0x7: {  	_ = 	snop  }
__scs_overlays_trampoline_lowered:
0x8: {  	[smem:$0x3FA3] =	sst s0  }
0x9: {  	[smem:$0x3FA4] =	sst s1  }
0xa: {  	[smem:$0x3FA5] =	sst s2  }
0xb: {  	[smem:$0x3FA6] =	sst s3  }
0xc: {  	[smem:$0x3FA7] =	sst s4  }
0xd: {  	[smem:$0x3FA8] =	sst s5  }
0xe: {  	[smem:$0x3FA9] =	sst s6  }
0xf: {  	[smem:$0x3FAA] =	sst s7  }
0x10: {  	[smem:$0x3FAB] =	sst s8  }
0x11: {  	[smem:$0x3FAC] =	sst s9;
	s0 =	simm.s32 @!p0 $0x0  }
0x12: {  	s1 =	sld [smem:$0x3F92];
	s0 =	simm.s32 @p0 $0x1  }
0x13: {  	[smem:$0x3FAD] =	sst s0;
	s0 =	simm.s32 @!p1 $0x0  }
0x14: {  	s2 =	sld [smem:$0x3F91];
	s0 =	simm.s32 @p1 $0x1  }
0x15: {  	[smem:$0x3FAE] =	sst s0;
	s0 =	simm.s32 @!p2 $0x0  }
0x16: {  	s3 =	sld [smem:$0x3FDB];
	s0 =	simm.s32 @p2 $0x1  }
0x17: {  	s4 =	simm.s32 $0x1BF5;
	[smem:$0x3FB0] =	sst s0  }
0x18: {  	s0 =	sld [smem:$0x3F93];
	_ =	swait.ge [sflag:s4], $0x0  }
0x19: {  	s7 =	sld [smem:$0x3F94]  }
0x1a: {  	s8 =	sadd.s32 $0xFFFFE003, lr  }
0x1b: {  	s9 =	sadd.s32 $0xFFFFFEF7, lr;
	s5 =	simm.s32 $0xFFFFFFFF;
	p2 =	slt.u32 s8, $0xFFFFF086  }
0x1c: {  	p1 =	slt.u32 s9, $0xF7A;
	s5 =	simm.s32 @!p2 $0x0  }
0x1d: {  	s5 =	simm.s32 @p1 $0x1;
	p0 =	seq.s32 s7, s2  }
0x1e: {  	s7 =	smul.u32 @!p0 $0xF7A, s2;
	p2 =	seq.s32 @!p0 s5, $0x0  }
0x1f: {  	s9 =	smul.u32 $0xF7A, s1;
	s8 =	simm.s32 @!p0 $0x1BF5;
	p2 =	por !p2, p0  }
0x20: {  	[sflag:s8] =	ssyncset.s32 @!p0 $0xFFFFF086;
	s6 =	sadd.s32 @!p0 s3, s7;
	s7 =	simm.s32 @!p0 $0x108  }
0x21: {  	s3 =	sadd.s32 s3, s9;
	s6 =	sadd.s32 @!p0 $0x88, s6;
	s7 =	simm.s32 @p2 $0x1082  }
0x22: {  	[simem:s7], [sflag:s8] =	dma.local @!p0 [hbm:s6], $0xF7A  }
0x23: {  	s9 =	sor.u32 $0xD0000000, s2;
	s6 =	simm.s32 $0x108;
	_ =	swait.ge @!p0 [sflag:s8], $0x0  }
0x24: {  	s3 =	sadd.s32 $0x88, s3;
	s6 =	simm.s32 @!p1 $0x1082;
	[sflag:s4] =	ssyncset.s32 $0xFFFFF086  }
0x25: {  	[simem:s6], [sflag:s4] =	dma.local [hbm:s3], $0xF7A  }
0x26: {  	[smem:$0x3F94] =	sst s1;
	(tag) =	ssettag s2;
	_ =	strace s9  }
0x27: {  	s1 =	sld [smem:$0x3FA4]  }
0x28: {  	s2 =	sld [smem:$0x3FA5]  }
0x29: {  	s4 =	sld [smem:$0x3FA7]  }
0x2a: {  	p0 =	seq.s32 s5, $0x0;
	s5 =	sld [smem:$0x3FA8]  }
0x2b: {  	s6 =	sld [smem:$0x3FA9]  }
0x2c: {  	s7 =	sld [smem:$0x3FAA]  }
0x2d: {  	s3 =	simm.s32 $0x108;
	s8 =	sld [smem:$0x3FAB]  }
0x2e: {  	s3 =	simm.s32 @!p0 $0x1082;
	s9 =	sld [smem:$0x3FAC]  }
0x2f: {  	lr =	sadd.s32 s0, s3;
	s0 =	sld [smem:$0x3FA3]  }
0x30: {  	s3 =	sld [smem:$0x3FA6]  }
0x31: {  	[smem:$0x3FAF] =	sst s10  }
0x32: {  	s10 =	sld [smem:$0x3FAD];
	_ =	sdelay $0x3  }
0x33: {  	p0 =	seq.s32 s10, $0x1;
	s10 =	sld [smem:$0x3FAF];
	_ =	sdelay $0x3  }
0x34: {  	[smem:$0x3FAF] =	sst s10  }
0x35: {  	s10 =	sld [smem:$0x3FAE];
	_ =	sdelay $0x3  }
0x36: {  	p1 =	seq.s32 s10, $0x1;
	s10 =	sld [smem:$0x3FAF];
	_ =	sdelay $0x3  }
0x37: {  	[smem:$0x3FAF] =	sst s10  }
0x38: {  	s10 =	sld [smem:$0x3FB0]  }
0x39: {  	_ = 	snop;
	(pc) =	sbr.ind lr, $3  }
0x3a: {  	_ = 	snop  }
0x3b: {  	_ = 	snop  }
0x3c: {  	p2 =	seq.s32 s10, $0x1;
	s10 =	sld [smem:$0x3FAF]  }
0x3d: {  	_ =	shalt  }
0x3e: {  	_ =	shalt  }
0x3f: {  	_ =	shalt  }
0x40: {  	_ =	shalt  }
0x41: {  	_ =	shalt  }
0x42: {  	_ =	shalt  }
0x43: {  	_ =	shalt  }
0x44: {  	_ =	shalt  }
0x45: {  	_ =	shalt  }
0x46: {  	_ =	shalt  }
0x47: {  	_ =	shalt  }
0x48: {  	_ =	shalt  }
0x49: {  	_ =	shalt  }
0x4a: {  	_ =	shalt  }
0x4b: {  	_ =	shalt  }
0x4c: {  	_ =	shalt  }
0x4d: {  	_ =	shalt  }
0x4e: {  	_ =	shalt  }
0x4f: {  	_ =	shalt  }
0x50: {  	_ =	shalt  }
0x51: {  	_ =	shalt  }
0x52: {  	_ =	shalt  }
0x53: {  	_ =	shalt  }
0x54: {  	_ =	shalt  }
0x55: {  	_ =	shalt  }
0x56: {  	_ =	shalt  }
0x57: {  	_ =	shalt  }
0x58: {  	_ =	shalt  }
0x59: {  	_ =	shalt  }
0x5a: {  	_ =	shalt  }
0x5b: {  	_ =	shalt  }
0x5c: {  	_ =	shalt  }
0x5d: {  	_ =	shalt  }
0x5e: {  	_ =	shalt  }
0x5f: {  	_ =	shalt  }
0x60: {  	_ =	shalt  }
0x61: {  	_ =	shalt  }
0x62: {  	_ =	shalt  }
0x63: {  	_ =	shalt  }
0x64: {  	_ =	shalt  }
0x65: {  	_ =	shalt  }
0x66: {  	_ =	shalt  }
0x67: {  	_ =	shalt  }
0x68: {  	_ =	shalt  }
0x69: {  	_ =	shalt  }
0x6a: {  	_ =	shalt  }
0x6b: {  	_ =	shalt  }
0x6c: {  	_ =	shalt  }
0x6d: {  	_ =	shalt  }
0x6e: {  	_ =	shalt  }
0x6f: {  	_ =	shalt  }
0x70: {  	_ =	shalt  }
0x71: {  	_ =	shalt  }
0x72: {  	_ =	shalt  }
0x73: {  	_ =	shalt  }
0x74: {  	_ =	shalt  }
0x75: {  	_ =	shalt  }
0x76: {  	_ =	shalt  }
0x77: {  	_ =	shalt  }
0x78: {  	_ =	shalt  }
0x79: {  	_ =	shalt  }
0x7a: {  	_ =	shalt  }
0x7b: {  	_ =	shalt  }
0x7c: {  	_ =	shalt  }
0x7d: {  	_ =	shalt  }
0x7e: {  	_ =	shalt  }
0x7f: {  	_ =	shalt  }
0x80: {  	_ =	shalt  }
0x81: {  	_ =	shalt  }
0x82: {  	_ =	shalt  }
0x83: {  	_ =	shalt  }
0x84: {  	_ =	shalt  }
0x85: {  	_ =	shalt  }
0x86: {  	_ =	shalt  }
0x87: {  	_ =	shalt  }
.Lfunc_end0:
.L_simem_size_0:
called_computation.2_lowered:
.L_overlay_start_0:
0x88: {  	s2 =	sld [smem:$0x3FD9]  }
0x89: {  	s3 =	sld [smem:$0x3FFE];
	_ =	sdelay $0x1  }
0x8a: {  	s1 =	srdreg.scid  }
0x8b: {  	s0 =	sand.u32 $0x1, s1  }
0x8c: {  	s16 =	sshll.u32 s0, $0xA;
	s2 =	sadd.s32 s3, s2  }
0x8d: {  	s2 =	sadd.s32 s2, s16  }
0x8e: {  	[smem:$0x3FBB] =	sst s2  }
0x8f: {  	_ = 	snop  }
0x90: {  	(tm) =	ssettm $0x1  }
0x91: {  	s17 =	sld [smem:$0x3FFB];
	_ =	sdelay $0x3  }
0x92: {  	_ =	strace s17  }
0x93: {  	s2 =	sld [smem:$0x3FFC];
	_ =	sdelay $0x3  }
0x94: {  	_ =	strace s2  }
0x95: {  	s2 =	sld [smem:$0x3FFD];
	_ =	sdelay $0x3  }
0x96: {  	_ =	strace s2  }
0x97: {  	_ =	strace $0x8FFFFFFF  }
0x98: {  	s18 =	sld [smem:$0x3FDB];
	_ =	sdelay $0x1  }
0x99: {  	s19 =	simm.s32 $_scs_section_size  }
0x9a: {  	s4 =	simm.s32 $_size__tile_overlayer_lowered;
	s5 =	simm.s32 $_tile_overlayer_lowered  }
0x9b: {  	s22 =	simm.s32 $0x1BFF;
	s21 =	sshll.u32 s5, $0x1;
	s2 =	sadd.s32 s19, s18  }
0x9c: {  	s6 =	simm.s32 $0x0;
	s20 =	sshll.u32 s4, $0x1;
	s4 =	sadd.s32 s21, s2  }
0x9d: {  	[timem:s6], [sflag:s22] =	dma.local [hbm:s4], s20  }
0x9e: {  	_ =	swait.ge [sflag:s22], s20  }
0x9f: {  	s3 =	ssub.s32 $0x0, s20;
	[sflag:s22] =	ssyncset.done $0x0  }
0xa0: {  	[sflag:s22] =	ssyncadd.s32 s3;
	_ =	sdelay $0x1  }
0xa1: {  	s23 =	simm.s32 $0x1B8B  }
0xa2: {  	_ =	swait.ge [sflag:s23], $0x1  }
0xa3: {  	[sflag:s23] =	ssyncset.done $0x0  }
0xa4: {  	s25 =	simm.s32 $0x1B8E;
	s24 =	sld [smem:$0x3FFE];
	[sflag:s23] =	ssyncadd.s32 $0xFFFFFFFF  }
0xa5: {  	s26 =	simm.s32 $execute0_lowered;
	[smem:$0x3FD2] =	sst s25  }
0xa6: {  	s4 =	sshll.u32 s26, $0x1;
	_ =	strace $0x8000004C;
	[dreg:$0x1] =	wrdreg $0xFFFFFFFF  }
0xa7: {  	s28 =	simm.s32 $_size_execute0_lowered;
	s2 =	sadd.s32 s2, s4;
	[dreg:$0x0] =	wrdreg $0x0  }
0xa8: {  	s4 =	sshll.u32 s28, $0x1;
	[dreg:$0x2] =	wrdreg s2  }
0xa9: {  	[dreg:$0x3] =	wrdreg s4  }
0xaa: {  	[dreg:$0x4] =	wrdreg $0xC0  }
0xab: {  	_ =	task [dreg:s6], $0x5FFFF  }
0xac: {  	[dreg:$0x1] =	wrdreg $0xFFFFFFFF  }
0xad: {  	[dreg:$0x0] =	wrdreg $0x60  }
0xae: {  	[dreg:$0x2] =	wrdreg s24  }
0xaf: {  	[dreg:$0x3] =	wrdreg $0xBC000  }
0xb0: {  	[dreg:$0x4] =	wrdreg $0x9  }
0xb1: {  	_ =	task.clear_ibuf [dreg:s6], $0x5FFFF;
	_ =	strace $0x9000004C  }
0xb2: {  	s29 =	simm.s32 $0x9;
	_ =	strace $0x8000004E  }
0xb3: {  	_ =	swait.ge [sflag:s29], $0x1  }
0xb4: {  	[sflag:s29] =	ssyncadd.s32 $0xFFFFFFFF  }
0xb5: {  	_ =	strace $0x9000004E  }
0xb6: {  	_ =	sfence  }
0xb7: {  	s30 =	sld [smem:$0x0];
	_ =	sdelay $0x2  }
0xb8: {  	s31 =	sshll.u32 s1, $0xD;
	s1 =	sshrl.u32 s1, $0x2  }
0xb9: {  	s3 =	sand.u32 $0x4000, s31;
	s1 =	sadd.s32 s1, s30  }
0xba: {  	s0 =	sor.u32 s3, s0;
	s1 =	sshll.u32 s1, $0x11  }
0xbb: {  	s0 =	sor.u32 s1, s0  }
0xbc: {  	s0 =	sadd.s32 $0x8F2B, s0  }
0xbd: {  	[sflag:s0] =	ssyncadd.remote.s32 $0x1  }
0xbe: {  	_ =	sfence.sel $0xFFFF  }
0xbf: {  	[dreg:$0x0] =	wrdreg $0xFFFFFFFF;
	(pc) =	sbr.abs _section_cstart, $3  }
0xc0: {  	[dreg:$0x1] =	wrdreg $0xFFFFFFFF  }
0xc1: {  	_ =	task.clear_ibuf [dreg:s6], $0x2FFFF;
	_ =	strace $0x9FFFFFFF  }
0xc2: {  	(tm) =	ssettm $0x7FFFFFFF  }
0xc3: {  	_ =	shalt  }
tec
execute0_lowered:
.L_overlay_start_1:
0x0: {  	(tag) =	ssettag $0x1  }
0x1: {  	s6 =	rddreg [dreg:$0x0]  }
0x2: {  	s2 =	rddreg [dreg:$0x1]  }
0x3: {  	s0 =	stileid.u32;
	s4 =	srdreg.scid;
	s3 =	simm.s32 $0x0  }
0x4: {  	s16 =	simm.s32 $0x10;
	s17 =	simm.s32 $0xC00;
	s18 =	simm.s32 $0x3  }
0x5: {  	s19 =	simm.s32 $0xB400;
	s20 =	simm.s32 $0x1;
	s21 =	simm.s32 $0x0  }
0x6: {  	s7 =	smul.u32 $0x280, s0;
	s8 =	sand.u32 $0x1, s4;
	[smem:$0x7FF] =	sst s3  }
0x7: {  	s10 =	smul.u32 $0x14000, s0;
	s4 =	sadd.s32 $0x55E00, s6;
	s11 =	sadd.s32 $0xA5E00, s6  }
0x8: {  	s12 =	sadd.s32 $0x6C00, s6;
	s5 =	sadd.s32 $0x55C00, s6;
	s13 =	smul.u32 $0x9E, s0  }
0x9: {  	s25 =	sshll.u32 s0, $0x1;
	s9 =	smul.u32 $0x140000, s8;
	s14 =	ssub.s32 $0x2, s8  }
0xa: {  	_ =	strace $0x8000004D;
	s7 =	sadd.s32 s7, s6;
	s26 =	sshrl.u32 s14, $0x1  }
0xb: {  	s9 =	sadd.s32 s10, s9;
	s10 =	sor.u32 s8, s25;
	s8 =	smul.u32 $0x4F, s8  }
0xc: {  	s29 =	ssub.s32 s14, s26;
	s14 =	simm.s32 $0x4;
	s9 =	sshrl.u32 s9, $0x3  }
0xd: {  	s28 =	smul.u32 $0x2780, s10;
	s15 =	sadd.s32 s9, s6;
	s13 =	sadd.s32 s8, s13  }
0xe: {  	s6 =	sadd.s32 $0x4400, s7;
	s9 =	smax.u32 s29, $0x1;
	s13 =	sshll.u32 s13, $0x7  }
0xf: {  	s7 =	sadd.s32 s11, s28;
	s8 =	sadd.s32 s12, s28;
	s30 =	sadd.s32 s13, s11  }
0x10: {  	s31 =	sadd.s32 s13, s12;
	s12 =	sadd.s32 $0xF4E00, s15;
	s13 =	simm.s32 $0x1800  }
0x11: {  	s15 =	simm.s32 $0x2000;
	s10 =	sadd.s32 $0x80, s30;
	s11 =	sadd.s32 $0x80, s31  }
.LBB2_1:
0x12: {  	[tilespmem:s13], [sflag:$0x4] =	stream.linear.gather [hbm4b:s5+s3], $0x800, $0x38;
	[tilespmem:$0x1FC00] =	vst v63  }
0x13: {  	_ =	swait.ge [sflag:s14], $0x800  }
0x14: {  	[sflag:s14] =	ssyncset.done $0x0  }
0x15: {  	[sflag:s14] =	ssyncadd.s32 $0xFFFFF800  }
0x16: {  	[tilespmem:s15], [sflag:$0x4] =	stream.linear.gather [hbm4b:s6+s3], $0x1400, $0x38;
	[tilespmem:$0x1FC00] =	vst v63  }
0x17: {  	_ =	swait.ge [sflag:s14], $0x1400  }
0x18: {  	[sflag:s14] =	ssyncset.done $0x0  }
0x19: {  	s22 =	simm.s32 $0x2000;
	[sflag:s14] =	ssyncadd.s32 $0xFFFFEC00  }
0x1a: {  	[spmem:s2] =	stream.indirect.scatter [tilespmem:s13], [sflag:$0x4], $0x80, s22, s16, $0xb8;
	[tilespmem:$0x1FC00] =	vst v63  }
0x1b: {  	s22 =	simm.s32 $0x200;
	_ =	swait.ge [sflag:s14], $0x800  }
.LBB2_2:
0x1c: {  	s23 =	sshra.s32 s22, $0x2;
	[sflag:s14] =	ssyncset.done $0x0;
	p0 =	sne.s32 s22, $0x4E00  }
.Ltmp0:
0x1d: {  	s23 =	sadd.s32 $0x2000, s23;
	[sflag:s14] =	ssyncadd.s32 $0xFFFFF800;
	(pc) =	sbr.rel @p0 .LBB2_2-.Ltmp0, $3  }
0x1e: {  	[spmem:s2] =	stream.indirect.scatter [tilespmem:s13], [sflag:$0x4], $0x80, s23, s16, $0xb8;
	[tilespmem:$0x1FC00] =	vst v63  }
0x1f: {  	s22 =	sadd.s32 $0x200, s22;
	_ =	sdelay $0x1  }
0x20: {  	_ =	swait.ge [sflag:s14], $0x800  }
0x21: {  	[sflag:s14] =	ssyncset.done $0x0  }
0x22: {  	s25 =	simm.s32 $0x0;
	[sflag:s14] =	ssyncadd.s32 $0xFFFFF800  }
0x23: {  	[tilespmem:s25], [sflag:$0x3] =	stream.linear.gather [hbm4b:s7+s25], $0x400, $0x38;
	[tilespmem:$0x1FC00] =	vst v63  }
0x24: {  	s22 =	simm.s32 $0x10000  }
0x25: {  	[tilespmem:s17], [sflag:$0x3] =	stream.linear.gather [hbm4b:s8+s25], $0x400, $0x38;
	[tilespmem:$0x1FC00] =	vst v63  }
0x26: {  	s23 =	smov.u32 s11;
	s24 =	smov.u32 s10;
	[bflag:$0x0] =	sbarrier.arrive $0xFFFF  }
.LBB2_4:
0x27: {  	p0 =	slt.u32 s25, $0x2  }
0x28: {  	s28 =	simm.s32 @!p0 $0x2  }
0x29: {  	_ =	swait.ge @!p0 [sflag:s28], $0x800  }
0x2a: {  	[sflag:s28] =	ssyncset.done @!p0 $0x0  }
0x2b: {  	[sflag:s28] =	ssyncadd.s32 @!p0 $0xFFFFF800  }
0x2c: {  	_ =	swait.ge @!p0 [sflag:s28], $0x800  }
0x2d: {  	[sflag:s28] =	ssyncset.done @!p0 $0x0  }
0x2e: {  	[sflag:s28] =	ssyncadd.s32 @!p0 $0xFFFFF800  }
0x2f: {  	_ =	swait.ge @!p0 [sflag:s28], $0x800  }
0x30: {  	[sflag:s28] =	ssyncset.done @!p0 $0x0  }
0x31: {  	[sflag:s28] =	ssyncadd.s32 @!p0 $0xFFFFF800  }
0x32: {  	_ =	swait.ge @!p0 [sflag:s28], $0x800  }
0x33: {  	[sflag:s28] =	ssyncset.done @!p0 $0x0  }
0x34: {  	[sflag:s28] =	ssyncadd.s32 @!p0 $0xFFFFF800  }
0x35: {  	_ =	swait.ge @!p0 [sflag:s28], $0x800  }
0x36: {  	[sflag:s28] =	ssyncset.done @!p0 $0x0  }
0x37: {  	[sflag:s28] =	ssyncadd.s32 @!p0 $0xFFFFF800  }
0x38: {  	_ =	swait.ge @!p0 [sflag:s28], $0x800  }
0x39: {  	[sflag:s28] =	ssyncset.done @!p0 $0x0  }
0x3a: {  	[sflag:s28] =	ssyncadd.s32 @!p0 $0xFFFFF800  }
0x3b: {  	_ =	swait.ge @!p0 [sflag:s28], $0x800  }
0x3c: {  	[sflag:s28] =	ssyncset.done @!p0 $0x0  }
0x3d: {  	[sflag:s28] =	ssyncadd.s32 @!p0 $0xFFFFF800  }
0x3e: {  	s26 =	smul.u32 $0xAB, s25;
	p1 =	sgt.u32 @!p0 s25, $0x4E;
	_ =	swait.ge @!p0 [sflag:s28], $0x800  }
0x3f: {  	p1 =	por p0, !p1;
	[sflag:s28] =	ssyncset.done @!p0 $0x0  }
0x40: {  	[sflag:s28] =	ssyncadd.s32 @!p0 $0xFFFFF800;
	s28 =	sshrl.u32 @p1 s26, $0x9  }
0x41: {  	s28 =	sand.u32 @p1 $0x7F, s28;
	_ =	swait.ge @p1 [sflag:s18], $0x400  }
0x42: {  	s28 =	smul.u32 @p1 $0x3, s28;
	[sflag:s18] =	ssyncset.done @p1 $0x0  }
0x43: {  	s29 =	sadd.s32 @p1 $0xFFFF0000, s22;
	[sflag:s18] =	ssyncadd.s32 @p1 $0xFFFFFC00  }
0x44: {  	s29 =	sand.u32 @p1 $0x10000, s29;
	s28 =	ssub.s32 @p1 s25, s28;
	_ =	swait.ge @p1 [sflag:s18], $0x400  }
0x45: {  	s29 =	sshrl.u32 @p1 s29, $0x2;
	s28 =	sand.u32 @p1 $0xFF, s28;
	[sflag:s18] =	ssyncset.done @p1 $0x0  }
0x46: {  	s30 =	sor.u32 @p1 $0x3400, s29;
	[sflag:s18] =	ssyncadd.s32 @p1 $0xFFFFFC00;
	s28 =	sshll.u32 @p1 s28, $0xA  }
0x47: {  	[tilespmem:s30], [sflag:$0x1] =	stream.indirect.gather @p1 [hbm4b:s4+s16], $0x80, s28, s16, $0xb8;
	[tilespmem:$0x1FC00] =	vst v63  }
0x48: {  	s30 =	sor.u32 @p1 $0x3C00, s29;
	s31 =	sor.u32 @p1 $0x80, s28  }
0x49: {  	[tilespmem:s30], [sflag:$0x1] =	stream.indirect.gather @p1 [hbm4b:s4+s16], $0x80, s31, s16, $0xb8;
	[tilespmem:$0x1FC00] =	vst v63  }
0x4a: {  	s30 =	sadd.s32 @p1 $0x4400, s29;
	s31 =	sor.u32 @p1 $0x100, s28  }
0x4b: {  	[tilespmem:s30], [sflag:$0x1] =	stream.indirect.gather @p1 [hbm4b:s4+s16], $0x80, s31, s16, $0xb8;
	[tilespmem:$0x1FC00] =	vst v63  }
0x4c: {  	s30 =	sadd.s32 @p1 $0x4C00, s29;
	s31 =	sor.u32 @p1 $0x180, s28  }
0x4d: {  	[tilespmem:s30], [sflag:$0x1] =	stream.indirect.gather @p1 [hbm4b:s4+s16], $0x80, s31, s16, $0xb8;
	[tilespmem:$0x1FC00] =	vst v63  }
0x4e: {  	s30 =	sadd.s32 @p1 $0x5400, s29;
	s31 =	sor.u32 @p1 $0x200, s28  }
0x4f: {  	[tilespmem:s30], [sflag:$0x1] =	stream.indirect.gather @p1 [hbm4b:s4+s16], $0x80, s31, s16, $0xb8;
	[tilespmem:$0x1FC00] =	vst v63  }
0x50: {  	s30 =	sadd.s32 @p1 $0x5C00, s29;
	s31 =	sor.u32 @p1 $0x280, s28  }
0x51: {  	[tilespmem:s30], [sflag:$0x1] =	stream.indirect.gather @p1 [hbm4b:s4+s16], $0x80, s31, s16, $0xb8;
	[tilespmem:$0x1FC00] =	vst v63  }
0x52: {  	s30 =	sadd.s32 @p1 $0x6400, s29;
	s31 =	sor.u32 @p1 $0x300, s28  }
0x53: {  	[tilespmem:s30], [sflag:$0x1] =	stream.indirect.gather @p1 [hbm4b:s4+s16], $0x80, s31, s16, $0xb8;
	[tilespmem:$0x1FC00] =	vst v63  }
0x54: {  	p0 =	seq.s32 s25, $0x0;
	s29 =	sadd.s32 @p1 $0x6C00, s29;
	s28 =	sor.u32 @p1 $0x380, s28  }
0x55: {  	[tilespmem:s29], [sflag:$0x1] =	stream.indirect.gather @p1 [hbm4b:s4+s16], $0x80, s28, s16, $0xb8;
	[tilespmem:$0x1FC00] =	vst v63  }
0x56: {  	p1 =	seq.s32 @!p0 s25, $0x50  }
0x57: {  	p0 =	por p1, p0  }
0x58: {  	s28 =	simm.s32 @!p0 $0x1  }
0x59: {  	_ =	swait.ge @!p0 [sflag:s28], $0x800  }
0x5a: {  	[sflag:s28] =	ssyncset.done @!p0 $0x0  }
0x5b: {  	[sflag:s28] =	ssyncadd.s32 @!p0 $0xFFFFF800  }
0x5c: {  	_ =	swait.ge @!p0 [sflag:s28], $0x800  }
0x5d: {  	[sflag:s28] =	ssyncset.done @!p0 $0x0  }
0x5e: {  	[sflag:s28] =	ssyncadd.s32 @!p0 $0xFFFFF800  }
0x5f: {  	_ =	swait.ge @!p0 [sflag:s28], $0x800  }
0x60: {  	[sflag:s28] =	ssyncset.done @!p0 $0x0  }
0x61: {  	[sflag:s28] =	ssyncadd.s32 @!p0 $0xFFFFF800  }
0x62: {  	_ =	swait.ge @!p0 [sflag:s28], $0x800  }
0x63: {  	[sflag:s28] =	ssyncset.done @!p0 $0x0  }
0x64: {  	[sflag:s28] =	ssyncadd.s32 @!p0 $0xFFFFF800  }
0x65: {  	_ =	swait.ge @!p0 [sflag:s28], $0x800  }
0x66: {  	s1 =	sadd.s32 $0x2, s25;
	[sflag:s28] =	ssyncset.done @!p0 $0x0  }
0x67: {  	s31 =	sand.u32 $0xFF, s1;
	[sflag:s28] =	ssyncadd.s32 @!p0 $0xFFFFF800  }
0x68: {  	s30 =	smul.u32 $0xAB, s31;
	_ =	swait.ge @!p0 [sflag:s28], $0x800  }
0x69: {  	[sflag:s28] =	ssyncset.done @!p0 $0x0  }
0x6a: {  	s30 =	sshrl.u32 s30, $0x9;
	[sflag:s28] =	ssyncadd.s32 @!p0 $0xFFFFF800  }
0x6b: {  	s30 =	smul.u32 $0x3, s30;
	_ =	swait.ge @!p0 [sflag:s28], $0x800  }
0x6c: {  	[sflag:s28] =	ssyncset.done @!p0 $0x0  }
0x6d: {  	s0 =	simm.s32 @!p0 $0x10;
	s29 =	ssub.s32 s1, s30;
	[sflag:s28] =	ssyncadd.s32 @!p0 $0xFFFFF800  }
0x6e: {  	s30 =	sshrl.u32 @!p0 s22, $0x2;
	s29 =	sand.u32 $0xFF, s29;
	_ =	swait.ge @!p0 [sflag:s28], $0x800  }
0x6f: {  	s30 =	sand.u32 @!p0 $0x4000, s30;
	s29 =	sshll.u32 @!p0 s29, $0xA;
	[sflag:s28] =	ssyncset.done @!p0 $0x0  }
0x70: {  	s31 =	sor.u32 @!p0 $0x3400, s30;
	[sflag:s28] =	ssyncadd.s32 @!p0 $0xFFFFF800;
	s28 =	sadd.s32 @!p0 $0xC00, s29  }
0x71: {  	[spmem:s2] =	stream.indirect.scatter.add.f32 @!p0 [tilespmem:s31], [sflag:$0x2], $0x80, s28, s0, $0xb8;
	[tilespmem:$0x1FC00] =	vst v63  }
0x72: {  	s28 =	sor.u32 @!p0 $0x3C00, s30;
	s31 =	sadd.s32 @!p0 $0xC80, s29  }
0x73: {  	[spmem:s2] =	stream.indirect.scatter.add.f32 @!p0 [tilespmem:s28], [sflag:$0x2], $0x80, s31, s0, $0xb8;
	[tilespmem:$0x1FC00] =	vst v63  }
0x74: {  	s1 =	sadd.s32 @!p0 $0xD00, s29;
	s28 =	sadd.s32 $0x1, s25;
	s31 =	sadd.s32 @!p0 $0x4400, s30  }
0x75: {  	[spmem:s2] =	stream.indirect.scatter.add.f32 @!p0 [tilespmem:s31], [sflag:$0x2], $0x80, s1, s0, $0xb8;
	[tilespmem:$0x1FC00] =	vst v63  }
0x76: {  	s1 =	sadd.s32 $0xAB, s26;
	s26 =	sadd.s32 @!p0 $0x4C00, s30;
	s31 =	sadd.s32 @!p0 $0xD80, s29  }
0x77: {  	[spmem:s2] =	stream.indirect.scatter.add.f32 @!p0 [tilespmem:s26], [sflag:$0x2], $0x80, s31, s0, $0xb8;
	[tilespmem:$0x1FC00] =	vst v63  }
0x78: {  	s1 =	sshrl.u32 s1, $0x9;
	s26 =	sadd.s32 @!p0 $0x5400, s30;
	s31 =	sadd.s32 @!p0 $0xE00, s29  }
0x79: {  	[spmem:s2] =	stream.indirect.scatter.add.f32 @!p0 [tilespmem:s26], [sflag:$0x2], $0x80, s31, s0, $0xb8;
	[tilespmem:$0x1FC00] =	vst v63  }
0x7a: {  	s1 =	sand.u32 $0x7F, s1;
	s26 =	sadd.s32 @!p0 $0x5C00, s30;
	s31 =	sadd.s32 @!p0 $0xE80, s29  }
0x7b: {  	[spmem:s2] =	stream.indirect.scatter.add.f32 @!p0 [tilespmem:s26], [sflag:$0x2], $0x80, s31, s0, $0xb8;
	[tilespmem:$0x1FC00] =	vst v63  }
0x7c: {  	s1 =	smul.u32 $0x3, s1;
	s26 =	sadd.s32 @!p0 $0x6400, s30;
	s31 =	sadd.s32 @!p0 $0xF00, s29  }
0x7d: {  	[spmem:s2] =	stream.indirect.scatter.add.f32 @!p0 [tilespmem:s26], [sflag:$0x2], $0x80, s31, s0, $0xb8;
	[tilespmem:$0x1FC00] =	vst v63  }
0x7e: {  	s1 =	ssub.s32 s28, s1;
	s29 =	sadd.s32 @!p0 $0xF80, s29;
	s26 =	sadd.s32 @!p0 $0x6C00, s30  }
0x7f: {  	[spmem:s2] =	stream.indirect.scatter.add.f32 @!p0 [tilespmem:s26], [sflag:$0x2], $0x80, s29, s0, $0xb8;
	[tilespmem:$0x1FC00] =	vst v63  }
0x80: {  	s0 =	sand.u32 $0xFF, s1;
	p0 =	sgt.u32 s25, $0x4D  }
0x81: {  	s0 =	sshll.u32 @!p0 s0, $0xA;
	s1 =	simm.s32 @!p0 $0x0  }
0x82: {  	[tilespmem:s0], [sflag:$0x3] =	stream.linear.gather @!p0 [hbm4b:s24+s1], $0x400, $0x38;
	[tilespmem:$0x1FC00] =	vst v63  }
0x83: {  	s0 =	sadd.s32 @!p0 $0xC00, s0  }
0x84: {  	[tilespmem:s0], [sflag:$0x3] =	stream.linear.gather @!p0 [hbm4b:s23+s1], $0x400, $0x38;
	[tilespmem:$0x1FC00] =	vst v63  }
0x85: {  	p0 =	sne.s32 s28, $0x51  }
.Ltmp1:
0x86: {  	_ = 	snop;
	(pc) =	sbr.rel @p0 .LBB2_4-.Ltmp1, $3  }
0x87: {  	_ =	sdelay $0x1  }
0x88: {  	s22 =	sadd.s32 $0x10000, s22  }
0x89: {  	s25 =	smov.u32 s28;
	s24 =	sadd.s32 $0x80, s24;
	s23 =	sadd.s32 $0x80, s23  }
0x8a: {  	[bflag:$0x0] =	sbarrier.arrive $0xFFFF;
	s22 =	simm.s32 $0x2000  }
0x8b: {  	[tilespmem:s19], [sflag:$0x1] =	stream.indirect.gather [spmem:s2], $0x80, s22, s16, $0xb8;
	[tilespmem:$0x1FC00] =	vst v63  }
0x8c: {  	_ =	swait.ge [sflag:s20], $0x800  }
0x8d: {  	[sflag:s20] =	ssyncset.done $0x0  }
0x8e: {  	s0 =	sadd.s32 $0x0, s12;
	[sflag:s20] =	ssyncadd.s32 $0xFFFFF800  }
0x8f: {  	[hbm4b:s0+s3] =	stream.linear.scatter [tilespmem:s19], [sflag:$0x4], $0x800, $0x38;
	[tilespmem:$0x1FC00] =	vst v63  }
0x90: {  	_ =	swait.ge [sflag:s14], $0x800  }
0x91: {  	s23 =	simm.s32 $0x100;
	[sflag:s14] =	ssyncset.done $0x0  }
.LBB2_6:
0x92: {  	p0 =	sne.s32 s23, $0x2700;
	[sflag:s14] =	ssyncadd.s32 $0xFFFFF800;
	s22 =	sadd.s32 $0x80, s22  }
0x93: {  	[tilespmem:s19], [sflag:$0x1] =	stream.indirect.gather [spmem:s2], $0x80, s22, s16, $0xb8;
	[tilespmem:$0x1FC00] =	vst v63  }
0x94: {  	s0 =	smov.u32 s23;
	s23 =	sadd.s32 $0x100, s23;
	_ =	swait.ge [sflag:s20], $0x800  }
.Ltmp2:
0x95: {  	[sflag:s20] =	ssyncset.done $0x0;
	(pc) =	sbr.rel @p0 .LBB2_6-.Ltmp2, $4  }
0x96: {  	s0 =	sadd.s32 s0, s12;
	[sflag:s20] =	ssyncadd.s32 $0xFFFFF800  }
0x97: {  	[hbm4b:s0+s3] =	stream.linear.scatter [tilespmem:s19], [sflag:$0x4], $0x800, $0x38;
	[tilespmem:$0x1FC00] =	vst v63  }
0x98: {  	_ =	swait.ge [sflag:s14], $0x800  }
0x99: {  	[sflag:s14] =	ssyncset.done $0x0  }
0x9a: {  	s21 =	sadd.s32 $0x1, s21  }
0x9b: {  	p0 =	sne.s32 s21, s9  }
.Ltmp3:
0x9c: {  	_ = 	snop;
	(pc) =	sbr.rel @p0 .LBB2_1-.Ltmp3, $2  }
0x9d: {  	_ =	sdelay $0x2  }
0x9e: {  	[sflag:s14] =	ssyncadd.s32 $0xFFFFF800  }
0x9f: {  	_ =	sfence.sel $0x180000  }
0xa0: {  	[bflag:$0x0] =	sbarrier.arrive $0xFFFF  }
0xa1: {  	_ =	strace $0x9000004D  }
0xa2: {  	s0 =	stileid.u32;
	[bflag:$0x2] =	sbarrier.arrive $0xFFFF  }
0xa3: {  	p0 =	sne.s32 s0, $0x0;
	s0 =	rddreg [dreg:$0x2]  }
0xa4: {  	s0 =	sadd.s32 @!p0 $0x100000, s0  }
0xa5: {  	[sflag:s0] =	ssyncadd.tile.s32 @!p0 $0x1;
	_ =	shalt  }
.Lfunc_end2:
_tile_overlayer_lowered:
.L_overlay_start_2:
0xa6: {  	(tag) =	ssettag $0x2  }
0xa7: {  	s0 =	rddreg [dreg:$0x0];
	s2 =	stileid.u32  }
0xa8: {  	s1 =	rddreg [dreg:$0x1];
	p0 =	sne.s32 s2, $0x0  }
0xa9: {  	s3 =	rddreg [dreg:$0x2];
	[bflag:$0x3] =	sbarrier.arrive $0xFFFF;
	s2 =	simm.s32 @!p0 $0x1C04  }
0xaa: {  	[timem:s3], [sflag:s2] =	dma.local @!p0 [hbm:s0], s1  }
0xab: {  	s0 =	simm.s32 @!p0 $0x4  }
0xac: {  	_ =	swait.ge @!p0 [sflag:s0], s1  }
0xad: {  	s1 =	ssub.s32 @!p0 $0x0, s1;
	[sflag:s0] =	ssyncset.done @!p0 $0x0  }
0xae: {  	[sflag:s0] =	ssyncadd.s32 @!p0 s1  }
0xaf: {  	[bflag:$0x3] =	sbarrier.arrive $0xFFFF  }
0xb0: {  	_ =	shalt  }

// kernel: kernel.19.cloned.1.call-start
scs
__scs_entry_jumppad:
0x0: {  	(pc) =	sbr.rel $0x88, $3  }
0x1: {  	(tag) =	ssettag $0x0;
	lr =	simm.s32 $0x1  }
0x2: {  	[smem:$0x3F94] =	sst lr;
	_ =	strace $0xD0000000  }
0x3: {  	_ = 	snop  }
0x4: {  	_ = 	snop  }
0x5: {  	_ = 	snop  }
0x6: {  	_ = 	snop  }
0x7: {  	_ = 	snop  }
__scs_overlays_trampoline_lowered:
0x8: {  	[smem:$0x3FA3] =	sst s0  }
0x9: {  	[smem:$0x3FA4] =	sst s1  }
0xa: {  	[smem:$0x3FA5] =	sst s2  }
0xb: {  	[smem:$0x3FA6] =	sst s3  }
0xc: {  	[smem:$0x3FA7] =	sst s4  }
0xd: {  	[smem:$0x3FA8] =	sst s5  }
0xe: {  	[smem:$0x3FA9] =	sst s6  }
0xf: {  	[smem:$0x3FAA] =	sst s7  }
0x10: {  	[smem:$0x3FAB] =	sst s8  }
0x11: {  	[smem:$0x3FAC] =	sst s9;
	s0 =	simm.s32 @!p0 $0x0  }
0x12: {  	s1 =	sld [smem:$0x3F92];
	s0 =	simm.s32 @p0 $0x1  }
0x13: {  	[smem:$0x3FAD] =	sst s0;
	s0 =	simm.s32 @!p1 $0x0  }
0x14: {  	s2 =	sld [smem:$0x3F91];
	s0 =	simm.s32 @p1 $0x1  }
0x15: {  	[smem:$0x3FAE] =	sst s0;
	s0 =	simm.s32 @!p2 $0x0  }
0x16: {  	s3 =	sld [smem:$0x3FDB];
	s0 =	simm.s32 @p2 $0x1  }
0x17: {  	s4 =	simm.s32 $0x1BF5;
	[smem:$0x3FB0] =	sst s0  }
0x18: {  	s0 =	sld [smem:$0x3F93];
	_ =	swait.ge [sflag:s4], $0x0  }
0x19: {  	s7 =	sld [smem:$0x3F94]  }
0x1a: {  	s8 =	sadd.s32 $0xFFFFE003, lr  }
0x1b: {  	s9 =	sadd.s32 $0xFFFFFEF7, lr;
	s5 =	simm.s32 $0xFFFFFFFF;
	p2 =	slt.u32 s8, $0xFFFFF086  }
0x1c: {  	p1 =	slt.u32 s9, $0xF7A;
	s5 =	simm.s32 @!p2 $0x0  }
0x1d: {  	s5 =	simm.s32 @p1 $0x1;
	p0 =	seq.s32 s7, s2  }
0x1e: {  	s7 =	smul.u32 @!p0 $0xF7A, s2;
	p2 =	seq.s32 @!p0 s5, $0x0  }
0x1f: {  	s9 =	smul.u32 $0xF7A, s1;
	s8 =	simm.s32 @!p0 $0x1BF5;
	p2 =	por !p2, p0  }
0x20: {  	[sflag:s8] =	ssyncset.s32 @!p0 $0xFFFFF086;
	s6 =	sadd.s32 @!p0 s3, s7;
	s7 =	simm.s32 @!p0 $0x108  }
0x21: {  	s3 =	sadd.s32 s3, s9;
	s6 =	sadd.s32 @!p0 $0x88, s6;
	s7 =	simm.s32 @p2 $0x1082  }
0x22: {  	[simem:s7], [sflag:s8] =	dma.local @!p0 [hbm:s6], $0xF7A  }
0x23: {  	s9 =	sor.u32 $0xD0000000, s2;
	s6 =	simm.s32 $0x108;
	_ =	swait.ge @!p0 [sflag:s8], $0x0  }
0x24: {  	s3 =	sadd.s32 $0x88, s3;
	s6 =	simm.s32 @!p1 $0x1082;
	[sflag:s4] =	ssyncset.s32 $0xFFFFF086  }
0x25: {  	[simem:s6], [sflag:s4] =	dma.local [hbm:s3], $0xF7A  }
0x26: {  	[smem:$0x3F94] =	sst s1;
	(tag) =	ssettag s2;
	_ =	strace s9  }
0x27: {  	s1 =	sld [smem:$0x3FA4]  }
0x28: {  	s2 =	sld [smem:$0x3FA5]  }
0x29: {  	s4 =	sld [smem:$0x3FA7]  }
0x2a: {  	p0 =	seq.s32 s5, $0x0;
	s5 =	sld [smem:$0x3FA8]  }
0x2b: {  	s6 =	sld [smem:$0x3FA9]  }
0x2c: {  	s7 =	sld [smem:$0x3FAA]  }
0x2d: {  	s3 =	simm.s32 $0x108;
	s8 =	sld [smem:$0x3FAB]  }
0x2e: {  	s3 =	simm.s32 @!p0 $0x1082;
	s9 =	sld [smem:$0x3FAC]  }
0x2f: {  	lr =	sadd.s32 s0, s3;
	s0 =	sld [smem:$0x3FA3]  }
0x30: {  	s3 =	sld [smem:$0x3FA6]  }
0x31: {  	[smem:$0x3FAF] =	sst s10  }
0x32: {  	s10 =	sld [smem:$0x3FAD];
	_ =	sdelay $0x3  }
0x33: {  	p0 =	seq.s32 s10, $0x1;
	s10 =	sld [smem:$0x3FAF];
	_ =	sdelay $0x3  }
0x34: {  	[smem:$0x3FAF] =	sst s10  }
0x35: {  	s10 =	sld [smem:$0x3FAE];
	_ =	sdelay $0x3  }
0x36: {  	p1 =	seq.s32 s10, $0x1;
	s10 =	sld [smem:$0x3FAF];
	_ =	sdelay $0x3  }
0x37: {  	[smem:$0x3FAF] =	sst s10  }
0x38: {  	s10 =	sld [smem:$0x3FB0]  }
0x39: {  	_ = 	snop;
	(pc) =	sbr.ind lr, $3  }
0x3a: {  	_ = 	snop  }
0x3b: {  	_ = 	snop  }
0x3c: {  	p2 =	seq.s32 s10, $0x1;
	s10 =	sld [smem:$0x3FAF]  }
0x3d: {  	_ =	shalt  }
0x3e: {  	_ =	shalt  }
0x3f: {  	_ =	shalt  }
0x40: {  	_ =	shalt  }
0x41: {  	_ =	shalt  }
0x42: {  	_ =	shalt  }
0x43: {  	_ =	shalt  }
0x44: {  	_ =	shalt  }
0x45: {  	_ =	shalt  }
0x46: {  	_ =	shalt  }
0x47: {  	_ =	shalt  }
0x48: {  	_ =	shalt  }
0x49: {  	_ =	shalt  }
0x4a: {  	_ =	shalt  }
0x4b: {  	_ =	shalt  }
0x4c: {  	_ =	shalt  }
0x4d: {  	_ =	shalt  }
0x4e: {  	_ =	shalt  }
0x4f: {  	_ =	shalt  }
0x50: {  	_ =	shalt  }
0x51: {  	_ =	shalt  }
0x52: {  	_ =	shalt  }
0x53: {  	_ =	shalt  }
0x54: {  	_ =	shalt  }
0x55: {  	_ =	shalt  }
0x56: {  	_ =	shalt  }
0x57: {  	_ =	shalt  }
0x58: {  	_ =	shalt  }
0x59: {  	_ =	shalt  }
0x5a: {  	_ =	shalt  }
0x5b: {  	_ =	shalt  }
0x5c: {  	_ =	shalt  }
0x5d: {  	_ =	shalt  }
0x5e: {  	_ =	shalt  }
0x5f: {  	_ =	shalt  }
0x60: {  	_ =	shalt  }
0x61: {  	_ =	shalt  }
0x62: {  	_ =	shalt  }
0x63: {  	_ =	shalt  }
0x64: {  	_ =	shalt  }
0x65: {  	_ =	shalt  }
0x66: {  	_ =	shalt  }
0x67: {  	_ =	shalt  }
0x68: {  	_ =	shalt  }
0x69: {  	_ =	shalt  }
0x6a: {  	_ =	shalt  }
0x6b: {  	_ =	shalt  }
0x6c: {  	_ =	shalt  }
0x6d: {  	_ =	shalt  }
0x6e: {  	_ =	shalt  }
0x6f: {  	_ =	shalt  }
0x70: {  	_ =	shalt  }
0x71: {  	_ =	shalt  }
0x72: {  	_ =	shalt  }
0x73: {  	_ =	shalt  }
0x74: {  	_ =	shalt  }
0x75: {  	_ =	shalt  }
0x76: {  	_ =	shalt  }
0x77: {  	_ =	shalt  }
0x78: {  	_ =	shalt  }
0x79: {  	_ =	shalt  }
0x7a: {  	_ =	shalt  }
0x7b: {  	_ =	shalt  }
0x7c: {  	_ =	shalt  }
0x7d: {  	_ =	shalt  }
0x7e: {  	_ =	shalt  }
0x7f: {  	_ =	shalt  }
0x80: {  	_ =	shalt  }
0x81: {  	_ =	shalt  }
0x82: {  	_ =	shalt  }
0x83: {  	_ =	shalt  }
0x84: {  	_ =	shalt  }
0x85: {  	_ =	shalt  }
0x86: {  	_ =	shalt  }
0x87: {  	_ =	shalt  }
.Lfunc_end0:
.L_simem_size_0:
called_computation.3_lowered:
.L_overlay_start_0:
0x88: {  	s2 =	sld [smem:$0x3FD9]  }
0x89: {  	s3 =	sld [smem:$0x3FFE];
	_ =	sdelay $0x1  }
0x8a: {  	s1 =	srdreg.scid  }
0x8b: {  	s0 =	sand.u32 $0x1, s1  }
0x8c: {  	s16 =	sshll.u32 s0, $0xA;
	s2 =	sadd.s32 s3, s2  }
0x8d: {  	s2 =	sadd.s32 s2, s16  }
0x8e: {  	[smem:$0x3FBB] =	sst s2  }
0x8f: {  	_ = 	snop  }
0x90: {  	(tm) =	ssettm $0x1  }
0x91: {  	s17 =	sld [smem:$0x3FFB];
	_ =	sdelay $0x3  }
0x92: {  	_ =	strace s17  }
0x93: {  	s2 =	sld [smem:$0x3FFC];
	_ =	sdelay $0x3  }
0x94: {  	_ =	strace s2  }
0x95: {  	s2 =	sld [smem:$0x3FFD];
	_ =	sdelay $0x3  }
0x96: {  	_ =	strace s2  }
0x97: {  	_ =	strace $0x8FFFFFFF  }
0x98: {  	s18 =	sld [smem:$0x3FDB];
	_ =	sdelay $0x1  }
0x99: {  	s19 =	simm.s32 $_scs_section_size  }
0x9a: {  	s4 =	simm.s32 $_size__tile_overlayer_lowered;
	s5 =	simm.s32 $_tile_overlayer_lowered  }
0x9b: {  	s22 =	simm.s32 $0x1BFF;
	s21 =	sshll.u32 s5, $0x1;
	s2 =	sadd.s32 s19, s18  }
0x9c: {  	s6 =	simm.s32 $0x0;
	s20 =	sshll.u32 s4, $0x1;
	s4 =	sadd.s32 s21, s2  }
0x9d: {  	[timem:s6], [sflag:s22] =	dma.local [hbm:s4], s20  }
0x9e: {  	_ =	swait.ge [sflag:s22], s20  }
0x9f: {  	s3 =	ssub.s32 $0x0, s20;
	[sflag:s22] =	ssyncset.done $0x0  }
0xa0: {  	[sflag:s22] =	ssyncadd.s32 s3;
	_ =	sdelay $0x1  }
0xa1: {  	s23 =	simm.s32 $0x1B8B  }
0xa2: {  	_ =	swait.ge [sflag:s23], $0x1  }
0xa3: {  	[sflag:s23] =	ssyncset.done $0x0  }
0xa4: {  	s25 =	simm.s32 $0x1B8E;
	s24 =	sld [smem:$0x3FFE];
	[sflag:s23] =	ssyncadd.s32 $0xFFFFFFFF  }
0xa5: {  	s26 =	simm.s32 $execute0_lowered;
	[smem:$0x3FD2] =	sst s25  }
0xa6: {  	s4 =	sshll.u32 s26, $0x1;
	_ =	strace $0x8000004F;
	[dreg:$0x1] =	wrdreg $0xFFFFFFFF  }
0xa7: {  	s28 =	simm.s32 $_size_execute0_lowered;
	s2 =	sadd.s32 s2, s4;
	[dreg:$0x0] =	wrdreg $0x0  }
0xa8: {  	s4 =	sshll.u32 s28, $0x1;
	[dreg:$0x2] =	wrdreg s2  }
0xa9: {  	[dreg:$0x3] =	wrdreg s4  }
0xaa: {  	[dreg:$0x4] =	wrdreg $0xC0  }
0xab: {  	_ =	task [dreg:s6], $0x5FFFF  }
0xac: {  	[dreg:$0x1] =	wrdreg $0xFFFFFFFF  }
0xad: {  	[dreg:$0x0] =	wrdreg $0x60  }
0xae: {  	[dreg:$0x2] =	wrdreg s24  }
0xaf: {  	[dreg:$0x3] =	wrdreg $0xBC000  }
0xb0: {  	[dreg:$0x4] =	wrdreg $0x9  }
0xb1: {  	_ =	task.clear_ibuf [dreg:s6], $0x5FFFF;
	_ =	strace $0x9000004F  }
0xb2: {  	s29 =	simm.s32 $0x9;
	_ =	strace $0x80000051  }
0xb3: {  	_ =	swait.ge [sflag:s29], $0x1  }
0xb4: {  	[sflag:s29] =	ssyncadd.s32 $0xFFFFFFFF  }
0xb5: {  	_ =	strace $0x90000051  }
0xb6: {  	_ =	sfence  }
0xb7: {  	s30 =	sld [smem:$0x0];
	_ =	sdelay $0x2  }
0xb8: {  	s31 =	sshll.u32 s1, $0xD;
	s1 =	sshrl.u32 s1, $0x2  }
0xb9: {  	s3 =	sand.u32 $0x4000, s31;
	s1 =	sadd.s32 s1, s30  }
0xba: {  	s0 =	sor.u32 s3, s0;
	s1 =	sshll.u32 s1, $0x11  }
0xbb: {  	s0 =	sor.u32 s1, s0  }
0xbc: {  	s0 =	sadd.s32 $0x8F2B, s0  }
0xbd: {  	[sflag:s0] =	ssyncadd.remote.s32 $0x1  }
0xbe: {  	_ =	sfence.sel $0xFFFF  }
0xbf: {  	[dreg:$0x0] =	wrdreg $0xFFFFFFFF;
	(pc) =	sbr.abs _section_cstart, $3  }
0xc0: {  	[dreg:$0x1] =	wrdreg $0xFFFFFFFF  }
0xc1: {  	_ =	task.clear_ibuf [dreg:s6], $0x2FFFF;
	_ =	strace $0x9FFFFFFF  }
0xc2: {  	(tm) =	ssettm $0x7FFFFFFF  }
0xc3: {  	_ =	shalt  }
tec
execute0_lowered:
.L_overlay_start_1:
0x0: {  	(tag) =	ssettag $0x1  }
0x1: {  	s6 =	rddreg [dreg:$0x0]  }
0x2: {  	s2 =	rddreg [dreg:$0x1]  }
0x3: {  	s0 =	stileid.u32;
	s4 =	srdreg.scid;
	s3 =	simm.s32 $0x0  }
0x4: {  	s16 =	simm.s32 $0x10;
	s17 =	simm.s32 $0xC00;
	s18 =	simm.s32 $0x3  }
0x5: {  	s19 =	simm.s32 $0xB400;
	s20 =	simm.s32 $0x1;
	s21 =	simm.s32 $0x0  }
0x6: {  	s7 =	smul.u32 $0x280, s0;
	s8 =	sand.u32 $0x1, s4;
	[smem:$0x7FF] =	sst s3  }
0x7: {  	s10 =	smul.u32 $0x14000, s0;
	s4 =	sadd.s32 $0x55E00, s6;
	s11 =	sadd.s32 $0xA5E00, s6  }
0x8: {  	s12 =	sadd.s32 $0x6C00, s6;
	s5 =	sadd.s32 $0x55C00, s6;
	s13 =	smul.u32 $0x9E, s0  }
0x9: {  	s25 =	sshll.u32 s0, $0x1;
	s9 =	smul.u32 $0x140000, s8;
	s14 =	ssub.s32 $0x2, s8  }
0xa: {  	_ =	strace $0x80000050;
	s7 =	sadd.s32 s7, s6;
	s26 =	sshrl.u32 s14, $0x1  }
0xb: {  	s9 =	sadd.s32 s10, s9;
	s10 =	sor.u32 s8, s25;
	s8 =	smul.u32 $0x4F, s8  }
0xc: {  	s29 =	ssub.s32 s14, s26;
	s14 =	simm.s32 $0x4;
	s9 =	sshrl.u32 s9, $0x3  }
0xd: {  	s28 =	smul.u32 $0x2780, s10;
	s15 =	sadd.s32 s9, s6;
	s13 =	sadd.s32 s8, s13  }
0xe: {  	s6 =	sadd.s32 $0x4400, s7;
	s9 =	smax.u32 s29, $0x1;
	s13 =	sshll.u32 s13, $0x7  }
0xf: {  	s7 =	sadd.s32 s11, s28;
	s8 =	sadd.s32 s12, s28;
	s30 =	sadd.s32 s13, s11  }
0x10: {  	s31 =	sadd.s32 s13, s12;
	s12 =	sadd.s32 $0xF4E00, s15;
	s13 =	simm.s32 $0x1800  }
0x11: {  	s15 =	simm.s32 $0x2000;
	s10 =	sadd.s32 $0x80, s30;
	s11 =	sadd.s32 $0x80, s31  }
.LBB2_1:
0x12: {  	[tilespmem:s13], [sflag:$0x4] =	stream.linear.gather [hbm4b:s5+s3], $0x800, $0x38;
	[tilespmem:$0x1FC00] =	vst v63  }
0x13: {  	_ =	swait.ge [sflag:s14], $0x800  }
0x14: {  	[sflag:s14] =	ssyncset.done $0x0  }
0x15: {  	[sflag:s14] =	ssyncadd.s32 $0xFFFFF800  }
0x16: {  	[tilespmem:s15], [sflag:$0x4] =	stream.linear.gather [hbm4b:s6+s3], $0x1400, $0x38;
	[tilespmem:$0x1FC00] =	vst v63  }
0x17: {  	_ =	swait.ge [sflag:s14], $0x1400  }
0x18: {  	[sflag:s14] =	ssyncset.done $0x0  }
0x19: {  	s22 =	simm.s32 $0x2000;
	[sflag:s14] =	ssyncadd.s32 $0xFFFFEC00  }
0x1a: {  	[spmem:s2] =	stream.indirect.scatter [tilespmem:s13], [sflag:$0x4], $0x80, s22, s16, $0xb8;
	[tilespmem:$0x1FC00] =	vst v63  }
0x1b: {  	s22 =	simm.s32 $0x200;
	_ =	swait.ge [sflag:s14], $0x800  }
.LBB2_2:
0x1c: {  	s23 =	sshra.s32 s22, $0x2;
	[sflag:s14] =	ssyncset.done $0x0;
	p0 =	sne.s32 s22, $0x4E00  }
.Ltmp0:
0x1d: {  	s23 =	sadd.s32 $0x2000, s23;
	[sflag:s14] =	ssyncadd.s32 $0xFFFFF800;
	(pc) =	sbr.rel @p0 .LBB2_2-.Ltmp0, $3  }
0x1e: {  	[spmem:s2] =	stream.indirect.scatter [tilespmem:s13], [sflag:$0x4], $0x80, s23, s16, $0xb8;
	[tilespmem:$0x1FC00] =	vst v63  }
0x1f: {  	s22 =	sadd.s32 $0x200, s22;
	_ =	sdelay $0x1  }
0x20: {  	_ =	swait.ge [sflag:s14], $0x800  }
0x21: {  	[sflag:s14] =	ssyncset.done $0x0  }
0x22: {  	s25 =	simm.s32 $0x0;
	[sflag:s14] =	ssyncadd.s32 $0xFFFFF800  }
0x23: {  	[tilespmem:s25], [sflag:$0x3] =	stream.linear.gather [hbm4b:s7+s25], $0x400, $0x38;
	[tilespmem:$0x1FC00] =	vst v63  }
0x24: {  	s22 =	simm.s32 $0x10000  }
0x25: {  	[tilespmem:s17], [sflag:$0x3] =	stream.linear.gather [hbm4b:s8+s25], $0x400, $0x38;
	[tilespmem:$0x1FC00] =	vst v63  }
0x26: {  	s23 =	smov.u32 s11;
	s24 =	smov.u32 s10;
	[bflag:$0x0] =	sbarrier.arrive $0xFFFF  }
.LBB2_4:
0x27: {  	p0 =	slt.u32 s25, $0x2  }
0x28: {  	s28 =	simm.s32 @!p0 $0x2  }
0x29: {  	_ =	swait.ge @!p0 [sflag:s28], $0x800  }
0x2a: {  	[sflag:s28] =	ssyncset.done @!p0 $0x0  }
0x2b: {  	[sflag:s28] =	ssyncadd.s32 @!p0 $0xFFFFF800  }
0x2c: {  	_ =	swait.ge @!p0 [sflag:s28], $0x800  }
0x2d: {  	[sflag:s28] =	ssyncset.done @!p0 $0x0  }
0x2e: {  	[sflag:s28] =	ssyncadd.s32 @!p0 $0xFFFFF800  }
0x2f: {  	_ =	swait.ge @!p0 [sflag:s28], $0x800  }
0x30: {  	[sflag:s28] =	ssyncset.done @!p0 $0x0  }
0x31: {  	[sflag:s28] =	ssyncadd.s32 @!p0 $0xFFFFF800  }
0x32: {  	_ =	swait.ge @!p0 [sflag:s28], $0x800  }
0x33: {  	[sflag:s28] =	ssyncset.done @!p0 $0x0  }
0x34: {  	[sflag:s28] =	ssyncadd.s32 @!p0 $0xFFFFF800  }
0x35: {  	_ =	swait.ge @!p0 [sflag:s28], $0x800  }
0x36: {  	[sflag:s28] =	ssyncset.done @!p0 $0x0  }
0x37: {  	[sflag:s28] =	ssyncadd.s32 @!p0 $0xFFFFF800  }
0x38: {  	_ =	swait.ge @!p0 [sflag:s28], $0x800  }
0x39: {  	[sflag:s28] =	ssyncset.done @!p0 $0x0  }
0x3a: {  	[sflag:s28] =	ssyncadd.s32 @!p0 $0xFFFFF800  }
0x3b: {  	_ =	swait.ge @!p0 [sflag:s28], $0x800  }
0x3c: {  	[sflag:s28] =	ssyncset.done @!p0 $0x0  }
0x3d: {  	[sflag:s28] =	ssyncadd.s32 @!p0 $0xFFFFF800  }
0x3e: {  	s26 =	smul.u32 $0xAB, s25;
	p1 =	sgt.u32 @!p0 s25, $0x4E;
	_ =	swait.ge @!p0 [sflag:s28], $0x800  }
0x3f: {  	p1 =	por p0, !p1;
	[sflag:s28] =	ssyncset.done @!p0 $0x0  }
0x40: {  	[sflag:s28] =	ssyncadd.s32 @!p0 $0xFFFFF800;
	s28 =	sshrl.u32 @p1 s26, $0x9  }
0x41: {  	s28 =	sand.u32 @p1 $0x7F, s28;
	_ =	swait.ge @p1 [sflag:s18], $0x400  }
0x42: {  	s28 =	smul.u32 @p1 $0x3, s28;
	[sflag:s18] =	ssyncset.done @p1 $0x0  }
0x43: {  	s29 =	sadd.s32 @p1 $0xFFFF0000, s22;
	[sflag:s18] =	ssyncadd.s32 @p1 $0xFFFFFC00  }
0x44: {  	s29 =	sand.u32 @p1 $0x10000, s29;
	s28 =	ssub.s32 @p1 s25, s28;
	_ =	swait.ge @p1 [sflag:s18], $0x400  }
0x45: {  	s29 =	sshrl.u32 @p1 s29, $0x2;
	s28 =	sand.u32 @p1 $0xFF, s28;
	[sflag:s18] =	ssyncset.done @p1 $0x0  }
0x46: {  	s30 =	sor.u32 @p1 $0x3400, s29;
	[sflag:s18] =	ssyncadd.s32 @p1 $0xFFFFFC00;
	s28 =	sshll.u32 @p1 s28, $0xA  }
0x47: {  	[tilespmem:s30], [sflag:$0x1] =	stream.indirect.gather @p1 [hbm4b:s4+s16], $0x80, s28, s16, $0xb8;
	[tilespmem:$0x1FC00] =	vst v63  }
0x48: {  	s30 =	sor.u32 @p1 $0x3C00, s29;
	s31 =	sor.u32 @p1 $0x80, s28  }
0x49: {  	[tilespmem:s30], [sflag:$0x1] =	stream.indirect.gather @p1 [hbm4b:s4+s16], $0x80, s31, s16, $0xb8;
	[tilespmem:$0x1FC00] =	vst v63  }
0x4a: {  	s30 =	sadd.s32 @p1 $0x4400, s29;
	s31 =	sor.u32 @p1 $0x100, s28  }
0x4b: {  	[tilespmem:s30], [sflag:$0x1] =	stream.indirect.gather @p1 [hbm4b:s4+s16], $0x80, s31, s16, $0xb8;
	[tilespmem:$0x1FC00] =	vst v63  }
0x4c: {  	s30 =	sadd.s32 @p1 $0x4C00, s29;
	s31 =	sor.u32 @p1 $0x180, s28  }
0x4d: {  	[tilespmem:s30], [sflag:$0x1] =	stream.indirect.gather @p1 [hbm4b:s4+s16], $0x80, s31, s16, $0xb8;
	[tilespmem:$0x1FC00] =	vst v63  }
0x4e: {  	s30 =	sadd.s32 @p1 $0x5400, s29;
	s31 =	sor.u32 @p1 $0x200, s28  }
0x4f: {  	[tilespmem:s30], [sflag:$0x1] =	stream.indirect.gather @p1 [hbm4b:s4+s16], $0x80, s31, s16, $0xb8;
	[tilespmem:$0x1FC00] =	vst v63  }
0x50: {  	s30 =	sadd.s32 @p1 $0x5C00, s29;
	s31 =	sor.u32 @p1 $0x280, s28  }
0x51: {  	[tilespmem:s30], [sflag:$0x1] =	stream.indirect.gather @p1 [hbm4b:s4+s16], $0x80, s31, s16, $0xb8;
	[tilespmem:$0x1FC00] =	vst v63  }
0x52: {  	s30 =	sadd.s32 @p1 $0x6400, s29;
	s31 =	sor.u32 @p1 $0x300, s28  }
0x53: {  	[tilespmem:s30], [sflag:$0x1] =	stream.indirect.gather @p1 [hbm4b:s4+s16], $0x80, s31, s16, $0xb8;
	[tilespmem:$0x1FC00] =	vst v63  }
0x54: {  	p0 =	seq.s32 s25, $0x0;
	s29 =	sadd.s32 @p1 $0x6C00, s29;
	s28 =	sor.u32 @p1 $0x380, s28  }
0x55: {  	[tilespmem:s29], [sflag:$0x1] =	stream.indirect.gather @p1 [hbm4b:s4+s16], $0x80, s28, s16, $0xb8;
	[tilespmem:$0x1FC00] =	vst v63  }
0x56: {  	p1 =	seq.s32 @!p0 s25, $0x50  }
0x57: {  	p0 =	por p1, p0  }
0x58: {  	s28 =	simm.s32 @!p0 $0x1  }
0x59: {  	_ =	swait.ge @!p0 [sflag:s28], $0x800  }
0x5a: {  	[sflag:s28] =	ssyncset.done @!p0 $0x0  }
0x5b: {  	[sflag:s28] =	ssyncadd.s32 @!p0 $0xFFFFF800  }
0x5c: {  	_ =	swait.ge @!p0 [sflag:s28], $0x800  }
0x5d: {  	[sflag:s28] =	ssyncset.done @!p0 $0x0  }
0x5e: {  	[sflag:s28] =	ssyncadd.s32 @!p0 $0xFFFFF800  }
0x5f: {  	_ =	swait.ge @!p0 [sflag:s28], $0x800  }
0x60: {  	[sflag:s28] =	ssyncset.done @!p0 $0x0  }
0x61: {  	[sflag:s28] =	ssyncadd.s32 @!p0 $0xFFFFF800  }
0x62: {  	_ =	swait.ge @!p0 [sflag:s28], $0x800  }
0x63: {  	[sflag:s28] =	ssyncset.done @!p0 $0x0  }
0x64: {  	[sflag:s28] =	ssyncadd.s32 @!p0 $0xFFFFF800  }
0x65: {  	_ =	swait.ge @!p0 [sflag:s28], $0x800  }
0x66: {  	s1 =	sadd.s32 $0x2, s25;
	[sflag:s28] =	ssyncset.done @!p0 $0x0  }
0x67: {  	s31 =	sand.u32 $0xFF, s1;
	[sflag:s28] =	ssyncadd.s32 @!p0 $0xFFFFF800  }
0x68: {  	s30 =	smul.u32 $0xAB, s31;
	_ =	swait.ge @!p0 [sflag:s28], $0x800  }
0x69: {  	[sflag:s28] =	ssyncset.done @!p0 $0x0  }
0x6a: {  	s30 =	sshrl.u32 s30, $0x9;
	[sflag:s28] =	ssyncadd.s32 @!p0 $0xFFFFF800  }
0x6b: {  	s30 =	smul.u32 $0x3, s30;
	_ =	swait.ge @!p0 [sflag:s28], $0x800  }
0x6c: {  	[sflag:s28] =	ssyncset.done @!p0 $0x0  }
0x6d: {  	s0 =	simm.s32 @!p0 $0x10;
	s29 =	ssub.s32 s1, s30;
	[sflag:s28] =	ssyncadd.s32 @!p0 $0xFFFFF800  }
0x6e: {  	s30 =	sshrl.u32 @!p0 s22, $0x2;
	s29 =	sand.u32 $0xFF, s29;
	_ =	swait.ge @!p0 [sflag:s28], $0x800  }
0x6f: {  	s30 =	sand.u32 @!p0 $0x4000, s30;
	s29 =	sshll.u32 @!p0 s29, $0xA;
	[sflag:s28] =	ssyncset.done @!p0 $0x0  }
0x70: {  	s31 =	sor.u32 @!p0 $0x3400, s30;
	[sflag:s28] =	ssyncadd.s32 @!p0 $0xFFFFF800;
	s28 =	sadd.s32 @!p0 $0xC00, s29  }
0x71: {  	[spmem:s2] =	stream.indirect.scatter.add.f32 @!p0 [tilespmem:s31], [sflag:$0x2], $0x80, s28, s0, $0xb8;
	[tilespmem:$0x1FC00] =	vst v63  }
0x72: {  	s28 =	sor.u32 @!p0 $0x3C00, s30;
	s31 =	sadd.s32 @!p0 $0xC80, s29  }
0x73: {  	[spmem:s2] =	stream.indirect.scatter.add.f32 @!p0 [tilespmem:s28], [sflag:$0x2], $0x80, s31, s0, $0xb8;
	[tilespmem:$0x1FC00] =	vst v63  }
0x74: {  	s1 =	sadd.s32 @!p0 $0xD00, s29;
	s28 =	sadd.s32 $0x1, s25;
	s31 =	sadd.s32 @!p0 $0x4400, s30  }
0x75: {  	[spmem:s2] =	stream.indirect.scatter.add.f32 @!p0 [tilespmem:s31], [sflag:$0x2], $0x80, s1, s0, $0xb8;
	[tilespmem:$0x1FC00] =	vst v63  }
0x76: {  	s1 =	sadd.s32 $0xAB, s26;
	s26 =	sadd.s32 @!p0 $0x4C00, s30;
	s31 =	sadd.s32 @!p0 $0xD80, s29  }
0x77: {  	[spmem:s2] =	stream.indirect.scatter.add.f32 @!p0 [tilespmem:s26], [sflag:$0x2], $0x80, s31, s0, $0xb8;
	[tilespmem:$0x1FC00] =	vst v63  }
0x78: {  	s1 =	sshrl.u32 s1, $0x9;
	s26 =	sadd.s32 @!p0 $0x5400, s30;
	s31 =	sadd.s32 @!p0 $0xE00, s29  }
0x79: {  	[spmem:s2] =	stream.indirect.scatter.add.f32 @!p0 [tilespmem:s26], [sflag:$0x2], $0x80, s31, s0, $0xb8;
	[tilespmem:$0x1FC00] =	vst v63  }
0x7a: {  	s1 =	sand.u32 $0x7F, s1;
	s26 =	sadd.s32 @!p0 $0x5C00, s30;
	s31 =	sadd.s32 @!p0 $0xE80, s29  }
0x7b: {  	[spmem:s2] =	stream.indirect.scatter.add.f32 @!p0 [tilespmem:s26], [sflag:$0x2], $0x80, s31, s0, $0xb8;
	[tilespmem:$0x1FC00] =	vst v63  }
0x7c: {  	s1 =	smul.u32 $0x3, s1;
	s26 =	sadd.s32 @!p0 $0x6400, s30;
	s31 =	sadd.s32 @!p0 $0xF00, s29  }
0x7d: {  	[spmem:s2] =	stream.indirect.scatter.add.f32 @!p0 [tilespmem:s26], [sflag:$0x2], $0x80, s31, s0, $0xb8;
	[tilespmem:$0x1FC00] =	vst v63  }
0x7e: {  	s1 =	ssub.s32 s28, s1;
	s29 =	sadd.s32 @!p0 $0xF80, s29;
	s26 =	sadd.s32 @!p0 $0x6C00, s30  }
0x7f: {  	[spmem:s2] =	stream.indirect.scatter.add.f32 @!p0 [tilespmem:s26], [sflag:$0x2], $0x80, s29, s0, $0xb8;
	[tilespmem:$0x1FC00] =	vst v63  }
0x80: {  	s0 =	sand.u32 $0xFF, s1;
	p0 =	sgt.u32 s25, $0x4D  }
0x81: {  	s0 =	sshll.u32 @!p0 s0, $0xA;
	s1 =	simm.s32 @!p0 $0x0  }
0x82: {  	[tilespmem:s0], [sflag:$0x3] =	stream.linear.gather @!p0 [hbm4b:s24+s1], $0x400, $0x38;
	[tilespmem:$0x1FC00] =	vst v63  }
0x83: {  	s0 =	sadd.s32 @!p0 $0xC00, s0  }
0x84: {  	[tilespmem:s0], [sflag:$0x3] =	stream.linear.gather @!p0 [hbm4b:s23+s1], $0x400, $0x38;
	[tilespmem:$0x1FC00] =	vst v63  }
0x85: {  	p0 =	sne.s32 s28, $0x51  }
.Ltmp1:
0x86: {  	_ = 	snop;
	(pc) =	sbr.rel @p0 .LBB2_4-.Ltmp1, $3  }
0x87: {  	_ =	sdelay $0x1  }
0x88: {  	s22 =	sadd.s32 $0x10000, s22  }
0x89: {  	s25 =	smov.u32 s28;
	s24 =	sadd.s32 $0x80, s24;
	s23 =	sadd.s32 $0x80, s23  }
0x8a: {  	[bflag:$0x0] =	sbarrier.arrive $0xFFFF;
	s22 =	simm.s32 $0x2000  }
0x8b: {  	[tilespmem:s19], [sflag:$0x1] =	stream.indirect.gather [spmem:s2], $0x80, s22, s16, $0xb8;
	[tilespmem:$0x1FC00] =	vst v63  }
0x8c: {  	_ =	swait.ge [sflag:s20], $0x800  }
0x8d: {  	[sflag:s20] =	ssyncset.done $0x0  }
0x8e: {  	s0 =	sadd.s32 $0x0, s12;
	[sflag:s20] =	ssyncadd.s32 $0xFFFFF800  }
0x8f: {  	[hbm4b:s0+s3] =	stream.linear.scatter [tilespmem:s19], [sflag:$0x4], $0x800, $0x38;
	[tilespmem:$0x1FC00] =	vst v63  }
0x90: {  	_ =	swait.ge [sflag:s14], $0x800  }
0x91: {  	s23 =	simm.s32 $0x100;
	[sflag:s14] =	ssyncset.done $0x0  }
.LBB2_6:
0x92: {  	p0 =	sne.s32 s23, $0x2700;
	[sflag:s14] =	ssyncadd.s32 $0xFFFFF800;
	s22 =	sadd.s32 $0x80, s22  }
0x93: {  	[tilespmem:s19], [sflag:$0x1] =	stream.indirect.gather [spmem:s2], $0x80, s22, s16, $0xb8;
	[tilespmem:$0x1FC00] =	vst v63  }
0x94: {  	s0 =	smov.u32 s23;
	s23 =	sadd.s32 $0x100, s23;
	_ =	swait.ge [sflag:s20], $0x800  }
.Ltmp2:
0x95: {  	[sflag:s20] =	ssyncset.done $0x0;
	(pc) =	sbr.rel @p0 .LBB2_6-.Ltmp2, $4  }
0x96: {  	s0 =	sadd.s32 s0, s12;
	[sflag:s20] =	ssyncadd.s32 $0xFFFFF800  }
0x97: {  	[hbm4b:s0+s3] =	stream.linear.scatter [tilespmem:s19], [sflag:$0x4], $0x800, $0x38;
	[tilespmem:$0x1FC00] =	vst v63  }
0x98: {  	_ =	swait.ge [sflag:s14], $0x800  }
0x99: {  	[sflag:s14] =	ssyncset.done $0x0  }
0x9a: {  	s21 =	sadd.s32 $0x1, s21  }
0x9b: {  	p0 =	sne.s32 s21, s9  }
.Ltmp3:
0x9c: {  	_ = 	snop;
	(pc) =	sbr.rel @p0 .LBB2_1-.Ltmp3, $2  }
0x9d: {  	_ =	sdelay $0x2  }
0x9e: {  	[sflag:s14] =	ssyncadd.s32 $0xFFFFF800  }
0x9f: {  	_ =	sfence.sel $0x180000  }
0xa0: {  	[bflag:$0x0] =	sbarrier.arrive $0xFFFF  }
0xa1: {  	_ =	strace $0x90000050  }
0xa2: {  	s0 =	stileid.u32;
	[bflag:$0x2] =	sbarrier.arrive $0xFFFF  }
0xa3: {  	p0 =	sne.s32 s0, $0x0;
	s0 =	rddreg [dreg:$0x2]  }
0xa4: {  	s0 =	sadd.s32 @!p0 $0x100000, s0  }
0xa5: {  	[sflag:s0] =	ssyncadd.tile.s32 @!p0 $0x1;
	_ =	shalt  }
.Lfunc_end2:
_tile_overlayer_lowered:
.L_overlay_start_2:
0xa6: {  	(tag) =	ssettag $0x2  }
0xa7: {  	s0 =	rddreg [dreg:$0x0];
	s2 =	stileid.u32  }
0xa8: {  	s1 =	rddreg [dreg:$0x1];
	p0 =	sne.s32 s2, $0x0  }
0xa9: {  	s3 =	rddreg [dreg:$0x2];
	[bflag:$0x3] =	sbarrier.arrive $0xFFFF;
	s2 =	simm.s32 @!p0 $0x1C04  }
0xaa: {  	[timem:s3], [sflag:s2] =	dma.local @!p0 [hbm:s0], s1  }
0xab: {  	s0 =	simm.s32 @!p0 $0x4  }
0xac: {  	_ =	swait.ge @!p0 [sflag:s0], s1  }
0xad: {  	s1 =	ssub.s32 @!p0 $0x0, s1;
	[sflag:s0] =	ssyncset.done @!p0 $0x0  }
0xae: {  	[sflag:s0] =	ssyncadd.s32 @!p0 s1  }
0xaf: {  	[bflag:$0x3] =	sbarrier.arrive $0xFFFF  }
0xb0: {  	_ =	shalt  }

</sc_bundles>
